<compile_context>
chip_gen: v7x
topology: tpu7x:2x2x1
jax: 0.10.2.dev20260603
libtpu: 0.0.44.dev20260713+nightly
codegen_flags: <defaults>
</compile_context>

<pallas_src>
import functools

import jax
import jax.numpy as jnp
from jax import lax
from jax.experimental import pallas as pl
from jax.experimental.pallas import tpu as pltpu
from jax.experimental.pallas import tpu_sc as plsc

EMBEDDING_DIM = 32
NBUF = 2
ROWS = 128
CTILE = ROWS * EMBEDDING_DIM


@jax.jit
def _embedding_lookup(idx_flat, table):
    info = plsc.get_sparse_core_info()
    num_workers = info.num_cores * info.num_subcores
    b_total = idx_flat.shape[0]
    n_i, n_j = b_total // 50, 50
    b_per_w = b_total // num_workers
    i_per_w = n_i // num_workers
    ib_per_w = i_per_w // 128
    n_chunks = n_j * ib_per_w
    j_stride = 4 * (n_i // 128) * 1024
    cg_stride = (n_i // 128) * 1024

    mesh = plsc.VectorSubcoreMesh(core_axis_name="c", subcore_axis_name="s")

    @functools.partial(
        pl.kernel,
        mesh=mesh,
        out_type=jax.ShapeDtypeStruct((b_total * EMBEDDING_DIM,), jnp.float32),
        scratch_types=[
            pltpu.VMEM((b_per_w,), jnp.int32),
            pltpu.VMEM((b_per_w,), jnp.int32),
            pltpu.VMEM((NBUF, ROWS, EMBEDDING_DIM), jnp.float32),
            pltpu.VMEM((NBUF * CTILE,), jnp.float32),
        ]
        + [pltpu.SemaphoreType.DMA] * (2 * NBUF),
        compiler_params=pltpu.CompilerParams(
            use_tc_tiling_on_sc=False, needs_layout_passes=False
        ),
    )
    def emb_kernel(idx_hbm, table_hbm, out_x, idx_v, idxp_v, rows_v, xp_v, *sems):
        gsem = sems[:NBUF]
        ssem = sems[NBUF:]
        wid = lax.axis_index("s") * info.num_cores + lax.axis_index("c")
        base = wid * b_per_w
        lane = lax.iota(jnp.int32, 16)
        col_vecs = [jnp.full((16,), cs, jnp.int32) for cs in range(32)]

        def dst_off(q, cg):
            return (
                (q >> 2) * j_stride
                + cg * cg_stride
                + wid * (ib_per_w * 1024)
                + (q & 3) * 1024
            )

        def gather_start(q, b):
            pltpu.async_copy(
                table_hbm.at[idxp_v.at[pl.ds(q * ROWS, ROWS)]],
                rows_v.at[b],
                gsem[b],
            )

        def gather_wait(q, b):
            pltpu.make_async_copy(
                table_hbm.at[idxp_v.at[pl.ds(q * ROWS, ROWS)]],
                rows_v.at[b],
                gsem[b],
            ).wait()

        def transpose_chunk(b):
            rows = rows_v.at[b]

            @pl.loop(0, ROWS // 16)
            def _xp(k):
                l0 = k * 16
                rvec = l0 + lane
                vals = [
                    plsc.load_gather(rows, [rvec, col_vecs[cs]])
                    for cs in range(32)
                ]
                for cs in range(32):
                    off = b * CTILE + (cs >> 3) * 1024 + (cs & 7) * 128 + l0
                    xp_v[pl.ds(off, 16)] = vals[cs]

            plsc.subcore_barrier()

        def store_issue(q, b):
            for cg in range(4):
                pltpu.async_copy(
                    xp_v.at[pl.ds(b * CTILE + cg * 1024, 1024)],
                    out_x.at[pl.ds(dst_off(q, cg), 1024)],
                    ssem[b],
                )

        def store_wait(q, b):
            for cg in range(4):
                pltpu.make_async_copy(
                    xp_v.at[pl.ds(b * CTILE + cg * 1024, 1024)],
                    out_x.at[pl.ds(dst_off(q, cg), 1024)],
                    ssem[b],
                ).wait()

        pltpu.sync_copy(idx_hbm.at[pl.ds(base, b_per_w)], idx_v)

        @pl.loop(0, b_per_w // 16)
        def _perm(k):
            j = k // (i_per_w // 16)
            i0 = (k % (i_per_w // 16)) * 16
            src = plsc.load_gather(idx_v, [(i0 + lane) * n_j + j])
            idxp_v[pl.ds(j * i_per_w + i0, 16)] = src

        plsc.subcore_barrier()

        for b in range(NBUF):
            gather_start(b, b)

        def chunk_step(q, b, drain_prev, issue_ahead):
            gather_wait(q, b)
            if drain_prev:
                store_wait(q - NBUF, b)
            transpose_chunk(b)
            if issue_ahead:
                gather_start(q + NBUF, b)
            store_issue(q, b)

        for qq in range(NBUF):
            chunk_step(qq, qq, False, True)

        @pl.loop(NBUF, n_chunks - NBUF, step=NBUF)
        def _steady(outer):
            for j in range(NBUF):
                chunk_step(outer + j, j, True, True)

        for qq in range(n_chunks - NBUF, n_chunks):
            chunk_step(qq, qq % NBUF, True, False)
        for qq in range(n_chunks - NBUF, n_chunks):
            store_wait(qq, qq % NBUF)

    return emb_kernel(idx_flat, table)


def kernel(x, table):
    idx_flat = x.reshape(-1).astype(jnp.int32)
    xo = _embedding_lookup(idx_flat, table)
    x7 = xo.reshape(50, 4, x.shape[0] // 128, 8, 128)
    return x7.transpose(2, 4, 0, 1, 3).reshape(x.shape + (EMBEDDING_DIM,))

# --- scband reference (transcript-rebuilt; emitter-appended) ---
"""Pipeline reference for scband-embedding-7198365188487 (READ-ONLY COPY).

The authoritative reference and input builder live on the scoring server;
editing this copy changes nothing except your own understanding.
"""

import jax, jax.numpy as jnp
import numpy as np

NUM_EMBEDDING = 1000000
EMBEDDING_DIM = 32

def setup_inputs(seed: int = 0) -> dict:
    key = jax.random.key(seed)
    k_idx, k_tab = jax.random.split(key)
    x = jax.random.randint(k_idx, (16384, 50), 0, NUM_EMBEDDING, dtype=jnp.int64 if jax.config.jax_enable_x64 else jnp.int32)
    table = jax.random.normal(k_tab, (NUM_EMBEDDING, EMBEDDING_DIM), dtype=jnp.float32)
    return {"x": x, "table": table}

def reference(x, table):
    # nn.Embedding forward: gather rows of the table by index
    output = jnp.take(table, x, axis=0)
    return output

if __name__ == "__main__":
    import jax
    _d = setup_inputs()
    print(jax.jit(kernel)(*tuple(_d.values())))

</pallas_src>

<mosaic_0001>
#map = affine_map<(d0, d1) -> (0)>
#map1 = affine_map<(d0, d1) -> (0, 0)>
module attributes {stable_mosaic.version = 14 : i64} {
  func.func @emb_kernel(%arg0: i32, %arg1: i32, %arg2: memref<819200xi32, #tpu.memory_space<hbm>>, %arg3: memref<1000000x32xf32, #tpu.memory_space<hbm>>, %arg4: memref<26214400xf32, #tpu.memory_space<hbm>>, %arg5: memref<25600xi32, #tpu.memory_space<vmem>>, %arg6: memref<25600xi32, #tpu.memory_space<vmem>>, %arg7: memref<2x128x32xf32, #tpu.memory_space<vmem>>, %arg8: memref<8192xf32, #tpu.memory_space<vmem>>, %arg9: memref<!tpu.dma_semaphore, #tpu.memory_space<semaphore_mem>>, %arg10: memref<!tpu.dma_semaphore, #tpu.memory_space<semaphore_mem>>, %arg11: memref<!tpu.dma_semaphore, #tpu.memory_space<semaphore_mem>>, %arg12: memref<!tpu.dma_semaphore, #tpu.memory_space<semaphore_mem>>) attributes {dimension_semantics = [#tpu.dimension_semantics<core_parallel>, #tpu.dimension_semantics<subcore_parallel>], iteration_bounds = array<i64: 2, 16>, scalar_prefetch = 0 : i64, scratch_operands = 8 : i64, tpu.core_type = #tpu.core_type<sc_vector_subcore>, window_params = [{transform_indices = #map}, {transform_indices = #map1}, {transform_indices = #map}]} {
    %mul3A = arith.constant 2 : i32
    %mul3A_0 = arith.muli %arg1, %mul3A : i32
    %add3A = arith.addi %mul3A_0, %arg0 : i32
    %mul3A_1 = arith.constant 25600 : i32
    %mul3A_2 = arith.muli %add3A, %mul3A_1 : i32
    %iota3A = tpu.iota {dimensions = array<i32: 0>} : vector<16xi32>
    %broadcast_in_dim3A = arith.constant 0 : i32
    %broadcast_in_dim3A_3 = vector.broadcast %broadcast_in_dim3A : i32 to vector<16xi32>
    %broadcast_in_dim3A_4 = arith.constant 1 : i32
    %broadcast_in_dim3A_5 = vector.broadcast %broadcast_in_dim3A_4 : i32 to vector<16xi32>
    %broadcast_in_dim3A_6 = arith.constant 2 : i32
    %broadcast_in_dim3A_7 = vector.broadcast %broadcast_in_dim3A_6 : i32 to vector<16xi32>
    %broadcast_in_dim3A_8 = arith.constant 3 : i32
    %broadcast_in_dim3A_9 = vector.broadcast %broadcast_in_dim3A_8 : i32 to vector<16xi32>
    %broadcast_in_dim3A_10 = arith.constant 4 : i32
    %broadcast_in_dim3A_11 = vector.broadcast %broadcast_in_dim3A_10 : i32 to vector<16xi32>
    %broadcast_in_dim3A_12 = arith.constant 5 : i32
    %broadcast_in_dim3A_13 = vector.broadcast %broadcast_in_dim3A_12 : i32 to vector<16xi32>
    %broadcast_in_dim3A_14 = arith.constant 6 : i32
    %broadcast_in_dim3A_15 = vector.broadcast %broadcast_in_dim3A_14 : i32 to vector<16xi32>
    %broadcast_in_dim3A_16 = arith.constant 7 : i32
    %broadcast_in_dim3A_17 = vector.broadcast %broadcast_in_dim3A_16 : i32 to vector<16xi32>
    %broadcast_in_dim3A_18 = arith.constant 8 : i32
    %broadcast_in_dim3A_19 = vector.broadcast %broadcast_in_dim3A_18 : i32 to vector<16xi32>
    %broadcast_in_dim3A_20 = arith.constant 9 : i32
    %broadcast_in_dim3A_21 = vector.broadcast %broadcast_in_dim3A_20 : i32 to vector<16xi32>
    %broadcast_in_dim3A_22 = arith.constant 10 : i32
    %broadcast_in_dim3A_23 = vector.broadcast %broadcast_in_dim3A_22 : i32 to vector<16xi32>
    %broadcast_in_dim3A_24 = arith.constant 11 : i32
    %broadcast_in_dim3A_25 = vector.broadcast %broadcast_in_dim3A_24 : i32 to vector<16xi32>
    %broadcast_in_dim3A_26 = arith.constant 12 : i32
    %broadcast_in_dim3A_27 = vector.broadcast %broadcast_in_dim3A_26 : i32 to vector<16xi32>
    %broadcast_in_dim3A_28 = arith.constant 13 : i32
    %broadcast_in_dim3A_29 = vector.broadcast %broadcast_in_dim3A_28 : i32 to vector<16xi32>
    %broadcast_in_dim3A_30 = arith.constant 14 : i32
    %broadcast_in_dim3A_31 = vector.broadcast %broadcast_in_dim3A_30 : i32 to vector<16xi32>
    %broadcast_in_dim3A_32 = arith.constant 15 : i32
    %broadcast_in_dim3A_33 = vector.broadcast %broadcast_in_dim3A_32 : i32 to vector<16xi32>
    %broadcast_in_dim3A_34 = arith.constant 16 : i32
    %broadcast_in_dim3A_35 = vector.broadcast %broadcast_in_dim3A_34 : i32 to vector<16xi32>
    %broadcast_in_dim3A_36 = arith.constant 17 : i32
    %broadcast_in_dim3A_37 = vector.broadcast %broadcast_in_dim3A_36 : i32 to vector<16xi32>
    %broadcast_in_dim3A_38 = arith.constant 18 : i32
    %broadcast_in_dim3A_39 = vector.broadcast %broadcast_in_dim3A_38 : i32 to vector<16xi32>
    %broadcast_in_dim3A_40 = arith.constant 19 : i32
    %broadcast_in_dim3A_41 = vector.broadcast %broadcast_in_dim3A_40 : i32 to vector<16xi32>
    %broadcast_in_dim3A_42 = arith.constant 20 : i32
    %broadcast_in_dim3A_43 = vector.broadcast %broadcast_in_dim3A_42 : i32 to vector<16xi32>
    %broadcast_in_dim3A_44 = arith.constant 21 : i32
    %broadcast_in_dim3A_45 = vector.broadcast %broadcast_in_dim3A_44 : i32 to vector<16xi32>
    %broadcast_in_dim3A_46 = arith.constant 22 : i32
    %broadcast_in_dim3A_47 = vector.broadcast %broadcast_in_dim3A_46 : i32 to vector<16xi32>
    %broadcast_in_dim3A_48 = arith.constant 23 : i32
    %broadcast_in_dim3A_49 = vector.broadcast %broadcast_in_dim3A_48 : i32 to vector<16xi32>
    %broadcast_in_dim3A_50 = arith.constant 24 : i32
    %broadcast_in_dim3A_51 = vector.broadcast %broadcast_in_dim3A_50 : i32 to vector<16xi32>
    %broadcast_in_dim3A_52 = arith.constant 25 : i32
    %broadcast_in_dim3A_53 = vector.broadcast %broadcast_in_dim3A_52 : i32 to vector<16xi32>
    %broadcast_in_dim3A_54 = arith.constant 26 : i32
    %broadcast_in_dim3A_55 = vector.broadcast %broadcast_in_dim3A_54 : i32 to vector<16xi32>
    %broadcast_in_dim3A_56 = arith.constant 27 : i32
    %broadcast_in_dim3A_57 = vector.broadcast %broadcast_in_dim3A_56 : i32 to vector<16xi32>
    %broadcast_in_dim3A_58 = arith.constant 28 : i32
    %broadcast_in_dim3A_59 = vector.broadcast %broadcast_in_dim3A_58 : i32 to vector<16xi32>
    %broadcast_in_dim3A_60 = arith.constant 29 : i32
    %broadcast_in_dim3A_61 = vector.broadcast %broadcast_in_dim3A_60 : i32 to vector<16xi32>
    %broadcast_in_dim3A_62 = arith.constant 30 : i32
    %broadcast_in_dim3A_63 = vector.broadcast %broadcast_in_dim3A_62 : i32 to vector<16xi32>
    %broadcast_in_dim3A_64 = arith.constant 31 : i32
    %broadcast_in_dim3A_65 = vector.broadcast %broadcast_in_dim3A_64 : i32 to vector<16xi32>
    "tpu.region"() ({
      %run_scoped3A = tpu.sem_alloc : memref<!tpu.dma_semaphore, #tpu.memory_space<semaphore_mem>>
      %dma_start3A_565 = tpu.memref_slice %arg2[%mul3A_2] : memref<819200xi32, #tpu.memory_space<hbm>> -> memref<25600xi32, #tpu.memory_space<hbm>>
      %dma_start3A_566 = tpu.memref_slice %arg2[%mul3A_2] : memref<819200xi32, #tpu.memory_space<hbm>> -> memref<25600xi32, #tpu.memory_space<hbm>>
      tpu.enqueue_dma source(%dma_start3A_566 : memref<25600xi32, #tpu.memory_space<hbm>>) target(%arg5 : memref<25600xi32, #tpu.memory_space<vmem>>) target_semaphore(%run_scoped3A : memref<!tpu.dma_semaphore, #tpu.memory_space<semaphore_mem>>)
      %dma_wait3A_567 = tpu.memref_slice %arg2[%mul3A_2] : memref<819200xi32, #tpu.memory_space<hbm>> -> memref<25600xi32, #tpu.memory_space<hbm>>
      %dma_wait3A_568 = tpu.memref_slice %arg2[%mul3A_2] : memref<819200xi32, #tpu.memory_space<hbm>> -> memref<25600xi32, #tpu.memory_space<hbm>>
      tpu.wait_dma2 semaphore(%run_scoped3A : memref<!tpu.dma_semaphore, #tpu.memory_space<semaphore_mem>>) src(%dma_wait3A_568 : memref<25600xi32, #tpu.memory_space<hbm>>) dst(%arg5 : memref<25600xi32, #tpu.memory_space<vmem>>)
      tpu.yield
    }) : () -> ()
    %scan3A = arith.constant 0 : i32
    %scan3A_66 = arith.constant 1600 : i32
    %scan3A_67 = arith.addi %scan3A, %scan3A_66 : i32
    %scan3A_68 = arith.constant 1 : i32
    scf.for %scan3A_565 = %scan3A to %scan3A_67 step %scan3A_68  : i32 {
      %mul3A_566 = arith.constant 1 : i32
      %mul3A_567 = arith.muli %scan3A_565, %mul3A_566 : i32
      %add3A_568 = arith.constant 0 : i32
      %add3A_569 = arith.addi %add3A_568, %mul3A_567 : i32
      %jit3A = arith.constant 32 : i32
      %div3A = arith.divsi %add3A_569, %jit3A : i32
      %sign3A = arith.constant 0 : i32
      %sign3A_570 = arith.cmpi sgt, %add3A_569, %sign3A : i32
      %sign3A_571 = arith.extui %sign3A_570 : i1 to i32
      %sign3A_572 = arith.constant 0 : i32
      %sign3A_573 = arith.cmpi slt, %add3A_569, %sign3A_572 : i32
      %sign3A_574 = arith.extui %sign3A_573 : i1 to i32
      %sign3A_575 = arith.subi %sign3A_571, %sign3A_574 : i32
      %sign3A_576 = arith.constant 0 : i32
      %sign3A_577 = arith.cmpi sgt, %jit3A, %sign3A_576 : i32
      %sign3A_578 = arith.extui %sign3A_577 : i1 to i32
      %sign3A_579 = arith.constant 0 : i32
      %sign3A_580 = arith.cmpi slt, %jit3A, %sign3A_579 : i32
      %sign3A_581 = arith.extui %sign3A_580 : i1 to i32
      %sign3A_582 = arith.subi %sign3A_578, %sign3A_581 : i32
      %ne3A = arith.cmpi ne, %sign3A_575, %sign3A_582 : i32
      %rem3A = arith.remsi %add3A_569, %jit3A : i32
      %ne3A_583 = arith.constant 0 : i32
      %ne3A_584 = arith.cmpi ne, %rem3A, %ne3A_583 : i32
      %and3A = arith.andi %ne3A, %ne3A_584 : i1
      %sub3A = arith.constant 1 : i32
      %sub3A_585 = arith.subi %div3A, %sub3A : i32
      %select_n3A = arith.select %and3A, %sub3A_585, %div3A : i32
      %jit3A_586 = arith.constant 32 : i32
      %eq3A = arith.constant 0 : i32
      %eq3A_587 = arith.cmpi eq, %jit3A_586, %eq3A : i32
      %jit3A_588 = arith.constant 1 : i32
      %select_n3A_589 = arith.select %eq3A_587, %jit3A_588, %jit3A_586 : i32
      %rem3A_590 = arith.remsi %add3A_569, %select_n3A_589 : i32
      %ne3A_591 = arith.constant 0 : i32
      %ne3A_592 = arith.cmpi ne, %rem3A_590, %ne3A_591 : i32
      %lt3A = arith.constant 0 : i32
      %lt3A_593 = arith.cmpi slt, %rem3A_590, %lt3A : i32
      %lt3A_594 = arith.constant 0 : i32
      %lt3A_595 = arith.cmpi slt, %select_n3A_589, %lt3A_594 : i32
      %ne3A_596 = arith.xori %lt3A_593, %lt3A_595 : i1
      %and3A_597 = arith.andi %ne3A_596, %ne3A_592 : i1
      %add3A_598 = arith.addi %rem3A_590, %select_n3A_589 : i32
      %select_n3A_599 = arith.select %and3A_597, %add3A_598, %rem3A_590 : i32
      %mul3A_600 = arith.constant 16 : i32
      %mul3A_601 = arith.muli %select_n3A_599, %mul3A_600 : i32
      %add3A_602 = vector.broadcast %mul3A_601 : i32 to vector<16xi32>
      %add3A_603 = arith.addi %add3A_602, %iota3A : vector<16xi32>
      %mul3A_604 = arith.constant 50 : i32
      %mul3A_605 = vector.broadcast %mul3A_604 : i32 to vector<16xi32>
      %mul3A_606 = arith.muli %add3A_603, %mul3A_605 : vector<16xi32>
      %add3A_607 = vector.broadcast %select_n3A : i32 to vector<16xi32>
      %add3A_608 = arith.addi %mul3A_606, %add3A_607 : vector<16xi32>
      %gather3A = tpu.vector_load_idx %arg5[%add3A_608] : memref<25600xi32, #tpu.memory_space<vmem>>[vector<16xi32>], vector<16xi32>,
      %mul3A_609 = arith.constant 512 : i32
      %mul3A_610 = arith.muli %select_n3A, %mul3A_609 : i32
      %add3A_611 = arith.addi %mul3A_610, %mul3A_601 : i32
      %swap3A = arith.index_cast %add3A_611 : i32 to index
      %swap3A_612 = tpu.vector_load %arg6[%swap3A] {strides = array<i32>} : memref<25600xi32, #tpu.memory_space<vmem>>, vector<16xi32>,
      tpu.vector_store %arg6[%swap3A], %gather3A {strides = array<i32>} : memref<25600xi32, #tpu.memory_space<vmem>>, vector<16xi32>,
    }
    %scan3A_69 = arith.constant 1600 : i32
    %barrier3A = arith.constant 0 : index
    tpu.barrier barrier_id(%barrier3A)
    %dma_start3A = arith.constant 0 : i32
    %dma_start3A_70 = arith.constant 0 : i32
    %dma_start3A_71 = arith.constant 0 : i32
    %dma_start3A_72 = tpu.memref_slice %arg7[%dma_start3A, %dma_start3A_70, %dma_start3A_71] : memref<2x128x32xf32, #tpu.memory_space<vmem>> -> memref<1x128x32xf32, #tpu.memory_space<vmem>>
    %dma_start3A_73 = tpu.memref_squeeze %dma_start3A_72 : memref<1x128x32xf32, #tpu.memory_space<vmem>> -> memref<128x32xf32, #tpu.memory_space<vmem>>
    %dma_start3A_74 = arith.constant 0 : i32
    %dma_start3A_75 = tpu.memref_slice %arg6[%dma_start3A_74] : memref<25600xi32, #tpu.memory_space<vmem>> -> memref<128xi32, #tpu.memory_space<vmem>>
    %dma_start3A_76 = arith.constant 0 : i32
    %dma_start3A_77 = arith.constant 0 : i32
    %dma_start3A_78 = tpu.memref_slice %arg3[%dma_start3A_76, %dma_start3A_77] : memref<1000000x32xf32, #tpu.memory_space<hbm>> -> memref<1000000x32xf32, #tpu.memory_space<hbm>>
    tpu.enqueue_indirect_dma source(%dma_start3A_78 : memref<1000000x32xf32, #tpu.memory_space<hbm>>) target(%dma_start3A_73 : memref<128x32xf32, #tpu.memory_space<vmem>>) offsets(%dma_start3A_75 : memref<128xi32, #tpu.memory_space<vmem>>) semaphore(%arg9 : memref<!tpu.dma_semaphore, #tpu.memory_space<semaphore_mem>>)
    %dma_start3A_79 = arith.constant 1 : i32
    %dma_start3A_80 = arith.constant 0 : i32
    %dma_start3A_81 = arith.constant 0 : i32
    %dma_start3A_82 = tpu.memref_slice %arg7[%dma_start3A_79, %dma_start3A_80, %dma_start3A_81] : memref<2x128x32xf32, #tpu.memory_space<vmem>> -> memref<1x128x32xf32, #tpu.memory_space<vmem>>
    %dma_start3A_83 = tpu.memref_squeeze %dma_start3A_82 : memref<1x128x32xf32, #tpu.memory_space<vmem>> -> memref<128x32xf32, #tpu.memory_space<vmem>>
    %dma_start3A_84 = arith.constant 128 : i32
    %dma_start3A_85 = tpu.memref_slice %arg6[%dma_start3A_84] : memref<25600xi32, #tpu.memory_space<vmem>> -> memref<128xi32, #tpu.memory_space<vmem>>
    %dma_start3A_86 = arith.constant 0 : i32
    %dma_start3A_87 = arith.constant 0 : i32
    %dma_start3A_88 = tpu.memref_slice %arg3[%dma_start3A_86, %dma_start3A_87] : memref<1000000x32xf32, #tpu.memory_space<hbm>> -> memref<1000000x32xf32, #tpu.memory_space<hbm>>
    tpu.enqueue_indirect_dma source(%dma_start3A_88 : memref<1000000x32xf32, #tpu.memory_space<hbm>>) target(%dma_start3A_83 : memref<128x32xf32, #tpu.memory_space<vmem>>) offsets(%dma_start3A_85 : memref<128xi32, #tpu.memory_space<vmem>>) semaphore(%arg10 : memref<!tpu.dma_semaphore, #tpu.memory_space<semaphore_mem>>)
    %dma_wait3A = arith.constant 0 : i32
    %dma_wait3A_89 = arith.constant 0 : i32
    %dma_wait3A_90 = arith.constant 0 : i32
    %dma_wait3A_91 = tpu.memref_slice %arg7[%dma_wait3A, %dma_wait3A_89, %dma_wait3A_90] : memref<2x128x32xf32, #tpu.memory_space<vmem>> -> memref<1x128x32xf32, #tpu.memory_space<vmem>>
    %dma_wait3A_92 = tpu.memref_squeeze %dma_wait3A_91 : memref<1x128x32xf32, #tpu.memory_space<vmem>> -> memref<128x32xf32, #tpu.memory_space<vmem>>
    %dma_wait3A_93 = arith.constant 0 : i32
    %dma_wait3A_94 = tpu.memref_slice %arg6[%dma_wait3A_93] : memref<25600xi32, #tpu.memory_space<vmem>> -> memref<128xi32, #tpu.memory_space<vmem>>
    %dma_wait3A_95 = arith.constant 0 : i32
    %dma_wait3A_96 = arith.constant 0 : i32
    %dma_wait3A_97 = tpu.memref_slice %arg3[%dma_wait3A_95, %dma_wait3A_96] : memref<1000000x32xf32, #tpu.memory_space<hbm>> -> memref<1000000x32xf32, #tpu.memory_space<hbm>>
    tpu.wait_indirect_dma semaphore(%arg9 : memref<!tpu.dma_semaphore, #tpu.memory_space<semaphore_mem>>) src(%dma_wait3A_97 : memref<1000000x32xf32, #tpu.memory_space<hbm>>) dst(%dma_wait3A_92 : memref<128x32xf32, #tpu.memory_space<vmem>>)
    %scan3A_98 = arith.constant 0 : i32
    %scan3A_99 = arith.constant 0 : i32
    %scan3A_100 = arith.constant 8 : i32
    %scan3A_101 = arith.addi %scan3A_99, %scan3A_100 : i32
    %scan3A_102 = arith.constant 1 : i32
    scf.for %scan3A_565 = %scan3A_99 to %scan3A_101 step %scan3A_102  : i32 {
      %mul3A_566 = arith.constant 1 : i32
      %mul3A_567 = arith.muli %scan3A_565, %mul3A_566 : i32
      %add3A_568 = arith.constant 0 : i32
      %add3A_569 = arith.addi %add3A_568, %mul3A_567 : i32
      %mul3A_570 = arith.constant 16 : i32
      %mul3A_571 = arith.muli %add3A_569, %mul3A_570 : i32
      %add3A_572 = vector.broadcast %mul3A_571 : i32 to vector<16xi32>
      %add3A_573 = arith.addi %add3A_572, %iota3A : vector<16xi32>
      %gather3A = arith.constant 0 : i32
      %gather3A_574 = arith.constant 0 : i32
      %gather3A_575 = tpu.memref_slice %arg7[%scan3A_98, %gather3A, %gather3A_574] : memref<2x128x32xf32, #tpu.memory_space<vmem>> -> memref<1x128x32xf32, #tpu.memory_space<vmem>>
      %gather3A_576 = tpu.memref_squeeze %gather3A_575 : memref<1x128x32xf32, #tpu.memory_space<vmem>> -> memref<128x32xf32, #tpu.memory_space<vmem>>
      %gather3A_577 = tpu.vector_load_idx %gather3A_576[%add3A_573, %broadcast_in_dim3A_3] : memref<128x32xf32, #tpu.memory_space<vmem>>[vector<16xi32>, vector<16xi32>], vector<16xf32>,
      %gather3A_578 = arith.constant 0 : i32
      %gather3A_579 = arith.constant 0 : i32
      %gather3A_580 = tpu.memref_slice %arg7[%scan3A_98, %gather3A_578, %gather3A_579] : memref<2x128x32xf32, #tpu.memory_space<vmem>> -> memref<1x128x32xf32, #tpu.memory_space<vmem>>
      %gather3A_581 = tpu.memref_squeeze %gather3A_580 : memref<1x128x32xf32, #tpu.memory_space<vmem>> -> memref<128x32xf32, #tpu.memory_space<vmem>>
      %gather3A_582 = tpu.vector_load_idx %gather3A_581[%add3A_573, %broadcast_in_dim3A_5] : memref<128x32xf32, #tpu.memory_space<vmem>>[vector<16xi32>, vector<16xi32>], vector<16xf32>,
      %gather3A_583 = arith.constant 0 : i32
      %gather3A_584 = arith.constant 0 : i32
      %gather3A_585 = tpu.memref_slice %arg7[%scan3A_98, %gather3A_583, %gather3A_584] : memref<2x128x32xf32, #tpu.memory_space<vmem>> -> memref<1x128x32xf32, #tpu.memory_space<vmem>>
      %gather3A_586 = tpu.memref_squeeze %gather3A_585 : memref<1x128x32xf32, #tpu.memory_space<vmem>> -> memref<128x32xf32, #tpu.memory_space<vmem>>
      %gather3A_587 = tpu.vector_load_idx %gather3A_586[%add3A_573, %broadcast_in_dim3A_7] : memref<128x32xf32, #tpu.memory_space<vmem>>[vector<16xi32>, vector<16xi32>], vector<16xf32>,
      %gather3A_588 = arith.constant 0 : i32
      %gather3A_589 = arith.constant 0 : i32
      %gather3A_590 = tpu.memref_slice %arg7[%scan3A_98, %gather3A_588, %gather3A_589] : memref<2x128x32xf32, #tpu.memory_space<vmem>> -> memref<1x128x32xf32, #tpu.memory_space<vmem>>
      %gather3A_591 = tpu.memref_squeeze %gather3A_590 : memref<1x128x32xf32, #tpu.memory_space<vmem>> -> memref<128x32xf32, #tpu.memory_space<vmem>>
      %gather3A_592 = tpu.vector_load_idx %gather3A_591[%add3A_573, %broadcast_in_dim3A_9] : memref<128x32xf32, #tpu.memory_space<vmem>>[vector<16xi32>, vector<16xi32>], vector<16xf32>,
      %gather3A_593 = arith.constant 0 : i32
      %gather3A_594 = arith.constant 0 : i32
      %gather3A_595 = tpu.memref_slice %arg7[%scan3A_98, %gather3A_593, %gather3A_594] : memref<2x128x32xf32, #tpu.memory_space<vmem>> -> memref<1x128x32xf32, #tpu.memory_space<vmem>>
      %gather3A_596 = tpu.memref_squeeze %gather3A_595 : memref<1x128x32xf32, #tpu.memory_space<vmem>> -> memref<128x32xf32, #tpu.memory_space<vmem>>
      %gather3A_597 = tpu.vector_load_idx %gather3A_596[%add3A_573, %broadcast_in_dim3A_11] : memref<128x32xf32, #tpu.memory_space<vmem>>[vector<16xi32>, vector<16xi32>], vector<16xf32>,
      %gather3A_598 = arith.constant 0 : i32
      %gather3A_599 = arith.constant 0 : i32
      %gather3A_600 = tpu.memref_slice %arg7[%scan3A_98, %gather3A_598, %gather3A_599] : memref<2x128x32xf32, #tpu.memory_space<vmem>> -> memref<1x128x32xf32, #tpu.memory_space<vmem>>
      %gather3A_601 = tpu.memref_squeeze %gather3A_600 : memref<1x128x32xf32, #tpu.memory_space<vmem>> -> memref<128x32xf32, #tpu.memory_space<vmem>>
      %gather3A_602 = tpu.vector_load_idx %gather3A_601[%add3A_573, %broadcast_in_dim3A_13] : memref<128x32xf32, #tpu.memory_space<vmem>>[vector<16xi32>, vector<16xi32>], vector<16xf32>,
      %gather3A_603 = arith.constant 0 : i32
      %gather3A_604 = arith.constant 0 : i32
      %gather3A_605 = tpu.memref_slice %arg7[%scan3A_98, %gather3A_603, %gather3A_604] : memref<2x128x32xf32, #tpu.memory_space<vmem>> -> memref<1x128x32xf32, #tpu.memory_space<vmem>>
      %gather3A_606 = tpu.memref_squeeze %gather3A_605 : memref<1x128x32xf32, #tpu.memory_space<vmem>> -> memref<128x32xf32, #tpu.memory_space<vmem>>
      %gather3A_607 = tpu.vector_load_idx %gather3A_606[%add3A_573, %broadcast_in_dim3A_15] : memref<128x32xf32, #tpu.memory_space<vmem>>[vector<16xi32>, vector<16xi32>], vector<16xf32>,
      %gather3A_608 = arith.constant 0 : i32
      %gather3A_609 = arith.constant 0 : i32
      %gather3A_610 = tpu.memref_slice %arg7[%scan3A_98, %gather3A_608, %gather3A_609] : memref<2x128x32xf32, #tpu.memory_space<vmem>> -> memref<1x128x32xf32, #tpu.memory_space<vmem>>
      %gather3A_611 = tpu.memref_squeeze %gather3A_610 : memref<1x128x32xf32, #tpu.memory_space<vmem>> -> memref<128x32xf32, #tpu.memory_space<vmem>>
      %gather3A_612 = tpu.vector_load_idx %gather3A_611[%add3A_573, %broadcast_in_dim3A_17] : memref<128x32xf32, #tpu.memory_space<vmem>>[vector<16xi32>, vector<16xi32>], vector<16xf32>,
      %gather3A_613 = arith.constant 0 : i32
      %gather3A_614 = arith.constant 0 : i32
      %gather3A_615 = tpu.memref_slice %arg7[%scan3A_98, %gather3A_613, %gather3A_614] : memref<2x128x32xf32, #tpu.memory_space<vmem>> -> memref<1x128x32xf32, #tpu.memory_space<vmem>>
      %gather3A_616 = tpu.memref_squeeze %gather3A_615 : memref<1x128x32xf32, #tpu.memory_space<vmem>> -> memref<128x32xf32, #tpu.memory_space<vmem>>
      %gather3A_617 = tpu.vector_load_idx %gather3A_616[%add3A_573, %broadcast_in_dim3A_19] : memref<128x32xf32, #tpu.memory_space<vmem>>[vector<16xi32>, vector<16xi32>], vector<16xf32>,
      %gather3A_618 = arith.constant 0 : i32
      %gather3A_619 = arith.constant 0 : i32
      %gather3A_620 = tpu.memref_slice %arg7[%scan3A_98, %gather3A_618, %gather3A_619] : memref<2x128x32xf32, #tpu.memory_space<vmem>> -> memref<1x128x32xf32, #tpu.memory_space<vmem>>
      %gather3A_621 = tpu.memref_squeeze %gather3A_620 : memref<1x128x32xf32, #tpu.memory_space<vmem>> -> memref<128x32xf32, #tpu.memory_space<vmem>>
      %gather3A_622 = tpu.vector_load_idx %gather3A_621[%add3A_573, %broadcast_in_dim3A_21] : memref<128x32xf32, #tpu.memory_space<vmem>>[vector<16xi32>, vector<16xi32>], vector<16xf32>,
      %gather3A_623 = arith.constant 0 : i32
      %gather3A_624 = arith.constant 0 : i32
      %gather3A_625 = tpu.memref_slice %arg7[%scan3A_98, %gather3A_623, %gather3A_624] : memref<2x128x32xf32, #tpu.memory_space<vmem>> -> memref<1x128x32xf32, #tpu.memory_space<vmem>>
      %gather3A_626 = tpu.memref_squeeze %gather3A_625 : memref<1x128x32xf32, #tpu.memory_space<vmem>> -> memref<128x32xf32, #tpu.memory_space<vmem>>
      %gather3A_627 = tpu.vector_load_idx %gather3A_626[%add3A_573, %broadcast_in_dim3A_23] : memref<128x32xf32, #tpu.memory_space<vmem>>[vector<16xi32>, vector<16xi32>], vector<16xf32>,
      %gather3A_628 = arith.constant 0 : i32
      %gather3A_629 = arith.constant 0 : i32
      %gather3A_630 = tpu.memref_slice %arg7[%scan3A_98, %gather3A_628, %gather3A_629] : memref<2x128x32xf32, #tpu.memory_space<vmem>> -> memref<1x128x32xf32, #tpu.memory_space<vmem>>
      %gather3A_631 = tpu.memref_squeeze %gather3A_630 : memref<1x128x32xf32, #tpu.memory_space<vmem>> -> memref<128x32xf32, #tpu.memory_space<vmem>>
      %gather3A_632 = tpu.vector_load_idx %gather3A_631[%add3A_573, %broadcast_in_dim3A_25] : memref<128x32xf32, #tpu.memory_space<vmem>>[vector<16xi32>, vector<16xi32>], vector<16xf32>,
      %gather3A_633 = arith.constant 0 : i32
      %gather3A_634 = arith.constant 0 : i32
      %gather3A_635 = tpu.memref_slice %arg7[%scan3A_98, %gather3A_633, %gather3A_634] : memref<2x128x32xf32, #tpu.memory_space<vmem>> -> memref<1x128x32xf32, #tpu.memory_space<vmem>>
      %gather3A_636 = tpu.memref_squeeze %gather3A_635 : memref<1x128x32xf32, #tpu.memory_space<vmem>> -> memref<128x32xf32, #tpu.memory_space<vmem>>
      %gather3A_637 = tpu.vector_load_idx %gather3A_636[%add3A_573, %broadcast_in_dim3A_27] : memref<128x32xf32, #tpu.memory_space<vmem>>[vector<16xi32>, vector<16xi32>], vector<16xf32>,
      %gather3A_638 = arith.constant 0 : i32
      %gather3A_639 = arith.constant 0 : i32
      %gather3A_640 = tpu.memref_slice %arg7[%scan3A_98, %gather3A_638, %gather3A_639] : memref<2x128x32xf32, #tpu.memory_space<vmem>> -> memref<1x128x32xf32, #tpu.memory_space<vmem>>
      %gather3A_641 = tpu.memref_squeeze %gather3A_640 : memref<1x128x32xf32, #tpu.memory_space<vmem>> -> memref<128x32xf32, #tpu.memory_space<vmem>>
      %gather3A_642 = tpu.vector_load_idx %gather3A_641[%add3A_573, %broadcast_in_dim3A_29] : memref<128x32xf32, #tpu.memory_space<vmem>>[vector<16xi32>, vector<16xi32>], vector<16xf32>,
      %gather3A_643 = arith.constant 0 : i32
      %gather3A_644 = arith.constant 0 : i32
      %gather3A_645 = tpu.memref_slice %arg7[%scan3A_98, %gather3A_643, %gather3A_644] : memref<2x128x32xf32, #tpu.memory_space<vmem>> -> memref<1x128x32xf32, #tpu.memory_space<vmem>>
      %gather3A_646 = tpu.memref_squeeze %gather3A_645 : memref<1x128x32xf32, #tpu.memory_space<vmem>> -> memref<128x32xf32, #tpu.memory_space<vmem>>
      %gather3A_647 = tpu.vector_load_idx %gather3A_646[%add3A_573, %broadcast_in_dim3A_31] : memref<128x32xf32, #tpu.memory_space<vmem>>[vector<16xi32>, vector<16xi32>], vector<16xf32>,
      %gather3A_648 = arith.constant 0 : i32
      %gather3A_649 = arith.constant 0 : i32
      %gather3A_650 = tpu.memref_slice %arg7[%scan3A_98, %gather3A_648, %gather3A_649] : memref<2x128x32xf32, #tpu.memory_space<vmem>> -> memref<1x128x32xf32, #tpu.memory_space<vmem>>
      %gather3A_651 = tpu.memref_squeeze %gather3A_650 : memref<1x128x32xf32, #tpu.memory_space<vmem>> -> memref<128x32xf32, #tpu.memory_space<vmem>>
      %gather3A_652 = tpu.vector_load_idx %gather3A_651[%add3A_573, %broadcast_in_dim3A_33] : memref<128x32xf32, #tpu.memory_space<vmem>>[vector<16xi32>, vector<16xi32>], vector<16xf32>,
      %gather3A_653 = arith.constant 0 : i32
      %gather3A_654 = arith.constant 0 : i32
      %gather3A_655 = tpu.memref_slice %arg7[%scan3A_98, %gather3A_653, %gather3A_654] : memref<2x128x32xf32, #tpu.memory_space<vmem>> -> memref<1x128x32xf32, #tpu.memory_space<vmem>>
      %gather3A_656 = tpu.memref_squeeze %gather3A_655 : memref<1x128x32xf32, #tpu.memory_space<vmem>> -> memref<128x32xf32, #tpu.memory_space<vmem>>
      %gather3A_657 = tpu.vector_load_idx %gather3A_656[%add3A_573, %broadcast_in_dim3A_35] : memref<128x32xf32, #tpu.memory_space<vmem>>[vector<16xi32>, vector<16xi32>], vector<16xf32>,
      %gather3A_658 = arith.constant 0 : i32
      %gather3A_659 = arith.constant 0 : i32
      %gather3A_660 = tpu.memref_slice %arg7[%scan3A_98, %gather3A_658, %gather3A_659] : memref<2x128x32xf32, #tpu.memory_space<vmem>> -> memref<1x128x32xf32, #tpu.memory_space<vmem>>
      %gather3A_661 = tpu.memref_squeeze %gather3A_660 : memref<1x128x32xf32, #tpu.memory_space<vmem>> -> memref<128x32xf32, #tpu.memory_space<vmem>>
      %gather3A_662 = tpu.vector_load_idx %gather3A_661[%add3A_573, %broadcast_in_dim3A_37] : memref<128x32xf32, #tpu.memory_space<vmem>>[vector<16xi32>, vector<16xi32>], vector<16xf32>,
      %gather3A_663 = arith.constant 0 : i32
      %gather3A_664 = arith.constant 0 : i32
      %gather3A_665 = tpu.memref_slice %arg7[%scan3A_98, %gather3A_663, %gather3A_664] : memref<2x128x32xf32, #tpu.memory_space<vmem>> -> memref<1x128x32xf32, #tpu.memory_space<vmem>>
      %gather3A_666 = tpu.memref_squeeze %gather3A_665 : memref<1x128x32xf32, #tpu.memory_space<vmem>> -> memref<128x32xf32, #tpu.memory_space<vmem>>
      %gather3A_667 = tpu.vector_load_idx %gather3A_666[%add3A_573, %broadcast_in_dim3A_39] : memref<128x32xf32, #tpu.memory_space<vmem>>[vector<16xi32>, vector<16xi32>], vector<16xf32>,
      %gather3A_668 = arith.constant 0 : i32
      %gather3A_669 = arith.constant 0 : i32
      %gather3A_670 = tpu.memref_slice %arg7[%scan3A_98, %gather3A_668, %gather3A_669] : memref<2x128x32xf32, #tpu.memory_space<vmem>> -> memref<1x128x32xf32, #tpu.memory_space<vmem>>
      %gather3A_671 = tpu.memref_squeeze %gather3A_670 : memref<1x128x32xf32, #tpu.memory_space<vmem>> -> memref<128x32xf32, #tpu.memory_space<vmem>>
      %gather3A_672 = tpu.vector_load_idx %gather3A_671[%add3A_573, %broadcast_in_dim3A_41] : memref<128x32xf32, #tpu.memory_space<vmem>>[vector<16xi32>, vector<16xi32>], vector<16xf32>,
      %gather3A_673 = arith.constant 0 : i32
      %gather3A_674 = arith.constant 0 : i32
      %gather3A_675 = tpu.memref_slice %arg7[%scan3A_98, %gather3A_673, %gather3A_674] : memref<2x128x32xf32, #tpu.memory_space<vmem>> -> memref<1x128x32xf32, #tpu.memory_space<vmem>>
      %gather3A_676 = tpu.memref_squeeze %gather3A_675 : memref<1x128x32xf32, #tpu.memory_space<vmem>> -> memref<128x32xf32, #tpu.memory_space<vmem>>
      %gather3A_677 = tpu.vector_load_idx %gather3A_676[%add3A_573, %broadcast_in_dim3A_43] : memref<128x32xf32, #tpu.memory_space<vmem>>[vector<16xi32>, vector<16xi32>], vector<16xf32>,
      %gather3A_678 = arith.constant 0 : i32
      %gather3A_679 = arith.constant 0 : i32
      %gather3A_680 = tpu.memref_slice %arg7[%scan3A_98, %gather3A_678, %gather3A_679] : memref<2x128x32xf32, #tpu.memory_space<vmem>> -> memref<1x128x32xf32, #tpu.memory_space<vmem>>
      %gather3A_681 = tpu.memref_squeeze %gather3A_680 : memref<1x128x32xf32, #tpu.memory_space<vmem>> -> memref<128x32xf32, #tpu.memory_space<vmem>>
      %gather3A_682 = tpu.vector_load_idx %gather3A_681[%add3A_573, %broadcast_in_dim3A_45] : memref<128x32xf32, #tpu.memory_space<vmem>>[vector<16xi32>, vector<16xi32>], vector<16xf32>,
      %gather3A_683 = arith.constant 0 : i32
      %gather3A_684 = arith.constant 0 : i32
      %gather3A_685 = tpu.memref_slice %arg7[%scan3A_98, %gather3A_683, %gather3A_684] : memref<2x128x32xf32, #tpu.memory_space<vmem>> -> memref<1x128x32xf32, #tpu.memory_space<vmem>>
      %gather3A_686 = tpu.memref_squeeze %gather3A_685 : memref<1x128x32xf32, #tpu.memory_space<vmem>> -> memref<128x32xf32, #tpu.memory_space<vmem>>
      %gather3A_687 = tpu.vector_load_idx %gather3A_686[%add3A_573, %broadcast_in_dim3A_47] : memref<128x32xf32, #tpu.memory_space<vmem>>[vector<16xi32>, vector<16xi32>], vector<16xf32>,
      %gather3A_688 = arith.constant 0 : i32
      %gather3A_689 = arith.constant 0 : i32
      %gather3A_690 = tpu.memref_slice %arg7[%scan3A_98, %gather3A_688, %gather3A_689] : memref<2x128x32xf32, #tpu.memory_space<vmem>> -> memref<1x128x32xf32, #tpu.memory_space<vmem>>
      %gather3A_691 = tpu.memref_squeeze %gather3A_690 : memref<1x128x32xf32, #tpu.memory_space<vmem>> -> memref<128x32xf32, #tpu.memory_space<vmem>>
      %gather3A_692 = tpu.vector_load_idx %gather3A_691[%add3A_573, %broadcast_in_dim3A_49] : memref<128x32xf32, #tpu.memory_space<vmem>>[vector<16xi32>, vector<16xi32>], vector<16xf32>,
      %gather3A_693 = arith.constant 0 : i32
      %gather3A_694 = arith.constant 0 : i32
      %gather3A_695 = tpu.memref_slice %arg7[%scan3A_98, %gather3A_693, %gather3A_694] : memref<2x128x32xf32, #tpu.memory_space<vmem>> -> memref<1x128x32xf32, #tpu.memory_space<vmem>>
      %gather3A_696 = tpu.memref_squeeze %gather3A_695 : memref<1x128x32xf32, #tpu.memory_space<vmem>> -> memref<128x32xf32, #tpu.memory_space<vmem>>
      %gather3A_697 = tpu.vector_load_idx %gather3A_696[%add3A_573, %broadcast_in_dim3A_51] : memref<128x32xf32, #tpu.memory_space<vmem>>[vector<16xi32>, vector<16xi32>], vector<16xf32>,
      %gather3A_698 = arith.constant 0 : i32
      %gather3A_699 = arith.constant 0 : i32
      %gather3A_700 = tpu.memref_slice %arg7[%scan3A_98, %gather3A_698, %gather3A_699] : memref<2x128x32xf32, #tpu.memory_space<vmem>> -> memref<1x128x32xf32, #tpu.memory_space<vmem>>
      %gather3A_701 = tpu.memref_squeeze %gather3A_700 : memref<1x128x32xf32, #tpu.memory_space<vmem>> -> memref<128x32xf32, #tpu.memory_space<vmem>>
      %gather3A_702 = tpu.vector_load_idx %gather3A_701[%add3A_573, %broadcast_in_dim3A_53] : memref<128x32xf32, #tpu.memory_space<vmem>>[vector<16xi32>, vector<16xi32>], vector<16xf32>,
      %gather3A_703 = arith.constant 0 : i32
      %gather3A_704 = arith.constant 0 : i32
      %gather3A_705 = tpu.memref_slice %arg7[%scan3A_98, %gather3A_703, %gather3A_704] : memref<2x128x32xf32, #tpu.memory_space<vmem>> -> memref<1x128x32xf32, #tpu.memory_space<vmem>>
      %gather3A_706 = tpu.memref_squeeze %gather3A_705 : memref<1x128x32xf32, #tpu.memory_space<vmem>> -> memref<128x32xf32, #tpu.memory_space<vmem>>
      %gather3A_707 = tpu.vector_load_idx %gather3A_706[%add3A_573, %broadcast_in_dim3A_55] : memref<128x32xf32, #tpu.memory_space<vmem>>[vector<16xi32>, vector<16xi32>], vector<16xf32>,
      %gather3A_708 = arith.constant 0 : i32
      %gather3A_709 = arith.constant 0 : i32
      %gather3A_710 = tpu.memref_slice %arg7[%scan3A_98, %gather3A_708, %gather3A_709] : memref<2x128x32xf32, #tpu.memory_space<vmem>> -> memref<1x128x32xf32, #tpu.memory_space<vmem>>
      %gather3A_711 = tpu.memref_squeeze %gather3A_710 : memref<1x128x32xf32, #tpu.memory_space<vmem>> -> memref<128x32xf32, #tpu.memory_space<vmem>>
      %gather3A_712 = tpu.vector_load_idx %gather3A_711[%add3A_573, %broadcast_in_dim3A_57] : memref<128x32xf32, #tpu.memory_space<vmem>>[vector<16xi32>, vector<16xi32>], vector<16xf32>,
      %gather3A_713 = arith.constant 0 : i32
      %gather3A_714 = arith.constant 0 : i32
      %gather3A_715 = tpu.memref_slice %arg7[%scan3A_98, %gather3A_713, %gather3A_714] : memref<2x128x32xf32, #tpu.memory_space<vmem>> -> memref<1x128x32xf32, #tpu.memory_space<vmem>>
      %gather3A_716 = tpu.memref_squeeze %gather3A_715 : memref<1x128x32xf32, #tpu.memory_space<vmem>> -> memref<128x32xf32, #tpu.memory_space<vmem>>
      %gather3A_717 = tpu.vector_load_idx %gather3A_716[%add3A_573, %broadcast_in_dim3A_59] : memref<128x32xf32, #tpu.memory_space<vmem>>[vector<16xi32>, vector<16xi32>], vector<16xf32>,
      %gather3A_718 = arith.constant 0 : i32
      %gather3A_719 = arith.constant 0 : i32
      %gather3A_720 = tpu.memref_slice %arg7[%scan3A_98, %gather3A_718, %gather3A_719] : memref<2x128x32xf32, #tpu.memory_space<vmem>> -> memref<1x128x32xf32, #tpu.memory_space<vmem>>
      %gather3A_721 = tpu.memref_squeeze %gather3A_720 : memref<1x128x32xf32, #tpu.memory_space<vmem>> -> memref<128x32xf32, #tpu.memory_space<vmem>>
      %gather3A_722 = tpu.vector_load_idx %gather3A_721[%add3A_573, %broadcast_in_dim3A_61] : memref<128x32xf32, #tpu.memory_space<vmem>>[vector<16xi32>, vector<16xi32>], vector<16xf32>,
      %gather3A_723 = arith.constant 0 : i32
      %gather3A_724 = arith.constant 0 : i32
      %gather3A_725 = tpu.memref_slice %arg7[%scan3A_98, %gather3A_723, %gather3A_724] : memref<2x128x32xf32, #tpu.memory_space<vmem>> -> memref<1x128x32xf32, #tpu.memory_space<vmem>>
      %gather3A_726 = tpu.memref_squeeze %gather3A_725 : memref<1x128x32xf32, #tpu.memory_space<vmem>> -> memref<128x32xf32, #tpu.memory_space<vmem>>
      %gather3A_727 = tpu.vector_load_idx %gather3A_726[%add3A_573, %broadcast_in_dim3A_63] : memref<128x32xf32, #tpu.memory_space<vmem>>[vector<16xi32>, vector<16xi32>], vector<16xf32>,
      %gather3A_728 = arith.constant 0 : i32
      %gather3A_729 = arith.constant 0 : i32
      %gather3A_730 = tpu.memref_slice %arg7[%scan3A_98, %gather3A_728, %gather3A_729] : memref<2x128x32xf32, #tpu.memory_space<vmem>> -> memref<1x128x32xf32, #tpu.memory_space<vmem>>
      %gather3A_731 = tpu.memref_squeeze %gather3A_730 : memref<1x128x32xf32, #tpu.memory_space<vmem>> -> memref<128x32xf32, #tpu.memory_space<vmem>>
      %gather3A_732 = tpu.vector_load_idx %gather3A_731[%add3A_573, %broadcast_in_dim3A_65] : memref<128x32xf32, #tpu.memory_space<vmem>>[vector<16xi32>, vector<16xi32>], vector<16xf32>,
      %add3A_733 = arith.constant 0 : i32
      %add3A_734 = arith.addi %add3A_733, %mul3A_571 : i32
      %swap3A = arith.index_cast %add3A_734 : i32 to index
      %swap3A_735 = tpu.vector_load %arg8[%swap3A] {strides = array<i32>} : memref<8192xf32, #tpu.memory_space<vmem>>, vector<16xf32>,
      tpu.vector_store %arg8[%swap3A], %gather3A_577 {strides = array<i32>} : memref<8192xf32, #tpu.memory_space<vmem>>, vector<16xf32>,
      %add3A_736 = arith.constant 128 : i32
      %add3A_737 = arith.addi %add3A_736, %mul3A_571 : i32
      %swap3A_738 = arith.index_cast %add3A_737 : i32 to index
      %swap3A_739 = tpu.vector_load %arg8[%swap3A_738] {strides = array<i32>} : memref<8192xf32, #tpu.memory_space<vmem>>, vector<16xf32>,
      tpu.vector_store %arg8[%swap3A_738], %gather3A_582 {strides = array<i32>} : memref<8192xf32, #tpu.memory_space<vmem>>, vector<16xf32>,
      %add3A_740 = arith.constant 256 : i32
      %add3A_741 = arith.addi %add3A_740, %mul3A_571 : i32
      %swap3A_742 = arith.index_cast %add3A_741 : i32 to index
      %swap3A_743 = tpu.vector_load %arg8[%swap3A_742] {strides = array<i32>} : memref<8192xf32, #tpu.memory_space<vmem>>, vector<16xf32>,
      tpu.vector_store %arg8[%swap3A_742], %gather3A_587 {strides = array<i32>} : memref<8192xf32, #tpu.memory_space<vmem>>, vector<16xf32>,
      %add3A_744 = arith.constant 384 : i32
      %add3A_745 = arith.addi %add3A_744, %mul3A_571 : i32
      %swap3A_746 = arith.index_cast %add3A_745 : i32 to index
      %swap3A_747 = tpu.vector_load %arg8[%swap3A_746] {strides = array<i32>} : memref<8192xf32, #tpu.memory_space<vmem>>, vector<16xf32>,
      tpu.vector_store %arg8[%swap3A_746], %gather3A_592 {strides = array<i32>} : memref<8192xf32, #tpu.memory_space<vmem>>, vector<16xf32>,
      %add3A_748 = arith.constant 512 : i32
      %add3A_749 = arith.addi %add3A_748, %mul3A_571 : i32
      %swap3A_750 = arith.index_cast %add3A_749 : i32 to index
      %swap3A_751 = tpu.vector_load %arg8[%swap3A_750] {strides = array<i32>} : memref<8192xf32, #tpu.memory_space<vmem>>, vector<16xf32>,
      tpu.vector_store %arg8[%swap3A_750], %gather3A_597 {strides = array<i32>} : memref<8192xf32, #tpu.memory_space<vmem>>, vector<16xf32>,
      %add3A_752 = arith.constant 640 : i32
      %add3A_753 = arith.addi %add3A_752, %mul3A_571 : i32
      %swap3A_754 = arith.index_cast %add3A_753 : i32 to index
      %swap3A_755 = tpu.vector_load %arg8[%swap3A_754] {strides = array<i32>} : memref<8192xf32, #tpu.memory_space<vmem>>, vector<16xf32>,
      tpu.vector_store %arg8[%swap3A_754], %gather3A_602 {strides = array<i32>} : memref<8192xf32, #tpu.memory_space<vmem>>, vector<16xf32>,
      %add3A_756 = arith.constant 768 : i32
      %add3A_757 = arith.addi %add3A_756, %mul3A_571 : i32
      %swap3A_758 = arith.index_cast %add3A_757 : i32 to index
      %swap3A_759 = tpu.vector_load %arg8[%swap3A_758] {strides = array<i32>} : memref<8192xf32, #tpu.memory_space<vmem>>, vector<16xf32>,
      tpu.vector_store %arg8[%swap3A_758], %gather3A_607 {strides = array<i32>} : memref<8192xf32, #tpu.memory_space<vmem>>, vector<16xf32>,
      %add3A_760 = arith.constant 896 : i32
      %add3A_761 = arith.addi %add3A_760, %mul3A_571 : i32
      %swap3A_762 = arith.index_cast %add3A_761 : i32 to index
      %swap3A_763 = tpu.vector_load %arg8[%swap3A_762] {strides = array<i32>} : memref<8192xf32, #tpu.memory_space<vmem>>, vector<16xf32>,
      tpu.vector_store %arg8[%swap3A_762], %gather3A_612 {strides = array<i32>} : memref<8192xf32, #tpu.memory_space<vmem>>, vector<16xf32>,
      %add3A_764 = arith.constant 1024 : i32
      %add3A_765 = arith.addi %add3A_764, %mul3A_571 : i32
      %swap3A_766 = arith.index_cast %add3A_765 : i32 to index
      %swap3A_767 = tpu.vector_load %arg8[%swap3A_766] {strides = array<i32>} : memref<8192xf32, #tpu.memory_space<vmem>>, vector<16xf32>,
      tpu.vector_store %arg8[%swap3A_766], %gather3A_617 {strides = array<i32>} : memref<8192xf32, #tpu.memory_space<vmem>>, vector<16xf32>,
      %add3A_768 = arith.constant 1152 : i32
      %add3A_769 = arith.addi %add3A_768, %mul3A_571 : i32
      %swap3A_770 = arith.index_cast %add3A_769 : i32 to index
      %swap3A_771 = tpu.vector_load %arg8[%swap3A_770] {strides = array<i32>} : memref<8192xf32, #tpu.memory_space<vmem>>, vector<16xf32>,
      tpu.vector_store %arg8[%swap3A_770], %gather3A_622 {strides = array<i32>} : memref<8192xf32, #tpu.memory_space<vmem>>, vector<16xf32>,
      %add3A_772 = arith.constant 1280 : i32
      %add3A_773 = arith.addi %add3A_772, %mul3A_571 : i32
      %swap3A_774 = arith.index_cast %add3A_773 : i32 to index
      %swap3A_775 = tpu.vector_load %arg8[%swap3A_774] {strides = array<i32>} : memref<8192xf32, #tpu.memory_space<vmem>>, vector<16xf32>,
      tpu.vector_store %arg8[%swap3A_774], %gather3A_627 {strides = array<i32>} : memref<8192xf32, #tpu.memory_space<vmem>>, vector<16xf32>,
      %add3A_776 = arith.constant 1408 : i32
      %add3A_777 = arith.addi %add3A_776, %mul3A_571 : i32
      %swap3A_778 = arith.index_cast %add3A_777 : i32 to index
      %swap3A_779 = tpu.vector_load %arg8[%swap3A_778] {strides = array<i32>} : memref<8192xf32, #tpu.memory_space<vmem>>, vector<16xf32>,
      tpu.vector_store %arg8[%swap3A_778], %gather3A_632 {strides = array<i32>} : memref<8192xf32, #tpu.memory_space<vmem>>, vector<16xf32>,
      %add3A_780 = arith.constant 1536 : i32
      %add3A_781 = arith.addi %add3A_780, %mul3A_571 : i32
      %swap3A_782 = arith.index_cast %add3A_781 : i32 to index
      %swap3A_783 = tpu.vector_load %arg8[%swap3A_782] {strides = array<i32>} : memref<8192xf32, #tpu.memory_space<vmem>>, vector<16xf32>,
      tpu.vector_store %arg8[%swap3A_782], %gather3A_637 {strides = array<i32>} : memref<8192xf32, #tpu.memory_space<vmem>>, vector<16xf32>,
      %add3A_784 = arith.constant 1664 : i32
      %add3A_785 = arith.addi %add3A_784, %mul3A_571 : i32
      %swap3A_786 = arith.index_cast %add3A_785 : i32 to index
      %swap3A_787 = tpu.vector_load %arg8[%swap3A_786] {strides = array<i32>} : memref<8192xf32, #tpu.memory_space<vmem>>, vector<16xf32>,
      tpu.vector_store %arg8[%swap3A_786], %gather3A_642 {strides = array<i32>} : memref<8192xf32, #tpu.memory_space<vmem>>, vector<16xf32>,
      %add3A_788 = arith.constant 1792 : i32
      %add3A_789 = arith.addi %add3A_788, %mul3A_571 : i32
      %swap3A_790 = arith.index_cast %add3A_789 : i32 to index
      %swap3A_791 = tpu.vector_load %arg8[%swap3A_790] {strides = array<i32>} : memref<8192xf32, #tpu.memory_space<vmem>>, vector<16xf32>,
      tpu.vector_store %arg8[%swap3A_790], %gather3A_647 {strides = array<i32>} : memref<8192xf32, #tpu.memory_space<vmem>>, vector<16xf32>,
      %add3A_792 = arith.constant 1920 : i32
      %add3A_793 = arith.addi %add3A_792, %mul3A_571 : i32
      %swap3A_794 = arith.index_cast %add3A_793 : i32 to index
      %swap3A_795 = tpu.vector_load %arg8[%swap3A_794] {strides = array<i32>} : memref<8192xf32, #tpu.memory_space<vmem>>, vector<16xf32>,
      tpu.vector_store %arg8[%swap3A_794], %gather3A_652 {strides = array<i32>} : memref<8192xf32, #tpu.memory_space<vmem>>, vector<16xf32>,
      %add3A_796 = arith.constant 2048 : i32
      %add3A_797 = arith.addi %add3A_796, %mul3A_571 : i32
      %swap3A_798 = arith.index_cast %add3A_797 : i32 to index
      %swap3A_799 = tpu.vector_load %arg8[%swap3A_798] {strides = array<i32>} : memref<8192xf32, #tpu.memory_space<vmem>>, vector<16xf32>,
      tpu.vector_store %arg8[%swap3A_798], %gather3A_657 {strides = array<i32>} : memref<8192xf32, #tpu.memory_space<vmem>>, vector<16xf32>,
      %add3A_800 = arith.constant 2176 : i32
      %add3A_801 = arith.addi %add3A_800, %mul3A_571 : i32
      %swap3A_802 = arith.index_cast %add3A_801 : i32 to index
      %swap3A_803 = tpu.vector_load %arg8[%swap3A_802] {strides = array<i32>} : memref<8192xf32, #tpu.memory_space<vmem>>, vector<16xf32>,
      tpu.vector_store %arg8[%swap3A_802], %gather3A_662 {strides = array<i32>} : memref<8192xf32, #tpu.memory_space<vmem>>, vector<16xf32>,
      %add3A_804 = arith.constant 2304 : i32
      %add3A_805 = arith.addi %add3A_804, %mul3A_571 : i32
      %swap3A_806 = arith.index_cast %add3A_805 : i32 to index
      %swap3A_807 = tpu.vector_load %arg8[%swap3A_806] {strides = array<i32>} : memref<8192xf32, #tpu.memory_space<vmem>>, vector<16xf32>,
      tpu.vector_store %arg8[%swap3A_806], %gather3A_667 {strides = array<i32>} : memref<8192xf32, #tpu.memory_space<vmem>>, vector<16xf32>,
      %add3A_808 = arith.constant 2432 : i32
      %add3A_809 = arith.addi %add3A_808, %mul3A_571 : i32
      %swap3A_810 = arith.index_cast %add3A_809 : i32 to index
      %swap3A_811 = tpu.vector_load %arg8[%swap3A_810] {strides = array<i32>} : memref<8192xf32, #tpu.memory_space<vmem>>, vector<16xf32>,
      tpu.vector_store %arg8[%swap3A_810], %gather3A_672 {strides = array<i32>} : memref<8192xf32, #tpu.memory_space<vmem>>, vector<16xf32>,
      %add3A_812 = arith.constant 2560 : i32
      %add3A_813 = arith.addi %add3A_812, %mul3A_571 : i32
      %swap3A_814 = arith.index_cast %add3A_813 : i32 to index
      %swap3A_815 = tpu.vector_load %arg8[%swap3A_814] {strides = array<i32>} : memref<8192xf32, #tpu.memory_space<vmem>>, vector<16xf32>,
      tpu.vector_store %arg8[%swap3A_814], %gather3A_677 {strides = array<i32>} : memref<8192xf32, #tpu.memory_space<vmem>>, vector<16xf32>,
      %add3A_816 = arith.constant 2688 : i32
      %add3A_817 = arith.addi %add3A_816, %mul3A_571 : i32
      %swap3A_818 = arith.index_cast %add3A_817 : i32 to index
      %swap3A_819 = tpu.vector_load %arg8[%swap3A_818] {strides = array<i32>} : memref<8192xf32, #tpu.memory_space<vmem>>, vector<16xf32>,
      tpu.vector_store %arg8[%swap3A_818], %gather3A_682 {strides = array<i32>} : memref<8192xf32, #tpu.memory_space<vmem>>, vector<16xf32>,
      %add3A_820 = arith.constant 2816 : i32
      %add3A_821 = arith.addi %add3A_820, %mul3A_571 : i32
      %swap3A_822 = arith.index_cast %add3A_821 : i32 to index
      %swap3A_823 = tpu.vector_load %arg8[%swap3A_822] {strides = array<i32>} : memref<8192xf32, #tpu.memory_space<vmem>>, vector<16xf32>,
      tpu.vector_store %arg8[%swap3A_822], %gather3A_687 {strides = array<i32>} : memref<8192xf32, #tpu.memory_space<vmem>>, vector<16xf32>,
      %add3A_824 = arith.constant 2944 : i32
      %add3A_825 = arith.addi %add3A_824, %mul3A_571 : i32
      %swap3A_826 = arith.index_cast %add3A_825 : i32 to index
      %swap3A_827 = tpu.vector_load %arg8[%swap3A_826] {strides = array<i32>} : memref<8192xf32, #tpu.memory_space<vmem>>, vector<16xf32>,
      tpu.vector_store %arg8[%swap3A_826], %gather3A_692 {strides = array<i32>} : memref<8192xf32, #tpu.memory_space<vmem>>, vector<16xf32>,
      %add3A_828 = arith.constant 3072 : i32
      %add3A_829 = arith.addi %add3A_828, %mul3A_571 : i32
      %swap3A_830 = arith.index_cast %add3A_829 : i32 to index
      %swap3A_831 = tpu.vector_load %arg8[%swap3A_830] {strides = array<i32>} : memref<8192xf32, #tpu.memory_space<vmem>>, vector<16xf32>,
      tpu.vector_store %arg8[%swap3A_830], %gather3A_697 {strides = array<i32>} : memref<8192xf32, #tpu.memory_space<vmem>>, vector<16xf32>,
      %add3A_832 = arith.constant 3200 : i32
      %add3A_833 = arith.addi %add3A_832, %mul3A_571 : i32
      %swap3A_834 = arith.index_cast %add3A_833 : i32 to index
      %swap3A_835 = tpu.vector_load %arg8[%swap3A_834] {strides = array<i32>} : memref<8192xf32, #tpu.memory_space<vmem>>, vector<16xf32>,
      tpu.vector_store %arg8[%swap3A_834], %gather3A_702 {strides = array<i32>} : memref<8192xf32, #tpu.memory_space<vmem>>, vector<16xf32>,
      %add3A_836 = arith.constant 3328 : i32
      %add3A_837 = arith.addi %add3A_836, %mul3A_571 : i32
      %swap3A_838 = arith.index_cast %add3A_837 : i32 to index
      %swap3A_839 = tpu.vector_load %arg8[%swap3A_838] {strides = array<i32>} : memref<8192xf32, #tpu.memory_space<vmem>>, vector<16xf32>,
      tpu.vector_store %arg8[%swap3A_838], %gather3A_707 {strides = array<i32>} : memref<8192xf32, #tpu.memory_space<vmem>>, vector<16xf32>,
      %add3A_840 = arith.constant 3456 : i32
      %add3A_841 = arith.addi %add3A_840, %mul3A_571 : i32
      %swap3A_842 = arith.index_cast %add3A_841 : i32 to index
      %swap3A_843 = tpu.vector_load %arg8[%swap3A_842] {strides = array<i32>} : memref<8192xf32, #tpu.memory_space<vmem>>, vector<16xf32>,
      tpu.vector_store %arg8[%swap3A_842], %gather3A_712 {strides = array<i32>} : memref<8192xf32, #tpu.memory_space<vmem>>, vector<16xf32>,
      %add3A_844 = arith.constant 3584 : i32
      %add3A_845 = arith.addi %add3A_844, %mul3A_571 : i32
      %swap3A_846 = arith.index_cast %add3A_845 : i32 to index
      %swap3A_847 = tpu.vector_load %arg8[%swap3A_846] {strides = array<i32>} : memref<8192xf32, #tpu.memory_space<vmem>>, vector<16xf32>,
      tpu.vector_store %arg8[%swap3A_846], %gather3A_717 {strides = array<i32>} : memref<8192xf32, #tpu.memory_space<vmem>>, vector<16xf32>,
      %add3A_848 = arith.constant 3712 : i32
      %add3A_849 = arith.addi %add3A_848, %mul3A_571 : i32
      %swap3A_850 = arith.index_cast %add3A_849 : i32 to index
      %swap3A_851 = tpu.vector_load %arg8[%swap3A_850] {strides = array<i32>} : memref<8192xf32, #tpu.memory_space<vmem>>, vector<16xf32>,
      tpu.vector_store %arg8[%swap3A_850], %gather3A_722 {strides = array<i32>} : memref<8192xf32, #tpu.memory_space<vmem>>, vector<16xf32>,
      %add3A_852 = arith.constant 3840 : i32
      %add3A_853 = arith.addi %add3A_852, %mul3A_571 : i32
      %swap3A_854 = arith.index_cast %add3A_853 : i32 to index
      %swap3A_855 = tpu.vector_load %arg8[%swap3A_854] {strides = array<i32>} : memref<8192xf32, #tpu.memory_space<vmem>>, vector<16xf32>,
      tpu.vector_store %arg8[%swap3A_854], %gather3A_727 {strides = array<i32>} : memref<8192xf32, #tpu.memory_space<vmem>>, vector<16xf32>,
      %add3A_856 = arith.constant 3968 : i32
      %add3A_857 = arith.addi %add3A_856, %mul3A_571 : i32
      %swap3A_858 = arith.index_cast %add3A_857 : i32 to index
      %swap3A_859 = tpu.vector_load %arg8[%swap3A_858] {strides = array<i32>} : memref<8192xf32, #tpu.memory_space<vmem>>, vector<16xf32>,
      tpu.vector_store %arg8[%swap3A_858], %gather3A_732 {strides = array<i32>} : memref<8192xf32, #tpu.memory_space<vmem>>, vector<16xf32>,
    }
    %scan3A_103 = arith.constant 8 : i32
    %barrier3A_104 = arith.constant 0 : index
    tpu.barrier barrier_id(%barrier3A_104)
    %dma_start3A_105 = arith.constant 0 : i32
    %dma_start3A_106 = arith.constant 0 : i32
    %dma_start3A_107 = arith.constant 0 : i32
    %dma_start3A_108 = tpu.memref_slice %arg7[%dma_start3A_105, %dma_start3A_106, %dma_start3A_107] : memref<2x128x32xf32, #tpu.memory_space<vmem>> -> memref<1x128x32xf32, #tpu.memory_space<vmem>>
    %dma_start3A_109 = tpu.memref_squeeze %dma_start3A_108 : memref<1x128x32xf32, #tpu.memory_space<vmem>> -> memref<128x32xf32, #tpu.memory_space<vmem>>
    %dma_start3A_110 = arith.constant 256 : i32
    %dma_start3A_111 = tpu.memref_slice %arg6[%dma_start3A_110] : memref<25600xi32, #tpu.memory_space<vmem>> -> memref<128xi32, #tpu.memory_space<vmem>>
    %dma_start3A_112 = arith.constant 0 : i32
    %dma_start3A_113 = arith.constant 0 : i32
    %dma_start3A_114 = tpu.memref_slice %arg3[%dma_start3A_112, %dma_start3A_113] : memref<1000000x32xf32, #tpu.memory_space<hbm>> -> memref<1000000x32xf32, #tpu.memory_space<hbm>>
    tpu.enqueue_indirect_dma source(%dma_start3A_114 : memref<1000000x32xf32, #tpu.memory_space<hbm>>) target(%dma_start3A_109 : memref<128x32xf32, #tpu.memory_space<vmem>>) offsets(%dma_start3A_111 : memref<128xi32, #tpu.memory_space<vmem>>) semaphore(%arg9 : memref<!tpu.dma_semaphore, #tpu.memory_space<semaphore_mem>>)
    %mul3A_115 = arith.constant 4096 : i32
    %mul3A_116 = arith.muli %add3A, %mul3A_115 : i32
    %add3A_117 = arith.constant 0 : i32
    %add3A_118 = arith.addi %add3A_117, %mul3A_116 : i32
    %add3A_119 = arith.constant 0 : i32
    %add3A_120 = arith.addi %add3A_118, %add3A_119 : i32
    %dma_start3A_121 = arith.constant 0 : i32
    %dma_start3A_122 = tpu.memref_slice %arg8[%dma_start3A_121] : memref<8192xf32, #tpu.memory_space<vmem>> -> memref<1024xf32, #tpu.memory_space<vmem>>
    %dma_start3A_123 = tpu.memref_slice %arg4[%add3A_120] : memref<26214400xf32, #tpu.memory_space<hbm>> -> memref<1024xf32, #tpu.memory_space<hbm>>
    %dma_start3A_124 = tpu.memref_slice %arg4[%add3A_120] : memref<26214400xf32, #tpu.memory_space<hbm>> -> memref<1024xf32, #tpu.memory_space<hbm>>
    %dma_start3A_125 = arith.constant 0 : i32
    %dma_start3A_126 = tpu.memref_slice %arg8[%dma_start3A_125] : memref<8192xf32, #tpu.memory_space<vmem>> -> memref<1024xf32, #tpu.memory_space<vmem>>
    tpu.enqueue_dma source(%dma_start3A_126 : memref<1024xf32, #tpu.memory_space<vmem>>) target(%dma_start3A_124 : memref<1024xf32, #tpu.memory_space<hbm>>) target_semaphore(%arg11 : memref<!tpu.dma_semaphore, #tpu.memory_space<semaphore_mem>>)
    %mul3A_127 = arith.constant 4096 : i32
    %mul3A_128 = arith.muli %add3A, %mul3A_127 : i32
    %add3A_129 = arith.constant 131072 : i32
    %add3A_130 = arith.addi %add3A_129, %mul3A_128 : i32
    %add3A_131 = arith.constant 0 : i32
    %add3A_132 = arith.addi %add3A_130, %add3A_131 : i32
    %dma_start3A_133 = arith.constant 1024 : i32
    %dma_start3A_134 = tpu.memref_slice %arg8[%dma_start3A_133] : memref<8192xf32, #tpu.memory_space<vmem>> -> memref<1024xf32, #tpu.memory_space<vmem>>
    %dma_start3A_135 = tpu.memref_slice %arg4[%add3A_132] : memref<26214400xf32, #tpu.memory_space<hbm>> -> memref<1024xf32, #tpu.memory_space<hbm>>
    %dma_start3A_136 = tpu.memref_slice %arg4[%add3A_132] : memref<26214400xf32, #tpu.memory_space<hbm>> -> memref<1024xf32, #tpu.memory_space<hbm>>
    %dma_start3A_137 = arith.constant 1024 : i32
    %dma_start3A_138 = tpu.memref_slice %arg8[%dma_start3A_137] : memref<8192xf32, #tpu.memory_space<vmem>> -> memref<1024xf32, #tpu.memory_space<vmem>>
    tpu.enqueue_dma source(%dma_start3A_138 : memref<1024xf32, #tpu.memory_space<vmem>>) target(%dma_start3A_136 : memref<1024xf32, #tpu.memory_space<hbm>>) target_semaphore(%arg11 : memref<!tpu.dma_semaphore, #tpu.memory_space<semaphore_mem>>)
    %mul3A_139 = arith.constant 4096 : i32
    %mul3A_140 = arith.muli %add3A, %mul3A_139 : i32
    %add3A_141 = arith.constant 262144 : i32
    %add3A_142 = arith.addi %add3A_141, %mul3A_140 : i32
    %add3A_143 = arith.constant 0 : i32
    %add3A_144 = arith.addi %add3A_142, %add3A_143 : i32
    %dma_start3A_145 = arith.constant 2048 : i32
    %dma_start3A_146 = tpu.memref_slice %arg8[%dma_start3A_145] : memref<8192xf32, #tpu.memory_space<vmem>> -> memref<1024xf32, #tpu.memory_space<vmem>>
    %dma_start3A_147 = tpu.memref_slice %arg4[%add3A_144] : memref<26214400xf32, #tpu.memory_space<hbm>> -> memref<1024xf32, #tpu.memory_space<hbm>>
    %dma_start3A_148 = tpu.memref_slice %arg4[%add3A_144] : memref<26214400xf32, #tpu.memory_space<hbm>> -> memref<1024xf32, #tpu.memory_space<hbm>>
    %dma_start3A_149 = arith.constant 2048 : i32
    %dma_start3A_150 = tpu.memref_slice %arg8[%dma_start3A_149] : memref<8192xf32, #tpu.memory_space<vmem>> -> memref<1024xf32, #tpu.memory_space<vmem>>
    tpu.enqueue_dma source(%dma_start3A_150 : memref<1024xf32, #tpu.memory_space<vmem>>) target(%dma_start3A_148 : memref<1024xf32, #tpu.memory_space<hbm>>) target_semaphore(%arg11 : memref<!tpu.dma_semaphore, #tpu.memory_space<semaphore_mem>>)
    %mul3A_151 = arith.constant 4096 : i32
    %mul3A_152 = arith.muli %add3A, %mul3A_151 : i32
    %add3A_153 = arith.constant 393216 : i32
    %add3A_154 = arith.addi %add3A_153, %mul3A_152 : i32
    %add3A_155 = arith.constant 0 : i32
    %add3A_156 = arith.addi %add3A_154, %add3A_155 : i32
    %dma_start3A_157 = arith.constant 3072 : i32
    %dma_start3A_158 = tpu.memref_slice %arg8[%dma_start3A_157] : memref<8192xf32, #tpu.memory_space<vmem>> -> memref<1024xf32, #tpu.memory_space<vmem>>
    %dma_start3A_159 = tpu.memref_slice %arg4[%add3A_156] : memref<26214400xf32, #tpu.memory_space<hbm>> -> memref<1024xf32, #tpu.memory_space<hbm>>
    %dma_start3A_160 = tpu.memref_slice %arg4[%add3A_156] : memref<26214400xf32, #tpu.memory_space<hbm>> -> memref<1024xf32, #tpu.memory_space<hbm>>
    %dma_start3A_161 = arith.constant 3072 : i32
    %dma_start3A_162 = tpu.memref_slice %arg8[%dma_start3A_161] : memref<8192xf32, #tpu.memory_space<vmem>> -> memref<1024xf32, #tpu.memory_space<vmem>>
    tpu.enqueue_dma source(%dma_start3A_162 : memref<1024xf32, #tpu.memory_space<vmem>>) target(%dma_start3A_160 : memref<1024xf32, #tpu.memory_space<hbm>>) target_semaphore(%arg11 : memref<!tpu.dma_semaphore, #tpu.memory_space<semaphore_mem>>)
    %dma_wait3A_163 = arith.constant 1 : i32
    %dma_wait3A_164 = arith.constant 0 : i32
    %dma_wait3A_165 = arith.constant 0 : i32
    %dma_wait3A_166 = tpu.memref_slice %arg7[%dma_wait3A_163, %dma_wait3A_164, %dma_wait3A_165] : memref<2x128x32xf32, #tpu.memory_space<vmem>> -> memref<1x128x32xf32, #tpu.memory_space<vmem>>
    %dma_wait3A_167 = tpu.memref_squeeze %dma_wait3A_166 : memref<1x128x32xf32, #tpu.memory_space<vmem>> -> memref<128x32xf32, #tpu.memory_space<vmem>>
    %dma_wait3A_168 = arith.constant 128 : i32
    %dma_wait3A_169 = tpu.memref_slice %arg6[%dma_wait3A_168] : memref<25600xi32, #tpu.memory_space<vmem>> -> memref<128xi32, #tpu.memory_space<vmem>>
    %dma_wait3A_170 = arith.constant 0 : i32
    %dma_wait3A_171 = arith.constant 0 : i32
    %dma_wait3A_172 = tpu.memref_slice %arg3[%dma_wait3A_170, %dma_wait3A_171] : memref<1000000x32xf32, #tpu.memory_space<hbm>> -> memref<1000000x32xf32, #tpu.memory_space<hbm>>
    tpu.wait_indirect_dma semaphore(%arg10 : memref<!tpu.dma_semaphore, #tpu.memory_space<semaphore_mem>>) src(%dma_wait3A_172 : memref<1000000x32xf32, #tpu.memory_space<hbm>>) dst(%dma_wait3A_167 : memref<128x32xf32, #tpu.memory_space<vmem>>)
    %scan3A_173 = arith.constant 1 : i32
    %scan3A_174 = arith.constant 0 : i32
    %scan3A_175 = arith.constant 8 : i32
    %scan3A_176 = arith.addi %scan3A_174, %scan3A_175 : i32
    %scan3A_177 = arith.constant 1 : i32
    scf.for %scan3A_565 = %scan3A_174 to %scan3A_176 step %scan3A_177  : i32 {
      %mul3A_566 = arith.constant 1 : i32
      %mul3A_567 = arith.muli %scan3A_565, %mul3A_566 : i32
      %add3A_568 = arith.constant 0 : i32
      %add3A_569 = arith.addi %add3A_568, %mul3A_567 : i32
      %mul3A_570 = arith.constant 16 : i32
      %mul3A_571 = arith.muli %add3A_569, %mul3A_570 : i32
      %add3A_572 = vector.broadcast %mul3A_571 : i32 to vector<16xi32>
      %add3A_573 = arith.addi %add3A_572, %iota3A : vector<16xi32>
      %gather3A = arith.constant 0 : i32
      %gather3A_574 = arith.constant 0 : i32
      %gather3A_575 = tpu.memref_slice %arg7[%scan3A_173, %gather3A, %gather3A_574] : memref<2x128x32xf32, #tpu.memory_space<vmem>> -> memref<1x128x32xf32, #tpu.memory_space<vmem>>
      %gather3A_576 = tpu.memref_squeeze %gather3A_575 : memref<1x128x32xf32, #tpu.memory_space<vmem>> -> memref<128x32xf32, #tpu.memory_space<vmem>>
      %gather3A_577 = tpu.vector_load_idx %gather3A_576[%add3A_573, %broadcast_in_dim3A_3] : memref<128x32xf32, #tpu.memory_space<vmem>>[vector<16xi32>, vector<16xi32>], vector<16xf32>,
      %gather3A_578 = arith.constant 0 : i32
      %gather3A_579 = arith.constant 0 : i32
      %gather3A_580 = tpu.memref_slice %arg7[%scan3A_173, %gather3A_578, %gather3A_579] : memref<2x128x32xf32, #tpu.memory_space<vmem>> -> memref<1x128x32xf32, #tpu.memory_space<vmem>>
      %gather3A_581 = tpu.memref_squeeze %gather3A_580 : memref<1x128x32xf32, #tpu.memory_space<vmem>> -> memref<128x32xf32, #tpu.memory_space<vmem>>
      %gather3A_582 = tpu.vector_load_idx %gather3A_581[%add3A_573, %broadcast_in_dim3A_5] : memref<128x32xf32, #tpu.memory_space<vmem>>[vector<16xi32>, vector<16xi32>], vector<16xf32>,
      %gather3A_583 = arith.constant 0 : i32
      %gather3A_584 = arith.constant 0 : i32
      %gather3A_585 = tpu.memref_slice %arg7[%scan3A_173, %gather3A_583, %gather3A_584] : memref<2x128x32xf32, #tpu.memory_space<vmem>> -> memref<1x128x32xf32, #tpu.memory_space<vmem>>
      %gather3A_586 = tpu.memref_squeeze %gather3A_585 : memref<1x128x32xf32, #tpu.memory_space<vmem>> -> memref<128x32xf32, #tpu.memory_space<vmem>>
      %gather3A_587 = tpu.vector_load_idx %gather3A_586[%add3A_573, %broadcast_in_dim3A_7] : memref<128x32xf32, #tpu.memory_space<vmem>>[vector<16xi32>, vector<16xi32>], vector<16xf32>,
      %gather3A_588 = arith.constant 0 : i32
      %gather3A_589 = arith.constant 0 : i32
      %gather3A_590 = tpu.memref_slice %arg7[%scan3A_173, %gather3A_588, %gather3A_589] : memref<2x128x32xf32, #tpu.memory_space<vmem>> -> memref<1x128x32xf32, #tpu.memory_space<vmem>>
      %gather3A_591 = tpu.memref_squeeze %gather3A_590 : memref<1x128x32xf32, #tpu.memory_space<vmem>> -> memref<128x32xf32, #tpu.memory_space<vmem>>
      %gather3A_592 = tpu.vector_load_idx %gather3A_591[%add3A_573, %broadcast_in_dim3A_9] : memref<128x32xf32, #tpu.memory_space<vmem>>[vector<16xi32>, vector<16xi32>], vector<16xf32>,
      %gather3A_593 = arith.constant 0 : i32
      %gather3A_594 = arith.constant 0 : i32
      %gather3A_595 = tpu.memref_slice %arg7[%scan3A_173, %gather3A_593, %gather3A_594] : memref<2x128x32xf32, #tpu.memory_space<vmem>> -> memref<1x128x32xf32, #tpu.memory_space<vmem>>
      %gather3A_596 = tpu.memref_squeeze %gather3A_595 : memref<1x128x32xf32, #tpu.memory_space<vmem>> -> memref<128x32xf32, #tpu.memory_space<vmem>>
      %gather3A_597 = tpu.vector_load_idx %gather3A_596[%add3A_573, %broadcast_in_dim3A_11] : memref<128x32xf32, #tpu.memory_space<vmem>>[vector<16xi32>, vector<16xi32>], vector<16xf32>,
      %gather3A_598 = arith.constant 0 : i32
      %gather3A_599 = arith.constant 0 : i32
      %gather3A_600 = tpu.memref_slice %arg7[%scan3A_173, %gather3A_598, %gather3A_599] : memref<2x128x32xf32, #tpu.memory_space<vmem>> -> memref<1x128x32xf32, #tpu.memory_space<vmem>>
      %gather3A_601 = tpu.memref_squeeze %gather3A_600 : memref<1x128x32xf32, #tpu.memory_space<vmem>> -> memref<128x32xf32, #tpu.memory_space<vmem>>
      %gather3A_602 = tpu.vector_load_idx %gather3A_601[%add3A_573, %broadcast_in_dim3A_13] : memref<128x32xf32, #tpu.memory_space<vmem>>[vector<16xi32>, vector<16xi32>], vector<16xf32>,
      %gather3A_603 = arith.constant 0 : i32
      %gather3A_604 = arith.constant 0 : i32
      %gather3A_605 = tpu.memref_slice %arg7[%scan3A_173, %gather3A_603, %gather3A_604] : memref<2x128x32xf32, #tpu.memory_space<vmem>> -> memref<1x128x32xf32, #tpu.memory_space<vmem>>
      %gather3A_606 = tpu.memref_squeeze %gather3A_605 : memref<1x128x32xf32, #tpu.memory_space<vmem>> -> memref<128x32xf32, #tpu.memory_space<vmem>>
      %gather3A_607 = tpu.vector_load_idx %gather3A_606[%add3A_573, %broadcast_in_dim3A_15] : memref<128x32xf32, #tpu.memory_space<vmem>>[vector<16xi32>, vector<16xi32>], vector<16xf32>,
      %gather3A_608 = arith.constant 0 : i32
      %gather3A_609 = arith.constant 0 : i32
      %gather3A_610 = tpu.memref_slice %arg7[%scan3A_173, %gather3A_608, %gather3A_609] : memref<2x128x32xf32, #tpu.memory_space<vmem>> -> memref<1x128x32xf32, #tpu.memory_space<vmem>>
      %gather3A_611 = tpu.memref_squeeze %gather3A_610 : memref<1x128x32xf32, #tpu.memory_space<vmem>> -> memref<128x32xf32, #tpu.memory_space<vmem>>
      %gather3A_612 = tpu.vector_load_idx %gather3A_611[%add3A_573, %broadcast_in_dim3A_17] : memref<128x32xf32, #tpu.memory_space<vmem>>[vector<16xi32>, vector<16xi32>], vector<16xf32>,
      %gather3A_613 = arith.constant 0 : i32
      %gather3A_614 = arith.constant 0 : i32
      %gather3A_615 = tpu.memref_slice %arg7[%scan3A_173, %gather3A_613, %gather3A_614] : memref<2x128x32xf32, #tpu.memory_space<vmem>> -> memref<1x128x32xf32, #tpu.memory_space<vmem>>
      %gather3A_616 = tpu.memref_squeeze %gather3A_615 : memref<1x128x32xf32, #tpu.memory_space<vmem>> -> memref<128x32xf32, #tpu.memory_space<vmem>>
      %gather3A_617 = tpu.vector_load_idx %gather3A_616[%add3A_573, %broadcast_in_dim3A_19] : memref<128x32xf32, #tpu.memory_space<vmem>>[vector<16xi32>, vector<16xi32>], vector<16xf32>,
      %gather3A_618 = arith.constant 0 : i32
      %gather3A_619 = arith.constant 0 : i32
      %gather3A_620 = tpu.memref_slice %arg7[%scan3A_173, %gather3A_618, %gather3A_619] : memref<2x128x32xf32, #tpu.memory_space<vmem>> -> memref<1x128x32xf32, #tpu.memory_space<vmem>>
      %gather3A_621 = tpu.memref_squeeze %gather3A_620 : memref<1x128x32xf32, #tpu.memory_space<vmem>> -> memref<128x32xf32, #tpu.memory_space<vmem>>
      %gather3A_622 = tpu.vector_load_idx %gather3A_621[%add3A_573, %broadcast_in_dim3A_21] : memref<128x32xf32, #tpu.memory_space<vmem>>[vector<16xi32>, vector<16xi32>], vector<16xf32>,
      %gather3A_623 = arith.constant 0 : i32
      %gather3A_624 = arith.constant 0 : i32
      %gather3A_625 = tpu.memref_slice %arg7[%scan3A_173, %gather3A_623, %gather3A_624] : memref<2x128x32xf32, #tpu.memory_space<vmem>> -> memref<1x128x32xf32, #tpu.memory_space<vmem>>
      %gather3A_626 = tpu.memref_squeeze %gather3A_625 : memref<1x128x32xf32, #tpu.memory_space<vmem>> -> memref<128x32xf32, #tpu.memory_space<vmem>>
      %gather3A_627 = tpu.vector_load_idx %gather3A_626[%add3A_573, %broadcast_in_dim3A_23] : memref<128x32xf32, #tpu.memory_space<vmem>>[vector<16xi32>, vector<16xi32>], vector<16xf32>,
      %gather3A_628 = arith.constant 0 : i32
      %gather3A_629 = arith.constant 0 : i32
      %gather3A_630 = tpu.memref_slice %arg7[%scan3A_173, %gather3A_628, %gather3A_629] : memref<2x128x32xf32, #tpu.memory_space<vmem>> -> memref<1x128x32xf32, #tpu.memory_space<vmem>>
      %gather3A_631 = tpu.memref_squeeze %gather3A_630 : memref<1x128x32xf32, #tpu.memory_space<vmem>> -> memref<128x32xf32, #tpu.memory_space<vmem>>
      %gather3A_632 = tpu.vector_load_idx %gather3A_631[%add3A_573, %broadcast_in_dim3A_25] : memref<128x32xf32, #tpu.memory_space<vmem>>[vector<16xi32>, vector<16xi32>], vector<16xf32>,
      %gather3A_633 = arith.constant 0 : i32
      %gather3A_634 = arith.constant 0 : i32
      %gather3A_635 = tpu.memref_slice %arg7[%scan3A_173, %gather3A_633, %gather3A_634] : memref<2x128x32xf32, #tpu.memory_space<vmem>> -> memref<1x128x32xf32, #tpu.memory_space<vmem>>
      %gather3A_636 = tpu.memref_squeeze %gather3A_635 : memref<1x128x32xf32, #tpu.memory_space<vmem>> -> memref<128x32xf32, #tpu.memory_space<vmem>>
      %gather3A_637 = tpu.vector_load_idx %gather3A_636[%add3A_573, %broadcast_in_dim3A_27] : memref<128x32xf32, #tpu.memory_space<vmem>>[vector<16xi32>, vector<16xi32>], vector<16xf32>,
      %gather3A_638 = arith.constant 0 : i32
      %gather3A_639 = arith.constant 0 : i32
      %gather3A_640 = tpu.memref_slice %arg7[%scan3A_173, %gather3A_638, %gather3A_639] : memref<2x128x32xf32, #tpu.memory_space<vmem>> -> memref<1x128x32xf32, #tpu.memory_space<vmem>>
      %gather3A_641 = tpu.memref_squeeze %gather3A_640 : memref<1x128x32xf32, #tpu.memory_space<vmem>> -> memref<128x32xf32, #tpu.memory_space<vmem>>
      %gather3A_642 = tpu.vector_load_idx %gather3A_641[%add3A_573, %broadcast_in_dim3A_29] : memref<128x32xf32, #tpu.memory_space<vmem>>[vector<16xi32>, vector<16xi32>], vector<16xf32>,
      %gather3A_643 = arith.constant 0 : i32
      %gather3A_644 = arith.constant 0 : i32
      %gather3A_645 = tpu.memref_slice %arg7[%scan3A_173, %gather3A_643, %gather3A_644] : memref<2x128x32xf32, #tpu.memory_space<vmem>> -> memref<1x128x32xf32, #tpu.memory_space<vmem>>
      %gather3A_646 = tpu.memref_squeeze %gather3A_645 : memref<1x128x32xf32, #tpu.memory_space<vmem>> -> memref<128x32xf32, #tpu.memory_space<vmem>>
      %gather3A_647 = tpu.vector_load_idx %gather3A_646[%add3A_573, %broadcast_in_dim3A_31] : memref<128x32xf32, #tpu.memory_space<vmem>>[vector<16xi32>, vector<16xi32>], vector<16xf32>,
      %gather3A_648 = arith.constant 0 : i32
      %gather3A_649 = arith.constant 0 : i32
      %gather3A_650 = tpu.memref_slice %arg7[%scan3A_173, %gather3A_648, %gather3A_649] : memref<2x128x32xf32, #tpu.memory_space<vmem>> -> memref<1x128x32xf32, #tpu.memory_space<vmem>>
      %gather3A_651 = tpu.memref_squeeze %gather3A_650 : memref<1x128x32xf32, #tpu.memory_space<vmem>> -> memref<128x32xf32, #tpu.memory_space<vmem>>
      %gather3A_652 = tpu.vector_load_idx %gather3A_651[%add3A_573, %broadcast_in_dim3A_33] : memref<128x32xf32, #tpu.memory_space<vmem>>[vector<16xi32>, vector<16xi32>], vector<16xf32>,
      %gather3A_653 = arith.constant 0 : i32
      %gather3A_654 = arith.constant 0 : i32
      %gather3A_655 = tpu.memref_slice %arg7[%scan3A_173, %gather3A_653, %gather3A_654] : memref<2x128x32xf32, #tpu.memory_space<vmem>> -> memref<1x128x32xf32, #tpu.memory_space<vmem>>
      %gather3A_656 = tpu.memref_squeeze %gather3A_655 : memref<1x128x32xf32, #tpu.memory_space<vmem>> -> memref<128x32xf32, #tpu.memory_space<vmem>>
      %gather3A_657 = tpu.vector_load_idx %gather3A_656[%add3A_573, %broadcast_in_dim3A_35] : memref<128x32xf32, #tpu.memory_space<vmem>>[vector<16xi32>, vector<16xi32>], vector<16xf32>,
      %gather3A_658 = arith.constant 0 : i32
      %gather3A_659 = arith.constant 0 : i32
      %gather3A_660 = tpu.memref_slice %arg7[%scan3A_173, %gather3A_658, %gather3A_659] : memref<2x128x32xf32, #tpu.memory_space<vmem>> -> memref<1x128x32xf32, #tpu.memory_space<vmem>>
      %gather3A_661 = tpu.memref_squeeze %gather3A_660 : memref<1x128x32xf32, #tpu.memory_space<vmem>> -> memref<128x32xf32, #tpu.memory_space<vmem>>
      %gather3A_662 = tpu.vector_load_idx %gather3A_661[%add3A_573, %broadcast_in_dim3A_37] : memref<128x32xf32, #tpu.memory_space<vmem>>[vector<16xi32>, vector<16xi32>], vector<16xf32>,
      %gather3A_663 = arith.constant 0 : i32
      %gather3A_664 = arith.constant 0 : i32
      %gather3A_665 = tpu.memref_slice %arg7[%scan3A_173, %gather3A_663, %gather3A_664] : memref<2x128x32xf32, #tpu.memory_space<vmem>> -> memref<1x128x32xf32, #tpu.memory_space<vmem>>
      %gather3A_666 = tpu.memref_squeeze %gather3A_665 : memref<1x128x32xf32, #tpu.memory_space<vmem>> -> memref<128x32xf32, #tpu.memory_space<vmem>>
      %gather3A_667 = tpu.vector_load_idx %gather3A_666[%add3A_573, %broadcast_in_dim3A_39] : memref<128x32xf32, #tpu.memory_space<vmem>>[vector<16xi32>, vector<16xi32>], vector<16xf32>,
      %gather3A_668 = arith.constant 0 : i32
      %gather3A_669 = arith.constant 0 : i32
      %gather3A_670 = tpu.memref_slice %arg7[%scan3A_173, %gather3A_668, %gather3A_669] : memref<2x128x32xf32, #tpu.memory_space<vmem>> -> memref<1x128x32xf32, #tpu.memory_space<vmem>>
      %gather3A_671 = tpu.memref_squeeze %gather3A_670 : memref<1x128x32xf32, #tpu.memory_space<vmem>> -> memref<128x32xf32, #tpu.memory_space<vmem>>
      %gather3A_672 = tpu.vector_load_idx %gather3A_671[%add3A_573, %broadcast_in_dim3A_41] : memref<128x32xf32, #tpu.memory_space<vmem>>[vector<16xi32>, vector<16xi32>], vector<16xf32>,
      %gather3A_673 = arith.constant 0 : i32
      %gather3A_674 = arith.constant 0 : i32
      %gather3A_675 = tpu.memref_slice %arg7[%scan3A_173, %gather3A_673, %gather3A_674] : memref<2x128x32xf32, #tpu.memory_space<vmem>> -> memref<1x128x32xf32, #tpu.memory_space<vmem>>
      %gather3A_676 = tpu.memref_squeeze %gather3A_675 : memref<1x128x32xf32, #tpu.memory_space<vmem>> -> memref<128x32xf32, #tpu.memory_space<vmem>>
      %gather3A_677 = tpu.vector_load_idx %gather3A_676[%add3A_573, %broadcast_in_dim3A_43] : memref<128x32xf32, #tpu.memory_space<vmem>>[vector<16xi32>, vector<16xi32>], vector<16xf32>,
      %gather3A_678 = arith.constant 0 : i32
      %gather3A_679 = arith.constant 0 : i32
      %gather3A_680 = tpu.memref_slice %arg7[%scan3A_173, %gather3A_678, %gather3A_679] : memref<2x128x32xf32, #tpu.memory_space<vmem>> -> memref<1x128x32xf32, #tpu.memory_space<vmem>>
      %gather3A_681 = tpu.memref_squeeze %gather3A_680 : memref<1x128x32xf32, #tpu.memory_space<vmem>> -> memref<128x32xf32, #tpu.memory_space<vmem>>
      %gather3A_682 = tpu.vector_load_idx %gather3A_681[%add3A_573, %broadcast_in_dim3A_45] : memref<128x32xf32, #tpu.memory_space<vmem>>[vector<16xi32>, vector<16xi32>], vector<16xf32>,
      %gather3A_683 = arith.constant 0 : i32
      %gather3A_684 = arith.constant 0 : i32
      %gather3A_685 = tpu.memref_slice %arg7[%scan3A_173, %gather3A_683, %gather3A_684] : memref<2x128x32xf32, #tpu.memory_space<vmem>> -> memref<1x128x32xf32, #tpu.memory_space<vmem>>
      %gather3A_686 = tpu.memref_squeeze %gather3A_685 : memref<1x128x32xf32, #tpu.memory_space<vmem>> -> memref<128x32xf32, #tpu.memory_space<vmem>>
      %gather3A_687 = tpu.vector_load_idx %gather3A_686[%add3A_573, %broadcast_in_dim3A_47] : memref<128x32xf32, #tpu.memory_space<vmem>>[vector<16xi32>, vector<16xi32>], vector<16xf32>,
      %gather3A_688 = arith.constant 0 : i32
      %gather3A_689 = arith.constant 0 : i32
      %gather3A_690 = tpu.memref_slice %arg7[%scan3A_173, %gather3A_688, %gather3A_689] : memref<2x128x32xf32, #tpu.memory_space<vmem>> -> memref<1x128x32xf32, #tpu.memory_space<vmem>>
      %gather3A_691 = tpu.memref_squeeze %gather3A_690 : memref<1x128x32xf32, #tpu.memory_space<vmem>> -> memref<128x32xf32, #tpu.memory_space<vmem>>
      %gather3A_692 = tpu.vector_load_idx %gather3A_691[%add3A_573, %broadcast_in_dim3A_49] : memref<128x32xf32, #tpu.memory_space<vmem>>[vector<16xi32>, vector<16xi32>], vector<16xf32>,
      %gather3A_693 = arith.constant 0 : i32
      %gather3A_694 = arith.constant 0 : i32
      %gather3A_695 = tpu.memref_slice %arg7[%scan3A_173, %gather3A_693, %gather3A_694] : memref<2x128x32xf32, #tpu.memory_space<vmem>> -> memref<1x128x32xf32, #tpu.memory_space<vmem>>
      %gather3A_696 = tpu.memref_squeeze %gather3A_695 : memref<1x128x32xf32, #tpu.memory_space<vmem>> -> memref<128x32xf32, #tpu.memory_space<vmem>>
      %gather3A_697 = tpu.vector_load_idx %gather3A_696[%add3A_573, %broadcast_in_dim3A_51] : memref<128x32xf32, #tpu.memory_space<vmem>>[vector<16xi32>, vector<16xi32>], vector<16xf32>,
      %gather3A_698 = arith.constant 0 : i32
      %gather3A_699 = arith.constant 0 : i32
      %gather3A_700 = tpu.memref_slice %arg7[%scan3A_173, %gather3A_698, %gather3A_699] : memref<2x128x32xf32, #tpu.memory_space<vmem>> -> memref<1x128x32xf32, #tpu.memory_space<vmem>>
      %gather3A_701 = tpu.memref_squeeze %gather3A_700 : memref<1x128x32xf32, #tpu.memory_space<vmem>> -> memref<128x32xf32, #tpu.memory_space<vmem>>
      %gather3A_702 = tpu.vector_load_idx %gather3A_701[%add3A_573, %broadcast_in_dim3A_53] : memref<128x32xf32, #tpu.memory_space<vmem>>[vector<16xi32>, vector<16xi32>], vector<16xf32>,
      %gather3A_703 = arith.constant 0 : i32
      %gather3A_704 = arith.constant 0 : i32
      %gather3A_705 = tpu.memref_slice %arg7[%scan3A_173, %gather3A_703, %gather3A_704] : memref<2x128x32xf32, #tpu.memory_space<vmem>> -> memref<1x128x32xf32, #tpu.memory_space<vmem>>
      %gather3A_706 = tpu.memref_squeeze %gather3A_705 : memref<1x128x32xf32, #tpu.memory_space<vmem>> -> memref<128x32xf32, #tpu.memory_space<vmem>>
      %gather3A_707 = tpu.vector_load_idx %gather3A_706[%add3A_573, %broadcast_in_dim3A_55] : memref<128x32xf32, #tpu.memory_space<vmem>>[vector<16xi32>, vector<16xi32>], vector<16xf32>,
      %gather3A_708 = arith.constant 0 : i32
      %gather3A_709 = arith.constant 0 : i32
      %gather3A_710 = tpu.memref_slice %arg7[%scan3A_173, %gather3A_708, %gather3A_709] : memref<2x128x32xf32, #tpu.memory_space<vmem>> -> memref<1x128x32xf32, #tpu.memory_space<vmem>>
      %gather3A_711 = tpu.memref_squeeze %gather3A_710 : memref<1x128x32xf32, #tpu.memory_space<vmem>> -> memref<128x32xf32, #tpu.memory_space<vmem>>
      %gather3A_712 = tpu.vector_load_idx %gather3A_711[%add3A_573, %broadcast_in_dim3A_57] : memref<128x32xf32, #tpu.memory_space<vmem>>[vector<16xi32>, vector<16xi32>], vector<16xf32>,
      %gather3A_713 = arith.constant 0 : i32
      %gather3A_714 = arith.constant 0 : i32
      %gather3A_715 = tpu.memref_slice %arg7[%scan3A_173, %gather3A_713, %gather3A_714] : memref<2x128x32xf32, #tpu.memory_space<vmem>> -> memref<1x128x32xf32, #tpu.memory_space<vmem>>
      %gather3A_716 = tpu.memref_squeeze %gather3A_715 : memref<1x128x32xf32, #tpu.memory_space<vmem>> -> memref<128x32xf32, #tpu.memory_space<vmem>>
      %gather3A_717 = tpu.vector_load_idx %gather3A_716[%add3A_573, %broadcast_in_dim3A_59] : memref<128x32xf32, #tpu.memory_space<vmem>>[vector<16xi32>, vector<16xi32>], vector<16xf32>,
      %gather3A_718 = arith.constant 0 : i32
      %gather3A_719 = arith.constant 0 : i32
      %gather3A_720 = tpu.memref_slice %arg7[%scan3A_173, %gather3A_718, %gather3A_719] : memref<2x128x32xf32, #tpu.memory_space<vmem>> -> memref<1x128x32xf32, #tpu.memory_space<vmem>>
      %gather3A_721 = tpu.memref_squeeze %gather3A_720 : memref<1x128x32xf32, #tpu.memory_space<vmem>> -> memref<128x32xf32, #tpu.memory_space<vmem>>
      %gather3A_722 = tpu.vector_load_idx %gather3A_721[%add3A_573, %broadcast_in_dim3A_61] : memref<128x32xf32, #tpu.memory_space<vmem>>[vector<16xi32>, vector<16xi32>], vector<16xf32>,
      %gather3A_723 = arith.constant 0 : i32
      %gather3A_724 = arith.constant 0 : i32
      %gather3A_725 = tpu.memref_slice %arg7[%scan3A_173, %gather3A_723, %gather3A_724] : memref<2x128x32xf32, #tpu.memory_space<vmem>> -> memref<1x128x32xf32, #tpu.memory_space<vmem>>
      %gather3A_726 = tpu.memref_squeeze %gather3A_725 : memref<1x128x32xf32, #tpu.memory_space<vmem>> -> memref<128x32xf32, #tpu.memory_space<vmem>>
      %gather3A_727 = tpu.vector_load_idx %gather3A_726[%add3A_573, %broadcast_in_dim3A_63] : memref<128x32xf32, #tpu.memory_space<vmem>>[vector<16xi32>, vector<16xi32>], vector<16xf32>,
      %gather3A_728 = arith.constant 0 : i32
      %gather3A_729 = arith.constant 0 : i32
      %gather3A_730 = tpu.memref_slice %arg7[%scan3A_173, %gather3A_728, %gather3A_729] : memref<2x128x32xf32, #tpu.memory_space<vmem>> -> memref<1x128x32xf32, #tpu.memory_space<vmem>>
      %gather3A_731 = tpu.memref_squeeze %gather3A_730 : memref<1x128x32xf32, #tpu.memory_space<vmem>> -> memref<128x32xf32, #tpu.memory_space<vmem>>
      %gather3A_732 = tpu.vector_load_idx %gather3A_731[%add3A_573, %broadcast_in_dim3A_65] : memref<128x32xf32, #tpu.memory_space<vmem>>[vector<16xi32>, vector<16xi32>], vector<16xf32>,
      %add3A_733 = arith.constant 4096 : i32
      %add3A_734 = arith.addi %add3A_733, %mul3A_571 : i32
      %swap3A = arith.index_cast %add3A_734 : i32 to index
      %swap3A_735 = tpu.vector_load %arg8[%swap3A] {strides = array<i32>} : memref<8192xf32, #tpu.memory_space<vmem>>, vector<16xf32>,
      tpu.vector_store %arg8[%swap3A], %gather3A_577 {strides = array<i32>} : memref<8192xf32, #tpu.memory_space<vmem>>, vector<16xf32>,
      %add3A_736 = arith.constant 4224 : i32
      %add3A_737 = arith.addi %add3A_736, %mul3A_571 : i32
      %swap3A_738 = arith.index_cast %add3A_737 : i32 to index
      %swap3A_739 = tpu.vector_load %arg8[%swap3A_738] {strides = array<i32>} : memref<8192xf32, #tpu.memory_space<vmem>>, vector<16xf32>,
      tpu.vector_store %arg8[%swap3A_738], %gather3A_582 {strides = array<i32>} : memref<8192xf32, #tpu.memory_space<vmem>>, vector<16xf32>,
      %add3A_740 = arith.constant 4352 : i32
      %add3A_741 = arith.addi %add3A_740, %mul3A_571 : i32
      %swap3A_742 = arith.index_cast %add3A_741 : i32 to index
      %swap3A_743 = tpu.vector_load %arg8[%swap3A_742] {strides = array<i32>} : memref<8192xf32, #tpu.memory_space<vmem>>, vector<16xf32>,
      tpu.vector_store %arg8[%swap3A_742], %gather3A_587 {strides = array<i32>} : memref<8192xf32, #tpu.memory_space<vmem>>, vector<16xf32>,
      %add3A_744 = arith.constant 4480 : i32
      %add3A_745 = arith.addi %add3A_744, %mul3A_571 : i32
      %swap3A_746 = arith.index_cast %add3A_745 : i32 to index
      %swap3A_747 = tpu.vector_load %arg8[%swap3A_746] {strides = array<i32>} : memref<8192xf32, #tpu.memory_space<vmem>>, vector<16xf32>,
      tpu.vector_store %arg8[%swap3A_746], %gather3A_592 {strides = array<i32>} : memref<8192xf32, #tpu.memory_space<vmem>>, vector<16xf32>,
      %add3A_748 = arith.constant 4608 : i32
      %add3A_749 = arith.addi %add3A_748, %mul3A_571 : i32
      %swap3A_750 = arith.index_cast %add3A_749 : i32 to index
      %swap3A_751 = tpu.vector_load %arg8[%swap3A_750] {strides = array<i32>} : memref<8192xf32, #tpu.memory_space<vmem>>, vector<16xf32>,
      tpu.vector_store %arg8[%swap3A_750], %gather3A_597 {strides = array<i32>} : memref<8192xf32, #tpu.memory_space<vmem>>, vector<16xf32>,
      %add3A_752 = arith.constant 4736 : i32
      %add3A_753 = arith.addi %add3A_752, %mul3A_571 : i32
      %swap3A_754 = arith.index_cast %add3A_753 : i32 to index
      %swap3A_755 = tpu.vector_load %arg8[%swap3A_754] {strides = array<i32>} : memref<8192xf32, #tpu.memory_space<vmem>>, vector<16xf32>,
      tpu.vector_store %arg8[%swap3A_754], %gather3A_602 {strides = array<i32>} : memref<8192xf32, #tpu.memory_space<vmem>>, vector<16xf32>,
      %add3A_756 = arith.constant 4864 : i32
      %add3A_757 = arith.addi %add3A_756, %mul3A_571 : i32
      %swap3A_758 = arith.index_cast %add3A_757 : i32 to index
      %swap3A_759 = tpu.vector_load %arg8[%swap3A_758] {strides = array<i32>} : memref<8192xf32, #tpu.memory_space<vmem>>, vector<16xf32>,
      tpu.vector_store %arg8[%swap3A_758], %gather3A_607 {strides = array<i32>} : memref<8192xf32, #tpu.memory_space<vmem>>, vector<16xf32>,
      %add3A_760 = arith.constant 4992 : i32
      %add3A_761 = arith.addi %add3A_760, %mul3A_571 : i32
      %swap3A_762 = arith.index_cast %add3A_761 : i32 to index
      %swap3A_763 = tpu.vector_load %arg8[%swap3A_762] {strides = array<i32>} : memref<8192xf32, #tpu.memory_space<vmem>>, vector<16xf32>,
      tpu.vector_store %arg8[%swap3A_762], %gather3A_612 {strides = array<i32>} : memref<8192xf32, #tpu.memory_space<vmem>>, vector<16xf32>,
      %add3A_764 = arith.constant 5120 : i32
      %add3A_765 = arith.addi %add3A_764, %mul3A_571 : i32
      %swap3A_766 = arith.index_cast %add3A_765 : i32 to index
      %swap3A_767 = tpu.vector_load %arg8[%swap3A_766] {strides = array<i32>} : memref<8192xf32, #tpu.memory_space<vmem>>, vector<16xf32>,
      tpu.vector_store %arg8[%swap3A_766], %gather3A_617 {strides = array<i32>} : memref<8192xf32, #tpu.memory_space<vmem>>, vector<16xf32>,
      %add3A_768 = arith.constant 5248 : i32
      %add3A_769 = arith.addi %add3A_768, %mul3A_571 : i32
      %swap3A_770 = arith.index_cast %add3A_769 : i32 to index
      %swap3A_771 = tpu.vector_load %arg8[%swap3A_770] {strides = array<i32>} : memref<8192xf32, #tpu.memory_space<vmem>>, vector<16xf32>,
      tpu.vector_store %arg8[%swap3A_770], %gather3A_622 {strides = array<i32>} : memref<8192xf32, #tpu.memory_space<vmem>>, vector<16xf32>,
      %add3A_772 = arith.constant 5376 : i32
      %add3A_773 = arith.addi %add3A_772, %mul3A_571 : i32
      %swap3A_774 = arith.index_cast %add3A_773 : i32 to index
      %swap3A_775 = tpu.vector_load %arg8[%swap3A_774] {strides = array<i32>} : memref<8192xf32, #tpu.memory_space<vmem>>, vector<16xf32>,
      tpu.vector_store %arg8[%swap3A_774], %gather3A_627 {strides = array<i32>} : memref<8192xf32, #tpu.memory_space<vmem>>, vector<16xf32>,
      %add3A_776 = arith.constant 5504 : i32
      %add3A_777 = arith.addi %add3A_776, %mul3A_571 : i32
      %swap3A_778 = arith.index_cast %add3A_777 : i32 to index
      %swap3A_779 = tpu.vector_load %arg8[%swap3A_778] {strides = array<i32>} : memref<8192xf32, #tpu.memory_space<vmem>>, vector<16xf32>,
      tpu.vector_store %arg8[%swap3A_778], %gather3A_632 {strides = array<i32>} : memref<8192xf32, #tpu.memory_space<vmem>>, vector<16xf32>,
      %add3A_780 = arith.constant 5632 : i32
      %add3A_781 = arith.addi %add3A_780, %mul3A_571 : i32
      %swap3A_782 = arith.index_cast %add3A_781 : i32 to index
      %swap3A_783 = tpu.vector_load %arg8[%swap3A_782] {strides = array<i32>} : memref<8192xf32, #tpu.memory_space<vmem>>, vector<16xf32>,
      tpu.vector_store %arg8[%swap3A_782], %gather3A_637 {strides = array<i32>} : memref<8192xf32, #tpu.memory_space<vmem>>, vector<16xf32>,
      %add3A_784 = arith.constant 5760 : i32
      %add3A_785 = arith.addi %add3A_784, %mul3A_571 : i32
      %swap3A_786 = arith.index_cast %add3A_785 : i32 to index
      %swap3A_787 = tpu.vector_load %arg8[%swap3A_786] {strides = array<i32>} : memref<8192xf32, #tpu.memory_space<vmem>>, vector<16xf32>,
      tpu.vector_store %arg8[%swap3A_786], %gather3A_642 {strides = array<i32>} : memref<8192xf32, #tpu.memory_space<vmem>>, vector<16xf32>,
      %add3A_788 = arith.constant 5888 : i32
      %add3A_789 = arith.addi %add3A_788, %mul3A_571 : i32
      %swap3A_790 = arith.index_cast %add3A_789 : i32 to index
      %swap3A_791 = tpu.vector_load %arg8[%swap3A_790] {strides = array<i32>} : memref<8192xf32, #tpu.memory_space<vmem>>, vector<16xf32>,
      tpu.vector_store %arg8[%swap3A_790], %gather3A_647 {strides = array<i32>} : memref<8192xf32, #tpu.memory_space<vmem>>, vector<16xf32>,
      %add3A_792 = arith.constant 6016 : i32
      %add3A_793 = arith.addi %add3A_792, %mul3A_571 : i32
      %swap3A_794 = arith.index_cast %add3A_793 : i32 to index
      %swap3A_795 = tpu.vector_load %arg8[%swap3A_794] {strides = array<i32>} : memref<8192xf32, #tpu.memory_space<vmem>>, vector<16xf32>,
      tpu.vector_store %arg8[%swap3A_794], %gather3A_652 {strides = array<i32>} : memref<8192xf32, #tpu.memory_space<vmem>>, vector<16xf32>,
      %add3A_796 = arith.constant 6144 : i32
      %add3A_797 = arith.addi %add3A_796, %mul3A_571 : i32
      %swap3A_798 = arith.index_cast %add3A_797 : i32 to index
      %swap3A_799 = tpu.vector_load %arg8[%swap3A_798] {strides = array<i32>} : memref<8192xf32, #tpu.memory_space<vmem>>, vector<16xf32>,
      tpu.vector_store %arg8[%swap3A_798], %gather3A_657 {strides = array<i32>} : memref<8192xf32, #tpu.memory_space<vmem>>, vector<16xf32>,
      %add3A_800 = arith.constant 6272 : i32
      %add3A_801 = arith.addi %add3A_800, %mul3A_571 : i32
      %swap3A_802 = arith.index_cast %add3A_801 : i32 to index
      %swap3A_803 = tpu.vector_load %arg8[%swap3A_802] {strides = array<i32>} : memref<8192xf32, #tpu.memory_space<vmem>>, vector<16xf32>,
      tpu.vector_store %arg8[%swap3A_802], %gather3A_662 {strides = array<i32>} : memref<8192xf32, #tpu.memory_space<vmem>>, vector<16xf32>,
      %add3A_804 = arith.constant 6400 : i32
      %add3A_805 = arith.addi %add3A_804, %mul3A_571 : i32
      %swap3A_806 = arith.index_cast %add3A_805 : i32 to index
      %swap3A_807 = tpu.vector_load %arg8[%swap3A_806] {strides = array<i32>} : memref<8192xf32, #tpu.memory_space<vmem>>, vector<16xf32>,
      tpu.vector_store %arg8[%swap3A_806], %gather3A_667 {strides = array<i32>} : memref<8192xf32, #tpu.memory_space<vmem>>, vector<16xf32>,
      %add3A_808 = arith.constant 6528 : i32
      %add3A_809 = arith.addi %add3A_808, %mul3A_571 : i32
      %swap3A_810 = arith.index_cast %add3A_809 : i32 to index
      %swap3A_811 = tpu.vector_load %arg8[%swap3A_810] {strides = array<i32>} : memref<8192xf32, #tpu.memory_space<vmem>>, vector<16xf32>,
      tpu.vector_store %arg8[%swap3A_810], %gather3A_672 {strides = array<i32>} : memref<8192xf32, #tpu.memory_space<vmem>>, vector<16xf32>,
      %add3A_812 = arith.constant 6656 : i32
      %add3A_813 = arith.addi %add3A_812, %mul3A_571 : i32
      %swap3A_814 = arith.index_cast %add3A_813 : i32 to index
      %swap3A_815 = tpu.vector_load %arg8[%swap3A_814] {strides = array<i32>} : memref<8192xf32, #tpu.memory_space<vmem>>, vector<16xf32>,
      tpu.vector_store %arg8[%swap3A_814], %gather3A_677 {strides = array<i32>} : memref<8192xf32, #tpu.memory_space<vmem>>, vector<16xf32>,
      %add3A_816 = arith.constant 6784 : i32
      %add3A_817 = arith.addi %add3A_816, %mul3A_571 : i32
      %swap3A_818 = arith.index_cast %add3A_817 : i32 to index
      %swap3A_819 = tpu.vector_load %arg8[%swap3A_818] {strides = array<i32>} : memref<8192xf32, #tpu.memory_space<vmem>>, vector<16xf32>,
      tpu.vector_store %arg8[%swap3A_818], %gather3A_682 {strides = array<i32>} : memref<8192xf32, #tpu.memory_space<vmem>>, vector<16xf32>,
      %add3A_820 = arith.constant 6912 : i32
      %add3A_821 = arith.addi %add3A_820, %mul3A_571 : i32
      %swap3A_822 = arith.index_cast %add3A_821 : i32 to index
      %swap3A_823 = tpu.vector_load %arg8[%swap3A_822] {strides = array<i32>} : memref<8192xf32, #tpu.memory_space<vmem>>, vector<16xf32>,
      tpu.vector_store %arg8[%swap3A_822], %gather3A_687 {strides = array<i32>} : memref<8192xf32, #tpu.memory_space<vmem>>, vector<16xf32>,
      %add3A_824 = arith.constant 7040 : i32
      %add3A_825 = arith.addi %add3A_824, %mul3A_571 : i32
      %swap3A_826 = arith.index_cast %add3A_825 : i32 to index
      %swap3A_827 = tpu.vector_load %arg8[%swap3A_826] {strides = array<i32>} : memref<8192xf32, #tpu.memory_space<vmem>>, vector<16xf32>,
      tpu.vector_store %arg8[%swap3A_826], %gather3A_692 {strides = array<i32>} : memref<8192xf32, #tpu.memory_space<vmem>>, vector<16xf32>,
      %add3A_828 = arith.constant 7168 : i32
      %add3A_829 = arith.addi %add3A_828, %mul3A_571 : i32
      %swap3A_830 = arith.index_cast %add3A_829 : i32 to index
      %swap3A_831 = tpu.vector_load %arg8[%swap3A_830] {strides = array<i32>} : memref<8192xf32, #tpu.memory_space<vmem>>, vector<16xf32>,
      tpu.vector_store %arg8[%swap3A_830], %gather3A_697 {strides = array<i32>} : memref<8192xf32, #tpu.memory_space<vmem>>, vector<16xf32>,
      %add3A_832 = arith.constant 7296 : i32
      %add3A_833 = arith.addi %add3A_832, %mul3A_571 : i32
      %swap3A_834 = arith.index_cast %add3A_833 : i32 to index
      %swap3A_835 = tpu.vector_load %arg8[%swap3A_834] {strides = array<i32>} : memref<8192xf32, #tpu.memory_space<vmem>>, vector<16xf32>,
      tpu.vector_store %arg8[%swap3A_834], %gather3A_702 {strides = array<i32>} : memref<8192xf32, #tpu.memory_space<vmem>>, vector<16xf32>,
      %add3A_836 = arith.constant 7424 : i32
      %add3A_837 = arith.addi %add3A_836, %mul3A_571 : i32
      %swap3A_838 = arith.index_cast %add3A_837 : i32 to index
      %swap3A_839 = tpu.vector_load %arg8[%swap3A_838] {strides = array<i32>} : memref<8192xf32, #tpu.memory_space<vmem>>, vector<16xf32>,
      tpu.vector_store %arg8[%swap3A_838], %gather3A_707 {strides = array<i32>} : memref<8192xf32, #tpu.memory_space<vmem>>, vector<16xf32>,
      %add3A_840 = arith.constant 7552 : i32
      %add3A_841 = arith.addi %add3A_840, %mul3A_571 : i32
      %swap3A_842 = arith.index_cast %add3A_841 : i32 to index
      %swap3A_843 = tpu.vector_load %arg8[%swap3A_842] {strides = array<i32>} : memref<8192xf32, #tpu.memory_space<vmem>>, vector<16xf32>,
      tpu.vector_store %arg8[%swap3A_842], %gather3A_712 {strides = array<i32>} : memref<8192xf32, #tpu.memory_space<vmem>>, vector<16xf32>,
      %add3A_844 = arith.constant 7680 : i32
      %add3A_845 = arith.addi %add3A_844, %mul3A_571 : i32
      %swap3A_846 = arith.index_cast %add3A_845 : i32 to index
      %swap3A_847 = tpu.vector_load %arg8[%swap3A_846] {strides = array<i32>} : memref<8192xf32, #tpu.memory_space<vmem>>, vector<16xf32>,
      tpu.vector_store %arg8[%swap3A_846], %gather3A_717 {strides = array<i32>} : memref<8192xf32, #tpu.memory_space<vmem>>, vector<16xf32>,
      %add3A_848 = arith.constant 7808 : i32
      %add3A_849 = arith.addi %add3A_848, %mul3A_571 : i32
      %swap3A_850 = arith.index_cast %add3A_849 : i32 to index
      %swap3A_851 = tpu.vector_load %arg8[%swap3A_850] {strides = array<i32>} : memref<8192xf32, #tpu.memory_space<vmem>>, vector<16xf32>,
      tpu.vector_store %arg8[%swap3A_850], %gather3A_722 {strides = array<i32>} : memref<8192xf32, #tpu.memory_space<vmem>>, vector<16xf32>,
      %add3A_852 = arith.constant 7936 : i32
      %add3A_853 = arith.addi %add3A_852, %mul3A_571 : i32
      %swap3A_854 = arith.index_cast %add3A_853 : i32 to index
      %swap3A_855 = tpu.vector_load %arg8[%swap3A_854] {strides = array<i32>} : memref<8192xf32, #tpu.memory_space<vmem>>, vector<16xf32>,
      tpu.vector_store %arg8[%swap3A_854], %gather3A_727 {strides = array<i32>} : memref<8192xf32, #tpu.memory_space<vmem>>, vector<16xf32>,
      %add3A_856 = arith.constant 8064 : i32
      %add3A_857 = arith.addi %add3A_856, %mul3A_571 : i32
      %swap3A_858 = arith.index_cast %add3A_857 : i32 to index
      %swap3A_859 = tpu.vector_load %arg8[%swap3A_858] {strides = array<i32>} : memref<8192xf32, #tpu.memory_space<vmem>>, vector<16xf32>,
      tpu.vector_store %arg8[%swap3A_858], %gather3A_732 {strides = array<i32>} : memref<8192xf32, #tpu.memory_space<vmem>>, vector<16xf32>,
    }
    %scan3A_178 = arith.constant 8 : i32
    %barrier3A_179 = arith.constant 0 : index
    tpu.barrier barrier_id(%barrier3A_179)
    %dma_start3A_180 = arith.constant 1 : i32
    %dma_start3A_181 = arith.constant 0 : i32
    %dma_start3A_182 = arith.constant 0 : i32
    %dma_start3A_183 = tpu.memref_slice %arg7[%dma_start3A_180, %dma_start3A_181, %dma_start3A_182] : memref<2x128x32xf32, #tpu.memory_space<vmem>> -> memref<1x128x32xf32, #tpu.memory_space<vmem>>
    %dma_start3A_184 = tpu.memref_squeeze %dma_start3A_183 : memref<1x128x32xf32, #tpu.memory_space<vmem>> -> memref<128x32xf32, #tpu.memory_space<vmem>>
    %dma_start3A_185 = arith.constant 384 : i32
    %dma_start3A_186 = tpu.memref_slice %arg6[%dma_start3A_185] : memref<25600xi32, #tpu.memory_space<vmem>> -> memref<128xi32, #tpu.memory_space<vmem>>
    %dma_start3A_187 = arith.constant 0 : i32
    %dma_start3A_188 = arith.constant 0 : i32
    %dma_start3A_189 = tpu.memref_slice %arg3[%dma_start3A_187, %dma_start3A_188] : memref<1000000x32xf32, #tpu.memory_space<hbm>> -> memref<1000000x32xf32, #tpu.memory_space<hbm>>
    tpu.enqueue_indirect_dma source(%dma_start3A_189 : memref<1000000x32xf32, #tpu.memory_space<hbm>>) target(%dma_start3A_184 : memref<128x32xf32, #tpu.memory_space<vmem>>) offsets(%dma_start3A_186 : memref<128xi32, #tpu.memory_space<vmem>>) semaphore(%arg10 : memref<!tpu.dma_semaphore, #tpu.memory_space<semaphore_mem>>)
    %mul3A_190 = arith.constant 4096 : i32
    %mul3A_191 = arith.muli %add3A, %mul3A_190 : i32
    %add3A_192 = arith.constant 0 : i32
    %add3A_193 = arith.addi %add3A_192, %mul3A_191 : i32
    %add3A_194 = arith.constant 1024 : i32
    %add3A_195 = arith.addi %add3A_193, %add3A_194 : i32
    %dma_start3A_196 = arith.constant 4096 : i32
    %dma_start3A_197 = tpu.memref_slice %arg8[%dma_start3A_196] : memref<8192xf32, #tpu.memory_space<vmem>> -> memref<1024xf32, #tpu.memory_space<vmem>>
    %dma_start3A_198 = tpu.memref_slice %arg4[%add3A_195] : memref<26214400xf32, #tpu.memory_space<hbm>> -> memref<1024xf32, #tpu.memory_space<hbm>>
    %dma_start3A_199 = tpu.memref_slice %arg4[%add3A_195] : memref<26214400xf32, #tpu.memory_space<hbm>> -> memref<1024xf32, #tpu.memory_space<hbm>>
    %dma_start3A_200 = arith.constant 4096 : i32
    %dma_start3A_201 = tpu.memref_slice %arg8[%dma_start3A_200] : memref<8192xf32, #tpu.memory_space<vmem>> -> memref<1024xf32, #tpu.memory_space<vmem>>
    tpu.enqueue_dma source(%dma_start3A_201 : memref<1024xf32, #tpu.memory_space<vmem>>) target(%dma_start3A_199 : memref<1024xf32, #tpu.memory_space<hbm>>) target_semaphore(%arg12 : memref<!tpu.dma_semaphore, #tpu.memory_space<semaphore_mem>>)
    %mul3A_202 = arith.constant 4096 : i32
    %mul3A_203 = arith.muli %add3A, %mul3A_202 : i32
    %add3A_204 = arith.constant 131072 : i32
    %add3A_205 = arith.addi %add3A_204, %mul3A_203 : i32
    %add3A_206 = arith.constant 1024 : i32
    %add3A_207 = arith.addi %add3A_205, %add3A_206 : i32
    %dma_start3A_208 = arith.constant 5120 : i32
    %dma_start3A_209 = tpu.memref_slice %arg8[%dma_start3A_208] : memref<8192xf32, #tpu.memory_space<vmem>> -> memref<1024xf32, #tpu.memory_space<vmem>>
    %dma_start3A_210 = tpu.memref_slice %arg4[%add3A_207] : memref<26214400xf32, #tpu.memory_space<hbm>> -> memref<1024xf32, #tpu.memory_space<hbm>>
    %dma_start3A_211 = tpu.memref_slice %arg4[%add3A_207] : memref<26214400xf32, #tpu.memory_space<hbm>> -> memref<1024xf32, #tpu.memory_space<hbm>>
    %dma_start3A_212 = arith.constant 5120 : i32
    %dma_start3A_213 = tpu.memref_slice %arg8[%dma_start3A_212] : memref<8192xf32, #tpu.memory_space<vmem>> -> memref<1024xf32, #tpu.memory_space<vmem>>
    tpu.enqueue_dma source(%dma_start3A_213 : memref<1024xf32, #tpu.memory_space<vmem>>) target(%dma_start3A_211 : memref<1024xf32, #tpu.memory_space<hbm>>) target_semaphore(%arg12 : memref<!tpu.dma_semaphore, #tpu.memory_space<semaphore_mem>>)
    %mul3A_214 = arith.constant 4096 : i32
    %mul3A_215 = arith.muli %add3A, %mul3A_214 : i32
    %add3A_216 = arith.constant 262144 : i32
    %add3A_217 = arith.addi %add3A_216, %mul3A_215 : i32
    %add3A_218 = arith.constant 1024 : i32
    %add3A_219 = arith.addi %add3A_217, %add3A_218 : i32
    %dma_start3A_220 = arith.constant 6144 : i32
    %dma_start3A_221 = tpu.memref_slice %arg8[%dma_start3A_220] : memref<8192xf32, #tpu.memory_space<vmem>> -> memref<1024xf32, #tpu.memory_space<vmem>>
    %dma_start3A_222 = tpu.memref_slice %arg4[%add3A_219] : memref<26214400xf32, #tpu.memory_space<hbm>> -> memref<1024xf32, #tpu.memory_space<hbm>>
    %dma_start3A_223 = tpu.memref_slice %arg4[%add3A_219] : memref<26214400xf32, #tpu.memory_space<hbm>> -> memref<1024xf32, #tpu.memory_space<hbm>>
    %dma_start3A_224 = arith.constant 6144 : i32
    %dma_start3A_225 = tpu.memref_slice %arg8[%dma_start3A_224] : memref<8192xf32, #tpu.memory_space<vmem>> -> memref<1024xf32, #tpu.memory_space<vmem>>
    tpu.enqueue_dma source(%dma_start3A_225 : memref<1024xf32, #tpu.memory_space<vmem>>) target(%dma_start3A_223 : memref<1024xf32, #tpu.memory_space<hbm>>) target_semaphore(%arg12 : memref<!tpu.dma_semaphore, #tpu.memory_space<semaphore_mem>>)
    %mul3A_226 = arith.constant 4096 : i32
    %mul3A_227 = arith.muli %add3A, %mul3A_226 : i32
    %add3A_228 = arith.constant 393216 : i32
    %add3A_229 = arith.addi %add3A_228, %mul3A_227 : i32
    %add3A_230 = arith.constant 1024 : i32
    %add3A_231 = arith.addi %add3A_229, %add3A_230 : i32
    %dma_start3A_232 = arith.constant 7168 : i32
    %dma_start3A_233 = tpu.memref_slice %arg8[%dma_start3A_232] : memref<8192xf32, #tpu.memory_space<vmem>> -> memref<1024xf32, #tpu.memory_space<vmem>>
    %dma_start3A_234 = tpu.memref_slice %arg4[%add3A_231] : memref<26214400xf32, #tpu.memory_space<hbm>> -> memref<1024xf32, #tpu.memory_space<hbm>>
    %dma_start3A_235 = tpu.memref_slice %arg4[%add3A_231] : memref<26214400xf32, #tpu.memory_space<hbm>> -> memref<1024xf32, #tpu.memory_space<hbm>>
    %dma_start3A_236 = arith.constant 7168 : i32
    %dma_start3A_237 = tpu.memref_slice %arg8[%dma_start3A_236] : memref<8192xf32, #tpu.memory_space<vmem>> -> memref<1024xf32, #tpu.memory_space<vmem>>
    tpu.enqueue_dma source(%dma_start3A_237 : memref<1024xf32, #tpu.memory_space<vmem>>) target(%dma_start3A_235 : memref<1024xf32, #tpu.memory_space<hbm>>) target_semaphore(%arg12 : memref<!tpu.dma_semaphore, #tpu.memory_space<semaphore_mem>>)
    %scan3A_238 = arith.constant 0 : i32
    %scan3A_239 = arith.constant 98 : i32
    %scan3A_240 = arith.addi %scan3A_238, %scan3A_239 : i32
    %scan3A_241 = arith.constant 1 : i32
    scf.for %scan3A_565 = %scan3A_238 to %scan3A_240 step %scan3A_241  : i32 {
      %mul3A_566 = arith.constant 2 : i32
      %mul3A_567 = arith.muli %scan3A_565, %mul3A_566 : i32
      %add3A_568 = arith.constant 2 : i32
      %add3A_569 = arith.addi %add3A_568, %mul3A_567 : i32
      %add3A_570 = arith.constant 0 : i32
      %add3A_571 = arith.addi %add3A_569, %add3A_570 : i32
      %mul3A_572 = arith.constant 128 : i32
      %mul3A_573 = arith.muli %add3A_571, %mul3A_572 : i32
      %dma_wait3A_574 = arith.constant 0 : i32
      %dma_wait3A_575 = arith.constant 0 : i32
      %dma_wait3A_576 = arith.constant 0 : i32
      %dma_wait3A_577 = tpu.memref_slice %arg7[%dma_wait3A_574, %dma_wait3A_575, %dma_wait3A_576] : memref<2x128x32xf32, #tpu.memory_space<vmem>> -> memref<1x128x32xf32, #tpu.memory_space<vmem>>
      %dma_wait3A_578 = tpu.memref_squeeze %dma_wait3A_577 : memref<1x128x32xf32, #tpu.memory_space<vmem>> -> memref<128x32xf32, #tpu.memory_space<vmem>>
      %dma_wait3A_579 = tpu.memref_slice %arg6[%mul3A_573] : memref<25600xi32, #tpu.memory_space<vmem>> -> memref<128xi32, #tpu.memory_space<vmem>>
      %dma_wait3A_580 = arith.constant 0 : i32
      %dma_wait3A_581 = arith.constant 0 : i32
      %dma_wait3A_582 = tpu.memref_slice %arg3[%dma_wait3A_580, %dma_wait3A_581] : memref<1000000x32xf32, #tpu.memory_space<hbm>> -> memref<1000000x32xf32, #tpu.memory_space<hbm>>
      tpu.wait_indirect_dma semaphore(%arg9 : memref<!tpu.dma_semaphore, #tpu.memory_space<semaphore_mem>>) src(%dma_wait3A_582 : memref<1000000x32xf32, #tpu.memory_space<hbm>>) dst(%dma_wait3A_578 : memref<128x32xf32, #tpu.memory_space<vmem>>)
      %sub3A = arith.constant 2 : i32
      %sub3A_583 = arith.subi %add3A_571, %sub3A : i32
      %shift_right_arithmetic3A = arith.constant 2 : i32
      %shift_right_arithmetic3A_584 = arith.shrsi %sub3A_583, %shift_right_arithmetic3A : i32
      %mul3A_585 = arith.constant 524288 : i32
      %mul3A_586 = arith.muli %shift_right_arithmetic3A_584, %mul3A_585 : i32
      %add3A_587 = arith.constant 0 : i32
      %add3A_588 = arith.addi %mul3A_586, %add3A_587 : i32
      %mul3A_589 = arith.constant 4096 : i32
      %mul3A_590 = arith.muli %add3A, %mul3A_589 : i32
      %add3A_591 = arith.addi %add3A_588, %mul3A_590 : i32
      %and3A = arith.constant 3 : i32
      %and3A_592 = arith.andi %sub3A_583, %and3A : i32
      %mul3A_593 = arith.constant 1024 : i32
      %mul3A_594 = arith.muli %and3A_592, %mul3A_593 : i32
      %add3A_595 = arith.addi %add3A_591, %mul3A_594 : i32
      %dma_wait3A_596 = arith.constant 0 : i32
      %dma_wait3A_597 = tpu.memref_slice %arg8[%dma_wait3A_596] : memref<8192xf32, #tpu.memory_space<vmem>> -> memref<1024xf32, #tpu.memory_space<vmem>>
      %dma_wait3A_598 = tpu.memref_slice %arg4[%add3A_595] : memref<26214400xf32, #tpu.memory_space<hbm>> -> memref<1024xf32, #tpu.memory_space<hbm>>
      %dma_wait3A_599 = tpu.memref_slice %arg4[%add3A_595] : memref<26214400xf32, #tpu.memory_space<hbm>> -> memref<1024xf32, #tpu.memory_space<hbm>>
      %dma_wait3A_600 = arith.constant 0 : i32
      %dma_wait3A_601 = tpu.memref_slice %arg8[%dma_wait3A_600] : memref<8192xf32, #tpu.memory_space<vmem>> -> memref<1024xf32, #tpu.memory_space<vmem>>
      tpu.wait_dma2 semaphore(%arg11 : memref<!tpu.dma_semaphore, #tpu.memory_space<semaphore_mem>>) src(%dma_wait3A_601 : memref<1024xf32, #tpu.memory_space<vmem>>) dst(%dma_wait3A_599 : memref<1024xf32, #tpu.memory_space<hbm>>)
      %shift_right_arithmetic3A_602 = arith.constant 2 : i32
      %shift_right_arithmetic3A_603 = arith.shrsi %sub3A_583, %shift_right_arithmetic3A_602 : i32
      %mul3A_604 = arith.constant 524288 : i32
      %mul3A_605 = arith.muli %shift_right_arithmetic3A_603, %mul3A_604 : i32
      %add3A_606 = arith.constant 131072 : i32
      %add3A_607 = arith.addi %mul3A_605, %add3A_606 : i32
      %mul3A_608 = arith.constant 4096 : i32
      %mul3A_609 = arith.muli %add3A, %mul3A_608 : i32
      %add3A_610 = arith.addi %add3A_607, %mul3A_609 : i32
      %and3A_611 = arith.constant 3 : i32
      %and3A_612 = arith.andi %sub3A_583, %and3A_611 : i32
      %mul3A_613 = arith.constant 1024 : i32
      %mul3A_614 = arith.muli %and3A_612, %mul3A_613 : i32
      %add3A_615 = arith.addi %add3A_610, %mul3A_614 : i32
      %dma_wait3A_616 = arith.constant 1024 : i32
      %dma_wait3A_617 = tpu.memref_slice %arg8[%dma_wait3A_616] : memref<8192xf32, #tpu.memory_space<vmem>> -> memref<1024xf32, #tpu.memory_space<vmem>>
      %dma_wait3A_618 = tpu.memref_slice %arg4[%add3A_615] : memref<26214400xf32, #tpu.memory_space<hbm>> -> memref<1024xf32, #tpu.memory_space<hbm>>
      %dma_wait3A_619 = tpu.memref_slice %arg4[%add3A_615] : memref<26214400xf32, #tpu.memory_space<hbm>> -> memref<1024xf32, #tpu.memory_space<hbm>>
      %dma_wait3A_620 = arith.constant 1024 : i32
      %dma_wait3A_621 = tpu.memref_slice %arg8[%dma_wait3A_620] : memref<8192xf32, #tpu.memory_space<vmem>> -> memref<1024xf32, #tpu.memory_space<vmem>>
      tpu.wait_dma2 semaphore(%arg11 : memref<!tpu.dma_semaphore, #tpu.memory_space<semaphore_mem>>) src(%dma_wait3A_621 : memref<1024xf32, #tpu.memory_space<vmem>>) dst(%dma_wait3A_619 : memref<1024xf32, #tpu.memory_space<hbm>>)
      %shift_right_arithmetic3A_622 = arith.constant 2 : i32
      %shift_right_arithmetic3A_623 = arith.shrsi %sub3A_583, %shift_right_arithmetic3A_622 : i32
      %mul3A_624 = arith.constant 524288 : i32
      %mul3A_625 = arith.muli %shift_right_arithmetic3A_623, %mul3A_624 : i32
      %add3A_626 = arith.constant 262144 : i32
      %add3A_627 = arith.addi %mul3A_625, %add3A_626 : i32
      %mul3A_628 = arith.constant 4096 : i32
      %mul3A_629 = arith.muli %add3A, %mul3A_628 : i32
      %add3A_630 = arith.addi %add3A_627, %mul3A_629 : i32
      %and3A_631 = arith.constant 3 : i32
      %and3A_632 = arith.andi %sub3A_583, %and3A_631 : i32
      %mul3A_633 = arith.constant 1024 : i32
      %mul3A_634 = arith.muli %and3A_632, %mul3A_633 : i32
      %add3A_635 = arith.addi %add3A_630, %mul3A_634 : i32
      %dma_wait3A_636 = arith.constant 2048 : i32
      %dma_wait3A_637 = tpu.memref_slice %arg8[%dma_wait3A_636] : memref<8192xf32, #tpu.memory_space<vmem>> -> memref<1024xf32, #tpu.memory_space<vmem>>
      %dma_wait3A_638 = tpu.memref_slice %arg4[%add3A_635] : memref<26214400xf32, #tpu.memory_space<hbm>> -> memref<1024xf32, #tpu.memory_space<hbm>>
      %dma_wait3A_639 = tpu.memref_slice %arg4[%add3A_635] : memref<26214400xf32, #tpu.memory_space<hbm>> -> memref<1024xf32, #tpu.memory_space<hbm>>
      %dma_wait3A_640 = arith.constant 2048 : i32
      %dma_wait3A_641 = tpu.memref_slice %arg8[%dma_wait3A_640] : memref<8192xf32, #tpu.memory_space<vmem>> -> memref<1024xf32, #tpu.memory_space<vmem>>
      tpu.wait_dma2 semaphore(%arg11 : memref<!tpu.dma_semaphore, #tpu.memory_space<semaphore_mem>>) src(%dma_wait3A_641 : memref<1024xf32, #tpu.memory_space<vmem>>) dst(%dma_wait3A_639 : memref<1024xf32, #tpu.memory_space<hbm>>)
      %shift_right_arithmetic3A_642 = arith.constant 2 : i32
      %shift_right_arithmetic3A_643 = arith.shrsi %sub3A_583, %shift_right_arithmetic3A_642 : i32
      %mul3A_644 = arith.constant 524288 : i32
      %mul3A_645 = arith.muli %shift_right_arithmetic3A_643, %mul3A_644 : i32
      %add3A_646 = arith.constant 393216 : i32
      %add3A_647 = arith.addi %mul3A_645, %add3A_646 : i32
      %mul3A_648 = arith.constant 4096 : i32
      %mul3A_649 = arith.muli %add3A, %mul3A_648 : i32
      %add3A_650 = arith.addi %add3A_647, %mul3A_649 : i32
      %and3A_651 = arith.constant 3 : i32
      %and3A_652 = arith.andi %sub3A_583, %and3A_651 : i32
      %mul3A_653 = arith.constant 1024 : i32
      %mul3A_654 = arith.muli %and3A_652, %mul3A_653 : i32
      %add3A_655 = arith.addi %add3A_650, %mul3A_654 : i32
      %dma_wait3A_656 = arith.constant 3072 : i32
      %dma_wait3A_657 = tpu.memref_slice %arg8[%dma_wait3A_656] : memref<8192xf32, #tpu.memory_space<vmem>> -> memref<1024xf32, #tpu.memory_space<vmem>>
      %dma_wait3A_658 = tpu.memref_slice %arg4[%add3A_655] : memref<26214400xf32, #tpu.memory_space<hbm>> -> memref<1024xf32, #tpu.memory_space<hbm>>
      %dma_wait3A_659 = tpu.memref_slice %arg4[%add3A_655] : memref<26214400xf32, #tpu.memory_space<hbm>> -> memref<1024xf32, #tpu.memory_space<hbm>>
      %dma_wait3A_660 = arith.constant 3072 : i32
      %dma_wait3A_661 = tpu.memref_slice %arg8[%dma_wait3A_660] : memref<8192xf32, #tpu.memory_space<vmem>> -> memref<1024xf32, #tpu.memory_space<vmem>>
      tpu.wait_dma2 semaphore(%arg11 : memref<!tpu.dma_semaphore, #tpu.memory_space<semaphore_mem>>) src(%dma_wait3A_661 : memref<1024xf32, #tpu.memory_space<vmem>>) dst(%dma_wait3A_659 : memref<1024xf32, #tpu.memory_space<hbm>>)
      %scan3A_662 = arith.constant 0 : i32
      %scan3A_663 = arith.constant 0 : i32
      %scan3A_664 = arith.constant 8 : i32
      %scan3A_665 = arith.addi %scan3A_663, %scan3A_664 : i32
      %scan3A_666 = arith.constant 1 : i32
      scf.for %scan3A_957 = %scan3A_663 to %scan3A_665 step %scan3A_666  : i32 {
        %mul3A_958 = arith.constant 1 : i32
        %mul3A_959 = arith.muli %scan3A_957, %mul3A_958 : i32
        %add3A_960 = arith.constant 0 : i32
        %add3A_961 = arith.addi %add3A_960, %mul3A_959 : i32
        %mul3A_962 = arith.constant 16 : i32
        %mul3A_963 = arith.muli %add3A_961, %mul3A_962 : i32
        %add3A_964 = vector.broadcast %mul3A_963 : i32 to vector<16xi32>
        %add3A_965 = arith.addi %add3A_964, %iota3A : vector<16xi32>
        %gather3A = arith.constant 0 : i32
        %gather3A_966 = arith.constant 0 : i32
        %gather3A_967 = tpu.memref_slice %arg7[%scan3A_662, %gather3A, %gather3A_966] : memref<2x128x32xf32, #tpu.memory_space<vmem>> -> memref<1x128x32xf32, #tpu.memory_space<vmem>>
        %gather3A_968 = tpu.memref_squeeze %gather3A_967 : memref<1x128x32xf32, #tpu.memory_space<vmem>> -> memref<128x32xf32, #tpu.memory_space<vmem>>
        %gather3A_969 = tpu.vector_load_idx %gather3A_968[%add3A_965, %broadcast_in_dim3A_3] : memref<128x32xf32, #tpu.memory_space<vmem>>[vector<16xi32>, vector<16xi32>], vector<16xf32>,
        %gather3A_970 = arith.constant 0 : i32
        %gather3A_971 = arith.constant 0 : i32
        %gather3A_972 = tpu.memref_slice %arg7[%scan3A_662, %gather3A_970, %gather3A_971] : memref<2x128x32xf32, #tpu.memory_space<vmem>> -> memref<1x128x32xf32, #tpu.memory_space<vmem>>
        %gather3A_973 = tpu.memref_squeeze %gather3A_972 : memref<1x128x32xf32, #tpu.memory_space<vmem>> -> memref<128x32xf32, #tpu.memory_space<vmem>>
        %gather3A_974 = tpu.vector_load_idx %gather3A_973[%add3A_965, %broadcast_in_dim3A_5] : memref<128x32xf32, #tpu.memory_space<vmem>>[vector<16xi32>, vector<16xi32>], vector<16xf32>,
        %gather3A_975 = arith.constant 0 : i32
        %gather3A_976 = arith.constant 0 : i32
        %gather3A_977 = tpu.memref_slice %arg7[%scan3A_662, %gather3A_975, %gather3A_976] : memref<2x128x32xf32, #tpu.memory_space<vmem>> -> memref<1x128x32xf32, #tpu.memory_space<vmem>>
        %gather3A_978 = tpu.memref_squeeze %gather3A_977 : memref<1x128x32xf32, #tpu.memory_space<vmem>> -> memref<128x32xf32, #tpu.memory_space<vmem>>
        %gather3A_979 = tpu.vector_load_idx %gather3A_978[%add3A_965, %broadcast_in_dim3A_7] : memref<128x32xf32, #tpu.memory_space<vmem>>[vector<16xi32>, vector<16xi32>], vector<16xf32>,
        %gather3A_980 = arith.constant 0 : i32
        %gather3A_981 = arith.constant 0 : i32
        %gather3A_982 = tpu.memref_slice %arg7[%scan3A_662, %gather3A_980, %gather3A_981] : memref<2x128x32xf32, #tpu.memory_space<vmem>> -> memref<1x128x32xf32, #tpu.memory_space<vmem>>
        %gather3A_983 = tpu.memref_squeeze %gather3A_982 : memref<1x128x32xf32, #tpu.memory_space<vmem>> -> memref<128x32xf32, #tpu.memory_space<vmem>>
        %gather3A_984 = tpu.vector_load_idx %gather3A_983[%add3A_965, %broadcast_in_dim3A_9] : memref<128x32xf32, #tpu.memory_space<vmem>>[vector<16xi32>, vector<16xi32>], vector<16xf32>,
        %gather3A_985 = arith.constant 0 : i32
        %gather3A_986 = arith.constant 0 : i32
        %gather3A_987 = tpu.memref_slice %arg7[%scan3A_662, %gather3A_985, %gather3A_986] : memref<2x128x32xf32, #tpu.memory_space<vmem>> -> memref<1x128x32xf32, #tpu.memory_space<vmem>>
        %gather3A_988 = tpu.memref_squeeze %gather3A_987 : memref<1x128x32xf32, #tpu.memory_space<vmem>> -> memref<128x32xf32, #tpu.memory_space<vmem>>
        %gather3A_989 = tpu.vector_load_idx %gather3A_988[%add3A_965, %broadcast_in_dim3A_11] : memref<128x32xf32, #tpu.memory_space<vmem>>[vector<16xi32>, vector<16xi32>], vector<16xf32>,
        %gather3A_990 = arith.constant 0 : i32
        %gather3A_991 = arith.constant 0 : i32
        %gather3A_992 = tpu.memref_slice %arg7[%scan3A_662, %gather3A_990, %gather3A_991] : memref<2x128x32xf32, #tpu.memory_space<vmem>> -> memref<1x128x32xf32, #tpu.memory_space<vmem>>
        %gather3A_993 = tpu.memref_squeeze %gather3A_992 : memref<1x128x32xf32, #tpu.memory_space<vmem>> -> memref<128x32xf32, #tpu.memory_space<vmem>>
        %gather3A_994 = tpu.vector_load_idx %gather3A_993[%add3A_965, %broadcast_in_dim3A_13] : memref<128x32xf32, #tpu.memory_space<vmem>>[vector<16xi32>, vector<16xi32>], vector<16xf32>,
        %gather3A_995 = arith.constant 0 : i32
        %gather3A_996 = arith.constant 0 : i32
        %gather3A_997 = tpu.memref_slice %arg7[%scan3A_662, %gather3A_995, %gather3A_996] : memref<2x128x32xf32, #tpu.memory_space<vmem>> -> memref<1x128x32xf32, #tpu.memory_space<vmem>>
        %gather3A_998 = tpu.memref_squeeze %gather3A_997 : memref<1x128x32xf32, #tpu.memory_space<vmem>> -> memref<128x32xf32, #tpu.memory_space<vmem>>
        %gather3A_999 = tpu.vector_load_idx %gather3A_998[%add3A_965, %broadcast_in_dim3A_15] : memref<128x32xf32, #tpu.memory_space<vmem>>[vector<16xi32>, vector<16xi32>], vector<16xf32>,
        %gather3A_1000 = arith.constant 0 : i32
        %gather3A_1001 = arith.constant 0 : i32
        %gather3A_1002 = tpu.memref_slice %arg7[%scan3A_662, %gather3A_1000, %gather3A_1001] : memref<2x128x32xf32, #tpu.memory_space<vmem>> -> memref<1x128x32xf32, #tpu.memory_space<vmem>>
        %gather3A_1003 = tpu.memref_squeeze %gather3A_1002 : memref<1x128x32xf32, #tpu.memory_space<vmem>> -> memref<128x32xf32, #tpu.memory_space<vmem>>
        %gather3A_1004 = tpu.vector_load_idx %gather3A_1003[%add3A_965, %broadcast_in_dim3A_17] : memref<128x32xf32, #tpu.memory_space<vmem>>[vector<16xi32>, vector<16xi32>], vector<16xf32>,
        %gather3A_1005 = arith.constant 0 : i32
        %gather3A_1006 = arith.constant 0 : i32
        %gather3A_1007 = tpu.memref_slice %arg7[%scan3A_662, %gather3A_1005, %gather3A_1006] : memref<2x128x32xf32, #tpu.memory_space<vmem>> -> memref<1x128x32xf32, #tpu.memory_space<vmem>>
        %gather3A_1008 = tpu.memref_squeeze %gather3A_1007 : memref<1x128x32xf32, #tpu.memory_space<vmem>> -> memref<128x32xf32, #tpu.memory_space<vmem>>
        %gather3A_1009 = tpu.vector_load_idx %gather3A_1008[%add3A_965, %broadcast_in_dim3A_19] : memref<128x32xf32, #tpu.memory_space<vmem>>[vector<16xi32>, vector<16xi32>], vector<16xf32>,
        %gather3A_1010 = arith.constant 0 : i32
        %gather3A_1011 = arith.constant 0 : i32
        %gather3A_1012 = tpu.memref_slice %arg7[%scan3A_662, %gather3A_1010, %gather3A_1011] : memref<2x128x32xf32, #tpu.memory_space<vmem>> -> memref<1x128x32xf32, #tpu.memory_space<vmem>>
        %gather3A_1013 = tpu.memref_squeeze %gather3A_1012 : memref<1x128x32xf32, #tpu.memory_space<vmem>> -> memref<128x32xf32, #tpu.memory_space<vmem>>
        %gather3A_1014 = tpu.vector_load_idx %gather3A_1013[%add3A_965, %broadcast_in_dim3A_21] : memref<128x32xf32, #tpu.memory_space<vmem>>[vector<16xi32>, vector<16xi32>], vector<16xf32>,
        %gather3A_1015 = arith.constant 0 : i32
        %gather3A_1016 = arith.constant 0 : i32
        %gather3A_1017 = tpu.memref_slice %arg7[%scan3A_662, %gather3A_1015, %gather3A_1016] : memref<2x128x32xf32, #tpu.memory_space<vmem>> -> memref<1x128x32xf32, #tpu.memory_space<vmem>>
        %gather3A_1018 = tpu.memref_squeeze %gather3A_1017 : memref<1x128x32xf32, #tpu.memory_space<vmem>> -> memref<128x32xf32, #tpu.memory_space<vmem>>
        %gather3A_1019 = tpu.vector_load_idx %gather3A_1018[%add3A_965, %broadcast_in_dim3A_23] : memref<128x32xf32, #tpu.memory_space<vmem>>[vector<16xi32>, vector<16xi32>], vector<16xf32>,
        %gather3A_1020 = arith.constant 0 : i32
        %gather3A_1021 = arith.constant 0 : i32
        %gather3A_1022 = tpu.memref_slice %arg7[%scan3A_662, %gather3A_1020, %gather3A_1021] : memref<2x128x32xf32, #tpu.memory_space<vmem>> -> memref<1x128x32xf32, #tpu.memory_space<vmem>>
        %gather3A_1023 = tpu.memref_squeeze %gather3A_1022 : memref<1x128x32xf32, #tpu.memory_space<vmem>> -> memref<128x32xf32, #tpu.memory_space<vmem>>
        %gather3A_1024 = tpu.vector_load_idx %gather3A_1023[%add3A_965, %broadcast_in_dim3A_25] : memref<128x32xf32, #tpu.memory_space<vmem>>[vector<16xi32>, vector<16xi32>], vector<16xf32>,
        %gather3A_1025 = arith.constant 0 : i32
        %gather3A_1026 = arith.constant 0 : i32
        %gather3A_1027 = tpu.memref_slice %arg7[%scan3A_662, %gather3A_1025, %gather3A_1026] : memref<2x128x32xf32, #tpu.memory_space<vmem>> -> memref<1x128x32xf32, #tpu.memory_space<vmem>>
        %gather3A_1028 = tpu.memref_squeeze %gather3A_1027 : memref<1x128x32xf32, #tpu.memory_space<vmem>> -> memref<128x32xf32, #tpu.memory_space<vmem>>
        %gather3A_1029 = tpu.vector_load_idx %gather3A_1028[%add3A_965, %broadcast_in_dim3A_27] : memref<128x32xf32, #tpu.memory_space<vmem>>[vector<16xi32>, vector<16xi32>], vector<16xf32>,
        %gather3A_1030 = arith.constant 0 : i32
        %gather3A_1031 = arith.constant 0 : i32
        %gather3A_1032 = tpu.memref_slice %arg7[%scan3A_662, %gather3A_1030, %gather3A_1031] : memref<2x128x32xf32, #tpu.memory_space<vmem>> -> memref<1x128x32xf32, #tpu.memory_space<vmem>>
        %gather3A_1033 = tpu.memref_squeeze %gather3A_1032 : memref<1x128x32xf32, #tpu.memory_space<vmem>> -> memref<128x32xf32, #tpu.memory_space<vmem>>
        %gather3A_1034 = tpu.vector_load_idx %gather3A_1033[%add3A_965, %broadcast_in_dim3A_29] : memref<128x32xf32, #tpu.memory_space<vmem>>[vector<16xi32>, vector<16xi32>], vector<16xf32>,
        %gather3A_1035 = arith.constant 0 : i32
        %gather3A_1036 = arith.constant 0 : i32
        %gather3A_1037 = tpu.memref_slice %arg7[%scan3A_662, %gather3A_1035, %gather3A_1036] : memref<2x128x32xf32, #tpu.memory_space<vmem>> -> memref<1x128x32xf32, #tpu.memory_space<vmem>>
        %gather3A_1038 = tpu.memref_squeeze %gather3A_1037 : memref<1x128x32xf32, #tpu.memory_space<vmem>> -> memref<128x32xf32, #tpu.memory_space<vmem>>
        %gather3A_1039 = tpu.vector_load_idx %gather3A_1038[%add3A_965, %broadcast_in_dim3A_31] : memref<128x32xf32, #tpu.memory_space<vmem>>[vector<16xi32>, vector<16xi32>], vector<16xf32>,
        %gather3A_1040 = arith.constant 0 : i32
        %gather3A_1041 = arith.constant 0 : i32
        %gather3A_1042 = tpu.memref_slice %arg7[%scan3A_662, %gather3A_1040, %gather3A_1041] : memref<2x128x32xf32, #tpu.memory_space<vmem>> -> memref<1x128x32xf32, #tpu.memory_space<vmem>>
        %gather3A_1043 = tpu.memref_squeeze %gather3A_1042 : memref<1x128x32xf32, #tpu.memory_space<vmem>> -> memref<128x32xf32, #tpu.memory_space<vmem>>
        %gather3A_1044 = tpu.vector_load_idx %gather3A_1043[%add3A_965, %broadcast_in_dim3A_33] : memref<128x32xf32, #tpu.memory_space<vmem>>[vector<16xi32>, vector<16xi32>], vector<16xf32>,
        %gather3A_1045 = arith.constant 0 : i32
        %gather3A_1046 = arith.constant 0 : i32
        %gather3A_1047 = tpu.memref_slice %arg7[%scan3A_662, %gather3A_1045, %gather3A_1046] : memref<2x128x32xf32, #tpu.memory_space<vmem>> -> memref<1x128x32xf32, #tpu.memory_space<vmem>>
        %gather3A_1048 = tpu.memref_squeeze %gather3A_1047 : memref<1x128x32xf32, #tpu.memory_space<vmem>> -> memref<128x32xf32, #tpu.memory_space<vmem>>
        %gather3A_1049 = tpu.vector_load_idx %gather3A_1048[%add3A_965, %broadcast_in_dim3A_35] : memref<128x32xf32, #tpu.memory_space<vmem>>[vector<16xi32>, vector<16xi32>], vector<16xf32>,
        %gather3A_1050 = arith.constant 0 : i32
        %gather3A_1051 = arith.constant 0 : i32
        %gather3A_1052 = tpu.memref_slice %arg7[%scan3A_662, %gather3A_1050, %gather3A_1051] : memref<2x128x32xf32, #tpu.memory_space<vmem>> -> memref<1x128x32xf32, #tpu.memory_space<vmem>>
        %gather3A_1053 = tpu.memref_squeeze %gather3A_1052 : memref<1x128x32xf32, #tpu.memory_space<vmem>> -> memref<128x32xf32, #tpu.memory_space<vmem>>
        %gather3A_1054 = tpu.vector_load_idx %gather3A_1053[%add3A_965, %broadcast_in_dim3A_37] : memref<128x32xf32, #tpu.memory_space<vmem>>[vector<16xi32>, vector<16xi32>], vector<16xf32>,
        %gather3A_1055 = arith.constant 0 : i32
        %gather3A_1056 = arith.constant 0 : i32
        %gather3A_1057 = tpu.memref_slice %arg7[%scan3A_662, %gather3A_1055, %gather3A_1056] : memref<2x128x32xf32, #tpu.memory_space<vmem>> -> memref<1x128x32xf32, #tpu.memory_space<vmem>>
        %gather3A_1058 = tpu.memref_squeeze %gather3A_1057 : memref<1x128x32xf32, #tpu.memory_space<vmem>> -> memref<128x32xf32, #tpu.memory_space<vmem>>
        %gather3A_1059 = tpu.vector_load_idx %gather3A_1058[%add3A_965, %broadcast_in_dim3A_39] : memref<128x32xf32, #tpu.memory_space<vmem>>[vector<16xi32>, vector<16xi32>], vector<16xf32>,
        %gather3A_1060 = arith.constant 0 : i32
        %gather3A_1061 = arith.constant 0 : i32
        %gather3A_1062 = tpu.memref_slice %arg7[%scan3A_662, %gather3A_1060, %gather3A_1061] : memref<2x128x32xf32, #tpu.memory_space<vmem>> -> memref<1x128x32xf32, #tpu.memory_space<vmem>>
        %gather3A_1063 = tpu.memref_squeeze %gather3A_1062 : memref<1x128x32xf32, #tpu.memory_space<vmem>> -> memref<128x32xf32, #tpu.memory_space<vmem>>
        %gather3A_1064 = tpu.vector_load_idx %gather3A_1063[%add3A_965, %broadcast_in_dim3A_41] : memref<128x32xf32, #tpu.memory_space<vmem>>[vector<16xi32>, vector<16xi32>], vector<16xf32>,
        %gather3A_1065 = arith.constant 0 : i32
        %gather3A_1066 = arith.constant 0 : i32
        %gather3A_1067 = tpu.memref_slice %arg7[%scan3A_662, %gather3A_1065, %gather3A_1066] : memref<2x128x32xf32, #tpu.memory_space<vmem>> -> memref<1x128x32xf32, #tpu.memory_space<vmem>>
        %gather3A_1068 = tpu.memref_squeeze %gather3A_1067 : memref<1x128x32xf32, #tpu.memory_space<vmem>> -> memref<128x32xf32, #tpu.memory_space<vmem>>
        %gather3A_1069 = tpu.vector_load_idx %gather3A_1068[%add3A_965, %broadcast_in_dim3A_43] : memref<128x32xf32, #tpu.memory_space<vmem>>[vector<16xi32>, vector<16xi32>], vector<16xf32>,
        %gather3A_1070 = arith.constant 0 : i32
        %gather3A_1071 = arith.constant 0 : i32
        %gather3A_1072 = tpu.memref_slice %arg7[%scan3A_662, %gather3A_1070, %gather3A_1071] : memref<2x128x32xf32, #tpu.memory_space<vmem>> -> memref<1x128x32xf32, #tpu.memory_space<vmem>>
        %gather3A_1073 = tpu.memref_squeeze %gather3A_1072 : memref<1x128x32xf32, #tpu.memory_space<vmem>> -> memref<128x32xf32, #tpu.memory_space<vmem>>
        %gather3A_1074 = tpu.vector_load_idx %gather3A_1073[%add3A_965, %broadcast_in_dim3A_45] : memref<128x32xf32, #tpu.memory_space<vmem>>[vector<16xi32>, vector<16xi32>], vector<16xf32>,
        %gather3A_1075 = arith.constant 0 : i32
        %gather3A_1076 = arith.constant 0 : i32
        %gather3A_1077 = tpu.memref_slice %arg7[%scan3A_662, %gather3A_1075, %gather3A_1076] : memref<2x128x32xf32, #tpu.memory_space<vmem>> -> memref<1x128x32xf32, #tpu.memory_space<vmem>>
        %gather3A_1078 = tpu.memref_squeeze %gather3A_1077 : memref<1x128x32xf32, #tpu.memory_space<vmem>> -> memref<128x32xf32, #tpu.memory_space<vmem>>
        %gather3A_1079 = tpu.vector_load_idx %gather3A_1078[%add3A_965, %broadcast_in_dim3A_47] : memref<128x32xf32, #tpu.memory_space<vmem>>[vector<16xi32>, vector<16xi32>], vector<16xf32>,
        %gather3A_1080 = arith.constant 0 : i32
        %gather3A_1081 = arith.constant 0 : i32
        %gather3A_1082 = tpu.memref_slice %arg7[%scan3A_662, %gather3A_1080, %gather3A_1081] : memref<2x128x32xf32, #tpu.memory_space<vmem>> -> memref<1x128x32xf32, #tpu.memory_space<vmem>>
        %gather3A_1083 = tpu.memref_squeeze %gather3A_1082 : memref<1x128x32xf32, #tpu.memory_space<vmem>> -> memref<128x32xf32, #tpu.memory_space<vmem>>
        %gather3A_1084 = tpu.vector_load_idx %gather3A_1083[%add3A_965, %broadcast_in_dim3A_49] : memref<128x32xf32, #tpu.memory_space<vmem>>[vector<16xi32>, vector<16xi32>], vector<16xf32>,
        %gather3A_1085 = arith.constant 0 : i32
        %gather3A_1086 = arith.constant 0 : i32
        %gather3A_1087 = tpu.memref_slice %arg7[%scan3A_662, %gather3A_1085, %gather3A_1086] : memref<2x128x32xf32, #tpu.memory_space<vmem>> -> memref<1x128x32xf32, #tpu.memory_space<vmem>>
        %gather3A_1088 = tpu.memref_squeeze %gather3A_1087 : memref<1x128x32xf32, #tpu.memory_space<vmem>> -> memref<128x32xf32, #tpu.memory_space<vmem>>
        %gather3A_1089 = tpu.vector_load_idx %gather3A_1088[%add3A_965, %broadcast_in_dim3A_51] : memref<128x32xf32, #tpu.memory_space<vmem>>[vector<16xi32>, vector<16xi32>], vector<16xf32>,
        %gather3A_1090 = arith.constant 0 : i32
        %gather3A_1091 = arith.constant 0 : i32
        %gather3A_1092 = tpu.memref_slice %arg7[%scan3A_662, %gather3A_1090, %gather3A_1091] : memref<2x128x32xf32, #tpu.memory_space<vmem>> -> memref<1x128x32xf32, #tpu.memory_space<vmem>>
        %gather3A_1093 = tpu.memref_squeeze %gather3A_1092 : memref<1x128x32xf32, #tpu.memory_space<vmem>> -> memref<128x32xf32, #tpu.memory_space<vmem>>
        %gather3A_1094 = tpu.vector_load_idx %gather3A_1093[%add3A_965, %broadcast_in_dim3A_53] : memref<128x32xf32, #tpu.memory_space<vmem>>[vector<16xi32>, vector<16xi32>], vector<16xf32>,
        %gather3A_1095 = arith.constant 0 : i32
        %gather3A_1096 = arith.constant 0 : i32
        %gather3A_1097 = tpu.memref_slice %arg7[%scan3A_662, %gather3A_1095, %gather3A_1096] : memref<2x128x32xf32, #tpu.memory_space<vmem>> -> memref<1x128x32xf32, #tpu.memory_space<vmem>>
        %gather3A_1098 = tpu.memref_squeeze %gather3A_1097 : memref<1x128x32xf32, #tpu.memory_space<vmem>> -> memref<128x32xf32, #tpu.memory_space<vmem>>
        %gather3A_1099 = tpu.vector_load_idx %gather3A_1098[%add3A_965, %broadcast_in_dim3A_55] : memref<128x32xf32, #tpu.memory_space<vmem>>[vector<16xi32>, vector<16xi32>], vector<16xf32>,
        %gather3A_1100 = arith.constant 0 : i32
        %gather3A_1101 = arith.constant 0 : i32
        %gather3A_1102 = tpu.memref_slice %arg7[%scan3A_662, %gather3A_1100, %gather3A_1101] : memref<2x128x32xf32, #tpu.memory_space<vmem>> -> memref<1x128x32xf32, #tpu.memory_space<vmem>>
        %gather3A_1103 = tpu.memref_squeeze %gather3A_1102 : memref<1x128x32xf32, #tpu.memory_space<vmem>> -> memref<128x32xf32, #tpu.memory_space<vmem>>
        %gather3A_1104 = tpu.vector_load_idx %gather3A_1103[%add3A_965, %broadcast_in_dim3A_57] : memref<128x32xf32, #tpu.memory_space<vmem>>[vector<16xi32>, vector<16xi32>], vector<16xf32>,
        %gather3A_1105 = arith.constant 0 : i32
        %gather3A_1106 = arith.constant 0 : i32
        %gather3A_1107 = tpu.memref_slice %arg7[%scan3A_662, %gather3A_1105, %gather3A_1106] : memref<2x128x32xf32, #tpu.memory_space<vmem>> -> memref<1x128x32xf32, #tpu.memory_space<vmem>>
        %gather3A_1108 = tpu.memref_squeeze %gather3A_1107 : memref<1x128x32xf32, #tpu.memory_space<vmem>> -> memref<128x32xf32, #tpu.memory_space<vmem>>
        %gather3A_1109 = tpu.vector_load_idx %gather3A_1108[%add3A_965, %broadcast_in_dim3A_59] : memref<128x32xf32, #tpu.memory_space<vmem>>[vector<16xi32>, vector<16xi32>], vector<16xf32>,
        %gather3A_1110 = arith.constant 0 : i32
        %gather3A_1111 = arith.constant 0 : i32
        %gather3A_1112 = tpu.memref_slice %arg7[%scan3A_662, %gather3A_1110, %gather3A_1111] : memref<2x128x32xf32, #tpu.memory_space<vmem>> -> memref<1x128x32xf32, #tpu.memory_space<vmem>>
        %gather3A_1113 = tpu.memref_squeeze %gather3A_1112 : memref<1x128x32xf32, #tpu.memory_space<vmem>> -> memref<128x32xf32, #tpu.memory_space<vmem>>
        %gather3A_1114 = tpu.vector_load_idx %gather3A_1113[%add3A_965, %broadcast_in_dim3A_61] : memref<128x32xf32, #tpu.memory_space<vmem>>[vector<16xi32>, vector<16xi32>], vector<16xf32>,
        %gather3A_1115 = arith.constant 0 : i32
        %gather3A_1116 = arith.constant 0 : i32
        %gather3A_1117 = tpu.memref_slice %arg7[%scan3A_662, %gather3A_1115, %gather3A_1116] : memref<2x128x32xf32, #tpu.memory_space<vmem>> -> memref<1x128x32xf32, #tpu.memory_space<vmem>>
        %gather3A_1118 = tpu.memref_squeeze %gather3A_1117 : memref<1x128x32xf32, #tpu.memory_space<vmem>> -> memref<128x32xf32, #tpu.memory_space<vmem>>
        %gather3A_1119 = tpu.vector_load_idx %gather3A_1118[%add3A_965, %broadcast_in_dim3A_63] : memref<128x32xf32, #tpu.memory_space<vmem>>[vector<16xi32>, vector<16xi32>], vector<16xf32>,
        %gather3A_1120 = arith.constant 0 : i32
        %gather3A_1121 = arith.constant 0 : i32
        %gather3A_1122 = tpu.memref_slice %arg7[%scan3A_662, %gather3A_1120, %gather3A_1121] : memref<2x128x32xf32, #tpu.memory_space<vmem>> -> memref<1x128x32xf32, #tpu.memory_space<vmem>>
        %gather3A_1123 = tpu.memref_squeeze %gather3A_1122 : memref<1x128x32xf32, #tpu.memory_space<vmem>> -> memref<128x32xf32, #tpu.memory_space<vmem>>
        %gather3A_1124 = tpu.vector_load_idx %gather3A_1123[%add3A_965, %broadcast_in_dim3A_65] : memref<128x32xf32, #tpu.memory_space<vmem>>[vector<16xi32>, vector<16xi32>], vector<16xf32>,
        %add3A_1125 = arith.constant 0 : i32
        %add3A_1126 = arith.addi %add3A_1125, %mul3A_963 : i32
        %swap3A = arith.index_cast %add3A_1126 : i32 to index
        %swap3A_1127 = tpu.vector_load %arg8[%swap3A] {strides = array<i32>} : memref<8192xf32, #tpu.memory_space<vmem>>, vector<16xf32>,
        tpu.vector_store %arg8[%swap3A], %gather3A_969 {strides = array<i32>} : memref<8192xf32, #tpu.memory_space<vmem>>, vector<16xf32>,
        %add3A_1128 = arith.constant 128 : i32
        %add3A_1129 = arith.addi %add3A_1128, %mul3A_963 : i32
        %swap3A_1130 = arith.index_cast %add3A_1129 : i32 to index
        %swap3A_1131 = tpu.vector_load %arg8[%swap3A_1130] {strides = array<i32>} : memref<8192xf32, #tpu.memory_space<vmem>>, vector<16xf32>,
        tpu.vector_store %arg8[%swap3A_1130], %gather3A_974 {strides = array<i32>} : memref<8192xf32, #tpu.memory_space<vmem>>, vector<16xf32>,
        %add3A_1132 = arith.constant 256 : i32
        %add3A_1133 = arith.addi %add3A_1132, %mul3A_963 : i32
        %swap3A_1134 = arith.index_cast %add3A_1133 : i32 to index
        %swap3A_1135 = tpu.vector_load %arg8[%swap3A_1134] {strides = array<i32>} : memref<8192xf32, #tpu.memory_space<vmem>>, vector<16xf32>,
        tpu.vector_store %arg8[%swap3A_1134], %gather3A_979 {strides = array<i32>} : memref<8192xf32, #tpu.memory_space<vmem>>, vector<16xf32>,
        %add3A_1136 = arith.constant 384 : i32
        %add3A_1137 = arith.addi %add3A_1136, %mul3A_963 : i32
        %swap3A_1138 = arith.index_cast %add3A_1137 : i32 to index
        %swap3A_1139 = tpu.vector_load %arg8[%swap3A_1138] {strides = array<i32>} : memref<8192xf32, #tpu.memory_space<vmem>>, vector<16xf32>,
        tpu.vector_store %arg8[%swap3A_1138], %gather3A_984 {strides = array<i32>} : memref<8192xf32, #tpu.memory_space<vmem>>, vector<16xf32>,
        %add3A_1140 = arith.constant 512 : i32
        %add3A_1141 = arith.addi %add3A_1140, %mul3A_963 : i32
        %swap3A_1142 = arith.index_cast %add3A_1141 : i32 to index
        %swap3A_1143 = tpu.vector_load %arg8[%swap3A_1142] {strides = array<i32>} : memref<8192xf32, #tpu.memory_space<vmem>>, vector<16xf32>,
        tpu.vector_store %arg8[%swap3A_1142], %gather3A_989 {strides = array<i32>} : memref<8192xf32, #tpu.memory_space<vmem>>, vector<16xf32>,
        %add3A_1144 = arith.constant 640 : i32
        %add3A_1145 = arith.addi %add3A_1144, %mul3A_963 : i32
        %swap3A_1146 = arith.index_cast %add3A_1145 : i32 to index
        %swap3A_1147 = tpu.vector_load %arg8[%swap3A_1146] {strides = array<i32>} : memref<8192xf32, #tpu.memory_space<vmem>>, vector<16xf32>,
        tpu.vector_store %arg8[%swap3A_1146], %gather3A_994 {strides = array<i32>} : memref<8192xf32, #tpu.memory_space<vmem>>, vector<16xf32>,
        %add3A_1148 = arith.constant 768 : i32
        %add3A_1149 = arith.addi %add3A_1148, %mul3A_963 : i32
        %swap3A_1150 = arith.index_cast %add3A_1149 : i32 to index
        %swap3A_1151 = tpu.vector_load %arg8[%swap3A_1150] {strides = array<i32>} : memref<8192xf32, #tpu.memory_space<vmem>>, vector<16xf32>,
        tpu.vector_store %arg8[%swap3A_1150], %gather3A_999 {strides = array<i32>} : memref<8192xf32, #tpu.memory_space<vmem>>, vector<16xf32>,
        %add3A_1152 = arith.constant 896 : i32
        %add3A_1153 = arith.addi %add3A_1152, %mul3A_963 : i32
        %swap3A_1154 = arith.index_cast %add3A_1153 : i32 to index
        %swap3A_1155 = tpu.vector_load %arg8[%swap3A_1154] {strides = array<i32>} : memref<8192xf32, #tpu.memory_space<vmem>>, vector<16xf32>,
        tpu.vector_store %arg8[%swap3A_1154], %gather3A_1004 {strides = array<i32>} : memref<8192xf32, #tpu.memory_space<vmem>>, vector<16xf32>,
        %add3A_1156 = arith.constant 1024 : i32
        %add3A_1157 = arith.addi %add3A_1156, %mul3A_963 : i32
        %swap3A_1158 = arith.index_cast %add3A_1157 : i32 to index
        %swap3A_1159 = tpu.vector_load %arg8[%swap3A_1158] {strides = array<i32>} : memref<8192xf32, #tpu.memory_space<vmem>>, vector<16xf32>,
        tpu.vector_store %arg8[%swap3A_1158], %gather3A_1009 {strides = array<i32>} : memref<8192xf32, #tpu.memory_space<vmem>>, vector<16xf32>,
        %add3A_1160 = arith.constant 1152 : i32
        %add3A_1161 = arith.addi %add3A_1160, %mul3A_963 : i32
        %swap3A_1162 = arith.index_cast %add3A_1161 : i32 to index
        %swap3A_1163 = tpu.vector_load %arg8[%swap3A_1162] {strides = array<i32>} : memref<8192xf32, #tpu.memory_space<vmem>>, vector<16xf32>,
        tpu.vector_store %arg8[%swap3A_1162], %gather3A_1014 {strides = array<i32>} : memref<8192xf32, #tpu.memory_space<vmem>>, vector<16xf32>,
        %add3A_1164 = arith.constant 1280 : i32
        %add3A_1165 = arith.addi %add3A_1164, %mul3A_963 : i32
        %swap3A_1166 = arith.index_cast %add3A_1165 : i32 to index
        %swap3A_1167 = tpu.vector_load %arg8[%swap3A_1166] {strides = array<i32>} : memref<8192xf32, #tpu.memory_space<vmem>>, vector<16xf32>,
        tpu.vector_store %arg8[%swap3A_1166], %gather3A_1019 {strides = array<i32>} : memref<8192xf32, #tpu.memory_space<vmem>>, vector<16xf32>,
        %add3A_1168 = arith.constant 1408 : i32
        %add3A_1169 = arith.addi %add3A_1168, %mul3A_963 : i32
        %swap3A_1170 = arith.index_cast %add3A_1169 : i32 to index
        %swap3A_1171 = tpu.vector_load %arg8[%swap3A_1170] {strides = array<i32>} : memref<8192xf32, #tpu.memory_space<vmem>>, vector<16xf32>,
        tpu.vector_store %arg8[%swap3A_1170], %gather3A_1024 {strides = array<i32>} : memref<8192xf32, #tpu.memory_space<vmem>>, vector<16xf32>,
        %add3A_1172 = arith.constant 1536 : i32
        %add3A_1173 = arith.addi %add3A_1172, %mul3A_963 : i32
        %swap3A_1174 = arith.index_cast %add3A_1173 : i32 to index
        %swap3A_1175 = tpu.vector_load %arg8[%swap3A_1174] {strides = array<i32>} : memref<8192xf32, #tpu.memory_space<vmem>>, vector<16xf32>,
        tpu.vector_store %arg8[%swap3A_1174], %gather3A_1029 {strides = array<i32>} : memref<8192xf32, #tpu.memory_space<vmem>>, vector<16xf32>,
        %add3A_1176 = arith.constant 1664 : i32
        %add3A_1177 = arith.addi %add3A_1176, %mul3A_963 : i32
        %swap3A_1178 = arith.index_cast %add3A_1177 : i32 to index
        %swap3A_1179 = tpu.vector_load %arg8[%swap3A_1178] {strides = array<i32>} : memref<8192xf32, #tpu.memory_space<vmem>>, vector<16xf32>,
        tpu.vector_store %arg8[%swap3A_1178], %gather3A_1034 {strides = array<i32>} : memref<8192xf32, #tpu.memory_space<vmem>>, vector<16xf32>,
        %add3A_1180 = arith.constant 1792 : i32
        %add3A_1181 = arith.addi %add3A_1180, %mul3A_963 : i32
        %swap3A_1182 = arith.index_cast %add3A_1181 : i32 to index
        %swap3A_1183 = tpu.vector_load %arg8[%swap3A_1182] {strides = array<i32>} : memref<8192xf32, #tpu.memory_space<vmem>>, vector<16xf32>,
        tpu.vector_store %arg8[%swap3A_1182], %gather3A_1039 {strides = array<i32>} : memref<8192xf32, #tpu.memory_space<vmem>>, vector<16xf32>,
        %add3A_1184 = arith.constant 1920 : i32
        %add3A_1185 = arith.addi %add3A_1184, %mul3A_963 : i32
        %swap3A_1186 = arith.index_cast %add3A_1185 : i32 to index
        %swap3A_1187 = tpu.vector_load %arg8[%swap3A_1186] {strides = array<i32>} : memref<8192xf32, #tpu.memory_space<vmem>>, vector<16xf32>,
        tpu.vector_store %arg8[%swap3A_1186], %gather3A_1044 {strides = array<i32>} : memref<8192xf32, #tpu.memory_space<vmem>>, vector<16xf32>,
        %add3A_1188 = arith.constant 2048 : i32
        %add3A_1189 = arith.addi %add3A_1188, %mul3A_963 : i32
        %swap3A_1190 = arith.index_cast %add3A_1189 : i32 to index
        %swap3A_1191 = tpu.vector_load %arg8[%swap3A_1190] {strides = array<i32>} : memref<8192xf32, #tpu.memory_space<vmem>>, vector<16xf32>,
        tpu.vector_store %arg8[%swap3A_1190], %gather3A_1049 {strides = array<i32>} : memref<8192xf32, #tpu.memory_space<vmem>>, vector<16xf32>,
        %add3A_1192 = arith.constant 2176 : i32
        %add3A_1193 = arith.addi %add3A_1192, %mul3A_963 : i32
        %swap3A_1194 = arith.index_cast %add3A_1193 : i32 to index
        %swap3A_1195 = tpu.vector_load %arg8[%swap3A_1194] {strides = array<i32>} : memref<8192xf32, #tpu.memory_space<vmem>>, vector<16xf32>,
        tpu.vector_store %arg8[%swap3A_1194], %gather3A_1054 {strides = array<i32>} : memref<8192xf32, #tpu.memory_space<vmem>>, vector<16xf32>,
        %add3A_1196 = arith.constant 2304 : i32
        %add3A_1197 = arith.addi %add3A_1196, %mul3A_963 : i32
        %swap3A_1198 = arith.index_cast %add3A_1197 : i32 to index
        %swap3A_1199 = tpu.vector_load %arg8[%swap3A_1198] {strides = array<i32>} : memref<8192xf32, #tpu.memory_space<vmem>>, vector<16xf32>,
        tpu.vector_store %arg8[%swap3A_1198], %gather3A_1059 {strides = array<i32>} : memref<8192xf32, #tpu.memory_space<vmem>>, vector<16xf32>,
        %add3A_1200 = arith.constant 2432 : i32
        %add3A_1201 = arith.addi %add3A_1200, %mul3A_963 : i32
        %swap3A_1202 = arith.index_cast %add3A_1201 : i32 to index
        %swap3A_1203 = tpu.vector_load %arg8[%swap3A_1202] {strides = array<i32>} : memref<8192xf32, #tpu.memory_space<vmem>>, vector<16xf32>,
        tpu.vector_store %arg8[%swap3A_1202], %gather3A_1064 {strides = array<i32>} : memref<8192xf32, #tpu.memory_space<vmem>>, vector<16xf32>,
        %add3A_1204 = arith.constant 2560 : i32
        %add3A_1205 = arith.addi %add3A_1204, %mul3A_963 : i32
        %swap3A_1206 = arith.index_cast %add3A_1205 : i32 to index
        %swap3A_1207 = tpu.vector_load %arg8[%swap3A_1206] {strides = array<i32>} : memref<8192xf32, #tpu.memory_space<vmem>>, vector<16xf32>,
        tpu.vector_store %arg8[%swap3A_1206], %gather3A_1069 {strides = array<i32>} : memref<8192xf32, #tpu.memory_space<vmem>>, vector<16xf32>,
        %add3A_1208 = arith.constant 2688 : i32
        %add3A_1209 = arith.addi %add3A_1208, %mul3A_963 : i32
        %swap3A_1210 = arith.index_cast %add3A_1209 : i32 to index
        %swap3A_1211 = tpu.vector_load %arg8[%swap3A_1210] {strides = array<i32>} : memref<8192xf32, #tpu.memory_space<vmem>>, vector<16xf32>,
        tpu.vector_store %arg8[%swap3A_1210], %gather3A_1074 {strides = array<i32>} : memref<8192xf32, #tpu.memory_space<vmem>>, vector<16xf32>,
        %add3A_1212 = arith.constant 2816 : i32
        %add3A_1213 = arith.addi %add3A_1212, %mul3A_963 : i32
        %swap3A_1214 = arith.index_cast %add3A_1213 : i32 to index
        %swap3A_1215 = tpu.vector_load %arg8[%swap3A_1214] {strides = array<i32>} : memref<8192xf32, #tpu.memory_space<vmem>>, vector<16xf32>,
        tpu.vector_store %arg8[%swap3A_1214], %gather3A_1079 {strides = array<i32>} : memref<8192xf32, #tpu.memory_space<vmem>>, vector<16xf32>,
        %add3A_1216 = arith.constant 2944 : i32
        %add3A_1217 = arith.addi %add3A_1216, %mul3A_963 : i32
        %swap3A_1218 = arith.index_cast %add3A_1217 : i32 to index
        %swap3A_1219 = tpu.vector_load %arg8[%swap3A_1218] {strides = array<i32>} : memref<8192xf32, #tpu.memory_space<vmem>>, vector<16xf32>,
        tpu.vector_store %arg8[%swap3A_1218], %gather3A_1084 {strides = array<i32>} : memref<8192xf32, #tpu.memory_space<vmem>>, vector<16xf32>,
        %add3A_1220 = arith.constant 3072 : i32
        %add3A_1221 = arith.addi %add3A_1220, %mul3A_963 : i32
        %swap3A_1222 = arith.index_cast %add3A_1221 : i32 to index
        %swap3A_1223 = tpu.vector_load %arg8[%swap3A_1222] {strides = array<i32>} : memref<8192xf32, #tpu.memory_space<vmem>>, vector<16xf32>,
        tpu.vector_store %arg8[%swap3A_1222], %gather3A_1089 {strides = array<i32>} : memref<8192xf32, #tpu.memory_space<vmem>>, vector<16xf32>,
        %add3A_1224 = arith.constant 3200 : i32
        %add3A_1225 = arith.addi %add3A_1224, %mul3A_963 : i32
        %swap3A_1226 = arith.index_cast %add3A_1225 : i32 to index
        %swap3A_1227 = tpu.vector_load %arg8[%swap3A_1226] {strides = array<i32>} : memref<8192xf32, #tpu.memory_space<vmem>>, vector<16xf32>,
        tpu.vector_store %arg8[%swap3A_1226], %gather3A_1094 {strides = array<i32>} : memref<8192xf32, #tpu.memory_space<vmem>>, vector<16xf32>,
        %add3A_1228 = arith.constant 3328 : i32
        %add3A_1229 = arith.addi %add3A_1228, %mul3A_963 : i32
        %swap3A_1230 = arith.index_cast %add3A_1229 : i32 to index
        %swap3A_1231 = tpu.vector_load %arg8[%swap3A_1230] {strides = array<i32>} : memref<8192xf32, #tpu.memory_space<vmem>>, vector<16xf32>,
        tpu.vector_store %arg8[%swap3A_1230], %gather3A_1099 {strides = array<i32>} : memref<8192xf32, #tpu.memory_space<vmem>>, vector<16xf32>,
        %add3A_1232 = arith.constant 3456 : i32
        %add3A_1233 = arith.addi %add3A_1232, %mul3A_963 : i32
        %swap3A_1234 = arith.index_cast %add3A_1233 : i32 to index
        %swap3A_1235 = tpu.vector_load %arg8[%swap3A_1234] {strides = array<i32>} : memref<8192xf32, #tpu.memory_space<vmem>>, vector<16xf32>,
        tpu.vector_store %arg8[%swap3A_1234], %gather3A_1104 {strides = array<i32>} : memref<8192xf32, #tpu.memory_space<vmem>>, vector<16xf32>,
        %add3A_1236 = arith.constant 3584 : i32
        %add3A_1237 = arith.addi %add3A_1236, %mul3A_963 : i32
        %swap3A_1238 = arith.index_cast %add3A_1237 : i32 to index
        %swap3A_1239 = tpu.vector_load %arg8[%swap3A_1238] {strides = array<i32>} : memref<8192xf32, #tpu.memory_space<vmem>>, vector<16xf32>,
        tpu.vector_store %arg8[%swap3A_1238], %gather3A_1109 {strides = array<i32>} : memref<8192xf32, #tpu.memory_space<vmem>>, vector<16xf32>,
        %add3A_1240 = arith.constant 3712 : i32
        %add3A_1241 = arith.addi %add3A_1240, %mul3A_963 : i32
        %swap3A_1242 = arith.index_cast %add3A_1241 : i32 to index
        %swap3A_1243 = tpu.vector_load %arg8[%swap3A_1242] {strides = array<i32>} : memref<8192xf32, #tpu.memory_space<vmem>>, vector<16xf32>,
        tpu.vector_store %arg8[%swap3A_1242], %gather3A_1114 {strides = array<i32>} : memref<8192xf32, #tpu.memory_space<vmem>>, vector<16xf32>,
        %add3A_1244 = arith.constant 3840 : i32
        %add3A_1245 = arith.addi %add3A_1244, %mul3A_963 : i32
        %swap3A_1246 = arith.index_cast %add3A_1245 : i32 to index
        %swap3A_1247 = tpu.vector_load %arg8[%swap3A_1246] {strides = array<i32>} : memref<8192xf32, #tpu.memory_space<vmem>>, vector<16xf32>,
        tpu.vector_store %arg8[%swap3A_1246], %gather3A_1119 {strides = array<i32>} : memref<8192xf32, #tpu.memory_space<vmem>>, vector<16xf32>,
        %add3A_1248 = arith.constant 3968 : i32
        %add3A_1249 = arith.addi %add3A_1248, %mul3A_963 : i32
        %swap3A_1250 = arith.index_cast %add3A_1249 : i32 to index
        %swap3A_1251 = tpu.vector_load %arg8[%swap3A_1250] {strides = array<i32>} : memref<8192xf32, #tpu.memory_space<vmem>>, vector<16xf32>,
        tpu.vector_store %arg8[%swap3A_1250], %gather3A_1124 {strides = array<i32>} : memref<8192xf32, #tpu.memory_space<vmem>>, vector<16xf32>,
      }
      %scan3A_667 = arith.constant 8 : i32
      %barrier3A_668 = arith.constant 0 : index
      tpu.barrier barrier_id(%barrier3A_668)
      %add3A_669 = arith.constant 2 : i32
      %add3A_670 = arith.addi %add3A_571, %add3A_669 : i32
      %mul3A_671 = arith.constant 128 : i32
      %mul3A_672 = arith.muli %add3A_670, %mul3A_671 : i32
      %dma_start3A_673 = arith.constant 0 : i32
      %dma_start3A_674 = arith.constant 0 : i32
      %dma_start3A_675 = arith.constant 0 : i32
      %dma_start3A_676 = tpu.memref_slice %arg7[%dma_start3A_673, %dma_start3A_674, %dma_start3A_675] : memref<2x128x32xf32, #tpu.memory_space<vmem>> -> memref<1x128x32xf32, #tpu.memory_space<vmem>>
      %dma_start3A_677 = tpu.memref_squeeze %dma_start3A_676 : memref<1x128x32xf32, #tpu.memory_space<vmem>> -> memref<128x32xf32, #tpu.memory_space<vmem>>
      %dma_start3A_678 = tpu.memref_slice %arg6[%mul3A_672] : memref<25600xi32, #tpu.memory_space<vmem>> -> memref<128xi32, #tpu.memory_space<vmem>>
      %dma_start3A_679 = arith.constant 0 : i32
      %dma_start3A_680 = arith.constant 0 : i32
      %dma_start3A_681 = tpu.memref_slice %arg3[%dma_start3A_679, %dma_start3A_680] : memref<1000000x32xf32, #tpu.memory_space<hbm>> -> memref<1000000x32xf32, #tpu.memory_space<hbm>>
      tpu.enqueue_indirect_dma source(%dma_start3A_681 : memref<1000000x32xf32, #tpu.memory_space<hbm>>) target(%dma_start3A_677 : memref<128x32xf32, #tpu.memory_space<vmem>>) offsets(%dma_start3A_678 : memref<128xi32, #tpu.memory_space<vmem>>) semaphore(%arg9 : memref<!tpu.dma_semaphore, #tpu.memory_space<semaphore_mem>>)
      %shift_right_arithmetic3A_682 = arith.constant 2 : i32
      %shift_right_arithmetic3A_683 = arith.shrsi %add3A_571, %shift_right_arithmetic3A_682 : i32
      %mul3A_684 = arith.constant 524288 : i32
      %mul3A_685 = arith.muli %shift_right_arithmetic3A_683, %mul3A_684 : i32
      %add3A_686 = arith.constant 0 : i32
      %add3A_687 = arith.addi %mul3A_685, %add3A_686 : i32
      %mul3A_688 = arith.constant 4096 : i32
      %mul3A_689 = arith.muli %add3A, %mul3A_688 : i32
      %add3A_690 = arith.addi %add3A_687, %mul3A_689 : i32
      %and3A_691 = arith.constant 3 : i32
      %and3A_692 = arith.andi %add3A_571, %and3A_691 : i32
      %mul3A_693 = arith.constant 1024 : i32
      %mul3A_694 = arith.muli %and3A_692, %mul3A_693 : i32
      %add3A_695 = arith.addi %add3A_690, %mul3A_694 : i32
      %dma_start3A_696 = arith.constant 0 : i32
      %dma_start3A_697 = tpu.memref_slice %arg8[%dma_start3A_696] : memref<8192xf32, #tpu.memory_space<vmem>> -> memref<1024xf32, #tpu.memory_space<vmem>>
      %dma_start3A_698 = tpu.memref_slice %arg4[%add3A_695] : memref<26214400xf32, #tpu.memory_space<hbm>> -> memref<1024xf32, #tpu.memory_space<hbm>>
      %dma_start3A_699 = tpu.memref_slice %arg4[%add3A_695] : memref<26214400xf32, #tpu.memory_space<hbm>> -> memref<1024xf32, #tpu.memory_space<hbm>>
      %dma_start3A_700 = arith.constant 0 : i32
      %dma_start3A_701 = tpu.memref_slice %arg8[%dma_start3A_700] : memref<8192xf32, #tpu.memory_space<vmem>> -> memref<1024xf32, #tpu.memory_space<vmem>>
      tpu.enqueue_dma source(%dma_start3A_701 : memref<1024xf32, #tpu.memory_space<vmem>>) target(%dma_start3A_699 : memref<1024xf32, #tpu.memory_space<hbm>>) target_semaphore(%arg11 : memref<!tpu.dma_semaphore, #tpu.memory_space<semaphore_mem>>)
      %shift_right_arithmetic3A_702 = arith.constant 2 : i32
      %shift_right_arithmetic3A_703 = arith.shrsi %add3A_571, %shift_right_arithmetic3A_702 : i32
      %mul3A_704 = arith.constant 524288 : i32
      %mul3A_705 = arith.muli %shift_right_arithmetic3A_703, %mul3A_704 : i32
      %add3A_706 = arith.constant 131072 : i32
      %add3A_707 = arith.addi %mul3A_705, %add3A_706 : i32
      %mul3A_708 = arith.constant 4096 : i32
      %mul3A_709 = arith.muli %add3A, %mul3A_708 : i32
      %add3A_710 = arith.addi %add3A_707, %mul3A_709 : i32
      %and3A_711 = arith.constant 3 : i32
      %and3A_712 = arith.andi %add3A_571, %and3A_711 : i32
      %mul3A_713 = arith.constant 1024 : i32
      %mul3A_714 = arith.muli %and3A_712, %mul3A_713 : i32
      %add3A_715 = arith.addi %add3A_710, %mul3A_714 : i32
      %dma_start3A_716 = arith.constant 1024 : i32
      %dma_start3A_717 = tpu.memref_slice %arg8[%dma_start3A_716] : memref<8192xf32, #tpu.memory_space<vmem>> -> memref<1024xf32, #tpu.memory_space<vmem>>
      %dma_start3A_718 = tpu.memref_slice %arg4[%add3A_715] : memref<26214400xf32, #tpu.memory_space<hbm>> -> memref<1024xf32, #tpu.memory_space<hbm>>
      %dma_start3A_719 = tpu.memref_slice %arg4[%add3A_715] : memref<26214400xf32, #tpu.memory_space<hbm>> -> memref<1024xf32, #tpu.memory_space<hbm>>
      %dma_start3A_720 = arith.constant 1024 : i32
      %dma_start3A_721 = tpu.memref_slice %arg8[%dma_start3A_720] : memref<8192xf32, #tpu.memory_space<vmem>> -> memref<1024xf32, #tpu.memory_space<vmem>>
      tpu.enqueue_dma source(%dma_start3A_721 : memref<1024xf32, #tpu.memory_space<vmem>>) target(%dma_start3A_719 : memref<1024xf32, #tpu.memory_space<hbm>>) target_semaphore(%arg11 : memref<!tpu.dma_semaphore, #tpu.memory_space<semaphore_mem>>)
      %shift_right_arithmetic3A_722 = arith.constant 2 : i32
      %shift_right_arithmetic3A_723 = arith.shrsi %add3A_571, %shift_right_arithmetic3A_722 : i32
      %mul3A_724 = arith.constant 524288 : i32
      %mul3A_725 = arith.muli %shift_right_arithmetic3A_723, %mul3A_724 : i32
      %add3A_726 = arith.constant 262144 : i32
      %add3A_727 = arith.addi %mul3A_725, %add3A_726 : i32
      %mul3A_728 = arith.constant 4096 : i32
      %mul3A_729 = arith.muli %add3A, %mul3A_728 : i32
      %add3A_730 = arith.addi %add3A_727, %mul3A_729 : i32
      %and3A_731 = arith.constant 3 : i32
      %and3A_732 = arith.andi %add3A_571, %and3A_731 : i32
      %mul3A_733 = arith.constant 1024 : i32
      %mul3A_734 = arith.muli %and3A_732, %mul3A_733 : i32
      %add3A_735 = arith.addi %add3A_730, %mul3A_734 : i32
      %dma_start3A_736 = arith.constant 2048 : i32
      %dma_start3A_737 = tpu.memref_slice %arg8[%dma_start3A_736] : memref<8192xf32, #tpu.memory_space<vmem>> -> memref<1024xf32, #tpu.memory_space<vmem>>
      %dma_start3A_738 = tpu.memref_slice %arg4[%add3A_735] : memref<26214400xf32, #tpu.memory_space<hbm>> -> memref<1024xf32, #tpu.memory_space<hbm>>
      %dma_start3A_739 = tpu.memref_slice %arg4[%add3A_735] : memref<26214400xf32, #tpu.memory_space<hbm>> -> memref<1024xf32, #tpu.memory_space<hbm>>
      %dma_start3A_740 = arith.constant 2048 : i32
      %dma_start3A_741 = tpu.memref_slice %arg8[%dma_start3A_740] : memref<8192xf32, #tpu.memory_space<vmem>> -> memref<1024xf32, #tpu.memory_space<vmem>>
      tpu.enqueue_dma source(%dma_start3A_741 : memref<1024xf32, #tpu.memory_space<vmem>>) target(%dma_start3A_739 : memref<1024xf32, #tpu.memory_space<hbm>>) target_semaphore(%arg11 : memref<!tpu.dma_semaphore, #tpu.memory_space<semaphore_mem>>)
      %shift_right_arithmetic3A_742 = arith.constant 2 : i32
      %shift_right_arithmetic3A_743 = arith.shrsi %add3A_571, %shift_right_arithmetic3A_742 : i32
      %mul3A_744 = arith.constant 524288 : i32
      %mul3A_745 = arith.muli %shift_right_arithmetic3A_743, %mul3A_744 : i32
      %add3A_746 = arith.constant 393216 : i32
      %add3A_747 = arith.addi %mul3A_745, %add3A_746 : i32
      %mul3A_748 = arith.constant 4096 : i32
      %mul3A_749 = arith.muli %add3A, %mul3A_748 : i32
      %add3A_750 = arith.addi %add3A_747, %mul3A_749 : i32
      %and3A_751 = arith.constant 3 : i32
      %and3A_752 = arith.andi %add3A_571, %and3A_751 : i32
      %mul3A_753 = arith.constant 1024 : i32
      %mul3A_754 = arith.muli %and3A_752, %mul3A_753 : i32
      %add3A_755 = arith.addi %add3A_750, %mul3A_754 : i32
      %dma_start3A_756 = arith.constant 3072 : i32
      %dma_start3A_757 = tpu.memref_slice %arg8[%dma_start3A_756] : memref<8192xf32, #tpu.memory_space<vmem>> -> memref<1024xf32, #tpu.memory_space<vmem>>
      %dma_start3A_758 = tpu.memref_slice %arg4[%add3A_755] : memref<26214400xf32, #tpu.memory_space<hbm>> -> memref<1024xf32, #tpu.memory_space<hbm>>
      %dma_start3A_759 = tpu.memref_slice %arg4[%add3A_755] : memref<26214400xf32, #tpu.memory_space<hbm>> -> memref<1024xf32, #tpu.memory_space<hbm>>
      %dma_start3A_760 = arith.constant 3072 : i32
      %dma_start3A_761 = tpu.memref_slice %arg8[%dma_start3A_760] : memref<8192xf32, #tpu.memory_space<vmem>> -> memref<1024xf32, #tpu.memory_space<vmem>>
      tpu.enqueue_dma source(%dma_start3A_761 : memref<1024xf32, #tpu.memory_space<vmem>>) target(%dma_start3A_759 : memref<1024xf32, #tpu.memory_space<hbm>>) target_semaphore(%arg11 : memref<!tpu.dma_semaphore, #tpu.memory_space<semaphore_mem>>)
      %add3A_762 = arith.constant 1 : i32
      %add3A_763 = arith.addi %add3A_569, %add3A_762 : i32
      %mul3A_764 = arith.constant 128 : i32
      %mul3A_765 = arith.muli %add3A_763, %mul3A_764 : i32
      %dma_wait3A_766 = arith.constant 1 : i32
      %dma_wait3A_767 = arith.constant 0 : i32
      %dma_wait3A_768 = arith.constant 0 : i32
      %dma_wait3A_769 = tpu.memref_slice %arg7[%dma_wait3A_766, %dma_wait3A_767, %dma_wait3A_768] : memref<2x128x32xf32, #tpu.memory_space<vmem>> -> memref<1x128x32xf32, #tpu.memory_space<vmem>>
      %dma_wait3A_770 = tpu.memref_squeeze %dma_wait3A_769 : memref<1x128x32xf32, #tpu.memory_space<vmem>> -> memref<128x32xf32, #tpu.memory_space<vmem>>
      %dma_wait3A_771 = tpu.memref_slice %arg6[%mul3A_765] : memref<25600xi32, #tpu.memory_space<vmem>> -> memref<128xi32, #tpu.memory_space<vmem>>
      %dma_wait3A_772 = arith.constant 0 : i32
      %dma_wait3A_773 = arith.constant 0 : i32
      %dma_wait3A_774 = tpu.memref_slice %arg3[%dma_wait3A_772, %dma_wait3A_773] : memref<1000000x32xf32, #tpu.memory_space<hbm>> -> memref<1000000x32xf32, #tpu.memory_space<hbm>>
      tpu.wait_indirect_dma semaphore(%arg10 : memref<!tpu.dma_semaphore, #tpu.memory_space<semaphore_mem>>) src(%dma_wait3A_774 : memref<1000000x32xf32, #tpu.memory_space<hbm>>) dst(%dma_wait3A_770 : memref<128x32xf32, #tpu.memory_space<vmem>>)
      %sub3A_775 = arith.constant 2 : i32
      %sub3A_776 = arith.subi %add3A_763, %sub3A_775 : i32
      %shift_right_arithmetic3A_777 = arith.constant 2 : i32
      %shift_right_arithmetic3A_778 = arith.shrsi %sub3A_776, %shift_right_arithmetic3A_777 : i32
      %mul3A_779 = arith.constant 524288 : i32
      %mul3A_780 = arith.muli %shift_right_arithmetic3A_778, %mul3A_779 : i32
      %add3A_781 = arith.constant 0 : i32
      %add3A_782 = arith.addi %mul3A_780, %add3A_781 : i32
      %mul3A_783 = arith.constant 4096 : i32
      %mul3A_784 = arith.muli %add3A, %mul3A_783 : i32
      %add3A_785 = arith.addi %add3A_782, %mul3A_784 : i32
      %and3A_786 = arith.constant 3 : i32
      %and3A_787 = arith.andi %sub3A_776, %and3A_786 : i32
      %mul3A_788 = arith.constant 1024 : i32
      %mul3A_789 = arith.muli %and3A_787, %mul3A_788 : i32
      %add3A_790 = arith.addi %add3A_785, %mul3A_789 : i32
      %dma_wait3A_791 = arith.constant 4096 : i32
      %dma_wait3A_792 = tpu.memref_slice %arg8[%dma_wait3A_791] : memref<8192xf32, #tpu.memory_space<vmem>> -> memref<1024xf32, #tpu.memory_space<vmem>>
      %dma_wait3A_793 = tpu.memref_slice %arg4[%add3A_790] : memref<26214400xf32, #tpu.memory_space<hbm>> -> memref<1024xf32, #tpu.memory_space<hbm>>
      %dma_wait3A_794 = tpu.memref_slice %arg4[%add3A_790] : memref<26214400xf32, #tpu.memory_space<hbm>> -> memref<1024xf32, #tpu.memory_space<hbm>>
      %dma_wait3A_795 = arith.constant 4096 : i32
      %dma_wait3A_796 = tpu.memref_slice %arg8[%dma_wait3A_795] : memref<8192xf32, #tpu.memory_space<vmem>> -> memref<1024xf32, #tpu.memory_space<vmem>>
      tpu.wait_dma2 semaphore(%arg12 : memref<!tpu.dma_semaphore, #tpu.memory_space<semaphore_mem>>) src(%dma_wait3A_796 : memref<1024xf32, #tpu.memory_space<vmem>>) dst(%dma_wait3A_794 : memref<1024xf32, #tpu.memory_space<hbm>>)
      %shift_right_arithmetic3A_797 = arith.constant 2 : i32
      %shift_right_arithmetic3A_798 = arith.shrsi %sub3A_776, %shift_right_arithmetic3A_797 : i32
      %mul3A_799 = arith.constant 524288 : i32
      %mul3A_800 = arith.muli %shift_right_arithmetic3A_798, %mul3A_799 : i32
      %add3A_801 = arith.constant 131072 : i32
      %add3A_802 = arith.addi %mul3A_800, %add3A_801 : i32
      %mul3A_803 = arith.constant 4096 : i32
      %mul3A_804 = arith.muli %add3A, %mul3A_803 : i32
      %add3A_805 = arith.addi %add3A_802, %mul3A_804 : i32
      %and3A_806 = arith.constant 3 : i32
      %and3A_807 = arith.andi %sub3A_776, %and3A_806 : i32
      %mul3A_808 = arith.constant 1024 : i32
      %mul3A_809 = arith.muli %and3A_807, %mul3A_808 : i32
      %add3A_810 = arith.addi %add3A_805, %mul3A_809 : i32
      %dma_wait3A_811 = arith.constant 5120 : i32
      %dma_wait3A_812 = tpu.memref_slice %arg8[%dma_wait3A_811] : memref<8192xf32, #tpu.memory_space<vmem>> -> memref<1024xf32, #tpu.memory_space<vmem>>
      %dma_wait3A_813 = tpu.memref_slice %arg4[%add3A_810] : memref<26214400xf32, #tpu.memory_space<hbm>> -> memref<1024xf32, #tpu.memory_space<hbm>>
      %dma_wait3A_814 = tpu.memref_slice %arg4[%add3A_810] : memref<26214400xf32, #tpu.memory_space<hbm>> -> memref<1024xf32, #tpu.memory_space<hbm>>
      %dma_wait3A_815 = arith.constant 5120 : i32
      %dma_wait3A_816 = tpu.memref_slice %arg8[%dma_wait3A_815] : memref<8192xf32, #tpu.memory_space<vmem>> -> memref<1024xf32, #tpu.memory_space<vmem>>
      tpu.wait_dma2 semaphore(%arg12 : memref<!tpu.dma_semaphore, #tpu.memory_space<semaphore_mem>>) src(%dma_wait3A_816 : memref<1024xf32, #tpu.memory_space<vmem>>) dst(%dma_wait3A_814 : memref<1024xf32, #tpu.memory_space<hbm>>)
      %shift_right_arithmetic3A_817 = arith.constant 2 : i32
      %shift_right_arithmetic3A_818 = arith.shrsi %sub3A_776, %shift_right_arithmetic3A_817 : i32
      %mul3A_819 = arith.constant 524288 : i32
      %mul3A_820 = arith.muli %shift_right_arithmetic3A_818, %mul3A_819 : i32
      %add3A_821 = arith.constant 262144 : i32
      %add3A_822 = arith.addi %mul3A_820, %add3A_821 : i32
      %mul3A_823 = arith.constant 4096 : i32
      %mul3A_824 = arith.muli %add3A, %mul3A_823 : i32
      %add3A_825 = arith.addi %add3A_822, %mul3A_824 : i32
      %and3A_826 = arith.constant 3 : i32
      %and3A_827 = arith.andi %sub3A_776, %and3A_826 : i32
      %mul3A_828 = arith.constant 1024 : i32
      %mul3A_829 = arith.muli %and3A_827, %mul3A_828 : i32
      %add3A_830 = arith.addi %add3A_825, %mul3A_829 : i32
      %dma_wait3A_831 = arith.constant 6144 : i32
      %dma_wait3A_832 = tpu.memref_slice %arg8[%dma_wait3A_831] : memref<8192xf32, #tpu.memory_space<vmem>> -> memref<1024xf32, #tpu.memory_space<vmem>>
      %dma_wait3A_833 = tpu.memref_slice %arg4[%add3A_830] : memref<26214400xf32, #tpu.memory_space<hbm>> -> memref<1024xf32, #tpu.memory_space<hbm>>
      %dma_wait3A_834 = tpu.memref_slice %arg4[%add3A_830] : memref<26214400xf32, #tpu.memory_space<hbm>> -> memref<1024xf32, #tpu.memory_space<hbm>>
      %dma_wait3A_835 = arith.constant 6144 : i32
      %dma_wait3A_836 = tpu.memref_slice %arg8[%dma_wait3A_835] : memref<8192xf32, #tpu.memory_space<vmem>> -> memref<1024xf32, #tpu.memory_space<vmem>>
      tpu.wait_dma2 semaphore(%arg12 : memref<!tpu.dma_semaphore, #tpu.memory_space<semaphore_mem>>) src(%dma_wait3A_836 : memref<1024xf32, #tpu.memory_space<vmem>>) dst(%dma_wait3A_834 : memref<1024xf32, #tpu.memory_space<hbm>>)
      %shift_right_arithmetic3A_837 = arith.constant 2 : i32
      %shift_right_arithmetic3A_838 = arith.shrsi %sub3A_776, %shift_right_arithmetic3A_837 : i32
      %mul3A_839 = arith.constant 524288 : i32
      %mul3A_840 = arith.muli %shift_right_arithmetic3A_838, %mul3A_839 : i32
      %add3A_841 = arith.constant 393216 : i32
      %add3A_842 = arith.addi %mul3A_840, %add3A_841 : i32
      %mul3A_843 = arith.constant 4096 : i32
      %mul3A_844 = arith.muli %add3A, %mul3A_843 : i32
      %add3A_845 = arith.addi %add3A_842, %mul3A_844 : i32
      %and3A_846 = arith.constant 3 : i32
      %and3A_847 = arith.andi %sub3A_776, %and3A_846 : i32
      %mul3A_848 = arith.constant 1024 : i32
      %mul3A_849 = arith.muli %and3A_847, %mul3A_848 : i32
      %add3A_850 = arith.addi %add3A_845, %mul3A_849 : i32
      %dma_wait3A_851 = arith.constant 7168 : i32
      %dma_wait3A_852 = tpu.memref_slice %arg8[%dma_wait3A_851] : memref<8192xf32, #tpu.memory_space<vmem>> -> memref<1024xf32, #tpu.memory_space<vmem>>
      %dma_wait3A_853 = tpu.memref_slice %arg4[%add3A_850] : memref<26214400xf32, #tpu.memory_space<hbm>> -> memref<1024xf32, #tpu.memory_space<hbm>>
      %dma_wait3A_854 = tpu.memref_slice %arg4[%add3A_850] : memref<26214400xf32, #tpu.memory_space<hbm>> -> memref<1024xf32, #tpu.memory_space<hbm>>
      %dma_wait3A_855 = arith.constant 7168 : i32
      %dma_wait3A_856 = tpu.memref_slice %arg8[%dma_wait3A_855] : memref<8192xf32, #tpu.memory_space<vmem>> -> memref<1024xf32, #tpu.memory_space<vmem>>
      tpu.wait_dma2 semaphore(%arg12 : memref<!tpu.dma_semaphore, #tpu.memory_space<semaphore_mem>>) src(%dma_wait3A_856 : memref<1024xf32, #tpu.memory_space<vmem>>) dst(%dma_wait3A_854 : memref<1024xf32, #tpu.memory_space<hbm>>)
      %scan3A_857 = arith.constant 1 : i32
      %scan3A_858 = arith.constant 0 : i32
      %scan3A_859 = arith.constant 8 : i32
      %scan3A_860 = arith.addi %scan3A_858, %scan3A_859 : i32
      %scan3A_861 = arith.constant 1 : i32
      scf.for %scan3A_957 = %scan3A_858 to %scan3A_860 step %scan3A_861  : i32 {
        %mul3A_958 = arith.constant 1 : i32
        %mul3A_959 = arith.muli %scan3A_957, %mul3A_958 : i32
        %add3A_960 = arith.constant 0 : i32
        %add3A_961 = arith.addi %add3A_960, %mul3A_959 : i32
        %mul3A_962 = arith.constant 16 : i32
        %mul3A_963 = arith.muli %add3A_961, %mul3A_962 : i32
        %add3A_964 = vector.broadcast %mul3A_963 : i32 to vector<16xi32>
        %add3A_965 = arith.addi %add3A_964, %iota3A : vector<16xi32>
        %gather3A = arith.constant 0 : i32
        %gather3A_966 = arith.constant 0 : i32
        %gather3A_967 = tpu.memref_slice %arg7[%scan3A_857, %gather3A, %gather3A_966] : memref<2x128x32xf32, #tpu.memory_space<vmem>> -> memref<1x128x32xf32, #tpu.memory_space<vmem>>
        %gather3A_968 = tpu.memref_squeeze %gather3A_967 : memref<1x128x32xf32, #tpu.memory_space<vmem>> -> memref<128x32xf32, #tpu.memory_space<vmem>>
        %gather3A_969 = tpu.vector_load_idx %gather3A_968[%add3A_965, %broadcast_in_dim3A_3] : memref<128x32xf32, #tpu.memory_space<vmem>>[vector<16xi32>, vector<16xi32>], vector<16xf32>,
        %gather3A_970 = arith.constant 0 : i32
        %gather3A_971 = arith.constant 0 : i32
        %gather3A_972 = tpu.memref_slice %arg7[%scan3A_857, %gather3A_970, %gather3A_971] : memref<2x128x32xf32, #tpu.memory_space<vmem>> -> memref<1x128x32xf32, #tpu.memory_space<vmem>>
        %gather3A_973 = tpu.memref_squeeze %gather3A_972 : memref<1x128x32xf32, #tpu.memory_space<vmem>> -> memref<128x32xf32, #tpu.memory_space<vmem>>
        %gather3A_974 = tpu.vector_load_idx %gather3A_973[%add3A_965, %broadcast_in_dim3A_5] : memref<128x32xf32, #tpu.memory_space<vmem>>[vector<16xi32>, vector<16xi32>], vector<16xf32>,
        %gather3A_975 = arith.constant 0 : i32
        %gather3A_976 = arith.constant 0 : i32
        %gather3A_977 = tpu.memref_slice %arg7[%scan3A_857, %gather3A_975, %gather3A_976] : memref<2x128x32xf32, #tpu.memory_space<vmem>> -> memref<1x128x32xf32, #tpu.memory_space<vmem>>
        %gather3A_978 = tpu.memref_squeeze %gather3A_977 : memref<1x128x32xf32, #tpu.memory_space<vmem>> -> memref<128x32xf32, #tpu.memory_space<vmem>>
        %gather3A_979 = tpu.vector_load_idx %gather3A_978[%add3A_965, %broadcast_in_dim3A_7] : memref<128x32xf32, #tpu.memory_space<vmem>>[vector<16xi32>, vector<16xi32>], vector<16xf32>,
        %gather3A_980 = arith.constant 0 : i32
        %gather3A_981 = arith.constant 0 : i32
        %gather3A_982 = tpu.memref_slice %arg7[%scan3A_857, %gather3A_980, %gather3A_981] : memref<2x128x32xf32, #tpu.memory_space<vmem>> -> memref<1x128x32xf32, #tpu.memory_space<vmem>>
        %gather3A_983 = tpu.memref_squeeze %gather3A_982 : memref<1x128x32xf32, #tpu.memory_space<vmem>> -> memref<128x32xf32, #tpu.memory_space<vmem>>
        %gather3A_984 = tpu.vector_load_idx %gather3A_983[%add3A_965, %broadcast_in_dim3A_9] : memref<128x32xf32, #tpu.memory_space<vmem>>[vector<16xi32>, vector<16xi32>], vector<16xf32>,
        %gather3A_985 = arith.constant 0 : i32
        %gather3A_986 = arith.constant 0 : i32
        %gather3A_987 = tpu.memref_slice %arg7[%scan3A_857, %gather3A_985, %gather3A_986] : memref<2x128x32xf32, #tpu.memory_space<vmem>> -> memref<1x128x32xf32, #tpu.memory_space<vmem>>
        %gather3A_988 = tpu.memref_squeeze %gather3A_987 : memref<1x128x32xf32, #tpu.memory_space<vmem>> -> memref<128x32xf32, #tpu.memory_space<vmem>>
        %gather3A_989 = tpu.vector_load_idx %gather3A_988[%add3A_965, %broadcast_in_dim3A_11] : memref<128x32xf32, #tpu.memory_space<vmem>>[vector<16xi32>, vector<16xi32>], vector<16xf32>,
        %gather3A_990 = arith.constant 0 : i32
        %gather3A_991 = arith.constant 0 : i32
        %gather3A_992 = tpu.memref_slice %arg7[%scan3A_857, %gather3A_990, %gather3A_991] : memref<2x128x32xf32, #tpu.memory_space<vmem>> -> memref<1x128x32xf32, #tpu.memory_space<vmem>>
        %gather3A_993 = tpu.memref_squeeze %gather3A_992 : memref<1x128x32xf32, #tpu.memory_space<vmem>> -> memref<128x32xf32, #tpu.memory_space<vmem>>
        %gather3A_994 = tpu.vector_load_idx %gather3A_993[%add3A_965, %broadcast_in_dim3A_13] : memref<128x32xf32, #tpu.memory_space<vmem>>[vector<16xi32>, vector<16xi32>], vector<16xf32>,
        %gather3A_995 = arith.constant 0 : i32
        %gather3A_996 = arith.constant 0 : i32
        %gather3A_997 = tpu.memref_slice %arg7[%scan3A_857, %gather3A_995, %gather3A_996] : memref<2x128x32xf32, #tpu.memory_space<vmem>> -> memref<1x128x32xf32, #tpu.memory_space<vmem>>
        %gather3A_998 = tpu.memref_squeeze %gather3A_997 : memref<1x128x32xf32, #tpu.memory_space<vmem>> -> memref<128x32xf32, #tpu.memory_space<vmem>>
        %gather3A_999 = tpu.vector_load_idx %gather3A_998[%add3A_965, %broadcast_in_dim3A_15] : memref<128x32xf32, #tpu.memory_space<vmem>>[vector<16xi32>, vector<16xi32>], vector<16xf32>,
        %gather3A_1000 = arith.constant 0 : i32
        %gather3A_1001 = arith.constant 0 : i32
        %gather3A_1002 = tpu.memref_slice %arg7[%scan3A_857, %gather3A_1000, %gather3A_1001] : memref<2x128x32xf32, #tpu.memory_space<vmem>> -> memref<1x128x32xf32, #tpu.memory_space<vmem>>
        %gather3A_1003 = tpu.memref_squeeze %gather3A_1002 : memref<1x128x32xf32, #tpu.memory_space<vmem>> -> memref<128x32xf32, #tpu.memory_space<vmem>>
        %gather3A_1004 = tpu.vector_load_idx %gather3A_1003[%add3A_965, %broadcast_in_dim3A_17] : memref<128x32xf32, #tpu.memory_space<vmem>>[vector<16xi32>, vector<16xi32>], vector<16xf32>,
        %gather3A_1005 = arith.constant 0 : i32
        %gather3A_1006 = arith.constant 0 : i32
        %gather3A_1007 = tpu.memref_slice %arg7[%scan3A_857, %gather3A_1005, %gather3A_1006] : memref<2x128x32xf32, #tpu.memory_space<vmem>> -> memref<1x128x32xf32, #tpu.memory_space<vmem>>
        %gather3A_1008 = tpu.memref_squeeze %gather3A_1007 : memref<1x128x32xf32, #tpu.memory_space<vmem>> -> memref<128x32xf32, #tpu.memory_space<vmem>>
        %gather3A_1009 = tpu.vector_load_idx %gather3A_1008[%add3A_965, %broadcast_in_dim3A_19] : memref<128x32xf32, #tpu.memory_space<vmem>>[vector<16xi32>, vector<16xi32>], vector<16xf32>,
        %gather3A_1010 = arith.constant 0 : i32
        %gather3A_1011 = arith.constant 0 : i32
        %gather3A_1012 = tpu.memref_slice %arg7[%scan3A_857, %gather3A_1010, %gather3A_1011] : memref<2x128x32xf32, #tpu.memory_space<vmem>> -> memref<1x128x32xf32, #tpu.memory_space<vmem>>
        %gather3A_1013 = tpu.memref_squeeze %gather3A_1012 : memref<1x128x32xf32, #tpu.memory_space<vmem>> -> memref<128x32xf32, #tpu.memory_space<vmem>>
        %gather3A_1014 = tpu.vector_load_idx %gather3A_1013[%add3A_965, %broadcast_in_dim3A_21] : memref<128x32xf32, #tpu.memory_space<vmem>>[vector<16xi32>, vector<16xi32>], vector<16xf32>,
        %gather3A_1015 = arith.constant 0 : i32
        %gather3A_1016 = arith.constant 0 : i32
        %gather3A_1017 = tpu.memref_slice %arg7[%scan3A_857, %gather3A_1015, %gather3A_1016] : memref<2x128x32xf32, #tpu.memory_space<vmem>> -> memref<1x128x32xf32, #tpu.memory_space<vmem>>
        %gather3A_1018 = tpu.memref_squeeze %gather3A_1017 : memref<1x128x32xf32, #tpu.memory_space<vmem>> -> memref<128x32xf32, #tpu.memory_space<vmem>>
        %gather3A_1019 = tpu.vector_load_idx %gather3A_1018[%add3A_965, %broadcast_in_dim3A_23] : memref<128x32xf32, #tpu.memory_space<vmem>>[vector<16xi32>, vector<16xi32>], vector<16xf32>,
        %gather3A_1020 = arith.constant 0 : i32
        %gather3A_1021 = arith.constant 0 : i32
        %gather3A_1022 = tpu.memref_slice %arg7[%scan3A_857, %gather3A_1020, %gather3A_1021] : memref<2x128x32xf32, #tpu.memory_space<vmem>> -> memref<1x128x32xf32, #tpu.memory_space<vmem>>
        %gather3A_1023 = tpu.memref_squeeze %gather3A_1022 : memref<1x128x32xf32, #tpu.memory_space<vmem>> -> memref<128x32xf32, #tpu.memory_space<vmem>>
        %gather3A_1024 = tpu.vector_load_idx %gather3A_1023[%add3A_965, %broadcast_in_dim3A_25] : memref<128x32xf32, #tpu.memory_space<vmem>>[vector<16xi32>, vector<16xi32>], vector<16xf32>,
        %gather3A_1025 = arith.constant 0 : i32
        %gather3A_1026 = arith.constant 0 : i32
        %gather3A_1027 = tpu.memref_slice %arg7[%scan3A_857, %gather3A_1025, %gather3A_1026] : memref<2x128x32xf32, #tpu.memory_space<vmem>> -> memref<1x128x32xf32, #tpu.memory_space<vmem>>
        %gather3A_1028 = tpu.memref_squeeze %gather3A_1027 : memref<1x128x32xf32, #tpu.memory_space<vmem>> -> memref<128x32xf32, #tpu.memory_space<vmem>>
        %gather3A_1029 = tpu.vector_load_idx %gather3A_1028[%add3A_965, %broadcast_in_dim3A_27] : memref<128x32xf32, #tpu.memory_space<vmem>>[vector<16xi32>, vector<16xi32>], vector<16xf32>,
        %gather3A_1030 = arith.constant 0 : i32
        %gather3A_1031 = arith.constant 0 : i32
        %gather3A_1032 = tpu.memref_slice %arg7[%scan3A_857, %gather3A_1030, %gather3A_1031] : memref<2x128x32xf32, #tpu.memory_space<vmem>> -> memref<1x128x32xf32, #tpu.memory_space<vmem>>
        %gather3A_1033 = tpu.memref_squeeze %gather3A_1032 : memref<1x128x32xf32, #tpu.memory_space<vmem>> -> memref<128x32xf32, #tpu.memory_space<vmem>>
        %gather3A_1034 = tpu.vector_load_idx %gather3A_1033[%add3A_965, %broadcast_in_dim3A_29] : memref<128x32xf32, #tpu.memory_space<vmem>>[vector<16xi32>, vector<16xi32>], vector<16xf32>,
        %gather3A_1035 = arith.constant 0 : i32
        %gather3A_1036 = arith.constant 0 : i32
        %gather3A_1037 = tpu.memref_slice %arg7[%scan3A_857, %gather3A_1035, %gather3A_1036] : memref<2x128x32xf32, #tpu.memory_space<vmem>> -> memref<1x128x32xf32, #tpu.memory_space<vmem>>
        %gather3A_1038 = tpu.memref_squeeze %gather3A_1037 : memref<1x128x32xf32, #tpu.memory_space<vmem>> -> memref<128x32xf32, #tpu.memory_space<vmem>>
        %gather3A_1039 = tpu.vector_load_idx %gather3A_1038[%add3A_965, %broadcast_in_dim3A_31] : memref<128x32xf32, #tpu.memory_space<vmem>>[vector<16xi32>, vector<16xi32>], vector<16xf32>,
        %gather3A_1040 = arith.constant 0 : i32
        %gather3A_1041 = arith.constant 0 : i32
        %gather3A_1042 = tpu.memref_slice %arg7[%scan3A_857, %gather3A_1040, %gather3A_1041] : memref<2x128x32xf32, #tpu.memory_space<vmem>> -> memref<1x128x32xf32, #tpu.memory_space<vmem>>
        %gather3A_1043 = tpu.memref_squeeze %gather3A_1042 : memref<1x128x32xf32, #tpu.memory_space<vmem>> -> memref<128x32xf32, #tpu.memory_space<vmem>>
        %gather3A_1044 = tpu.vector_load_idx %gather3A_1043[%add3A_965, %broadcast_in_dim3A_33] : memref<128x32xf32, #tpu.memory_space<vmem>>[vector<16xi32>, vector<16xi32>], vector<16xf32>,
        %gather3A_1045 = arith.constant 0 : i32
        %gather3A_1046 = arith.constant 0 : i32
        %gather3A_1047 = tpu.memref_slice %arg7[%scan3A_857, %gather3A_1045, %gather3A_1046] : memref<2x128x32xf32, #tpu.memory_space<vmem>> -> memref<1x128x32xf32, #tpu.memory_space<vmem>>
        %gather3A_1048 = tpu.memref_squeeze %gather3A_1047 : memref<1x128x32xf32, #tpu.memory_space<vmem>> -> memref<128x32xf32, #tpu.memory_space<vmem>>
        %gather3A_1049 = tpu.vector_load_idx %gather3A_1048[%add3A_965, %broadcast_in_dim3A_35] : memref<128x32xf32, #tpu.memory_space<vmem>>[vector<16xi32>, vector<16xi32>], vector<16xf32>,
        %gather3A_1050 = arith.constant 0 : i32
        %gather3A_1051 = arith.constant 0 : i32
        %gather3A_1052 = tpu.memref_slice %arg7[%scan3A_857, %gather3A_1050, %gather3A_1051] : memref<2x128x32xf32, #tpu.memory_space<vmem>> -> memref<1x128x32xf32, #tpu.memory_space<vmem>>
        %gather3A_1053 = tpu.memref_squeeze %gather3A_1052 : memref<1x128x32xf32, #tpu.memory_space<vmem>> -> memref<128x32xf32, #tpu.memory_space<vmem>>
        %gather3A_1054 = tpu.vector_load_idx %gather3A_1053[%add3A_965, %broadcast_in_dim3A_37] : memref<128x32xf32, #tpu.memory_space<vmem>>[vector<16xi32>, vector<16xi32>], vector<16xf32>,
        %gather3A_1055 = arith.constant 0 : i32
        %gather3A_1056 = arith.constant 0 : i32
        %gather3A_1057 = tpu.memref_slice %arg7[%scan3A_857, %gather3A_1055, %gather3A_1056] : memref<2x128x32xf32, #tpu.memory_space<vmem>> -> memref<1x128x32xf32, #tpu.memory_space<vmem>>
        %gather3A_1058 = tpu.memref_squeeze %gather3A_1057 : memref<1x128x32xf32, #tpu.memory_space<vmem>> -> memref<128x32xf32, #tpu.memory_space<vmem>>
        %gather3A_1059 = tpu.vector_load_idx %gather3A_1058[%add3A_965, %broadcast_in_dim3A_39] : memref<128x32xf32, #tpu.memory_space<vmem>>[vector<16xi32>, vector<16xi32>], vector<16xf32>,
        %gather3A_1060 = arith.constant 0 : i32
        %gather3A_1061 = arith.constant 0 : i32
        %gather3A_1062 = tpu.memref_slice %arg7[%scan3A_857, %gather3A_1060, %gather3A_1061] : memref<2x128x32xf32, #tpu.memory_space<vmem>> -> memref<1x128x32xf32, #tpu.memory_space<vmem>>
        %gather3A_1063 = tpu.memref_squeeze %gather3A_1062 : memref<1x128x32xf32, #tpu.memory_space<vmem>> -> memref<128x32xf32, #tpu.memory_space<vmem>>
        %gather3A_1064 = tpu.vector_load_idx %gather3A_1063[%add3A_965, %broadcast_in_dim3A_41] : memref<128x32xf32, #tpu.memory_space<vmem>>[vector<16xi32>, vector<16xi32>], vector<16xf32>,
        %gather3A_1065 = arith.constant 0 : i32
        %gather3A_1066 = arith.constant 0 : i32
        %gather3A_1067 = tpu.memref_slice %arg7[%scan3A_857, %gather3A_1065, %gather3A_1066] : memref<2x128x32xf32, #tpu.memory_space<vmem>> -> memref<1x128x32xf32, #tpu.memory_space<vmem>>
        %gather3A_1068 = tpu.memref_squeeze %gather3A_1067 : memref<1x128x32xf32, #tpu.memory_space<vmem>> -> memref<128x32xf32, #tpu.memory_space<vmem>>
        %gather3A_1069 = tpu.vector_load_idx %gather3A_1068[%add3A_965, %broadcast_in_dim3A_43] : memref<128x32xf32, #tpu.memory_space<vmem>>[vector<16xi32>, vector<16xi32>], vector<16xf32>,
        %gather3A_1070 = arith.constant 0 : i32
        %gather3A_1071 = arith.constant 0 : i32
        %gather3A_1072 = tpu.memref_slice %arg7[%scan3A_857, %gather3A_1070, %gather3A_1071] : memref<2x128x32xf32, #tpu.memory_space<vmem>> -> memref<1x128x32xf32, #tpu.memory_space<vmem>>
        %gather3A_1073 = tpu.memref_squeeze %gather3A_1072 : memref<1x128x32xf32, #tpu.memory_space<vmem>> -> memref<128x32xf32, #tpu.memory_space<vmem>>
        %gather3A_1074 = tpu.vector_load_idx %gather3A_1073[%add3A_965, %broadcast_in_dim3A_45] : memref<128x32xf32, #tpu.memory_space<vmem>>[vector<16xi32>, vector<16xi32>], vector<16xf32>,
        %gather3A_1075 = arith.constant 0 : i32
        %gather3A_1076 = arith.constant 0 : i32
        %gather3A_1077 = tpu.memref_slice %arg7[%scan3A_857, %gather3A_1075, %gather3A_1076] : memref<2x128x32xf32, #tpu.memory_space<vmem>> -> memref<1x128x32xf32, #tpu.memory_space<vmem>>
        %gather3A_1078 = tpu.memref_squeeze %gather3A_1077 : memref<1x128x32xf32, #tpu.memory_space<vmem>> -> memref<128x32xf32, #tpu.memory_space<vmem>>
        %gather3A_1079 = tpu.vector_load_idx %gather3A_1078[%add3A_965, %broadcast_in_dim3A_47] : memref<128x32xf32, #tpu.memory_space<vmem>>[vector<16xi32>, vector<16xi32>], vector<16xf32>,
        %gather3A_1080 = arith.constant 0 : i32
        %gather3A_1081 = arith.constant 0 : i32
        %gather3A_1082 = tpu.memref_slice %arg7[%scan3A_857, %gather3A_1080, %gather3A_1081] : memref<2x128x32xf32, #tpu.memory_space<vmem>> -> memref<1x128x32xf32, #tpu.memory_space<vmem>>
        %gather3A_1083 = tpu.memref_squeeze %gather3A_1082 : memref<1x128x32xf32, #tpu.memory_space<vmem>> -> memref<128x32xf32, #tpu.memory_space<vmem>>
        %gather3A_1084 = tpu.vector_load_idx %gather3A_1083[%add3A_965, %broadcast_in_dim3A_49] : memref<128x32xf32, #tpu.memory_space<vmem>>[vector<16xi32>, vector<16xi32>], vector<16xf32>,
        %gather3A_1085 = arith.constant 0 : i32
        %gather3A_1086 = arith.constant 0 : i32
        %gather3A_1087 = tpu.memref_slice %arg7[%scan3A_857, %gather3A_1085, %gather3A_1086] : memref<2x128x32xf32, #tpu.memory_space<vmem>> -> memref<1x128x32xf32, #tpu.memory_space<vmem>>
        %gather3A_1088 = tpu.memref_squeeze %gather3A_1087 : memref<1x128x32xf32, #tpu.memory_space<vmem>> -> memref<128x32xf32, #tpu.memory_space<vmem>>
        %gather3A_1089 = tpu.vector_load_idx %gather3A_1088[%add3A_965, %broadcast_in_dim3A_51] : memref<128x32xf32, #tpu.memory_space<vmem>>[vector<16xi32>, vector<16xi32>], vector<16xf32>,
        %gather3A_1090 = arith.constant 0 : i32
        %gather3A_1091 = arith.constant 0 : i32
        %gather3A_1092 = tpu.memref_slice %arg7[%scan3A_857, %gather3A_1090, %gather3A_1091] : memref<2x128x32xf32, #tpu.memory_space<vmem>> -> memref<1x128x32xf32, #tpu.memory_space<vmem>>
        %gather3A_1093 = tpu.memref_squeeze %gather3A_1092 : memref<1x128x32xf32, #tpu.memory_space<vmem>> -> memref<128x32xf32, #tpu.memory_space<vmem>>
        %gather3A_1094 = tpu.vector_load_idx %gather3A_1093[%add3A_965, %broadcast_in_dim3A_53] : memref<128x32xf32, #tpu.memory_space<vmem>>[vector<16xi32>, vector<16xi32>], vector<16xf32>,
        %gather3A_1095 = arith.constant 0 : i32
        %gather3A_1096 = arith.constant 0 : i32
        %gather3A_1097 = tpu.memref_slice %arg7[%scan3A_857, %gather3A_1095, %gather3A_1096] : memref<2x128x32xf32, #tpu.memory_space<vmem>> -> memref<1x128x32xf32, #tpu.memory_space<vmem>>
        %gather3A_1098 = tpu.memref_squeeze %gather3A_1097 : memref<1x128x32xf32, #tpu.memory_space<vmem>> -> memref<128x32xf32, #tpu.memory_space<vmem>>
        %gather3A_1099 = tpu.vector_load_idx %gather3A_1098[%add3A_965, %broadcast_in_dim3A_55] : memref<128x32xf32, #tpu.memory_space<vmem>>[vector<16xi32>, vector<16xi32>], vector<16xf32>,
        %gather3A_1100 = arith.constant 0 : i32
        %gather3A_1101 = arith.constant 0 : i32
        %gather3A_1102 = tpu.memref_slice %arg7[%scan3A_857, %gather3A_1100, %gather3A_1101] : memref<2x128x32xf32, #tpu.memory_space<vmem>> -> memref<1x128x32xf32, #tpu.memory_space<vmem>>
        %gather3A_1103 = tpu.memref_squeeze %gather3A_1102 : memref<1x128x32xf32, #tpu.memory_space<vmem>> -> memref<128x32xf32, #tpu.memory_space<vmem>>
        %gather3A_1104 = tpu.vector_load_idx %gather3A_1103[%add3A_965, %broadcast_in_dim3A_57] : memref<128x32xf32, #tpu.memory_space<vmem>>[vector<16xi32>, vector<16xi32>], vector<16xf32>,
        %gather3A_1105 = arith.constant 0 : i32
        %gather3A_1106 = arith.constant 0 : i32
        %gather3A_1107 = tpu.memref_slice %arg7[%scan3A_857, %gather3A_1105, %gather3A_1106] : memref<2x128x32xf32, #tpu.memory_space<vmem>> -> memref<1x128x32xf32, #tpu.memory_space<vmem>>
        %gather3A_1108 = tpu.memref_squeeze %gather3A_1107 : memref<1x128x32xf32, #tpu.memory_space<vmem>> -> memref<128x32xf32, #tpu.memory_space<vmem>>
        %gather3A_1109 = tpu.vector_load_idx %gather3A_1108[%add3A_965, %broadcast_in_dim3A_59] : memref<128x32xf32, #tpu.memory_space<vmem>>[vector<16xi32>, vector<16xi32>], vector<16xf32>,
        %gather3A_1110 = arith.constant 0 : i32
        %gather3A_1111 = arith.constant 0 : i32
        %gather3A_1112 = tpu.memref_slice %arg7[%scan3A_857, %gather3A_1110, %gather3A_1111] : memref<2x128x32xf32, #tpu.memory_space<vmem>> -> memref<1x128x32xf32, #tpu.memory_space<vmem>>
        %gather3A_1113 = tpu.memref_squeeze %gather3A_1112 : memref<1x128x32xf32, #tpu.memory_space<vmem>> -> memref<128x32xf32, #tpu.memory_space<vmem>>
        %gather3A_1114 = tpu.vector_load_idx %gather3A_1113[%add3A_965, %broadcast_in_dim3A_61] : memref<128x32xf32, #tpu.memory_space<vmem>>[vector<16xi32>, vector<16xi32>], vector<16xf32>,
        %gather3A_1115 = arith.constant 0 : i32
        %gather3A_1116 = arith.constant 0 : i32
        %gather3A_1117 = tpu.memref_slice %arg7[%scan3A_857, %gather3A_1115, %gather3A_1116] : memref<2x128x32xf32, #tpu.memory_space<vmem>> -> memref<1x128x32xf32, #tpu.memory_space<vmem>>
        %gather3A_1118 = tpu.memref_squeeze %gather3A_1117 : memref<1x128x32xf32, #tpu.memory_space<vmem>> -> memref<128x32xf32, #tpu.memory_space<vmem>>
        %gather3A_1119 = tpu.vector_load_idx %gather3A_1118[%add3A_965, %broadcast_in_dim3A_63] : memref<128x32xf32, #tpu.memory_space<vmem>>[vector<16xi32>, vector<16xi32>], vector<16xf32>,
        %gather3A_1120 = arith.constant 0 : i32
        %gather3A_1121 = arith.constant 0 : i32
        %gather3A_1122 = tpu.memref_slice %arg7[%scan3A_857, %gather3A_1120, %gather3A_1121] : memref<2x128x32xf32, #tpu.memory_space<vmem>> -> memref<1x128x32xf32, #tpu.memory_space<vmem>>
        %gather3A_1123 = tpu.memref_squeeze %gather3A_1122 : memref<1x128x32xf32, #tpu.memory_space<vmem>> -> memref<128x32xf32, #tpu.memory_space<vmem>>
        %gather3A_1124 = tpu.vector_load_idx %gather3A_1123[%add3A_965, %broadcast_in_dim3A_65] : memref<128x32xf32, #tpu.memory_space<vmem>>[vector<16xi32>, vector<16xi32>], vector<16xf32>,
        %add3A_1125 = arith.constant 4096 : i32
        %add3A_1126 = arith.addi %add3A_1125, %mul3A_963 : i32
        %swap3A = arith.index_cast %add3A_1126 : i32 to index
        %swap3A_1127 = tpu.vector_load %arg8[%swap3A] {strides = array<i32>} : memref<8192xf32, #tpu.memory_space<vmem>>, vector<16xf32>,
        tpu.vector_store %arg8[%swap3A], %gather3A_969 {strides = array<i32>} : memref<8192xf32, #tpu.memory_space<vmem>>, vector<16xf32>,
        %add3A_1128 = arith.constant 4224 : i32
        %add3A_1129 = arith.addi %add3A_1128, %mul3A_963 : i32
        %swap3A_1130 = arith.index_cast %add3A_1129 : i32 to index
        %swap3A_1131 = tpu.vector_load %arg8[%swap3A_1130] {strides = array<i32>} : memref<8192xf32, #tpu.memory_space<vmem>>, vector<16xf32>,
        tpu.vector_store %arg8[%swap3A_1130], %gather3A_974 {strides = array<i32>} : memref<8192xf32, #tpu.memory_space<vmem>>, vector<16xf32>,
        %add3A_1132 = arith.constant 4352 : i32
        %add3A_1133 = arith.addi %add3A_1132, %mul3A_963 : i32
        %swap3A_1134 = arith.index_cast %add3A_1133 : i32 to index
        %swap3A_1135 = tpu.vector_load %arg8[%swap3A_1134] {strides = array<i32>} : memref<8192xf32, #tpu.memory_space<vmem>>, vector<16xf32>,
        tpu.vector_store %arg8[%swap3A_1134], %gather3A_979 {strides = array<i32>} : memref<8192xf32, #tpu.memory_space<vmem>>, vector<16xf32>,
        %add3A_1136 = arith.constant 4480 : i32
        %add3A_1137 = arith.addi %add3A_1136, %mul3A_963 : i32
        %swap3A_1138 = arith.index_cast %add3A_1137 : i32 to index
        %swap3A_1139 = tpu.vector_load %arg8[%swap3A_1138] {strides = array<i32>} : memref<8192xf32, #tpu.memory_space<vmem>>, vector<16xf32>,
        tpu.vector_store %arg8[%swap3A_1138], %gather3A_984 {strides = array<i32>} : memref<8192xf32, #tpu.memory_space<vmem>>, vector<16xf32>,
        %add3A_1140 = arith.constant 4608 : i32
        %add3A_1141 = arith.addi %add3A_1140, %mul3A_963 : i32
        %swap3A_1142 = arith.index_cast %add3A_1141 : i32 to index
        %swap3A_1143 = tpu.vector_load %arg8[%swap3A_1142] {strides = array<i32>} : memref<8192xf32, #tpu.memory_space<vmem>>, vector<16xf32>,
        tpu.vector_store %arg8[%swap3A_1142], %gather3A_989 {strides = array<i32>} : memref<8192xf32, #tpu.memory_space<vmem>>, vector<16xf32>,
        %add3A_1144 = arith.constant 4736 : i32
        %add3A_1145 = arith.addi %add3A_1144, %mul3A_963 : i32
        %swap3A_1146 = arith.index_cast %add3A_1145 : i32 to index
        %swap3A_1147 = tpu.vector_load %arg8[%swap3A_1146] {strides = array<i32>} : memref<8192xf32, #tpu.memory_space<vmem>>, vector<16xf32>,
        tpu.vector_store %arg8[%swap3A_1146], %gather3A_994 {strides = array<i32>} : memref<8192xf32, #tpu.memory_space<vmem>>, vector<16xf32>,
        %add3A_1148 = arith.constant 4864 : i32
        %add3A_1149 = arith.addi %add3A_1148, %mul3A_963 : i32
        %swap3A_1150 = arith.index_cast %add3A_1149 : i32 to index
        %swap3A_1151 = tpu.vector_load %arg8[%swap3A_1150] {strides = array<i32>} : memref<8192xf32, #tpu.memory_space<vmem>>, vector<16xf32>,
        tpu.vector_store %arg8[%swap3A_1150], %gather3A_999 {strides = array<i32>} : memref<8192xf32, #tpu.memory_space<vmem>>, vector<16xf32>,
        %add3A_1152 = arith.constant 4992 : i32
        %add3A_1153 = arith.addi %add3A_1152, %mul3A_963 : i32
        %swap3A_1154 = arith.index_cast %add3A_1153 : i32 to index
        %swap3A_1155 = tpu.vector_load %arg8[%swap3A_1154] {strides = array<i32>} : memref<8192xf32, #tpu.memory_space<vmem>>, vector<16xf32>,
        tpu.vector_store %arg8[%swap3A_1154], %gather3A_1004 {strides = array<i32>} : memref<8192xf32, #tpu.memory_space<vmem>>, vector<16xf32>,
        %add3A_1156 = arith.constant 5120 : i32
        %add3A_1157 = arith.addi %add3A_1156, %mul3A_963 : i32
        %swap3A_1158 = arith.index_cast %add3A_1157 : i32 to index
        %swap3A_1159 = tpu.vector_load %arg8[%swap3A_1158] {strides = array<i32>} : memref<8192xf32, #tpu.memory_space<vmem>>, vector<16xf32>,
        tpu.vector_store %arg8[%swap3A_1158], %gather3A_1009 {strides = array<i32>} : memref<8192xf32, #tpu.memory_space<vmem>>, vector<16xf32>,
        %add3A_1160 = arith.constant 5248 : i32
        %add3A_1161 = arith.addi %add3A_1160, %mul3A_963 : i32
        %swap3A_1162 = arith.index_cast %add3A_1161 : i32 to index
        %swap3A_1163 = tpu.vector_load %arg8[%swap3A_1162] {strides = array<i32>} : memref<8192xf32, #tpu.memory_space<vmem>>, vector<16xf32>,
        tpu.vector_store %arg8[%swap3A_1162], %gather3A_1014 {strides = array<i32>} : memref<8192xf32, #tpu.memory_space<vmem>>, vector<16xf32>,
        %add3A_1164 = arith.constant 5376 : i32
        %add3A_1165 = arith.addi %add3A_1164, %mul3A_963 : i32
        %swap3A_1166 = arith.index_cast %add3A_1165 : i32 to index
        %swap3A_1167 = tpu.vector_load %arg8[%swap3A_1166] {strides = array<i32>} : memref<8192xf32, #tpu.memory_space<vmem>>, vector<16xf32>,
        tpu.vector_store %arg8[%swap3A_1166], %gather3A_1019 {strides = array<i32>} : memref<8192xf32, #tpu.memory_space<vmem>>, vector<16xf32>,
        %add3A_1168 = arith.constant 5504 : i32
        %add3A_1169 = arith.addi %add3A_1168, %mul3A_963 : i32
        %swap3A_1170 = arith.index_cast %add3A_1169 : i32 to index
        %swap3A_1171 = tpu.vector_load %arg8[%swap3A_1170] {strides = array<i32>} : memref<8192xf32, #tpu.memory_space<vmem>>, vector<16xf32>,
        tpu.vector_store %arg8[%swap3A_1170], %gather3A_1024 {strides = array<i32>} : memref<8192xf32, #tpu.memory_space<vmem>>, vector<16xf32>,
        %add3A_1172 = arith.constant 5632 : i32
        %add3A_1173 = arith.addi %add3A_1172, %mul3A_963 : i32
        %swap3A_1174 = arith.index_cast %add3A_1173 : i32 to index
        %swap3A_1175 = tpu.vector_load %arg8[%swap3A_1174] {strides = array<i32>} : memref<8192xf32, #tpu.memory_space<vmem>>, vector<16xf32>,
        tpu.vector_store %arg8[%swap3A_1174], %gather3A_1029 {strides = array<i32>} : memref<8192xf32, #tpu.memory_space<vmem>>, vector<16xf32>,
        %add3A_1176 = arith.constant 5760 : i32
        %add3A_1177 = arith.addi %add3A_1176, %mul3A_963 : i32
        %swap3A_1178 = arith.index_cast %add3A_1177 : i32 to index
        %swap3A_1179 = tpu.vector_load %arg8[%swap3A_1178] {strides = array<i32>} : memref<8192xf32, #tpu.memory_space<vmem>>, vector<16xf32>,
        tpu.vector_store %arg8[%swap3A_1178], %gather3A_1034 {strides = array<i32>} : memref<8192xf32, #tpu.memory_space<vmem>>, vector<16xf32>,
        %add3A_1180 = arith.constant 5888 : i32
        %add3A_1181 = arith.addi %add3A_1180, %mul3A_963 : i32
        %swap3A_1182 = arith.index_cast %add3A_1181 : i32 to index
        %swap3A_1183 = tpu.vector_load %arg8[%swap3A_1182] {strides = array<i32>} : memref<8192xf32, #tpu.memory_space<vmem>>, vector<16xf32>,
        tpu.vector_store %arg8[%swap3A_1182], %gather3A_1039 {strides = array<i32>} : memref<8192xf32, #tpu.memory_space<vmem>>, vector<16xf32>,
        %add3A_1184 = arith.constant 6016 : i32
        %add3A_1185 = arith.addi %add3A_1184, %mul3A_963 : i32
        %swap3A_1186 = arith.index_cast %add3A_1185 : i32 to index
        %swap3A_1187 = tpu.vector_load %arg8[%swap3A_1186] {strides = array<i32>} : memref<8192xf32, #tpu.memory_space<vmem>>, vector<16xf32>,
        tpu.vector_store %arg8[%swap3A_1186], %gather3A_1044 {strides = array<i32>} : memref<8192xf32, #tpu.memory_space<vmem>>, vector<16xf32>,
        %add3A_1188 = arith.constant 6144 : i32
        %add3A_1189 = arith.addi %add3A_1188, %mul3A_963 : i32
        %swap3A_1190 = arith.index_cast %add3A_1189 : i32 to index
        %swap3A_1191 = tpu.vector_load %arg8[%swap3A_1190] {strides = array<i32>} : memref<8192xf32, #tpu.memory_space<vmem>>, vector<16xf32>,
        tpu.vector_store %arg8[%swap3A_1190], %gather3A_1049 {strides = array<i32>} : memref<8192xf32, #tpu.memory_space<vmem>>, vector<16xf32>,
        %add3A_1192 = arith.constant 6272 : i32
        %add3A_1193 = arith.addi %add3A_1192, %mul3A_963 : i32
        %swap3A_1194 = arith.index_cast %add3A_1193 : i32 to index
        %swap3A_1195 = tpu.vector_load %arg8[%swap3A_1194] {strides = array<i32>} : memref<8192xf32, #tpu.memory_space<vmem>>, vector<16xf32>,
        tpu.vector_store %arg8[%swap3A_1194], %gather3A_1054 {strides = array<i32>} : memref<8192xf32, #tpu.memory_space<vmem>>, vector<16xf32>,
        %add3A_1196 = arith.constant 6400 : i32
        %add3A_1197 = arith.addi %add3A_1196, %mul3A_963 : i32
        %swap3A_1198 = arith.index_cast %add3A_1197 : i32 to index
        %swap3A_1199 = tpu.vector_load %arg8[%swap3A_1198] {strides = array<i32>} : memref<8192xf32, #tpu.memory_space<vmem>>, vector<16xf32>,
        tpu.vector_store %arg8[%swap3A_1198], %gather3A_1059 {strides = array<i32>} : memref<8192xf32, #tpu.memory_space<vmem>>, vector<16xf32>,
        %add3A_1200 = arith.constant 6528 : i32
        %add3A_1201 = arith.addi %add3A_1200, %mul3A_963 : i32
        %swap3A_1202 = arith.index_cast %add3A_1201 : i32 to index
        %swap3A_1203 = tpu.vector_load %arg8[%swap3A_1202] {strides = array<i32>} : memref<8192xf32, #tpu.memory_space<vmem>>, vector<16xf32>,
        tpu.vector_store %arg8[%swap3A_1202], %gather3A_1064 {strides = array<i32>} : memref<8192xf32, #tpu.memory_space<vmem>>, vector<16xf32>,
        %add3A_1204 = arith.constant 6656 : i32
        %add3A_1205 = arith.addi %add3A_1204, %mul3A_963 : i32
        %swap3A_1206 = arith.index_cast %add3A_1205 : i32 to index
        %swap3A_1207 = tpu.vector_load %arg8[%swap3A_1206] {strides = array<i32>} : memref<8192xf32, #tpu.memory_space<vmem>>, vector<16xf32>,
        tpu.vector_store %arg8[%swap3A_1206], %gather3A_1069 {strides = array<i32>} : memref<8192xf32, #tpu.memory_space<vmem>>, vector<16xf32>,
        %add3A_1208 = arith.constant 6784 : i32
        %add3A_1209 = arith.addi %add3A_1208, %mul3A_963 : i32
        %swap3A_1210 = arith.index_cast %add3A_1209 : i32 to index
        %swap3A_1211 = tpu.vector_load %arg8[%swap3A_1210] {strides = array<i32>} : memref<8192xf32, #tpu.memory_space<vmem>>, vector<16xf32>,
        tpu.vector_store %arg8[%swap3A_1210], %gather3A_1074 {strides = array<i32>} : memref<8192xf32, #tpu.memory_space<vmem>>, vector<16xf32>,
        %add3A_1212 = arith.constant 6912 : i32
        %add3A_1213 = arith.addi %add3A_1212, %mul3A_963 : i32
        %swap3A_1214 = arith.index_cast %add3A_1213 : i32 to index
        %swap3A_1215 = tpu.vector_load %arg8[%swap3A_1214] {strides = array<i32>} : memref<8192xf32, #tpu.memory_space<vmem>>, vector<16xf32>,
        tpu.vector_store %arg8[%swap3A_1214], %gather3A_1079 {strides = array<i32>} : memref<8192xf32, #tpu.memory_space<vmem>>, vector<16xf32>,
        %add3A_1216 = arith.constant 7040 : i32
        %add3A_1217 = arith.addi %add3A_1216, %mul3A_963 : i32
        %swap3A_1218 = arith.index_cast %add3A_1217 : i32 to index
        %swap3A_1219 = tpu.vector_load %arg8[%swap3A_1218] {strides = array<i32>} : memref<8192xf32, #tpu.memory_space<vmem>>, vector<16xf32>,
        tpu.vector_store %arg8[%swap3A_1218], %gather3A_1084 {strides = array<i32>} : memref<8192xf32, #tpu.memory_space<vmem>>, vector<16xf32>,
        %add3A_1220 = arith.constant 7168 : i32
        %add3A_1221 = arith.addi %add3A_1220, %mul3A_963 : i32
        %swap3A_1222 = arith.index_cast %add3A_1221 : i32 to index
        %swap3A_1223 = tpu.vector_load %arg8[%swap3A_1222] {strides = array<i32>} : memref<8192xf32, #tpu.memory_space<vmem>>, vector<16xf32>,
        tpu.vector_store %arg8[%swap3A_1222], %gather3A_1089 {strides = array<i32>} : memref<8192xf32, #tpu.memory_space<vmem>>, vector<16xf32>,
        %add3A_1224 = arith.constant 7296 : i32
        %add3A_1225 = arith.addi %add3A_1224, %mul3A_963 : i32
        %swap3A_1226 = arith.index_cast %add3A_1225 : i32 to index
        %swap3A_1227 = tpu.vector_load %arg8[%swap3A_1226] {strides = array<i32>} : memref<8192xf32, #tpu.memory_space<vmem>>, vector<16xf32>,
        tpu.vector_store %arg8[%swap3A_1226], %gather3A_1094 {strides = array<i32>} : memref<8192xf32, #tpu.memory_space<vmem>>, vector<16xf32>,
        %add3A_1228 = arith.constant 7424 : i32
        %add3A_1229 = arith.addi %add3A_1228, %mul3A_963 : i32
        %swap3A_1230 = arith.index_cast %add3A_1229 : i32 to index
        %swap3A_1231 = tpu.vector_load %arg8[%swap3A_1230] {strides = array<i32>} : memref<8192xf32, #tpu.memory_space<vmem>>, vector<16xf32>,
        tpu.vector_store %arg8[%swap3A_1230], %gather3A_1099 {strides = array<i32>} : memref<8192xf32, #tpu.memory_space<vmem>>, vector<16xf32>,
        %add3A_1232 = arith.constant 7552 : i32
        %add3A_1233 = arith.addi %add3A_1232, %mul3A_963 : i32
        %swap3A_1234 = arith.index_cast %add3A_1233 : i32 to index
        %swap3A_1235 = tpu.vector_load %arg8[%swap3A_1234] {strides = array<i32>} : memref<8192xf32, #tpu.memory_space<vmem>>, vector<16xf32>,
        tpu.vector_store %arg8[%swap3A_1234], %gather3A_1104 {strides = array<i32>} : memref<8192xf32, #tpu.memory_space<vmem>>, vector<16xf32>,
        %add3A_1236 = arith.constant 7680 : i32
        %add3A_1237 = arith.addi %add3A_1236, %mul3A_963 : i32
        %swap3A_1238 = arith.index_cast %add3A_1237 : i32 to index
        %swap3A_1239 = tpu.vector_load %arg8[%swap3A_1238] {strides = array<i32>} : memref<8192xf32, #tpu.memory_space<vmem>>, vector<16xf32>,
        tpu.vector_store %arg8[%swap3A_1238], %gather3A_1109 {strides = array<i32>} : memref<8192xf32, #tpu.memory_space<vmem>>, vector<16xf32>,
        %add3A_1240 = arith.constant 7808 : i32
        %add3A_1241 = arith.addi %add3A_1240, %mul3A_963 : i32
        %swap3A_1242 = arith.index_cast %add3A_1241 : i32 to index
        %swap3A_1243 = tpu.vector_load %arg8[%swap3A_1242] {strides = array<i32>} : memref<8192xf32, #tpu.memory_space<vmem>>, vector<16xf32>,
        tpu.vector_store %arg8[%swap3A_1242], %gather3A_1114 {strides = array<i32>} : memref<8192xf32, #tpu.memory_space<vmem>>, vector<16xf32>,
        %add3A_1244 = arith.constant 7936 : i32
        %add3A_1245 = arith.addi %add3A_1244, %mul3A_963 : i32
        %swap3A_1246 = arith.index_cast %add3A_1245 : i32 to index
        %swap3A_1247 = tpu.vector_load %arg8[%swap3A_1246] {strides = array<i32>} : memref<8192xf32, #tpu.memory_space<vmem>>, vector<16xf32>,
        tpu.vector_store %arg8[%swap3A_1246], %gather3A_1119 {strides = array<i32>} : memref<8192xf32, #tpu.memory_space<vmem>>, vector<16xf32>,
        %add3A_1248 = arith.constant 8064 : i32
        %add3A_1249 = arith.addi %add3A_1248, %mul3A_963 : i32
        %swap3A_1250 = arith.index_cast %add3A_1249 : i32 to index
        %swap3A_1251 = tpu.vector_load %arg8[%swap3A_1250] {strides = array<i32>} : memref<8192xf32, #tpu.memory_space<vmem>>, vector<16xf32>,
        tpu.vector_store %arg8[%swap3A_1250], %gather3A_1124 {strides = array<i32>} : memref<8192xf32, #tpu.memory_space<vmem>>, vector<16xf32>,
      }
      %scan3A_862 = arith.constant 8 : i32
      %barrier3A_863 = arith.constant 0 : index
      tpu.barrier barrier_id(%barrier3A_863)
      %add3A_864 = arith.constant 2 : i32
      %add3A_865 = arith.addi %add3A_763, %add3A_864 : i32
      %mul3A_866 = arith.constant 128 : i32
      %mul3A_867 = arith.muli %add3A_865, %mul3A_866 : i32
      %dma_start3A_868 = arith.constant 1 : i32
      %dma_start3A_869 = arith.constant 0 : i32
      %dma_start3A_870 = arith.constant 0 : i32
      %dma_start3A_871 = tpu.memref_slice %arg7[%dma_start3A_868, %dma_start3A_869, %dma_start3A_870] : memref<2x128x32xf32, #tpu.memory_space<vmem>> -> memref<1x128x32xf32, #tpu.memory_space<vmem>>
      %dma_start3A_872 = tpu.memref_squeeze %dma_start3A_871 : memref<1x128x32xf32, #tpu.memory_space<vmem>> -> memref<128x32xf32, #tpu.memory_space<vmem>>
      %dma_start3A_873 = tpu.memref_slice %arg6[%mul3A_867] : memref<25600xi32, #tpu.memory_space<vmem>> -> memref<128xi32, #tpu.memory_space<vmem>>
      %dma_start3A_874 = arith.constant 0 : i32
      %dma_start3A_875 = arith.constant 0 : i32
      %dma_start3A_876 = tpu.memref_slice %arg3[%dma_start3A_874, %dma_start3A_875] : memref<1000000x32xf32, #tpu.memory_space<hbm>> -> memref<1000000x32xf32, #tpu.memory_space<hbm>>
      tpu.enqueue_indirect_dma source(%dma_start3A_876 : memref<1000000x32xf32, #tpu.memory_space<hbm>>) target(%dma_start3A_872 : memref<128x32xf32, #tpu.memory_space<vmem>>) offsets(%dma_start3A_873 : memref<128xi32, #tpu.memory_space<vmem>>) semaphore(%arg10 : memref<!tpu.dma_semaphore, #tpu.memory_space<semaphore_mem>>)
      %shift_right_arithmetic3A_877 = arith.constant 2 : i32
      %shift_right_arithmetic3A_878 = arith.shrsi %add3A_763, %shift_right_arithmetic3A_877 : i32
      %mul3A_879 = arith.constant 524288 : i32
      %mul3A_880 = arith.muli %shift_right_arithmetic3A_878, %mul3A_879 : i32
      %add3A_881 = arith.constant 0 : i32
      %add3A_882 = arith.addi %mul3A_880, %add3A_881 : i32
      %mul3A_883 = arith.constant 4096 : i32
      %mul3A_884 = arith.muli %add3A, %mul3A_883 : i32
      %add3A_885 = arith.addi %add3A_882, %mul3A_884 : i32
      %and3A_886 = arith.constant 3 : i32
      %and3A_887 = arith.andi %add3A_763, %and3A_886 : i32
      %mul3A_888 = arith.constant 1024 : i32
      %mul3A_889 = arith.muli %and3A_887, %mul3A_888 : i32
      %add3A_890 = arith.addi %add3A_885, %mul3A_889 : i32
      %dma_start3A_891 = arith.constant 4096 : i32
      %dma_start3A_892 = tpu.memref_slice %arg8[%dma_start3A_891] : memref<8192xf32, #tpu.memory_space<vmem>> -> memref<1024xf32, #tpu.memory_space<vmem>>
      %dma_start3A_893 = tpu.memref_slice %arg4[%add3A_890] : memref<26214400xf32, #tpu.memory_space<hbm>> -> memref<1024xf32, #tpu.memory_space<hbm>>
      %dma_start3A_894 = tpu.memref_slice %arg4[%add3A_890] : memref<26214400xf32, #tpu.memory_space<hbm>> -> memref<1024xf32, #tpu.memory_space<hbm>>
      %dma_start3A_895 = arith.constant 4096 : i32
      %dma_start3A_896 = tpu.memref_slice %arg8[%dma_start3A_895] : memref<8192xf32, #tpu.memory_space<vmem>> -> memref<1024xf32, #tpu.memory_space<vmem>>
      tpu.enqueue_dma source(%dma_start3A_896 : memref<1024xf32, #tpu.memory_space<vmem>>) target(%dma_start3A_894 : memref<1024xf32, #tpu.memory_space<hbm>>) target_semaphore(%arg12 : memref<!tpu.dma_semaphore, #tpu.memory_space<semaphore_mem>>)
      %shift_right_arithmetic3A_897 = arith.constant 2 : i32
      %shift_right_arithmetic3A_898 = arith.shrsi %add3A_763, %shift_right_arithmetic3A_897 : i32
      %mul3A_899 = arith.constant 524288 : i32
      %mul3A_900 = arith.muli %shift_right_arithmetic3A_898, %mul3A_899 : i32
      %add3A_901 = arith.constant 131072 : i32
      %add3A_902 = arith.addi %mul3A_900, %add3A_901 : i32
      %mul3A_903 = arith.constant 4096 : i32
      %mul3A_904 = arith.muli %add3A, %mul3A_903 : i32
      %add3A_905 = arith.addi %add3A_902, %mul3A_904 : i32
      %and3A_906 = arith.constant 3 : i32
      %and3A_907 = arith.andi %add3A_763, %and3A_906 : i32
      %mul3A_908 = arith.constant 1024 : i32
      %mul3A_909 = arith.muli %and3A_907, %mul3A_908 : i32
      %add3A_910 = arith.addi %add3A_905, %mul3A_909 : i32
      %dma_start3A_911 = arith.constant 5120 : i32
      %dma_start3A_912 = tpu.memref_slice %arg8[%dma_start3A_911] : memref<8192xf32, #tpu.memory_space<vmem>> -> memref<1024xf32, #tpu.memory_space<vmem>>
      %dma_start3A_913 = tpu.memref_slice %arg4[%add3A_910] : memref<26214400xf32, #tpu.memory_space<hbm>> -> memref<1024xf32, #tpu.memory_space<hbm>>
      %dma_start3A_914 = tpu.memref_slice %arg4[%add3A_910] : memref<26214400xf32, #tpu.memory_space<hbm>> -> memref<1024xf32, #tpu.memory_space<hbm>>
      %dma_start3A_915 = arith.constant 5120 : i32
      %dma_start3A_916 = tpu.memref_slice %arg8[%dma_start3A_915] : memref<8192xf32, #tpu.memory_space<vmem>> -> memref<1024xf32, #tpu.memory_space<vmem>>
      tpu.enqueue_dma source(%dma_start3A_916 : memref<1024xf32, #tpu.memory_space<vmem>>) target(%dma_start3A_914 : memref<1024xf32, #tpu.memory_space<hbm>>) target_semaphore(%arg12 : memref<!tpu.dma_semaphore, #tpu.memory_space<semaphore_mem>>)
      %shift_right_arithmetic3A_917 = arith.constant 2 : i32
      %shift_right_arithmetic3A_918 = arith.shrsi %add3A_763, %shift_right_arithmetic3A_917 : i32
      %mul3A_919 = arith.constant 524288 : i32
      %mul3A_920 = arith.muli %shift_right_arithmetic3A_918, %mul3A_919 : i32
      %add3A_921 = arith.constant 262144 : i32
      %add3A_922 = arith.addi %mul3A_920, %add3A_921 : i32
      %mul3A_923 = arith.constant 4096 : i32
      %mul3A_924 = arith.muli %add3A, %mul3A_923 : i32
      %add3A_925 = arith.addi %add3A_922, %mul3A_924 : i32
      %and3A_926 = arith.constant 3 : i32
      %and3A_927 = arith.andi %add3A_763, %and3A_926 : i32
      %mul3A_928 = arith.constant 1024 : i32
      %mul3A_929 = arith.muli %and3A_927, %mul3A_928 : i32
      %add3A_930 = arith.addi %add3A_925, %mul3A_929 : i32
      %dma_start3A_931 = arith.constant 6144 : i32
      %dma_start3A_932 = tpu.memref_slice %arg8[%dma_start3A_931] : memref<8192xf32, #tpu.memory_space<vmem>> -> memref<1024xf32, #tpu.memory_space<vmem>>
      %dma_start3A_933 = tpu.memref_slice %arg4[%add3A_930] : memref<26214400xf32, #tpu.memory_space<hbm>> -> memref<1024xf32, #tpu.memory_space<hbm>>
      %dma_start3A_934 = tpu.memref_slice %arg4[%add3A_930] : memref<26214400xf32, #tpu.memory_space<hbm>> -> memref<1024xf32, #tpu.memory_space<hbm>>
      %dma_start3A_935 = arith.constant 6144 : i32
      %dma_start3A_936 = tpu.memref_slice %arg8[%dma_start3A_935] : memref<8192xf32, #tpu.memory_space<vmem>> -> memref<1024xf32, #tpu.memory_space<vmem>>
      tpu.enqueue_dma source(%dma_start3A_936 : memref<1024xf32, #tpu.memory_space<vmem>>) target(%dma_start3A_934 : memref<1024xf32, #tpu.memory_space<hbm>>) target_semaphore(%arg12 : memref<!tpu.dma_semaphore, #tpu.memory_space<semaphore_mem>>)
      %shift_right_arithmetic3A_937 = arith.constant 2 : i32
      %shift_right_arithmetic3A_938 = arith.shrsi %add3A_763, %shift_right_arithmetic3A_937 : i32
      %mul3A_939 = arith.constant 524288 : i32
      %mul3A_940 = arith.muli %shift_right_arithmetic3A_938, %mul3A_939 : i32
      %add3A_941 = arith.constant 393216 : i32
      %add3A_942 = arith.addi %mul3A_940, %add3A_941 : i32
      %mul3A_943 = arith.constant 4096 : i32
      %mul3A_944 = arith.muli %add3A, %mul3A_943 : i32
      %add3A_945 = arith.addi %add3A_942, %mul3A_944 : i32
      %and3A_946 = arith.constant 3 : i32
      %and3A_947 = arith.andi %add3A_763, %and3A_946 : i32
      %mul3A_948 = arith.constant 1024 : i32
      %mul3A_949 = arith.muli %and3A_947, %mul3A_948 : i32
      %add3A_950 = arith.addi %add3A_945, %mul3A_949 : i32
      %dma_start3A_951 = arith.constant 7168 : i32
      %dma_start3A_952 = tpu.memref_slice %arg8[%dma_start3A_951] : memref<8192xf32, #tpu.memory_space<vmem>> -> memref<1024xf32, #tpu.memory_space<vmem>>
      %dma_start3A_953 = tpu.memref_slice %arg4[%add3A_950] : memref<26214400xf32, #tpu.memory_space<hbm>> -> memref<1024xf32, #tpu.memory_space<hbm>>
      %dma_start3A_954 = tpu.memref_slice %arg4[%add3A_950] : memref<26214400xf32, #tpu.memory_space<hbm>> -> memref<1024xf32, #tpu.memory_space<hbm>>
      %dma_start3A_955 = arith.constant 7168 : i32
      %dma_start3A_956 = tpu.memref_slice %arg8[%dma_start3A_955] : memref<8192xf32, #tpu.memory_space<vmem>> -> memref<1024xf32, #tpu.memory_space<vmem>>
      tpu.enqueue_dma source(%dma_start3A_956 : memref<1024xf32, #tpu.memory_space<vmem>>) target(%dma_start3A_954 : memref<1024xf32, #tpu.memory_space<hbm>>) target_semaphore(%arg12 : memref<!tpu.dma_semaphore, #tpu.memory_space<semaphore_mem>>)
    }
    %scan3A_242 = arith.constant 98 : i32
    %dma_wait3A_243 = arith.constant 0 : i32
    %dma_wait3A_244 = arith.constant 0 : i32
    %dma_wait3A_245 = arith.constant 0 : i32
    %dma_wait3A_246 = tpu.memref_slice %arg7[%dma_wait3A_243, %dma_wait3A_244, %dma_wait3A_245] : memref<2x128x32xf32, #tpu.memory_space<vmem>> -> memref<1x128x32xf32, #tpu.memory_space<vmem>>
    %dma_wait3A_247 = tpu.memref_squeeze %dma_wait3A_246 : memref<1x128x32xf32, #tpu.memory_space<vmem>> -> memref<128x32xf32, #tpu.memory_space<vmem>>
    %dma_wait3A_248 = arith.constant 25344 : i32
    %dma_wait3A_249 = tpu.memref_slice %arg6[%dma_wait3A_248] : memref<25600xi32, #tpu.memory_space<vmem>> -> memref<128xi32, #tpu.memory_space<vmem>>
    %dma_wait3A_250 = arith.constant 0 : i32
    %dma_wait3A_251 = arith.constant 0 : i32
    %dma_wait3A_252 = tpu.memref_slice %arg3[%dma_wait3A_250, %dma_wait3A_251] : memref<1000000x32xf32, #tpu.memory_space<hbm>> -> memref<1000000x32xf32, #tpu.memory_space<hbm>>
    tpu.wait_indirect_dma semaphore(%arg9 : memref<!tpu.dma_semaphore, #tpu.memory_space<semaphore_mem>>) src(%dma_wait3A_252 : memref<1000000x32xf32, #tpu.memory_space<hbm>>) dst(%dma_wait3A_247 : memref<128x32xf32, #tpu.memory_space<vmem>>)
    %mul3A_253 = arith.constant 4096 : i32
    %mul3A_254 = arith.muli %add3A, %mul3A_253 : i32
    %add3A_255 = arith.constant 25690112 : i32
    %add3A_256 = arith.addi %add3A_255, %mul3A_254 : i32
    %add3A_257 = arith.constant 0 : i32
    %add3A_258 = arith.addi %add3A_256, %add3A_257 : i32
    %dma_wait3A_259 = arith.constant 0 : i32
    %dma_wait3A_260 = tpu.memref_slice %arg8[%dma_wait3A_259] : memref<8192xf32, #tpu.memory_space<vmem>> -> memref<1024xf32, #tpu.memory_space<vmem>>
    %dma_wait3A_261 = tpu.memref_slice %arg4[%add3A_258] : memref<26214400xf32, #tpu.memory_space<hbm>> -> memref<1024xf32, #tpu.memory_space<hbm>>
    %dma_wait3A_262 = tpu.memref_slice %arg4[%add3A_258] : memref<26214400xf32, #tpu.memory_space<hbm>> -> memref<1024xf32, #tpu.memory_space<hbm>>
    %dma_wait3A_263 = arith.constant 0 : i32
    %dma_wait3A_264 = tpu.memref_slice %arg8[%dma_wait3A_263] : memref<8192xf32, #tpu.memory_space<vmem>> -> memref<1024xf32, #tpu.memory_space<vmem>>
    tpu.wait_dma2 semaphore(%arg11 : memref<!tpu.dma_semaphore, #tpu.memory_space<semaphore_mem>>) src(%dma_wait3A_264 : memref<1024xf32, #tpu.memory_space<vmem>>) dst(%dma_wait3A_262 : memref<1024xf32, #tpu.memory_space<hbm>>)
    %mul3A_265 = arith.constant 4096 : i32
    %mul3A_266 = arith.muli %add3A, %mul3A_265 : i32
    %add3A_267 = arith.constant 25821184 : i32
    %add3A_268 = arith.addi %add3A_267, %mul3A_266 : i32
    %add3A_269 = arith.constant 0 : i32
    %add3A_270 = arith.addi %add3A_268, %add3A_269 : i32
    %dma_wait3A_271 = arith.constant 1024 : i32
    %dma_wait3A_272 = tpu.memref_slice %arg8[%dma_wait3A_271] : memref<8192xf32, #tpu.memory_space<vmem>> -> memref<1024xf32, #tpu.memory_space<vmem>>
    %dma_wait3A_273 = tpu.memref_slice %arg4[%add3A_270] : memref<26214400xf32, #tpu.memory_space<hbm>> -> memref<1024xf32, #tpu.memory_space<hbm>>
    %dma_wait3A_274 = tpu.memref_slice %arg4[%add3A_270] : memref<26214400xf32, #tpu.memory_space<hbm>> -> memref<1024xf32, #tpu.memory_space<hbm>>
    %dma_wait3A_275 = arith.constant 1024 : i32
    %dma_wait3A_276 = tpu.memref_slice %arg8[%dma_wait3A_275] : memref<8192xf32, #tpu.memory_space<vmem>> -> memref<1024xf32, #tpu.memory_space<vmem>>
    tpu.wait_dma2 semaphore(%arg11 : memref<!tpu.dma_semaphore, #tpu.memory_space<semaphore_mem>>) src(%dma_wait3A_276 : memref<1024xf32, #tpu.memory_space<vmem>>) dst(%dma_wait3A_274 : memref<1024xf32, #tpu.memory_space<hbm>>)
    %mul3A_277 = arith.constant 4096 : i32
    %mul3A_278 = arith.muli %add3A, %mul3A_277 : i32
    %add3A_279 = arith.constant 25952256 : i32
    %add3A_280 = arith.addi %add3A_279, %mul3A_278 : i32
    %add3A_281 = arith.constant 0 : i32
    %add3A_282 = arith.addi %add3A_280, %add3A_281 : i32
    %dma_wait3A_283 = arith.constant 2048 : i32
    %dma_wait3A_284 = tpu.memref_slice %arg8[%dma_wait3A_283] : memref<8192xf32, #tpu.memory_space<vmem>> -> memref<1024xf32, #tpu.memory_space<vmem>>
    %dma_wait3A_285 = tpu.memref_slice %arg4[%add3A_282] : memref<26214400xf32, #tpu.memory_space<hbm>> -> memref<1024xf32, #tpu.memory_space<hbm>>
    %dma_wait3A_286 = tpu.memref_slice %arg4[%add3A_282] : memref<26214400xf32, #tpu.memory_space<hbm>> -> memref<1024xf32, #tpu.memory_space<hbm>>
    %dma_wait3A_287 = arith.constant 2048 : i32
    %dma_wait3A_288 = tpu.memref_slice %arg8[%dma_wait3A_287] : memref<8192xf32, #tpu.memory_space<vmem>> -> memref<1024xf32, #tpu.memory_space<vmem>>
    tpu.wait_dma2 semaphore(%arg11 : memref<!tpu.dma_semaphore, #tpu.memory_space<semaphore_mem>>) src(%dma_wait3A_288 : memref<1024xf32, #tpu.memory_space<vmem>>) dst(%dma_wait3A_286 : memref<1024xf32, #tpu.memory_space<hbm>>)
    %mul3A_289 = arith.constant 4096 : i32
    %mul3A_290 = arith.muli %add3A, %mul3A_289 : i32
    %add3A_291 = arith.constant 26083328 : i32
    %add3A_292 = arith.addi %add3A_291, %mul3A_290 : i32
    %add3A_293 = arith.constant 0 : i32
    %add3A_294 = arith.addi %add3A_292, %add3A_293 : i32
    %dma_wait3A_295 = arith.constant 3072 : i32
    %dma_wait3A_296 = tpu.memref_slice %arg8[%dma_wait3A_295] : memref<8192xf32, #tpu.memory_space<vmem>> -> memref<1024xf32, #tpu.memory_space<vmem>>
    %dma_wait3A_297 = tpu.memref_slice %arg4[%add3A_294] : memref<26214400xf32, #tpu.memory_space<hbm>> -> memref<1024xf32, #tpu.memory_space<hbm>>
    %dma_wait3A_298 = tpu.memref_slice %arg4[%add3A_294] : memref<26214400xf32, #tpu.memory_space<hbm>> -> memref<1024xf32, #tpu.memory_space<hbm>>
    %dma_wait3A_299 = arith.constant 3072 : i32
    %dma_wait3A_300 = tpu.memref_slice %arg8[%dma_wait3A_299] : memref<8192xf32, #tpu.memory_space<vmem>> -> memref<1024xf32, #tpu.memory_space<vmem>>
    tpu.wait_dma2 semaphore(%arg11 : memref<!tpu.dma_semaphore, #tpu.memory_space<semaphore_mem>>) src(%dma_wait3A_300 : memref<1024xf32, #tpu.memory_space<vmem>>) dst(%dma_wait3A_298 : memref<1024xf32, #tpu.memory_space<hbm>>)
    %scan3A_301 = arith.constant 0 : i32
    %scan3A_302 = arith.constant 0 : i32
    %scan3A_303 = arith.constant 8 : i32
    %scan3A_304 = arith.addi %scan3A_302, %scan3A_303 : i32
    %scan3A_305 = arith.constant 1 : i32
    scf.for %scan3A_565 = %scan3A_302 to %scan3A_304 step %scan3A_305  : i32 {
      %mul3A_566 = arith.constant 1 : i32
      %mul3A_567 = arith.muli %scan3A_565, %mul3A_566 : i32
      %add3A_568 = arith.constant 0 : i32
      %add3A_569 = arith.addi %add3A_568, %mul3A_567 : i32
      %mul3A_570 = arith.constant 16 : i32
      %mul3A_571 = arith.muli %add3A_569, %mul3A_570 : i32
      %add3A_572 = vector.broadcast %mul3A_571 : i32 to vector<16xi32>
      %add3A_573 = arith.addi %add3A_572, %iota3A : vector<16xi32>
      %gather3A = arith.constant 0 : i32
      %gather3A_574 = arith.constant 0 : i32
      %gather3A_575 = tpu.memref_slice %arg7[%scan3A_301, %gather3A, %gather3A_574] : memref<2x128x32xf32, #tpu.memory_space<vmem>> -> memref<1x128x32xf32, #tpu.memory_space<vmem>>
      %gather3A_576 = tpu.memref_squeeze %gather3A_575 : memref<1x128x32xf32, #tpu.memory_space<vmem>> -> memref<128x32xf32, #tpu.memory_space<vmem>>
      %gather3A_577 = tpu.vector_load_idx %gather3A_576[%add3A_573, %broadcast_in_dim3A_3] : memref<128x32xf32, #tpu.memory_space<vmem>>[vector<16xi32>, vector<16xi32>], vector<16xf32>,
      %gather3A_578 = arith.constant 0 : i32
      %gather3A_579 = arith.constant 0 : i32
      %gather3A_580 = tpu.memref_slice %arg7[%scan3A_301, %gather3A_578, %gather3A_579] : memref<2x128x32xf32, #tpu.memory_space<vmem>> -> memref<1x128x32xf32, #tpu.memory_space<vmem>>
      %gather3A_581 = tpu.memref_squeeze %gather3A_580 : memref<1x128x32xf32, #tpu.memory_space<vmem>> -> memref<128x32xf32, #tpu.memory_space<vmem>>
      %gather3A_582 = tpu.vector_load_idx %gather3A_581[%add3A_573, %broadcast_in_dim3A_5] : memref<128x32xf32, #tpu.memory_space<vmem>>[vector<16xi32>, vector<16xi32>], vector<16xf32>,
      %gather3A_583 = arith.constant 0 : i32
      %gather3A_584 = arith.constant 0 : i32
      %gather3A_585 = tpu.memref_slice %arg7[%scan3A_301, %gather3A_583, %gather3A_584] : memref<2x128x32xf32, #tpu.memory_space<vmem>> -> memref<1x128x32xf32, #tpu.memory_space<vmem>>
      %gather3A_586 = tpu.memref_squeeze %gather3A_585 : memref<1x128x32xf32, #tpu.memory_space<vmem>> -> memref<128x32xf32, #tpu.memory_space<vmem>>
      %gather3A_587 = tpu.vector_load_idx %gather3A_586[%add3A_573, %broadcast_in_dim3A_7] : memref<128x32xf32, #tpu.memory_space<vmem>>[vector<16xi32>, vector<16xi32>], vector<16xf32>,
      %gather3A_588 = arith.constant 0 : i32
      %gather3A_589 = arith.constant 0 : i32
      %gather3A_590 = tpu.memref_slice %arg7[%scan3A_301, %gather3A_588, %gather3A_589] : memref<2x128x32xf32, #tpu.memory_space<vmem>> -> memref<1x128x32xf32, #tpu.memory_space<vmem>>
      %gather3A_591 = tpu.memref_squeeze %gather3A_590 : memref<1x128x32xf32, #tpu.memory_space<vmem>> -> memref<128x32xf32, #tpu.memory_space<vmem>>
      %gather3A_592 = tpu.vector_load_idx %gather3A_591[%add3A_573, %broadcast_in_dim3A_9] : memref<128x32xf32, #tpu.memory_space<vmem>>[vector<16xi32>, vector<16xi32>], vector<16xf32>,
      %gather3A_593 = arith.constant 0 : i32
      %gather3A_594 = arith.constant 0 : i32
      %gather3A_595 = tpu.memref_slice %arg7[%scan3A_301, %gather3A_593, %gather3A_594] : memref<2x128x32xf32, #tpu.memory_space<vmem>> -> memref<1x128x32xf32, #tpu.memory_space<vmem>>
      %gather3A_596 = tpu.memref_squeeze %gather3A_595 : memref<1x128x32xf32, #tpu.memory_space<vmem>> -> memref<128x32xf32, #tpu.memory_space<vmem>>
      %gather3A_597 = tpu.vector_load_idx %gather3A_596[%add3A_573, %broadcast_in_dim3A_11] : memref<128x32xf32, #tpu.memory_space<vmem>>[vector<16xi32>, vector<16xi32>], vector<16xf32>,
      %gather3A_598 = arith.constant 0 : i32
      %gather3A_599 = arith.constant 0 : i32
      %gather3A_600 = tpu.memref_slice %arg7[%scan3A_301, %gather3A_598, %gather3A_599] : memref<2x128x32xf32, #tpu.memory_space<vmem>> -> memref<1x128x32xf32, #tpu.memory_space<vmem>>
      %gather3A_601 = tpu.memref_squeeze %gather3A_600 : memref<1x128x32xf32, #tpu.memory_space<vmem>> -> memref<128x32xf32, #tpu.memory_space<vmem>>
      %gather3A_602 = tpu.vector_load_idx %gather3A_601[%add3A_573, %broadcast_in_dim3A_13] : memref<128x32xf32, #tpu.memory_space<vmem>>[vector<16xi32>, vector<16xi32>], vector<16xf32>,
      %gather3A_603 = arith.constant 0 : i32
      %gather3A_604 = arith.constant 0 : i32
      %gather3A_605 = tpu.memref_slice %arg7[%scan3A_301, %gather3A_603, %gather3A_604] : memref<2x128x32xf32, #tpu.memory_space<vmem>> -> memref<1x128x32xf32, #tpu.memory_space<vmem>>
      %gather3A_606 = tpu.memref_squeeze %gather3A_605 : memref<1x128x32xf32, #tpu.memory_space<vmem>> -> memref<128x32xf32, #tpu.memory_space<vmem>>
      %gather3A_607 = tpu.vector_load_idx %gather3A_606[%add3A_573, %broadcast_in_dim3A_15] : memref<128x32xf32, #tpu.memory_space<vmem>>[vector<16xi32>, vector<16xi32>], vector<16xf32>,
      %gather3A_608 = arith.constant 0 : i32
      %gather3A_609 = arith.constant 0 : i32
      %gather3A_610 = tpu.memref_slice %arg7[%scan3A_301, %gather3A_608, %gather3A_609] : memref<2x128x32xf32, #tpu.memory_space<vmem>> -> memref<1x128x32xf32, #tpu.memory_space<vmem>>
      %gather3A_611 = tpu.memref_squeeze %gather3A_610 : memref<1x128x32xf32, #tpu.memory_space<vmem>> -> memref<128x32xf32, #tpu.memory_space<vmem>>
      %gather3A_612 = tpu.vector_load_idx %gather3A_611[%add3A_573, %broadcast_in_dim3A_17] : memref<128x32xf32, #tpu.memory_space<vmem>>[vector<16xi32>, vector<16xi32>], vector<16xf32>,
      %gather3A_613 = arith.constant 0 : i32
      %gather3A_614 = arith.constant 0 : i32
      %gather3A_615 = tpu.memref_slice %arg7[%scan3A_301, %gather3A_613, %gather3A_614] : memref<2x128x32xf32, #tpu.memory_space<vmem>> -> memref<1x128x32xf32, #tpu.memory_space<vmem>>
      %gather3A_616 = tpu.memref_squeeze %gather3A_615 : memref<1x128x32xf32, #tpu.memory_space<vmem>> -> memref<128x32xf32, #tpu.memory_space<vmem>>
      %gather3A_617 = tpu.vector_load_idx %gather3A_616[%add3A_573, %broadcast_in_dim3A_19] : memref<128x32xf32, #tpu.memory_space<vmem>>[vector<16xi32>, vector<16xi32>], vector<16xf32>,
      %gather3A_618 = arith.constant 0 : i32
      %gather3A_619 = arith.constant 0 : i32
      %gather3A_620 = tpu.memref_slice %arg7[%scan3A_301, %gather3A_618, %gather3A_619] : memref<2x128x32xf32, #tpu.memory_space<vmem>> -> memref<1x128x32xf32, #tpu.memory_space<vmem>>
      %gather3A_621 = tpu.memref_squeeze %gather3A_620 : memref<1x128x32xf32, #tpu.memory_space<vmem>> -> memref<128x32xf32, #tpu.memory_space<vmem>>
      %gather3A_622 = tpu.vector_load_idx %gather3A_621[%add3A_573, %broadcast_in_dim3A_21] : memref<128x32xf32, #tpu.memory_space<vmem>>[vector<16xi32>, vector<16xi32>], vector<16xf32>,
      %gather3A_623 = arith.constant 0 : i32
      %gather3A_624 = arith.constant 0 : i32
      %gather3A_625 = tpu.memref_slice %arg7[%scan3A_301, %gather3A_623, %gather3A_624] : memref<2x128x32xf32, #tpu.memory_space<vmem>> -> memref<1x128x32xf32, #tpu.memory_space<vmem>>
      %gather3A_626 = tpu.memref_squeeze %gather3A_625 : memref<1x128x32xf32, #tpu.memory_space<vmem>> -> memref<128x32xf32, #tpu.memory_space<vmem>>
      %gather3A_627 = tpu.vector_load_idx %gather3A_626[%add3A_573, %broadcast_in_dim3A_23] : memref<128x32xf32, #tpu.memory_space<vmem>>[vector<16xi32>, vector<16xi32>], vector<16xf32>,
      %gather3A_628 = arith.constant 0 : i32
      %gather3A_629 = arith.constant 0 : i32
      %gather3A_630 = tpu.memref_slice %arg7[%scan3A_301, %gather3A_628, %gather3A_629] : memref<2x128x32xf32, #tpu.memory_space<vmem>> -> memref<1x128x32xf32, #tpu.memory_space<vmem>>
      %gather3A_631 = tpu.memref_squeeze %gather3A_630 : memref<1x128x32xf32, #tpu.memory_space<vmem>> -> memref<128x32xf32, #tpu.memory_space<vmem>>
      %gather3A_632 = tpu.vector_load_idx %gather3A_631[%add3A_573, %broadcast_in_dim3A_25] : memref<128x32xf32, #tpu.memory_space<vmem>>[vector<16xi32>, vector<16xi32>], vector<16xf32>,
      %gather3A_633 = arith.constant 0 : i32
      %gather3A_634 = arith.constant 0 : i32
      %gather3A_635 = tpu.memref_slice %arg7[%scan3A_301, %gather3A_633, %gather3A_634] : memref<2x128x32xf32, #tpu.memory_space<vmem>> -> memref<1x128x32xf32, #tpu.memory_space<vmem>>
      %gather3A_636 = tpu.memref_squeeze %gather3A_635 : memref<1x128x32xf32, #tpu.memory_space<vmem>> -> memref<128x32xf32, #tpu.memory_space<vmem>>
      %gather3A_637 = tpu.vector_load_idx %gather3A_636[%add3A_573, %broadcast_in_dim3A_27] : memref<128x32xf32, #tpu.memory_space<vmem>>[vector<16xi32>, vector<16xi32>], vector<16xf32>,
      %gather3A_638 = arith.constant 0 : i32
      %gather3A_639 = arith.constant 0 : i32
      %gather3A_640 = tpu.memref_slice %arg7[%scan3A_301, %gather3A_638, %gather3A_639] : memref<2x128x32xf32, #tpu.memory_space<vmem>> -> memref<1x128x32xf32, #tpu.memory_space<vmem>>
      %gather3A_641 = tpu.memref_squeeze %gather3A_640 : memref<1x128x32xf32, #tpu.memory_space<vmem>> -> memref<128x32xf32, #tpu.memory_space<vmem>>
      %gather3A_642 = tpu.vector_load_idx %gather3A_641[%add3A_573, %broadcast_in_dim3A_29] : memref<128x32xf32, #tpu.memory_space<vmem>>[vector<16xi32>, vector<16xi32>], vector<16xf32>,
      %gather3A_643 = arith.constant 0 : i32
      %gather3A_644 = arith.constant 0 : i32
      %gather3A_645 = tpu.memref_slice %arg7[%scan3A_301, %gather3A_643, %gather3A_644] : memref<2x128x32xf32, #tpu.memory_space<vmem>> -> memref<1x128x32xf32, #tpu.memory_space<vmem>>
      %gather3A_646 = tpu.memref_squeeze %gather3A_645 : memref<1x128x32xf32, #tpu.memory_space<vmem>> -> memref<128x32xf32, #tpu.memory_space<vmem>>
      %gather3A_647 = tpu.vector_load_idx %gather3A_646[%add3A_573, %broadcast_in_dim3A_31] : memref<128x32xf32, #tpu.memory_space<vmem>>[vector<16xi32>, vector<16xi32>], vector<16xf32>,
      %gather3A_648 = arith.constant 0 : i32
      %gather3A_649 = arith.constant 0 : i32
      %gather3A_650 = tpu.memref_slice %arg7[%scan3A_301, %gather3A_648, %gather3A_649] : memref<2x128x32xf32, #tpu.memory_space<vmem>> -> memref<1x128x32xf32, #tpu.memory_space<vmem>>
      %gather3A_651 = tpu.memref_squeeze %gather3A_650 : memref<1x128x32xf32, #tpu.memory_space<vmem>> -> memref<128x32xf32, #tpu.memory_space<vmem>>
      %gather3A_652 = tpu.vector_load_idx %gather3A_651[%add3A_573, %broadcast_in_dim3A_33] : memref<128x32xf32, #tpu.memory_space<vmem>>[vector<16xi32>, vector<16xi32>], vector<16xf32>,
      %gather3A_653 = arith.constant 0 : i32
      %gather3A_654 = arith.constant 0 : i32
      %gather3A_655 = tpu.memref_slice %arg7[%scan3A_301, %gather3A_653, %gather3A_654] : memref<2x128x32xf32, #tpu.memory_space<vmem>> -> memref<1x128x32xf32, #tpu.memory_space<vmem>>
      %gather3A_656 = tpu.memref_squeeze %gather3A_655 : memref<1x128x32xf32, #tpu.memory_space<vmem>> -> memref<128x32xf32, #tpu.memory_space<vmem>>
      %gather3A_657 = tpu.vector_load_idx %gather3A_656[%add3A_573, %broadcast_in_dim3A_35] : memref<128x32xf32, #tpu.memory_space<vmem>>[vector<16xi32>, vector<16xi32>], vector<16xf32>,
      %gather3A_658 = arith.constant 0 : i32
      %gather3A_659 = arith.constant 0 : i32
      %gather3A_660 = tpu.memref_slice %arg7[%scan3A_301, %gather3A_658, %gather3A_659] : memref<2x128x32xf32, #tpu.memory_space<vmem>> -> memref<1x128x32xf32, #tpu.memory_space<vmem>>
      %gather3A_661 = tpu.memref_squeeze %gather3A_660 : memref<1x128x32xf32, #tpu.memory_space<vmem>> -> memref<128x32xf32, #tpu.memory_space<vmem>>
      %gather3A_662 = tpu.vector_load_idx %gather3A_661[%add3A_573, %broadcast_in_dim3A_37] : memref<128x32xf32, #tpu.memory_space<vmem>>[vector<16xi32>, vector<16xi32>], vector<16xf32>,
      %gather3A_663 = arith.constant 0 : i32
      %gather3A_664 = arith.constant 0 : i32
      %gather3A_665 = tpu.memref_slice %arg7[%scan3A_301, %gather3A_663, %gather3A_664] : memref<2x128x32xf32, #tpu.memory_space<vmem>> -> memref<1x128x32xf32, #tpu.memory_space<vmem>>
      %gather3A_666 = tpu.memref_squeeze %gather3A_665 : memref<1x128x32xf32, #tpu.memory_space<vmem>> -> memref<128x32xf32, #tpu.memory_space<vmem>>
      %gather3A_667 = tpu.vector_load_idx %gather3A_666[%add3A_573, %broadcast_in_dim3A_39] : memref<128x32xf32, #tpu.memory_space<vmem>>[vector<16xi32>, vector<16xi32>], vector<16xf32>,
      %gather3A_668 = arith.constant 0 : i32
      %gather3A_669 = arith.constant 0 : i32
      %gather3A_670 = tpu.memref_slice %arg7[%scan3A_301, %gather3A_668, %gather3A_669] : memref<2x128x32xf32, #tpu.memory_space<vmem>> -> memref<1x128x32xf32, #tpu.memory_space<vmem>>
      %gather3A_671 = tpu.memref_squeeze %gather3A_670 : memref<1x128x32xf32, #tpu.memory_space<vmem>> -> memref<128x32xf32, #tpu.memory_space<vmem>>
      %gather3A_672 = tpu.vector_load_idx %gather3A_671[%add3A_573, %broadcast_in_dim3A_41] : memref<128x32xf32, #tpu.memory_space<vmem>>[vector<16xi32>, vector<16xi32>], vector<16xf32>,
      %gather3A_673 = arith.constant 0 : i32
      %gather3A_674 = arith.constant 0 : i32
      %gather3A_675 = tpu.memref_slice %arg7[%scan3A_301, %gather3A_673, %gather3A_674] : memref<2x128x32xf32, #tpu.memory_space<vmem>> -> memref<1x128x32xf32, #tpu.memory_space<vmem>>
      %gather3A_676 = tpu.memref_squeeze %gather3A_675 : memref<1x128x32xf32, #tpu.memory_space<vmem>> -> memref<128x32xf32, #tpu.memory_space<vmem>>
      %gather3A_677 = tpu.vector_load_idx %gather3A_676[%add3A_573, %broadcast_in_dim3A_43] : memref<128x32xf32, #tpu.memory_space<vmem>>[vector<16xi32>, vector<16xi32>], vector<16xf32>,
      %gather3A_678 = arith.constant 0 : i32
      %gather3A_679 = arith.constant 0 : i32
      %gather3A_680 = tpu.memref_slice %arg7[%scan3A_301, %gather3A_678, %gather3A_679] : memref<2x128x32xf32, #tpu.memory_space<vmem>> -> memref<1x128x32xf32, #tpu.memory_space<vmem>>
      %gather3A_681 = tpu.memref_squeeze %gather3A_680 : memref<1x128x32xf32, #tpu.memory_space<vmem>> -> memref<128x32xf32, #tpu.memory_space<vmem>>
      %gather3A_682 = tpu.vector_load_idx %gather3A_681[%add3A_573, %broadcast_in_dim3A_45] : memref<128x32xf32, #tpu.memory_space<vmem>>[vector<16xi32>, vector<16xi32>], vector<16xf32>,
      %gather3A_683 = arith.constant 0 : i32
      %gather3A_684 = arith.constant 0 : i32
      %gather3A_685 = tpu.memref_slice %arg7[%scan3A_301, %gather3A_683, %gather3A_684] : memref<2x128x32xf32, #tpu.memory_space<vmem>> -> memref<1x128x32xf32, #tpu.memory_space<vmem>>
      %gather3A_686 = tpu.memref_squeeze %gather3A_685 : memref<1x128x32xf32, #tpu.memory_space<vmem>> -> memref<128x32xf32, #tpu.memory_space<vmem>>
      %gather3A_687 = tpu.vector_load_idx %gather3A_686[%add3A_573, %broadcast_in_dim3A_47] : memref<128x32xf32, #tpu.memory_space<vmem>>[vector<16xi32>, vector<16xi32>], vector<16xf32>,
      %gather3A_688 = arith.constant 0 : i32
      %gather3A_689 = arith.constant 0 : i32
      %gather3A_690 = tpu.memref_slice %arg7[%scan3A_301, %gather3A_688, %gather3A_689] : memref<2x128x32xf32, #tpu.memory_space<vmem>> -> memref<1x128x32xf32, #tpu.memory_space<vmem>>
      %gather3A_691 = tpu.memref_squeeze %gather3A_690 : memref<1x128x32xf32, #tpu.memory_space<vmem>> -> memref<128x32xf32, #tpu.memory_space<vmem>>
      %gather3A_692 = tpu.vector_load_idx %gather3A_691[%add3A_573, %broadcast_in_dim3A_49] : memref<128x32xf32, #tpu.memory_space<vmem>>[vector<16xi32>, vector<16xi32>], vector<16xf32>,
      %gather3A_693 = arith.constant 0 : i32
      %gather3A_694 = arith.constant 0 : i32
      %gather3A_695 = tpu.memref_slice %arg7[%scan3A_301, %gather3A_693, %gather3A_694] : memref<2x128x32xf32, #tpu.memory_space<vmem>> -> memref<1x128x32xf32, #tpu.memory_space<vmem>>
      %gather3A_696 = tpu.memref_squeeze %gather3A_695 : memref<1x128x32xf32, #tpu.memory_space<vmem>> -> memref<128x32xf32, #tpu.memory_space<vmem>>
      %gather3A_697 = tpu.vector_load_idx %gather3A_696[%add3A_573, %broadcast_in_dim3A_51] : memref<128x32xf32, #tpu.memory_space<vmem>>[vector<16xi32>, vector<16xi32>], vector<16xf32>,
      %gather3A_698 = arith.constant 0 : i32
      %gather3A_699 = arith.constant 0 : i32
      %gather3A_700 = tpu.memref_slice %arg7[%scan3A_301, %gather3A_698, %gather3A_699] : memref<2x128x32xf32, #tpu.memory_space<vmem>> -> memref<1x128x32xf32, #tpu.memory_space<vmem>>
      %gather3A_701 = tpu.memref_squeeze %gather3A_700 : memref<1x128x32xf32, #tpu.memory_space<vmem>> -> memref<128x32xf32, #tpu.memory_space<vmem>>
      %gather3A_702 = tpu.vector_load_idx %gather3A_701[%add3A_573, %broadcast_in_dim3A_53] : memref<128x32xf32, #tpu.memory_space<vmem>>[vector<16xi32>, vector<16xi32>], vector<16xf32>,
      %gather3A_703 = arith.constant 0 : i32
      %gather3A_704 = arith.constant 0 : i32
      %gather3A_705 = tpu.memref_slice %arg7[%scan3A_301, %gather3A_703, %gather3A_704] : memref<2x128x32xf32, #tpu.memory_space<vmem>> -> memref<1x128x32xf32, #tpu.memory_space<vmem>>
      %gather3A_706 = tpu.memref_squeeze %gather3A_705 : memref<1x128x32xf32, #tpu.memory_space<vmem>> -> memref<128x32xf32, #tpu.memory_space<vmem>>
      %gather3A_707 = tpu.vector_load_idx %gather3A_706[%add3A_573, %broadcast_in_dim3A_55] : memref<128x32xf32, #tpu.memory_space<vmem>>[vector<16xi32>, vector<16xi32>], vector<16xf32>,
      %gather3A_708 = arith.constant 0 : i32
      %gather3A_709 = arith.constant 0 : i32
      %gather3A_710 = tpu.memref_slice %arg7[%scan3A_301, %gather3A_708, %gather3A_709] : memref<2x128x32xf32, #tpu.memory_space<vmem>> -> memref<1x128x32xf32, #tpu.memory_space<vmem>>
      %gather3A_711 = tpu.memref_squeeze %gather3A_710 : memref<1x128x32xf32, #tpu.memory_space<vmem>> -> memref<128x32xf32, #tpu.memory_space<vmem>>
      %gather3A_712 = tpu.vector_load_idx %gather3A_711[%add3A_573, %broadcast_in_dim3A_57] : memref<128x32xf32, #tpu.memory_space<vmem>>[vector<16xi32>, vector<16xi32>], vector<16xf32>,
      %gather3A_713 = arith.constant 0 : i32
      %gather3A_714 = arith.constant 0 : i32
      %gather3A_715 = tpu.memref_slice %arg7[%scan3A_301, %gather3A_713, %gather3A_714] : memref<2x128x32xf32, #tpu.memory_space<vmem>> -> memref<1x128x32xf32, #tpu.memory_space<vmem>>
      %gather3A_716 = tpu.memref_squeeze %gather3A_715 : memref<1x128x32xf32, #tpu.memory_space<vmem>> -> memref<128x32xf32, #tpu.memory_space<vmem>>
      %gather3A_717 = tpu.vector_load_idx %gather3A_716[%add3A_573, %broadcast_in_dim3A_59] : memref<128x32xf32, #tpu.memory_space<vmem>>[vector<16xi32>, vector<16xi32>], vector<16xf32>,
      %gather3A_718 = arith.constant 0 : i32
      %gather3A_719 = arith.constant 0 : i32
      %gather3A_720 = tpu.memref_slice %arg7[%scan3A_301, %gather3A_718, %gather3A_719] : memref<2x128x32xf32, #tpu.memory_space<vmem>> -> memref<1x128x32xf32, #tpu.memory_space<vmem>>
      %gather3A_721 = tpu.memref_squeeze %gather3A_720 : memref<1x128x32xf32, #tpu.memory_space<vmem>> -> memref<128x32xf32, #tpu.memory_space<vmem>>
      %gather3A_722 = tpu.vector_load_idx %gather3A_721[%add3A_573, %broadcast_in_dim3A_61] : memref<128x32xf32, #tpu.memory_space<vmem>>[vector<16xi32>, vector<16xi32>], vector<16xf32>,
      %gather3A_723 = arith.constant 0 : i32
      %gather3A_724 = arith.constant 0 : i32
      %gather3A_725 = tpu.memref_slice %arg7[%scan3A_301, %gather3A_723, %gather3A_724] : memref<2x128x32xf32, #tpu.memory_space<vmem>> -> memref<1x128x32xf32, #tpu.memory_space<vmem>>
      %gather3A_726 = tpu.memref_squeeze %gather3A_725 : memref<1x128x32xf32, #tpu.memory_space<vmem>> -> memref<128x32xf32, #tpu.memory_space<vmem>>
      %gather3A_727 = tpu.vector_load_idx %gather3A_726[%add3A_573, %broadcast_in_dim3A_63] : memref<128x32xf32, #tpu.memory_space<vmem>>[vector<16xi32>, vector<16xi32>], vector<16xf32>,
      %gather3A_728 = arith.constant 0 : i32
      %gather3A_729 = arith.constant 0 : i32
      %gather3A_730 = tpu.memref_slice %arg7[%scan3A_301, %gather3A_728, %gather3A_729] : memref<2x128x32xf32, #tpu.memory_space<vmem>> -> memref<1x128x32xf32, #tpu.memory_space<vmem>>
      %gather3A_731 = tpu.memref_squeeze %gather3A_730 : memref<1x128x32xf32, #tpu.memory_space<vmem>> -> memref<128x32xf32, #tpu.memory_space<vmem>>
      %gather3A_732 = tpu.vector_load_idx %gather3A_731[%add3A_573, %broadcast_in_dim3A_65] : memref<128x32xf32, #tpu.memory_space<vmem>>[vector<16xi32>, vector<16xi32>], vector<16xf32>,
      %add3A_733 = arith.constant 0 : i32
      %add3A_734 = arith.addi %add3A_733, %mul3A_571 : i32
      %swap3A = arith.index_cast %add3A_734 : i32 to index
      %swap3A_735 = tpu.vector_load %arg8[%swap3A] {strides = array<i32>} : memref<8192xf32, #tpu.memory_space<vmem>>, vector<16xf32>,
      tpu.vector_store %arg8[%swap3A], %gather3A_577 {strides = array<i32>} : memref<8192xf32, #tpu.memory_space<vmem>>, vector<16xf32>,
      %add3A_736 = arith.constant 128 : i32
      %add3A_737 = arith.addi %add3A_736, %mul3A_571 : i32
      %swap3A_738 = arith.index_cast %add3A_737 : i32 to index
      %swap3A_739 = tpu.vector_load %arg8[%swap3A_738] {strides = array<i32>} : memref<8192xf32, #tpu.memory_space<vmem>>, vector<16xf32>,
      tpu.vector_store %arg8[%swap3A_738], %gather3A_582 {strides = array<i32>} : memref<8192xf32, #tpu.memory_space<vmem>>, vector<16xf32>,
      %add3A_740 = arith.constant 256 : i32
      %add3A_741 = arith.addi %add3A_740, %mul3A_571 : i32
      %swap3A_742 = arith.index_cast %add3A_741 : i32 to index
      %swap3A_743 = tpu.vector_load %arg8[%swap3A_742] {strides = array<i32>} : memref<8192xf32, #tpu.memory_space<vmem>>, vector<16xf32>,
      tpu.vector_store %arg8[%swap3A_742], %gather3A_587 {strides = array<i32>} : memref<8192xf32, #tpu.memory_space<vmem>>, vector<16xf32>,
      %add3A_744 = arith.constant 384 : i32
      %add3A_745 = arith.addi %add3A_744, %mul3A_571 : i32
      %swap3A_746 = arith.index_cast %add3A_745 : i32 to index
      %swap3A_747 = tpu.vector_load %arg8[%swap3A_746] {strides = array<i32>} : memref<8192xf32, #tpu.memory_space<vmem>>, vector<16xf32>,
      tpu.vector_store %arg8[%swap3A_746], %gather3A_592 {strides = array<i32>} : memref<8192xf32, #tpu.memory_space<vmem>>, vector<16xf32>,
      %add3A_748 = arith.constant 512 : i32
      %add3A_749 = arith.addi %add3A_748, %mul3A_571 : i32
      %swap3A_750 = arith.index_cast %add3A_749 : i32 to index
      %swap3A_751 = tpu.vector_load %arg8[%swap3A_750] {strides = array<i32>} : memref<8192xf32, #tpu.memory_space<vmem>>, vector<16xf32>,
      tpu.vector_store %arg8[%swap3A_750], %gather3A_597 {strides = array<i32>} : memref<8192xf32, #tpu.memory_space<vmem>>, vector<16xf32>,
      %add3A_752 = arith.constant 640 : i32
      %add3A_753 = arith.addi %add3A_752, %mul3A_571 : i32
      %swap3A_754 = arith.index_cast %add3A_753 : i32 to index
      %swap3A_755 = tpu.vector_load %arg8[%swap3A_754] {strides = array<i32>} : memref<8192xf32, #tpu.memory_space<vmem>>, vector<16xf32>,
      tpu.vector_store %arg8[%swap3A_754], %gather3A_602 {strides = array<i32>} : memref<8192xf32, #tpu.memory_space<vmem>>, vector<16xf32>,
      %add3A_756 = arith.constant 768 : i32
      %add3A_757 = arith.addi %add3A_756, %mul3A_571 : i32
      %swap3A_758 = arith.index_cast %add3A_757 : i32 to index
      %swap3A_759 = tpu.vector_load %arg8[%swap3A_758] {strides = array<i32>} : memref<8192xf32, #tpu.memory_space<vmem>>, vector<16xf32>,
      tpu.vector_store %arg8[%swap3A_758], %gather3A_607 {strides = array<i32>} : memref<8192xf32, #tpu.memory_space<vmem>>, vector<16xf32>,
      %add3A_760 = arith.constant 896 : i32
      %add3A_761 = arith.addi %add3A_760, %mul3A_571 : i32
      %swap3A_762 = arith.index_cast %add3A_761 : i32 to index
      %swap3A_763 = tpu.vector_load %arg8[%swap3A_762] {strides = array<i32>} : memref<8192xf32, #tpu.memory_space<vmem>>, vector<16xf32>,
      tpu.vector_store %arg8[%swap3A_762], %gather3A_612 {strides = array<i32>} : memref<8192xf32, #tpu.memory_space<vmem>>, vector<16xf32>,
      %add3A_764 = arith.constant 1024 : i32
      %add3A_765 = arith.addi %add3A_764, %mul3A_571 : i32
      %swap3A_766 = arith.index_cast %add3A_765 : i32 to index
      %swap3A_767 = tpu.vector_load %arg8[%swap3A_766] {strides = array<i32>} : memref<8192xf32, #tpu.memory_space<vmem>>, vector<16xf32>,
      tpu.vector_store %arg8[%swap3A_766], %gather3A_617 {strides = array<i32>} : memref<8192xf32, #tpu.memory_space<vmem>>, vector<16xf32>,
      %add3A_768 = arith.constant 1152 : i32
      %add3A_769 = arith.addi %add3A_768, %mul3A_571 : i32
      %swap3A_770 = arith.index_cast %add3A_769 : i32 to index
      %swap3A_771 = tpu.vector_load %arg8[%swap3A_770] {strides = array<i32>} : memref<8192xf32, #tpu.memory_space<vmem>>, vector<16xf32>,
      tpu.vector_store %arg8[%swap3A_770], %gather3A_622 {strides = array<i32>} : memref<8192xf32, #tpu.memory_space<vmem>>, vector<16xf32>,
      %add3A_772 = arith.constant 1280 : i32
      %add3A_773 = arith.addi %add3A_772, %mul3A_571 : i32
      %swap3A_774 = arith.index_cast %add3A_773 : i32 to index
      %swap3A_775 = tpu.vector_load %arg8[%swap3A_774] {strides = array<i32>} : memref<8192xf32, #tpu.memory_space<vmem>>, vector<16xf32>,
      tpu.vector_store %arg8[%swap3A_774], %gather3A_627 {strides = array<i32>} : memref<8192xf32, #tpu.memory_space<vmem>>, vector<16xf32>,
      %add3A_776 = arith.constant 1408 : i32
      %add3A_777 = arith.addi %add3A_776, %mul3A_571 : i32
      %swap3A_778 = arith.index_cast %add3A_777 : i32 to index
      %swap3A_779 = tpu.vector_load %arg8[%swap3A_778] {strides = array<i32>} : memref<8192xf32, #tpu.memory_space<vmem>>, vector<16xf32>,
      tpu.vector_store %arg8[%swap3A_778], %gather3A_632 {strides = array<i32>} : memref<8192xf32, #tpu.memory_space<vmem>>, vector<16xf32>,
      %add3A_780 = arith.constant 1536 : i32
      %add3A_781 = arith.addi %add3A_780, %mul3A_571 : i32
      %swap3A_782 = arith.index_cast %add3A_781 : i32 to index
      %swap3A_783 = tpu.vector_load %arg8[%swap3A_782] {strides = array<i32>} : memref<8192xf32, #tpu.memory_space<vmem>>, vector<16xf32>,
      tpu.vector_store %arg8[%swap3A_782], %gather3A_637 {strides = array<i32>} : memref<8192xf32, #tpu.memory_space<vmem>>, vector<16xf32>,
      %add3A_784 = arith.constant 1664 : i32
      %add3A_785 = arith.addi %add3A_784, %mul3A_571 : i32
      %swap3A_786 = arith.index_cast %add3A_785 : i32 to index
      %swap3A_787 = tpu.vector_load %arg8[%swap3A_786] {strides = array<i32>} : memref<8192xf32, #tpu.memory_space<vmem>>, vector<16xf32>,
      tpu.vector_store %arg8[%swap3A_786], %gather3A_642 {strides = array<i32>} : memref<8192xf32, #tpu.memory_space<vmem>>, vector<16xf32>,
      %add3A_788 = arith.constant 1792 : i32
      %add3A_789 = arith.addi %add3A_788, %mul3A_571 : i32
      %swap3A_790 = arith.index_cast %add3A_789 : i32 to index
      %swap3A_791 = tpu.vector_load %arg8[%swap3A_790] {strides = array<i32>} : memref<8192xf32, #tpu.memory_space<vmem>>, vector<16xf32>,
      tpu.vector_store %arg8[%swap3A_790], %gather3A_647 {strides = array<i32>} : memref<8192xf32, #tpu.memory_space<vmem>>, vector<16xf32>,
      %add3A_792 = arith.constant 1920 : i32
      %add3A_793 = arith.addi %add3A_792, %mul3A_571 : i32
      %swap3A_794 = arith.index_cast %add3A_793 : i32 to index
      %swap3A_795 = tpu.vector_load %arg8[%swap3A_794] {strides = array<i32>} : memref<8192xf32, #tpu.memory_space<vmem>>, vector<16xf32>,
      tpu.vector_store %arg8[%swap3A_794], %gather3A_652 {strides = array<i32>} : memref<8192xf32, #tpu.memory_space<vmem>>, vector<16xf32>,
      %add3A_796 = arith.constant 2048 : i32
      %add3A_797 = arith.addi %add3A_796, %mul3A_571 : i32
      %swap3A_798 = arith.index_cast %add3A_797 : i32 to index
      %swap3A_799 = tpu.vector_load %arg8[%swap3A_798] {strides = array<i32>} : memref<8192xf32, #tpu.memory_space<vmem>>, vector<16xf32>,
      tpu.vector_store %arg8[%swap3A_798], %gather3A_657 {strides = array<i32>} : memref<8192xf32, #tpu.memory_space<vmem>>, vector<16xf32>,
      %add3A_800 = arith.constant 2176 : i32
      %add3A_801 = arith.addi %add3A_800, %mul3A_571 : i32
      %swap3A_802 = arith.index_cast %add3A_801 : i32 to index
      %swap3A_803 = tpu.vector_load %arg8[%swap3A_802] {strides = array<i32>} : memref<8192xf32, #tpu.memory_space<vmem>>, vector<16xf32>,
      tpu.vector_store %arg8[%swap3A_802], %gather3A_662 {strides = array<i32>} : memref<8192xf32, #tpu.memory_space<vmem>>, vector<16xf32>,
      %add3A_804 = arith.constant 2304 : i32
      %add3A_805 = arith.addi %add3A_804, %mul3A_571 : i32
      %swap3A_806 = arith.index_cast %add3A_805 : i32 to index
      %swap3A_807 = tpu.vector_load %arg8[%swap3A_806] {strides = array<i32>} : memref<8192xf32, #tpu.memory_space<vmem>>, vector<16xf32>,
      tpu.vector_store %arg8[%swap3A_806], %gather3A_667 {strides = array<i32>} : memref<8192xf32, #tpu.memory_space<vmem>>, vector<16xf32>,
      %add3A_808 = arith.constant 2432 : i32
      %add3A_809 = arith.addi %add3A_808, %mul3A_571 : i32
      %swap3A_810 = arith.index_cast %add3A_809 : i32 to index
      %swap3A_811 = tpu.vector_load %arg8[%swap3A_810] {strides = array<i32>} : memref<8192xf32, #tpu.memory_space<vmem>>, vector<16xf32>,
      tpu.vector_store %arg8[%swap3A_810], %gather3A_672 {strides = array<i32>} : memref<8192xf32, #tpu.memory_space<vmem>>, vector<16xf32>,
      %add3A_812 = arith.constant 2560 : i32
      %add3A_813 = arith.addi %add3A_812, %mul3A_571 : i32
      %swap3A_814 = arith.index_cast %add3A_813 : i32 to index
      %swap3A_815 = tpu.vector_load %arg8[%swap3A_814] {strides = array<i32>} : memref<8192xf32, #tpu.memory_space<vmem>>, vector<16xf32>,
      tpu.vector_store %arg8[%swap3A_814], %gather3A_677 {strides = array<i32>} : memref<8192xf32, #tpu.memory_space<vmem>>, vector<16xf32>,
      %add3A_816 = arith.constant 2688 : i32
      %add3A_817 = arith.addi %add3A_816, %mul3A_571 : i32
      %swap3A_818 = arith.index_cast %add3A_817 : i32 to index
      %swap3A_819 = tpu.vector_load %arg8[%swap3A_818] {strides = array<i32>} : memref<8192xf32, #tpu.memory_space<vmem>>, vector<16xf32>,
      tpu.vector_store %arg8[%swap3A_818], %gather3A_682 {strides = array<i32>} : memref<8192xf32, #tpu.memory_space<vmem>>, vector<16xf32>,
      %add3A_820 = arith.constant 2816 : i32
      %add3A_821 = arith.addi %add3A_820, %mul3A_571 : i32
      %swap3A_822 = arith.index_cast %add3A_821 : i32 to index
      %swap3A_823 = tpu.vector_load %arg8[%swap3A_822] {strides = array<i32>} : memref<8192xf32, #tpu.memory_space<vmem>>, vector<16xf32>,
      tpu.vector_store %arg8[%swap3A_822], %gather3A_687 {strides = array<i32>} : memref<8192xf32, #tpu.memory_space<vmem>>, vector<16xf32>,
      %add3A_824 = arith.constant 2944 : i32
      %add3A_825 = arith.addi %add3A_824, %mul3A_571 : i32
      %swap3A_826 = arith.index_cast %add3A_825 : i32 to index
      %swap3A_827 = tpu.vector_load %arg8[%swap3A_826] {strides = array<i32>} : memref<8192xf32, #tpu.memory_space<vmem>>, vector<16xf32>,
      tpu.vector_store %arg8[%swap3A_826], %gather3A_692 {strides = array<i32>} : memref<8192xf32, #tpu.memory_space<vmem>>, vector<16xf32>,
      %add3A_828 = arith.constant 3072 : i32
      %add3A_829 = arith.addi %add3A_828, %mul3A_571 : i32
      %swap3A_830 = arith.index_cast %add3A_829 : i32 to index
      %swap3A_831 = tpu.vector_load %arg8[%swap3A_830] {strides = array<i32>} : memref<8192xf32, #tpu.memory_space<vmem>>, vector<16xf32>,
      tpu.vector_store %arg8[%swap3A_830], %gather3A_697 {strides = array<i32>} : memref<8192xf32, #tpu.memory_space<vmem>>, vector<16xf32>,
      %add3A_832 = arith.constant 3200 : i32
      %add3A_833 = arith.addi %add3A_832, %mul3A_571 : i32
      %swap3A_834 = arith.index_cast %add3A_833 : i32 to index
      %swap3A_835 = tpu.vector_load %arg8[%swap3A_834] {strides = array<i32>} : memref<8192xf32, #tpu.memory_space<vmem>>, vector<16xf32>,
      tpu.vector_store %arg8[%swap3A_834], %gather3A_702 {strides = array<i32>} : memref<8192xf32, #tpu.memory_space<vmem>>, vector<16xf32>,
      %add3A_836 = arith.constant 3328 : i32
      %add3A_837 = arith.addi %add3A_836, %mul3A_571 : i32
      %swap3A_838 = arith.index_cast %add3A_837 : i32 to index
      %swap3A_839 = tpu.vector_load %arg8[%swap3A_838] {strides = array<i32>} : memref<8192xf32, #tpu.memory_space<vmem>>, vector<16xf32>,
      tpu.vector_store %arg8[%swap3A_838], %gather3A_707 {strides = array<i32>} : memref<8192xf32, #tpu.memory_space<vmem>>, vector<16xf32>,
      %add3A_840 = arith.constant 3456 : i32
      %add3A_841 = arith.addi %add3A_840, %mul3A_571 : i32
      %swap3A_842 = arith.index_cast %add3A_841 : i32 to index
      %swap3A_843 = tpu.vector_load %arg8[%swap3A_842] {strides = array<i32>} : memref<8192xf32, #tpu.memory_space<vmem>>, vector<16xf32>,
      tpu.vector_store %arg8[%swap3A_842], %gather3A_712 {strides = array<i32>} : memref<8192xf32, #tpu.memory_space<vmem>>, vector<16xf32>,
      %add3A_844 = arith.constant 3584 : i32
      %add3A_845 = arith.addi %add3A_844, %mul3A_571 : i32
      %swap3A_846 = arith.index_cast %add3A_845 : i32 to index
      %swap3A_847 = tpu.vector_load %arg8[%swap3A_846] {strides = array<i32>} : memref<8192xf32, #tpu.memory_space<vmem>>, vector<16xf32>,
      tpu.vector_store %arg8[%swap3A_846], %gather3A_717 {strides = array<i32>} : memref<8192xf32, #tpu.memory_space<vmem>>, vector<16xf32>,
      %add3A_848 = arith.constant 3712 : i32
      %add3A_849 = arith.addi %add3A_848, %mul3A_571 : i32
      %swap3A_850 = arith.index_cast %add3A_849 : i32 to index
      %swap3A_851 = tpu.vector_load %arg8[%swap3A_850] {strides = array<i32>} : memref<8192xf32, #tpu.memory_space<vmem>>, vector<16xf32>,
      tpu.vector_store %arg8[%swap3A_850], %gather3A_722 {strides = array<i32>} : memref<8192xf32, #tpu.memory_space<vmem>>, vector<16xf32>,
      %add3A_852 = arith.constant 3840 : i32
      %add3A_853 = arith.addi %add3A_852, %mul3A_571 : i32
      %swap3A_854 = arith.index_cast %add3A_853 : i32 to index
      %swap3A_855 = tpu.vector_load %arg8[%swap3A_854] {strides = array<i32>} : memref<8192xf32, #tpu.memory_space<vmem>>, vector<16xf32>,
      tpu.vector_store %arg8[%swap3A_854], %gather3A_727 {strides = array<i32>} : memref<8192xf32, #tpu.memory_space<vmem>>, vector<16xf32>,
      %add3A_856 = arith.constant 3968 : i32
      %add3A_857 = arith.addi %add3A_856, %mul3A_571 : i32
      %swap3A_858 = arith.index_cast %add3A_857 : i32 to index
      %swap3A_859 = tpu.vector_load %arg8[%swap3A_858] {strides = array<i32>} : memref<8192xf32, #tpu.memory_space<vmem>>, vector<16xf32>,
      tpu.vector_store %arg8[%swap3A_858], %gather3A_732 {strides = array<i32>} : memref<8192xf32, #tpu.memory_space<vmem>>, vector<16xf32>,
    }
    %scan3A_306 = arith.constant 8 : i32
    %barrier3A_307 = arith.constant 0 : index
    tpu.barrier barrier_id(%barrier3A_307)
    %mul3A_308 = arith.constant 4096 : i32
    %mul3A_309 = arith.muli %add3A, %mul3A_308 : i32
    %add3A_310 = arith.constant 25690112 : i32
    %add3A_311 = arith.addi %add3A_310, %mul3A_309 : i32
    %add3A_312 = arith.constant 2048 : i32
    %add3A_313 = arith.addi %add3A_311, %add3A_312 : i32
    %dma_start3A_314 = arith.constant 0 : i32
    %dma_start3A_315 = tpu.memref_slice %arg8[%dma_start3A_314] : memref<8192xf32, #tpu.memory_space<vmem>> -> memref<1024xf32, #tpu.memory_space<vmem>>
    %dma_start3A_316 = tpu.memref_slice %arg4[%add3A_313] : memref<26214400xf32, #tpu.memory_space<hbm>> -> memref<1024xf32, #tpu.memory_space<hbm>>
    %dma_start3A_317 = tpu.memref_slice %arg4[%add3A_313] : memref<26214400xf32, #tpu.memory_space<hbm>> -> memref<1024xf32, #tpu.memory_space<hbm>>
    %dma_start3A_318 = arith.constant 0 : i32
    %dma_start3A_319 = tpu.memref_slice %arg8[%dma_start3A_318] : memref<8192xf32, #tpu.memory_space<vmem>> -> memref<1024xf32, #tpu.memory_space<vmem>>
    tpu.enqueue_dma source(%dma_start3A_319 : memref<1024xf32, #tpu.memory_space<vmem>>) target(%dma_start3A_317 : memref<1024xf32, #tpu.memory_space<hbm>>) target_semaphore(%arg11 : memref<!tpu.dma_semaphore, #tpu.memory_space<semaphore_mem>>)
    %mul3A_320 = arith.constant 4096 : i32
    %mul3A_321 = arith.muli %add3A, %mul3A_320 : i32
    %add3A_322 = arith.constant 25821184 : i32
    %add3A_323 = arith.addi %add3A_322, %mul3A_321 : i32
    %add3A_324 = arith.constant 2048 : i32
    %add3A_325 = arith.addi %add3A_323, %add3A_324 : i32
    %dma_start3A_326 = arith.constant 1024 : i32
    %dma_start3A_327 = tpu.memref_slice %arg8[%dma_start3A_326] : memref<8192xf32, #tpu.memory_space<vmem>> -> memref<1024xf32, #tpu.memory_space<vmem>>
    %dma_start3A_328 = tpu.memref_slice %arg4[%add3A_325] : memref<26214400xf32, #tpu.memory_space<hbm>> -> memref<1024xf32, #tpu.memory_space<hbm>>
    %dma_start3A_329 = tpu.memref_slice %arg4[%add3A_325] : memref<26214400xf32, #tpu.memory_space<hbm>> -> memref<1024xf32, #tpu.memory_space<hbm>>
    %dma_start3A_330 = arith.constant 1024 : i32
    %dma_start3A_331 = tpu.memref_slice %arg8[%dma_start3A_330] : memref<8192xf32, #tpu.memory_space<vmem>> -> memref<1024xf32, #tpu.memory_space<vmem>>
    tpu.enqueue_dma source(%dma_start3A_331 : memref<1024xf32, #tpu.memory_space<vmem>>) target(%dma_start3A_329 : memref<1024xf32, #tpu.memory_space<hbm>>) target_semaphore(%arg11 : memref<!tpu.dma_semaphore, #tpu.memory_space<semaphore_mem>>)
    %mul3A_332 = arith.constant 4096 : i32
    %mul3A_333 = arith.muli %add3A, %mul3A_332 : i32
    %add3A_334 = arith.constant 25952256 : i32
    %add3A_335 = arith.addi %add3A_334, %mul3A_333 : i32
    %add3A_336 = arith.constant 2048 : i32
    %add3A_337 = arith.addi %add3A_335, %add3A_336 : i32
    %dma_start3A_338 = arith.constant 2048 : i32
    %dma_start3A_339 = tpu.memref_slice %arg8[%dma_start3A_338] : memref<8192xf32, #tpu.memory_space<vmem>> -> memref<1024xf32, #tpu.memory_space<vmem>>
    %dma_start3A_340 = tpu.memref_slice %arg4[%add3A_337] : memref<26214400xf32, #tpu.memory_space<hbm>> -> memref<1024xf32, #tpu.memory_space<hbm>>
    %dma_start3A_341 = tpu.memref_slice %arg4[%add3A_337] : memref<26214400xf32, #tpu.memory_space<hbm>> -> memref<1024xf32, #tpu.memory_space<hbm>>
    %dma_start3A_342 = arith.constant 2048 : i32
    %dma_start3A_343 = tpu.memref_slice %arg8[%dma_start3A_342] : memref<8192xf32, #tpu.memory_space<vmem>> -> memref<1024xf32, #tpu.memory_space<vmem>>
    tpu.enqueue_dma source(%dma_start3A_343 : memref<1024xf32, #tpu.memory_space<vmem>>) target(%dma_start3A_341 : memref<1024xf32, #tpu.memory_space<hbm>>) target_semaphore(%arg11 : memref<!tpu.dma_semaphore, #tpu.memory_space<semaphore_mem>>)
    %mul3A_344 = arith.constant 4096 : i32
    %mul3A_345 = arith.muli %add3A, %mul3A_344 : i32
    %add3A_346 = arith.constant 26083328 : i32
    %add3A_347 = arith.addi %add3A_346, %mul3A_345 : i32
    %add3A_348 = arith.constant 2048 : i32
    %add3A_349 = arith.addi %add3A_347, %add3A_348 : i32
    %dma_start3A_350 = arith.constant 3072 : i32
    %dma_start3A_351 = tpu.memref_slice %arg8[%dma_start3A_350] : memref<8192xf32, #tpu.memory_space<vmem>> -> memref<1024xf32, #tpu.memory_space<vmem>>
    %dma_start3A_352 = tpu.memref_slice %arg4[%add3A_349] : memref<26214400xf32, #tpu.memory_space<hbm>> -> memref<1024xf32, #tpu.memory_space<hbm>>
    %dma_start3A_353 = tpu.memref_slice %arg4[%add3A_349] : memref<26214400xf32, #tpu.memory_space<hbm>> -> memref<1024xf32, #tpu.memory_space<hbm>>
    %dma_start3A_354 = arith.constant 3072 : i32
    %dma_start3A_355 = tpu.memref_slice %arg8[%dma_start3A_354] : memref<8192xf32, #tpu.memory_space<vmem>> -> memref<1024xf32, #tpu.memory_space<vmem>>
    tpu.enqueue_dma source(%dma_start3A_355 : memref<1024xf32, #tpu.memory_space<vmem>>) target(%dma_start3A_353 : memref<1024xf32, #tpu.memory_space<hbm>>) target_semaphore(%arg11 : memref<!tpu.dma_semaphore, #tpu.memory_space<semaphore_mem>>)
    %dma_wait3A_356 = arith.constant 1 : i32
    %dma_wait3A_357 = arith.constant 0 : i32
    %dma_wait3A_358 = arith.constant 0 : i32
    %dma_wait3A_359 = tpu.memref_slice %arg7[%dma_wait3A_356, %dma_wait3A_357, %dma_wait3A_358] : memref<2x128x32xf32, #tpu.memory_space<vmem>> -> memref<1x128x32xf32, #tpu.memory_space<vmem>>
    %dma_wait3A_360 = tpu.memref_squeeze %dma_wait3A_359 : memref<1x128x32xf32, #tpu.memory_space<vmem>> -> memref<128x32xf32, #tpu.memory_space<vmem>>
    %dma_wait3A_361 = arith.constant 25472 : i32
    %dma_wait3A_362 = tpu.memref_slice %arg6[%dma_wait3A_361] : memref<25600xi32, #tpu.memory_space<vmem>> -> memref<128xi32, #tpu.memory_space<vmem>>
    %dma_wait3A_363 = arith.constant 0 : i32
    %dma_wait3A_364 = arith.constant 0 : i32
    %dma_wait3A_365 = tpu.memref_slice %arg3[%dma_wait3A_363, %dma_wait3A_364] : memref<1000000x32xf32, #tpu.memory_space<hbm>> -> memref<1000000x32xf32, #tpu.memory_space<hbm>>
    tpu.wait_indirect_dma semaphore(%arg10 : memref<!tpu.dma_semaphore, #tpu.memory_space<semaphore_mem>>) src(%dma_wait3A_365 : memref<1000000x32xf32, #tpu.memory_space<hbm>>) dst(%dma_wait3A_360 : memref<128x32xf32, #tpu.memory_space<vmem>>)
    %mul3A_366 = arith.constant 4096 : i32
    %mul3A_367 = arith.muli %add3A, %mul3A_366 : i32
    %add3A_368 = arith.constant 25690112 : i32
    %add3A_369 = arith.addi %add3A_368, %mul3A_367 : i32
    %add3A_370 = arith.constant 1024 : i32
    %add3A_371 = arith.addi %add3A_369, %add3A_370 : i32
    %dma_wait3A_372 = arith.constant 4096 : i32
    %dma_wait3A_373 = tpu.memref_slice %arg8[%dma_wait3A_372] : memref<8192xf32, #tpu.memory_space<vmem>> -> memref<1024xf32, #tpu.memory_space<vmem>>
    %dma_wait3A_374 = tpu.memref_slice %arg4[%add3A_371] : memref<26214400xf32, #tpu.memory_space<hbm>> -> memref<1024xf32, #tpu.memory_space<hbm>>
    %dma_wait3A_375 = tpu.memref_slice %arg4[%add3A_371] : memref<26214400xf32, #tpu.memory_space<hbm>> -> memref<1024xf32, #tpu.memory_space<hbm>>
    %dma_wait3A_376 = arith.constant 4096 : i32
    %dma_wait3A_377 = tpu.memref_slice %arg8[%dma_wait3A_376] : memref<8192xf32, #tpu.memory_space<vmem>> -> memref<1024xf32, #tpu.memory_space<vmem>>
    tpu.wait_dma2 semaphore(%arg12 : memref<!tpu.dma_semaphore, #tpu.memory_space<semaphore_mem>>) src(%dma_wait3A_377 : memref<1024xf32, #tpu.memory_space<vmem>>) dst(%dma_wait3A_375 : memref<1024xf32, #tpu.memory_space<hbm>>)
    %mul3A_378 = arith.constant 4096 : i32
    %mul3A_379 = arith.muli %add3A, %mul3A_378 : i32
    %add3A_380 = arith.constant 25821184 : i32
    %add3A_381 = arith.addi %add3A_380, %mul3A_379 : i32
    %add3A_382 = arith.constant 1024 : i32
    %add3A_383 = arith.addi %add3A_381, %add3A_382 : i32
    %dma_wait3A_384 = arith.constant 5120 : i32
    %dma_wait3A_385 = tpu.memref_slice %arg8[%dma_wait3A_384] : memref<8192xf32, #tpu.memory_space<vmem>> -> memref<1024xf32, #tpu.memory_space<vmem>>
    %dma_wait3A_386 = tpu.memref_slice %arg4[%add3A_383] : memref<26214400xf32, #tpu.memory_space<hbm>> -> memref<1024xf32, #tpu.memory_space<hbm>>
    %dma_wait3A_387 = tpu.memref_slice %arg4[%add3A_383] : memref<26214400xf32, #tpu.memory_space<hbm>> -> memref<1024xf32, #tpu.memory_space<hbm>>
    %dma_wait3A_388 = arith.constant 5120 : i32
    %dma_wait3A_389 = tpu.memref_slice %arg8[%dma_wait3A_388] : memref<8192xf32, #tpu.memory_space<vmem>> -> memref<1024xf32, #tpu.memory_space<vmem>>
    tpu.wait_dma2 semaphore(%arg12 : memref<!tpu.dma_semaphore, #tpu.memory_space<semaphore_mem>>) src(%dma_wait3A_389 : memref<1024xf32, #tpu.memory_space<vmem>>) dst(%dma_wait3A_387 : memref<1024xf32, #tpu.memory_space<hbm>>)
    %mul3A_390 = arith.constant 4096 : i32
    %mul3A_391 = arith.muli %add3A, %mul3A_390 : i32
    %add3A_392 = arith.constant 25952256 : i32
    %add3A_393 = arith.addi %add3A_392, %mul3A_391 : i32
    %add3A_394 = arith.constant 1024 : i32
    %add3A_395 = arith.addi %add3A_393, %add3A_394 : i32
    %dma_wait3A_396 = arith.constant 6144 : i32
    %dma_wait3A_397 = tpu.memref_slice %arg8[%dma_wait3A_396] : memref<8192xf32, #tpu.memory_space<vmem>> -> memref<1024xf32, #tpu.memory_space<vmem>>
    %dma_wait3A_398 = tpu.memref_slice %arg4[%add3A_395] : memref<26214400xf32, #tpu.memory_space<hbm>> -> memref<1024xf32, #tpu.memory_space<hbm>>
    %dma_wait3A_399 = tpu.memref_slice %arg4[%add3A_395] : memref<26214400xf32, #tpu.memory_space<hbm>> -> memref<1024xf32, #tpu.memory_space<hbm>>
    %dma_wait3A_400 = arith.constant 6144 : i32
    %dma_wait3A_401 = tpu.memref_slice %arg8[%dma_wait3A_400] : memref<8192xf32, #tpu.memory_space<vmem>> -> memref<1024xf32, #tpu.memory_space<vmem>>
    tpu.wait_dma2 semaphore(%arg12 : memref<!tpu.dma_semaphore, #tpu.memory_space<semaphore_mem>>) src(%dma_wait3A_401 : memref<1024xf32, #tpu.memory_space<vmem>>) dst(%dma_wait3A_399 : memref<1024xf32, #tpu.memory_space<hbm>>)
    %mul3A_402 = arith.constant 4096 : i32
    %mul3A_403 = arith.muli %add3A, %mul3A_402 : i32
    %add3A_404 = arith.constant 26083328 : i32
    %add3A_405 = arith.addi %add3A_404, %mul3A_403 : i32
    %add3A_406 = arith.constant 1024 : i32
    %add3A_407 = arith.addi %add3A_405, %add3A_406 : i32
    %dma_wait3A_408 = arith.constant 7168 : i32
    %dma_wait3A_409 = tpu.memref_slice %arg8[%dma_wait3A_408] : memref<8192xf32, #tpu.memory_space<vmem>> -> memref<1024xf32, #tpu.memory_space<vmem>>
    %dma_wait3A_410 = tpu.memref_slice %arg4[%add3A_407] : memref<26214400xf32, #tpu.memory_space<hbm>> -> memref<1024xf32, #tpu.memory_space<hbm>>
    %dma_wait3A_411 = tpu.memref_slice %arg4[%add3A_407] : memref<26214400xf32, #tpu.memory_space<hbm>> -> memref<1024xf32, #tpu.memory_space<hbm>>
    %dma_wait3A_412 = arith.constant 7168 : i32
    %dma_wait3A_413 = tpu.memref_slice %arg8[%dma_wait3A_412] : memref<8192xf32, #tpu.memory_space<vmem>> -> memref<1024xf32, #tpu.memory_space<vmem>>
    tpu.wait_dma2 semaphore(%arg12 : memref<!tpu.dma_semaphore, #tpu.memory_space<semaphore_mem>>) src(%dma_wait3A_413 : memref<1024xf32, #tpu.memory_space<vmem>>) dst(%dma_wait3A_411 : memref<1024xf32, #tpu.memory_space<hbm>>)
    %scan3A_414 = arith.constant 1 : i32
    %scan3A_415 = arith.constant 0 : i32
    %scan3A_416 = arith.constant 8 : i32
    %scan3A_417 = arith.addi %scan3A_415, %scan3A_416 : i32
    %scan3A_418 = arith.constant 1 : i32
    scf.for %scan3A_565 = %scan3A_415 to %scan3A_417 step %scan3A_418  : i32 {
      %mul3A_566 = arith.constant 1 : i32
      %mul3A_567 = arith.muli %scan3A_565, %mul3A_566 : i32
      %add3A_568 = arith.constant 0 : i32
      %add3A_569 = arith.addi %add3A_568, %mul3A_567 : i32
      %mul3A_570 = arith.constant 16 : i32
      %mul3A_571 = arith.muli %add3A_569, %mul3A_570 : i32
      %add3A_572 = vector.broadcast %mul3A_571 : i32 to vector<16xi32>
      %add3A_573 = arith.addi %add3A_572, %iota3A : vector<16xi32>
      %gather3A = arith.constant 0 : i32
      %gather3A_574 = arith.constant 0 : i32
      %gather3A_575 = tpu.memref_slice %arg7[%scan3A_414, %gather3A, %gather3A_574] : memref<2x128x32xf32, #tpu.memory_space<vmem>> -> memref<1x128x32xf32, #tpu.memory_space<vmem>>
      %gather3A_576 = tpu.memref_squeeze %gather3A_575 : memref<1x128x32xf32, #tpu.memory_space<vmem>> -> memref<128x32xf32, #tpu.memory_space<vmem>>
      %gather3A_577 = tpu.vector_load_idx %gather3A_576[%add3A_573, %broadcast_in_dim3A_3] : memref<128x32xf32, #tpu.memory_space<vmem>>[vector<16xi32>, vector<16xi32>], vector<16xf32>,
      %gather3A_578 = arith.constant 0 : i32
      %gather3A_579 = arith.constant 0 : i32
      %gather3A_580 = tpu.memref_slice %arg7[%scan3A_414, %gather3A_578, %gather3A_579] : memref<2x128x32xf32, #tpu.memory_space<vmem>> -> memref<1x128x32xf32, #tpu.memory_space<vmem>>
      %gather3A_581 = tpu.memref_squeeze %gather3A_580 : memref<1x128x32xf32, #tpu.memory_space<vmem>> -> memref<128x32xf32, #tpu.memory_space<vmem>>
      %gather3A_582 = tpu.vector_load_idx %gather3A_581[%add3A_573, %broadcast_in_dim3A_5] : memref<128x32xf32, #tpu.memory_space<vmem>>[vector<16xi32>, vector<16xi32>], vector<16xf32>,
      %gather3A_583 = arith.constant 0 : i32
      %gather3A_584 = arith.constant 0 : i32
      %gather3A_585 = tpu.memref_slice %arg7[%scan3A_414, %gather3A_583, %gather3A_584] : memref<2x128x32xf32, #tpu.memory_space<vmem>> -> memref<1x128x32xf32, #tpu.memory_space<vmem>>
      %gather3A_586 = tpu.memref_squeeze %gather3A_585 : memref<1x128x32xf32, #tpu.memory_space<vmem>> -> memref<128x32xf32, #tpu.memory_space<vmem>>
      %gather3A_587 = tpu.vector_load_idx %gather3A_586[%add3A_573, %broadcast_in_dim3A_7] : memref<128x32xf32, #tpu.memory_space<vmem>>[vector<16xi32>, vector<16xi32>], vector<16xf32>,
      %gather3A_588 = arith.constant 0 : i32
      %gather3A_589 = arith.constant 0 : i32
      %gather3A_590 = tpu.memref_slice %arg7[%scan3A_414, %gather3A_588, %gather3A_589] : memref<2x128x32xf32, #tpu.memory_space<vmem>> -> memref<1x128x32xf32, #tpu.memory_space<vmem>>
      %gather3A_591 = tpu.memref_squeeze %gather3A_590 : memref<1x128x32xf32, #tpu.memory_space<vmem>> -> memref<128x32xf32, #tpu.memory_space<vmem>>
      %gather3A_592 = tpu.vector_load_idx %gather3A_591[%add3A_573, %broadcast_in_dim3A_9] : memref<128x32xf32, #tpu.memory_space<vmem>>[vector<16xi32>, vector<16xi32>], vector<16xf32>,
      %gather3A_593 = arith.constant 0 : i32
      %gather3A_594 = arith.constant 0 : i32
      %gather3A_595 = tpu.memref_slice %arg7[%scan3A_414, %gather3A_593, %gather3A_594] : memref<2x128x32xf32, #tpu.memory_space<vmem>> -> memref<1x128x32xf32, #tpu.memory_space<vmem>>
      %gather3A_596 = tpu.memref_squeeze %gather3A_595 : memref<1x128x32xf32, #tpu.memory_space<vmem>> -> memref<128x32xf32, #tpu.memory_space<vmem>>
      %gather3A_597 = tpu.vector_load_idx %gather3A_596[%add3A_573, %broadcast_in_dim3A_11] : memref<128x32xf32, #tpu.memory_space<vmem>>[vector<16xi32>, vector<16xi32>], vector<16xf32>,
      %gather3A_598 = arith.constant 0 : i32
      %gather3A_599 = arith.constant 0 : i32
      %gather3A_600 = tpu.memref_slice %arg7[%scan3A_414, %gather3A_598, %gather3A_599] : memref<2x128x32xf32, #tpu.memory_space<vmem>> -> memref<1x128x32xf32, #tpu.memory_space<vmem>>
      %gather3A_601 = tpu.memref_squeeze %gather3A_600 : memref<1x128x32xf32, #tpu.memory_space<vmem>> -> memref<128x32xf32, #tpu.memory_space<vmem>>
      %gather3A_602 = tpu.vector_load_idx %gather3A_601[%add3A_573, %broadcast_in_dim3A_13] : memref<128x32xf32, #tpu.memory_space<vmem>>[vector<16xi32>, vector<16xi32>], vector<16xf32>,
      %gather3A_603 = arith.constant 0 : i32
      %gather3A_604 = arith.constant 0 : i32
      %gather3A_605 = tpu.memref_slice %arg7[%scan3A_414, %gather3A_603, %gather3A_604] : memref<2x128x32xf32, #tpu.memory_space<vmem>> -> memref<1x128x32xf32, #tpu.memory_space<vmem>>
      %gather3A_606 = tpu.memref_squeeze %gather3A_605 : memref<1x128x32xf32, #tpu.memory_space<vmem>> -> memref<128x32xf32, #tpu.memory_space<vmem>>
      %gather3A_607 = tpu.vector_load_idx %gather3A_606[%add3A_573, %broadcast_in_dim3A_15] : memref<128x32xf32, #tpu.memory_space<vmem>>[vector<16xi32>, vector<16xi32>], vector<16xf32>,
      %gather3A_608 = arith.constant 0 : i32
      %gather3A_609 = arith.constant 0 : i32
      %gather3A_610 = tpu.memref_slice %arg7[%scan3A_414, %gather3A_608, %gather3A_609] : memref<2x128x32xf32, #tpu.memory_space<vmem>> -> memref<1x128x32xf32, #tpu.memory_space<vmem>>
      %gather3A_611 = tpu.memref_squeeze %gather3A_610 : memref<1x128x32xf32, #tpu.memory_space<vmem>> -> memref<128x32xf32, #tpu.memory_space<vmem>>
      %gather3A_612 = tpu.vector_load_idx %gather3A_611[%add3A_573, %broadcast_in_dim3A_17] : memref<128x32xf32, #tpu.memory_space<vmem>>[vector<16xi32>, vector<16xi32>], vector<16xf32>,
      %gather3A_613 = arith.constant 0 : i32
      %gather3A_614 = arith.constant 0 : i32
      %gather3A_615 = tpu.memref_slice %arg7[%scan3A_414, %gather3A_613, %gather3A_614] : memref<2x128x32xf32, #tpu.memory_space<vmem>> -> memref<1x128x32xf32, #tpu.memory_space<vmem>>
      %gather3A_616 = tpu.memref_squeeze %gather3A_615 : memref<1x128x32xf32, #tpu.memory_space<vmem>> -> memref<128x32xf32, #tpu.memory_space<vmem>>
      %gather3A_617 = tpu.vector_load_idx %gather3A_616[%add3A_573, %broadcast_in_dim3A_19] : memref<128x32xf32, #tpu.memory_space<vmem>>[vector<16xi32>, vector<16xi32>], vector<16xf32>,
      %gather3A_618 = arith.constant 0 : i32
      %gather3A_619 = arith.constant 0 : i32
      %gather3A_620 = tpu.memref_slice %arg7[%scan3A_414, %gather3A_618, %gather3A_619] : memref<2x128x32xf32, #tpu.memory_space<vmem>> -> memref<1x128x32xf32, #tpu.memory_space<vmem>>
      %gather3A_621 = tpu.memref_squeeze %gather3A_620 : memref<1x128x32xf32, #tpu.memory_space<vmem>> -> memref<128x32xf32, #tpu.memory_space<vmem>>
      %gather3A_622 = tpu.vector_load_idx %gather3A_621[%add3A_573, %broadcast_in_dim3A_21] : memref<128x32xf32, #tpu.memory_space<vmem>>[vector<16xi32>, vector<16xi32>], vector<16xf32>,
      %gather3A_623 = arith.constant 0 : i32
      %gather3A_624 = arith.constant 0 : i32
      %gather3A_625 = tpu.memref_slice %arg7[%scan3A_414, %gather3A_623, %gather3A_624] : memref<2x128x32xf32, #tpu.memory_space<vmem>> -> memref<1x128x32xf32, #tpu.memory_space<vmem>>
      %gather3A_626 = tpu.memref_squeeze %gather3A_625 : memref<1x128x32xf32, #tpu.memory_space<vmem>> -> memref<128x32xf32, #tpu.memory_space<vmem>>
      %gather3A_627 = tpu.vector_load_idx %gather3A_626[%add3A_573, %broadcast_in_dim3A_23] : memref<128x32xf32, #tpu.memory_space<vmem>>[vector<16xi32>, vector<16xi32>], vector<16xf32>,
      %gather3A_628 = arith.constant 0 : i32
      %gather3A_629 = arith.constant 0 : i32
      %gather3A_630 = tpu.memref_slice %arg7[%scan3A_414, %gather3A_628, %gather3A_629] : memref<2x128x32xf32, #tpu.memory_space<vmem>> -> memref<1x128x32xf32, #tpu.memory_space<vmem>>
      %gather3A_631 = tpu.memref_squeeze %gather3A_630 : memref<1x128x32xf32, #tpu.memory_space<vmem>> -> memref<128x32xf32, #tpu.memory_space<vmem>>
      %gather3A_632 = tpu.vector_load_idx %gather3A_631[%add3A_573, %broadcast_in_dim3A_25] : memref<128x32xf32, #tpu.memory_space<vmem>>[vector<16xi32>, vector<16xi32>], vector<16xf32>,
      %gather3A_633 = arith.constant 0 : i32
      %gather3A_634 = arith.constant 0 : i32
      %gather3A_635 = tpu.memref_slice %arg7[%scan3A_414, %gather3A_633, %gather3A_634] : memref<2x128x32xf32, #tpu.memory_space<vmem>> -> memref<1x128x32xf32, #tpu.memory_space<vmem>>
      %gather3A_636 = tpu.memref_squeeze %gather3A_635 : memref<1x128x32xf32, #tpu.memory_space<vmem>> -> memref<128x32xf32, #tpu.memory_space<vmem>>
      %gather3A_637 = tpu.vector_load_idx %gather3A_636[%add3A_573, %broadcast_in_dim3A_27] : memref<128x32xf32, #tpu.memory_space<vmem>>[vector<16xi32>, vector<16xi32>], vector<16xf32>,
      %gather3A_638 = arith.constant 0 : i32
      %gather3A_639 = arith.constant 0 : i32
      %gather3A_640 = tpu.memref_slice %arg7[%scan3A_414, %gather3A_638, %gather3A_639] : memref<2x128x32xf32, #tpu.memory_space<vmem>> -> memref<1x128x32xf32, #tpu.memory_space<vmem>>
      %gather3A_641 = tpu.memref_squeeze %gather3A_640 : memref<1x128x32xf32, #tpu.memory_space<vmem>> -> memref<128x32xf32, #tpu.memory_space<vmem>>
      %gather3A_642 = tpu.vector_load_idx %gather3A_641[%add3A_573, %broadcast_in_dim3A_29] : memref<128x32xf32, #tpu.memory_space<vmem>>[vector<16xi32>, vector<16xi32>], vector<16xf32>,
      %gather3A_643 = arith.constant 0 : i32
      %gather3A_644 = arith.constant 0 : i32
      %gather3A_645 = tpu.memref_slice %arg7[%scan3A_414, %gather3A_643, %gather3A_644] : memref<2x128x32xf32, #tpu.memory_space<vmem>> -> memref<1x128x32xf32, #tpu.memory_space<vmem>>
      %gather3A_646 = tpu.memref_squeeze %gather3A_645 : memref<1x128x32xf32, #tpu.memory_space<vmem>> -> memref<128x32xf32, #tpu.memory_space<vmem>>
      %gather3A_647 = tpu.vector_load_idx %gather3A_646[%add3A_573, %broadcast_in_dim3A_31] : memref<128x32xf32, #tpu.memory_space<vmem>>[vector<16xi32>, vector<16xi32>], vector<16xf32>,
      %gather3A_648 = arith.constant 0 : i32
      %gather3A_649 = arith.constant 0 : i32
      %gather3A_650 = tpu.memref_slice %arg7[%scan3A_414, %gather3A_648, %gather3A_649] : memref<2x128x32xf32, #tpu.memory_space<vmem>> -> memref<1x128x32xf32, #tpu.memory_space<vmem>>
      %gather3A_651 = tpu.memref_squeeze %gather3A_650 : memref<1x128x32xf32, #tpu.memory_space<vmem>> -> memref<128x32xf32, #tpu.memory_space<vmem>>
      %gather3A_652 = tpu.vector_load_idx %gather3A_651[%add3A_573, %broadcast_in_dim3A_33] : memref<128x32xf32, #tpu.memory_space<vmem>>[vector<16xi32>, vector<16xi32>], vector<16xf32>,
      %gather3A_653 = arith.constant 0 : i32
      %gather3A_654 = arith.constant 0 : i32
      %gather3A_655 = tpu.memref_slice %arg7[%scan3A_414, %gather3A_653, %gather3A_654] : memref<2x128x32xf32, #tpu.memory_space<vmem>> -> memref<1x128x32xf32, #tpu.memory_space<vmem>>
      %gather3A_656 = tpu.memref_squeeze %gather3A_655 : memref<1x128x32xf32, #tpu.memory_space<vmem>> -> memref<128x32xf32, #tpu.memory_space<vmem>>
      %gather3A_657 = tpu.vector_load_idx %gather3A_656[%add3A_573, %broadcast_in_dim3A_35] : memref<128x32xf32, #tpu.memory_space<vmem>>[vector<16xi32>, vector<16xi32>], vector<16xf32>,
      %gather3A_658 = arith.constant 0 : i32
      %gather3A_659 = arith.constant 0 : i32
      %gather3A_660 = tpu.memref_slice %arg7[%scan3A_414, %gather3A_658, %gather3A_659] : memref<2x128x32xf32, #tpu.memory_space<vmem>> -> memref<1x128x32xf32, #tpu.memory_space<vmem>>
      %gather3A_661 = tpu.memref_squeeze %gather3A_660 : memref<1x128x32xf32, #tpu.memory_space<vmem>> -> memref<128x32xf32, #tpu.memory_space<vmem>>
      %gather3A_662 = tpu.vector_load_idx %gather3A_661[%add3A_573, %broadcast_in_dim3A_37] : memref<128x32xf32, #tpu.memory_space<vmem>>[vector<16xi32>, vector<16xi32>], vector<16xf32>,
      %gather3A_663 = arith.constant 0 : i32
      %gather3A_664 = arith.constant 0 : i32
      %gather3A_665 = tpu.memref_slice %arg7[%scan3A_414, %gather3A_663, %gather3A_664] : memref<2x128x32xf32, #tpu.memory_space<vmem>> -> memref<1x128x32xf32, #tpu.memory_space<vmem>>
      %gather3A_666 = tpu.memref_squeeze %gather3A_665 : memref<1x128x32xf32, #tpu.memory_space<vmem>> -> memref<128x32xf32, #tpu.memory_space<vmem>>
      %gather3A_667 = tpu.vector_load_idx %gather3A_666[%add3A_573, %broadcast_in_dim3A_39] : memref<128x32xf32, #tpu.memory_space<vmem>>[vector<16xi32>, vector<16xi32>], vector<16xf32>,
      %gather3A_668 = arith.constant 0 : i32
      %gather3A_669 = arith.constant 0 : i32
      %gather3A_670 = tpu.memref_slice %arg7[%scan3A_414, %gather3A_668, %gather3A_669] : memref<2x128x32xf32, #tpu.memory_space<vmem>> -> memref<1x128x32xf32, #tpu.memory_space<vmem>>
      %gather3A_671 = tpu.memref_squeeze %gather3A_670 : memref<1x128x32xf32, #tpu.memory_space<vmem>> -> memref<128x32xf32, #tpu.memory_space<vmem>>
      %gather3A_672 = tpu.vector_load_idx %gather3A_671[%add3A_573, %broadcast_in_dim3A_41] : memref<128x32xf32, #tpu.memory_space<vmem>>[vector<16xi32>, vector<16xi32>], vector<16xf32>,
      %gather3A_673 = arith.constant 0 : i32
      %gather3A_674 = arith.constant 0 : i32
      %gather3A_675 = tpu.memref_slice %arg7[%scan3A_414, %gather3A_673, %gather3A_674] : memref<2x128x32xf32, #tpu.memory_space<vmem>> -> memref<1x128x32xf32, #tpu.memory_space<vmem>>
      %gather3A_676 = tpu.memref_squeeze %gather3A_675 : memref<1x128x32xf32, #tpu.memory_space<vmem>> -> memref<128x32xf32, #tpu.memory_space<vmem>>
      %gather3A_677 = tpu.vector_load_idx %gather3A_676[%add3A_573, %broadcast_in_dim3A_43] : memref<128x32xf32, #tpu.memory_space<vmem>>[vector<16xi32>, vector<16xi32>], vector<16xf32>,
      %gather3A_678 = arith.constant 0 : i32
      %gather3A_679 = arith.constant 0 : i32
      %gather3A_680 = tpu.memref_slice %arg7[%scan3A_414, %gather3A_678, %gather3A_679] : memref<2x128x32xf32, #tpu.memory_space<vmem>> -> memref<1x128x32xf32, #tpu.memory_space<vmem>>
      %gather3A_681 = tpu.memref_squeeze %gather3A_680 : memref<1x128x32xf32, #tpu.memory_space<vmem>> -> memref<128x32xf32, #tpu.memory_space<vmem>>
      %gather3A_682 = tpu.vector_load_idx %gather3A_681[%add3A_573, %broadcast_in_dim3A_45] : memref<128x32xf32, #tpu.memory_space<vmem>>[vector<16xi32>, vector<16xi32>], vector<16xf32>,
      %gather3A_683 = arith.constant 0 : i32
      %gather3A_684 = arith.constant 0 : i32
      %gather3A_685 = tpu.memref_slice %arg7[%scan3A_414, %gather3A_683, %gather3A_684] : memref<2x128x32xf32, #tpu.memory_space<vmem>> -> memref<1x128x32xf32, #tpu.memory_space<vmem>>
      %gather3A_686 = tpu.memref_squeeze %gather3A_685 : memref<1x128x32xf32, #tpu.memory_space<vmem>> -> memref<128x32xf32, #tpu.memory_space<vmem>>
      %gather3A_687 = tpu.vector_load_idx %gather3A_686[%add3A_573, %broadcast_in_dim3A_47] : memref<128x32xf32, #tpu.memory_space<vmem>>[vector<16xi32>, vector<16xi32>], vector<16xf32>,
      %gather3A_688 = arith.constant 0 : i32
      %gather3A_689 = arith.constant 0 : i32
      %gather3A_690 = tpu.memref_slice %arg7[%scan3A_414, %gather3A_688, %gather3A_689] : memref<2x128x32xf32, #tpu.memory_space<vmem>> -> memref<1x128x32xf32, #tpu.memory_space<vmem>>
      %gather3A_691 = tpu.memref_squeeze %gather3A_690 : memref<1x128x32xf32, #tpu.memory_space<vmem>> -> memref<128x32xf32, #tpu.memory_space<vmem>>
      %gather3A_692 = tpu.vector_load_idx %gather3A_691[%add3A_573, %broadcast_in_dim3A_49] : memref<128x32xf32, #tpu.memory_space<vmem>>[vector<16xi32>, vector<16xi32>], vector<16xf32>,
      %gather3A_693 = arith.constant 0 : i32
      %gather3A_694 = arith.constant 0 : i32
      %gather3A_695 = tpu.memref_slice %arg7[%scan3A_414, %gather3A_693, %gather3A_694] : memref<2x128x32xf32, #tpu.memory_space<vmem>> -> memref<1x128x32xf32, #tpu.memory_space<vmem>>
      %gather3A_696 = tpu.memref_squeeze %gather3A_695 : memref<1x128x32xf32, #tpu.memory_space<vmem>> -> memref<128x32xf32, #tpu.memory_space<vmem>>
      %gather3A_697 = tpu.vector_load_idx %gather3A_696[%add3A_573, %broadcast_in_dim3A_51] : memref<128x32xf32, #tpu.memory_space<vmem>>[vector<16xi32>, vector<16xi32>], vector<16xf32>,
      %gather3A_698 = arith.constant 0 : i32
      %gather3A_699 = arith.constant 0 : i32
      %gather3A_700 = tpu.memref_slice %arg7[%scan3A_414, %gather3A_698, %gather3A_699] : memref<2x128x32xf32, #tpu.memory_space<vmem>> -> memref<1x128x32xf32, #tpu.memory_space<vmem>>
      %gather3A_701 = tpu.memref_squeeze %gather3A_700 : memref<1x128x32xf32, #tpu.memory_space<vmem>> -> memref<128x32xf32, #tpu.memory_space<vmem>>
      %gather3A_702 = tpu.vector_load_idx %gather3A_701[%add3A_573, %broadcast_in_dim3A_53] : memref<128x32xf32, #tpu.memory_space<vmem>>[vector<16xi32>, vector<16xi32>], vector<16xf32>,
      %gather3A_703 = arith.constant 0 : i32
      %gather3A_704 = arith.constant 0 : i32
      %gather3A_705 = tpu.memref_slice %arg7[%scan3A_414, %gather3A_703, %gather3A_704] : memref<2x128x32xf32, #tpu.memory_space<vmem>> -> memref<1x128x32xf32, #tpu.memory_space<vmem>>
      %gather3A_706 = tpu.memref_squeeze %gather3A_705 : memref<1x128x32xf32, #tpu.memory_space<vmem>> -> memref<128x32xf32, #tpu.memory_space<vmem>>
      %gather3A_707 = tpu.vector_load_idx %gather3A_706[%add3A_573, %broadcast_in_dim3A_55] : memref<128x32xf32, #tpu.memory_space<vmem>>[vector<16xi32>, vector<16xi32>], vector<16xf32>,
      %gather3A_708 = arith.constant 0 : i32
      %gather3A_709 = arith.constant 0 : i32
      %gather3A_710 = tpu.memref_slice %arg7[%scan3A_414, %gather3A_708, %gather3A_709] : memref<2x128x32xf32, #tpu.memory_space<vmem>> -> memref<1x128x32xf32, #tpu.memory_space<vmem>>
      %gather3A_711 = tpu.memref_squeeze %gather3A_710 : memref<1x128x32xf32, #tpu.memory_space<vmem>> -> memref<128x32xf32, #tpu.memory_space<vmem>>
      %gather3A_712 = tpu.vector_load_idx %gather3A_711[%add3A_573, %broadcast_in_dim3A_57] : memref<128x32xf32, #tpu.memory_space<vmem>>[vector<16xi32>, vector<16xi32>], vector<16xf32>,
      %gather3A_713 = arith.constant 0 : i32
      %gather3A_714 = arith.constant 0 : i32
      %gather3A_715 = tpu.memref_slice %arg7[%scan3A_414, %gather3A_713, %gather3A_714] : memref<2x128x32xf32, #tpu.memory_space<vmem>> -> memref<1x128x32xf32, #tpu.memory_space<vmem>>
      %gather3A_716 = tpu.memref_squeeze %gather3A_715 : memref<1x128x32xf32, #tpu.memory_space<vmem>> -> memref<128x32xf32, #tpu.memory_space<vmem>>
      %gather3A_717 = tpu.vector_load_idx %gather3A_716[%add3A_573, %broadcast_in_dim3A_59] : memref<128x32xf32, #tpu.memory_space<vmem>>[vector<16xi32>, vector<16xi32>], vector<16xf32>,
      %gather3A_718 = arith.constant 0 : i32
      %gather3A_719 = arith.constant 0 : i32
      %gather3A_720 = tpu.memref_slice %arg7[%scan3A_414, %gather3A_718, %gather3A_719] : memref<2x128x32xf32, #tpu.memory_space<vmem>> -> memref<1x128x32xf32, #tpu.memory_space<vmem>>
      %gather3A_721 = tpu.memref_squeeze %gather3A_720 : memref<1x128x32xf32, #tpu.memory_space<vmem>> -> memref<128x32xf32, #tpu.memory_space<vmem>>
      %gather3A_722 = tpu.vector_load_idx %gather3A_721[%add3A_573, %broadcast_in_dim3A_61] : memref<128x32xf32, #tpu.memory_space<vmem>>[vector<16xi32>, vector<16xi32>], vector<16xf32>,
      %gather3A_723 = arith.constant 0 : i32
      %gather3A_724 = arith.constant 0 : i32
      %gather3A_725 = tpu.memref_slice %arg7[%scan3A_414, %gather3A_723, %gather3A_724] : memref<2x128x32xf32, #tpu.memory_space<vmem>> -> memref<1x128x32xf32, #tpu.memory_space<vmem>>
      %gather3A_726 = tpu.memref_squeeze %gather3A_725 : memref<1x128x32xf32, #tpu.memory_space<vmem>> -> memref<128x32xf32, #tpu.memory_space<vmem>>
      %gather3A_727 = tpu.vector_load_idx %gather3A_726[%add3A_573, %broadcast_in_dim3A_63] : memref<128x32xf32, #tpu.memory_space<vmem>>[vector<16xi32>, vector<16xi32>], vector<16xf32>,
      %gather3A_728 = arith.constant 0 : i32
      %gather3A_729 = arith.constant 0 : i32
      %gather3A_730 = tpu.memref_slice %arg7[%scan3A_414, %gather3A_728, %gather3A_729] : memref<2x128x32xf32, #tpu.memory_space<vmem>> -> memref<1x128x32xf32, #tpu.memory_space<vmem>>
      %gather3A_731 = tpu.memref_squeeze %gather3A_730 : memref<1x128x32xf32, #tpu.memory_space<vmem>> -> memref<128x32xf32, #tpu.memory_space<vmem>>
      %gather3A_732 = tpu.vector_load_idx %gather3A_731[%add3A_573, %broadcast_in_dim3A_65] : memref<128x32xf32, #tpu.memory_space<vmem>>[vector<16xi32>, vector<16xi32>], vector<16xf32>,
      %add3A_733 = arith.constant 4096 : i32
      %add3A_734 = arith.addi %add3A_733, %mul3A_571 : i32
      %swap3A = arith.index_cast %add3A_734 : i32 to index
      %swap3A_735 = tpu.vector_load %arg8[%swap3A] {strides = array<i32>} : memref<8192xf32, #tpu.memory_space<vmem>>, vector<16xf32>,
      tpu.vector_store %arg8[%swap3A], %gather3A_577 {strides = array<i32>} : memref<8192xf32, #tpu.memory_space<vmem>>, vector<16xf32>,
      %add3A_736 = arith.constant 4224 : i32
      %add3A_737 = arith.addi %add3A_736, %mul3A_571 : i32
      %swap3A_738 = arith.index_cast %add3A_737 : i32 to index
      %swap3A_739 = tpu.vector_load %arg8[%swap3A_738] {strides = array<i32>} : memref<8192xf32, #tpu.memory_space<vmem>>, vector<16xf32>,
      tpu.vector_store %arg8[%swap3A_738], %gather3A_582 {strides = array<i32>} : memref<8192xf32, #tpu.memory_space<vmem>>, vector<16xf32>,
      %add3A_740 = arith.constant 4352 : i32
      %add3A_741 = arith.addi %add3A_740, %mul3A_571 : i32
      %swap3A_742 = arith.index_cast %add3A_741 : i32 to index
      %swap3A_743 = tpu.vector_load %arg8[%swap3A_742] {strides = array<i32>} : memref<8192xf32, #tpu.memory_space<vmem>>, vector<16xf32>,
      tpu.vector_store %arg8[%swap3A_742], %gather3A_587 {strides = array<i32>} : memref<8192xf32, #tpu.memory_space<vmem>>, vector<16xf32>,
      %add3A_744 = arith.constant 4480 : i32
      %add3A_745 = arith.addi %add3A_744, %mul3A_571 : i32
      %swap3A_746 = arith.index_cast %add3A_745 : i32 to index
      %swap3A_747 = tpu.vector_load %arg8[%swap3A_746] {strides = array<i32>} : memref<8192xf32, #tpu.memory_space<vmem>>, vector<16xf32>,
      tpu.vector_store %arg8[%swap3A_746], %gather3A_592 {strides = array<i32>} : memref<8192xf32, #tpu.memory_space<vmem>>, vector<16xf32>,
      %add3A_748 = arith.constant 4608 : i32
      %add3A_749 = arith.addi %add3A_748, %mul3A_571 : i32
      %swap3A_750 = arith.index_cast %add3A_749 : i32 to index
      %swap3A_751 = tpu.vector_load %arg8[%swap3A_750] {strides = array<i32>} : memref<8192xf32, #tpu.memory_space<vmem>>, vector<16xf32>,
      tpu.vector_store %arg8[%swap3A_750], %gather3A_597 {strides = array<i32>} : memref<8192xf32, #tpu.memory_space<vmem>>, vector<16xf32>,
      %add3A_752 = arith.constant 4736 : i32
      %add3A_753 = arith.addi %add3A_752, %mul3A_571 : i32
      %swap3A_754 = arith.index_cast %add3A_753 : i32 to index
      %swap3A_755 = tpu.vector_load %arg8[%swap3A_754] {strides = array<i32>} : memref<8192xf32, #tpu.memory_space<vmem>>, vector<16xf32>,
      tpu.vector_store %arg8[%swap3A_754], %gather3A_602 {strides = array<i32>} : memref<8192xf32, #tpu.memory_space<vmem>>, vector<16xf32>,
      %add3A_756 = arith.constant 4864 : i32
      %add3A_757 = arith.addi %add3A_756, %mul3A_571 : i32
      %swap3A_758 = arith.index_cast %add3A_757 : i32 to index
      %swap3A_759 = tpu.vector_load %arg8[%swap3A_758] {strides = array<i32>} : memref<8192xf32, #tpu.memory_space<vmem>>, vector<16xf32>,
      tpu.vector_store %arg8[%swap3A_758], %gather3A_607 {strides = array<i32>} : memref<8192xf32, #tpu.memory_space<vmem>>, vector<16xf32>,
      %add3A_760 = arith.constant 4992 : i32
      %add3A_761 = arith.addi %add3A_760, %mul3A_571 : i32
      %swap3A_762 = arith.index_cast %add3A_761 : i32 to index
      %swap3A_763 = tpu.vector_load %arg8[%swap3A_762] {strides = array<i32>} : memref<8192xf32, #tpu.memory_space<vmem>>, vector<16xf32>,
      tpu.vector_store %arg8[%swap3A_762], %gather3A_612 {strides = array<i32>} : memref<8192xf32, #tpu.memory_space<vmem>>, vector<16xf32>,
      %add3A_764 = arith.constant 5120 : i32
      %add3A_765 = arith.addi %add3A_764, %mul3A_571 : i32
      %swap3A_766 = arith.index_cast %add3A_765 : i32 to index
      %swap3A_767 = tpu.vector_load %arg8[%swap3A_766] {strides = array<i32>} : memref<8192xf32, #tpu.memory_space<vmem>>, vector<16xf32>,
      tpu.vector_store %arg8[%swap3A_766], %gather3A_617 {strides = array<i32>} : memref<8192xf32, #tpu.memory_space<vmem>>, vector<16xf32>,
      %add3A_768 = arith.constant 5248 : i32
      %add3A_769 = arith.addi %add3A_768, %mul3A_571 : i32
      %swap3A_770 = arith.index_cast %add3A_769 : i32 to index
      %swap3A_771 = tpu.vector_load %arg8[%swap3A_770] {strides = array<i32>} : memref<8192xf32, #tpu.memory_space<vmem>>, vector<16xf32>,
      tpu.vector_store %arg8[%swap3A_770], %gather3A_622 {strides = array<i32>} : memref<8192xf32, #tpu.memory_space<vmem>>, vector<16xf32>,
      %add3A_772 = arith.constant 5376 : i32
      %add3A_773 = arith.addi %add3A_772, %mul3A_571 : i32
      %swap3A_774 = arith.index_cast %add3A_773 : i32 to index
      %swap3A_775 = tpu.vector_load %arg8[%swap3A_774] {strides = array<i32>} : memref<8192xf32, #tpu.memory_space<vmem>>, vector<16xf32>,
      tpu.vector_store %arg8[%swap3A_774], %gather3A_627 {strides = array<i32>} : memref<8192xf32, #tpu.memory_space<vmem>>, vector<16xf32>,
      %add3A_776 = arith.constant 5504 : i32
      %add3A_777 = arith.addi %add3A_776, %mul3A_571 : i32
      %swap3A_778 = arith.index_cast %add3A_777 : i32 to index
      %swap3A_779 = tpu.vector_load %arg8[%swap3A_778] {strides = array<i32>} : memref<8192xf32, #tpu.memory_space<vmem>>, vector<16xf32>,
      tpu.vector_store %arg8[%swap3A_778], %gather3A_632 {strides = array<i32>} : memref<8192xf32, #tpu.memory_space<vmem>>, vector<16xf32>,
      %add3A_780 = arith.constant 5632 : i32
      %add3A_781 = arith.addi %add3A_780, %mul3A_571 : i32
      %swap3A_782 = arith.index_cast %add3A_781 : i32 to index
      %swap3A_783 = tpu.vector_load %arg8[%swap3A_782] {strides = array<i32>} : memref<8192xf32, #tpu.memory_space<vmem>>, vector<16xf32>,
      tpu.vector_store %arg8[%swap3A_782], %gather3A_637 {strides = array<i32>} : memref<8192xf32, #tpu.memory_space<vmem>>, vector<16xf32>,
      %add3A_784 = arith.constant 5760 : i32
      %add3A_785 = arith.addi %add3A_784, %mul3A_571 : i32
      %swap3A_786 = arith.index_cast %add3A_785 : i32 to index
      %swap3A_787 = tpu.vector_load %arg8[%swap3A_786] {strides = array<i32>} : memref<8192xf32, #tpu.memory_space<vmem>>, vector<16xf32>,
      tpu.vector_store %arg8[%swap3A_786], %gather3A_642 {strides = array<i32>} : memref<8192xf32, #tpu.memory_space<vmem>>, vector<16xf32>,
      %add3A_788 = arith.constant 5888 : i32
      %add3A_789 = arith.addi %add3A_788, %mul3A_571 : i32
      %swap3A_790 = arith.index_cast %add3A_789 : i32 to index
      %swap3A_791 = tpu.vector_load %arg8[%swap3A_790] {strides = array<i32>} : memref<8192xf32, #tpu.memory_space<vmem>>, vector<16xf32>,
      tpu.vector_store %arg8[%swap3A_790], %gather3A_647 {strides = array<i32>} : memref<8192xf32, #tpu.memory_space<vmem>>, vector<16xf32>,
      %add3A_792 = arith.constant 6016 : i32
      %add3A_793 = arith.addi %add3A_792, %mul3A_571 : i32
      %swap3A_794 = arith.index_cast %add3A_793 : i32 to index
      %swap3A_795 = tpu.vector_load %arg8[%swap3A_794] {strides = array<i32>} : memref<8192xf32, #tpu.memory_space<vmem>>, vector<16xf32>,
      tpu.vector_store %arg8[%swap3A_794], %gather3A_652 {strides = array<i32>} : memref<8192xf32, #tpu.memory_space<vmem>>, vector<16xf32>,
      %add3A_796 = arith.constant 6144 : i32
      %add3A_797 = arith.addi %add3A_796, %mul3A_571 : i32
      %swap3A_798 = arith.index_cast %add3A_797 : i32 to index
      %swap3A_799 = tpu.vector_load %arg8[%swap3A_798] {strides = array<i32>} : memref<8192xf32, #tpu.memory_space<vmem>>, vector<16xf32>,
      tpu.vector_store %arg8[%swap3A_798], %gather3A_657 {strides = array<i32>} : memref<8192xf32, #tpu.memory_space<vmem>>, vector<16xf32>,
      %add3A_800 = arith.constant 6272 : i32
      %add3A_801 = arith.addi %add3A_800, %mul3A_571 : i32
      %swap3A_802 = arith.index_cast %add3A_801 : i32 to index
      %swap3A_803 = tpu.vector_load %arg8[%swap3A_802] {strides = array<i32>} : memref<8192xf32, #tpu.memory_space<vmem>>, vector<16xf32>,
      tpu.vector_store %arg8[%swap3A_802], %gather3A_662 {strides = array<i32>} : memref<8192xf32, #tpu.memory_space<vmem>>, vector<16xf32>,
      %add3A_804 = arith.constant 6400 : i32
      %add3A_805 = arith.addi %add3A_804, %mul3A_571 : i32
      %swap3A_806 = arith.index_cast %add3A_805 : i32 to index
      %swap3A_807 = tpu.vector_load %arg8[%swap3A_806] {strides = array<i32>} : memref<8192xf32, #tpu.memory_space<vmem>>, vector<16xf32>,
      tpu.vector_store %arg8[%swap3A_806], %gather3A_667 {strides = array<i32>} : memref<8192xf32, #tpu.memory_space<vmem>>, vector<16xf32>,
      %add3A_808 = arith.constant 6528 : i32
      %add3A_809 = arith.addi %add3A_808, %mul3A_571 : i32
      %swap3A_810 = arith.index_cast %add3A_809 : i32 to index
      %swap3A_811 = tpu.vector_load %arg8[%swap3A_810] {strides = array<i32>} : memref<8192xf32, #tpu.memory_space<vmem>>, vector<16xf32>,
      tpu.vector_store %arg8[%swap3A_810], %gather3A_672 {strides = array<i32>} : memref<8192xf32, #tpu.memory_space<vmem>>, vector<16xf32>,
      %add3A_812 = arith.constant 6656 : i32
      %add3A_813 = arith.addi %add3A_812, %mul3A_571 : i32
      %swap3A_814 = arith.index_cast %add3A_813 : i32 to index
      %swap3A_815 = tpu.vector_load %arg8[%swap3A_814] {strides = array<i32>} : memref<8192xf32, #tpu.memory_space<vmem>>, vector<16xf32>,
      tpu.vector_store %arg8[%swap3A_814], %gather3A_677 {strides = array<i32>} : memref<8192xf32, #tpu.memory_space<vmem>>, vector<16xf32>,
      %add3A_816 = arith.constant 6784 : i32
      %add3A_817 = arith.addi %add3A_816, %mul3A_571 : i32
      %swap3A_818 = arith.index_cast %add3A_817 : i32 to index
      %swap3A_819 = tpu.vector_load %arg8[%swap3A_818] {strides = array<i32>} : memref<8192xf32, #tpu.memory_space<vmem>>, vector<16xf32>,
      tpu.vector_store %arg8[%swap3A_818], %gather3A_682 {strides = array<i32>} : memref<8192xf32, #tpu.memory_space<vmem>>, vector<16xf32>,
      %add3A_820 = arith.constant 6912 : i32
      %add3A_821 = arith.addi %add3A_820, %mul3A_571 : i32
      %swap3A_822 = arith.index_cast %add3A_821 : i32 to index
      %swap3A_823 = tpu.vector_load %arg8[%swap3A_822] {strides = array<i32>} : memref<8192xf32, #tpu.memory_space<vmem>>, vector<16xf32>,
      tpu.vector_store %arg8[%swap3A_822], %gather3A_687 {strides = array<i32>} : memref<8192xf32, #tpu.memory_space<vmem>>, vector<16xf32>,
      %add3A_824 = arith.constant 7040 : i32
      %add3A_825 = arith.addi %add3A_824, %mul3A_571 : i32
      %swap3A_826 = arith.index_cast %add3A_825 : i32 to index
      %swap3A_827 = tpu.vector_load %arg8[%swap3A_826] {strides = array<i32>} : memref<8192xf32, #tpu.memory_space<vmem>>, vector<16xf32>,
      tpu.vector_store %arg8[%swap3A_826], %gather3A_692 {strides = array<i32>} : memref<8192xf32, #tpu.memory_space<vmem>>, vector<16xf32>,
      %add3A_828 = arith.constant 7168 : i32
      %add3A_829 = arith.addi %add3A_828, %mul3A_571 : i32
      %swap3A_830 = arith.index_cast %add3A_829 : i32 to index
      %swap3A_831 = tpu.vector_load %arg8[%swap3A_830] {strides = array<i32>} : memref<8192xf32, #tpu.memory_space<vmem>>, vector<16xf32>,
      tpu.vector_store %arg8[%swap3A_830], %gather3A_697 {strides = array<i32>} : memref<8192xf32, #tpu.memory_space<vmem>>, vector<16xf32>,
      %add3A_832 = arith.constant 7296 : i32
      %add3A_833 = arith.addi %add3A_832, %mul3A_571 : i32
      %swap3A_834 = arith.index_cast %add3A_833 : i32 to index
      %swap3A_835 = tpu.vector_load %arg8[%swap3A_834] {strides = array<i32>} : memref<8192xf32, #tpu.memory_space<vmem>>, vector<16xf32>,
      tpu.vector_store %arg8[%swap3A_834], %gather3A_702 {strides = array<i32>} : memref<8192xf32, #tpu.memory_space<vmem>>, vector<16xf32>,
      %add3A_836 = arith.constant 7424 : i32
      %add3A_837 = arith.addi %add3A_836, %mul3A_571 : i32
      %swap3A_838 = arith.index_cast %add3A_837 : i32 to index
      %swap3A_839 = tpu.vector_load %arg8[%swap3A_838] {strides = array<i32>} : memref<8192xf32, #tpu.memory_space<vmem>>, vector<16xf32>,
      tpu.vector_store %arg8[%swap3A_838], %gather3A_707 {strides = array<i32>} : memref<8192xf32, #tpu.memory_space<vmem>>, vector<16xf32>,
      %add3A_840 = arith.constant 7552 : i32
      %add3A_841 = arith.addi %add3A_840, %mul3A_571 : i32
      %swap3A_842 = arith.index_cast %add3A_841 : i32 to index
      %swap3A_843 = tpu.vector_load %arg8[%swap3A_842] {strides = array<i32>} : memref<8192xf32, #tpu.memory_space<vmem>>, vector<16xf32>,
      tpu.vector_store %arg8[%swap3A_842], %gather3A_712 {strides = array<i32>} : memref<8192xf32, #tpu.memory_space<vmem>>, vector<16xf32>,
      %add3A_844 = arith.constant 7680 : i32
      %add3A_845 = arith.addi %add3A_844, %mul3A_571 : i32
      %swap3A_846 = arith.index_cast %add3A_845 : i32 to index
      %swap3A_847 = tpu.vector_load %arg8[%swap3A_846] {strides = array<i32>} : memref<8192xf32, #tpu.memory_space<vmem>>, vector<16xf32>,
      tpu.vector_store %arg8[%swap3A_846], %gather3A_717 {strides = array<i32>} : memref<8192xf32, #tpu.memory_space<vmem>>, vector<16xf32>,
      %add3A_848 = arith.constant 7808 : i32
      %add3A_849 = arith.addi %add3A_848, %mul3A_571 : i32
      %swap3A_850 = arith.index_cast %add3A_849 : i32 to index
      %swap3A_851 = tpu.vector_load %arg8[%swap3A_850] {strides = array<i32>} : memref<8192xf32, #tpu.memory_space<vmem>>, vector<16xf32>,
      tpu.vector_store %arg8[%swap3A_850], %gather3A_722 {strides = array<i32>} : memref<8192xf32, #tpu.memory_space<vmem>>, vector<16xf32>,
      %add3A_852 = arith.constant 7936 : i32
      %add3A_853 = arith.addi %add3A_852, %mul3A_571 : i32
      %swap3A_854 = arith.index_cast %add3A_853 : i32 to index
      %swap3A_855 = tpu.vector_load %arg8[%swap3A_854] {strides = array<i32>} : memref<8192xf32, #tpu.memory_space<vmem>>, vector<16xf32>,
      tpu.vector_store %arg8[%swap3A_854], %gather3A_727 {strides = array<i32>} : memref<8192xf32, #tpu.memory_space<vmem>>, vector<16xf32>,
      %add3A_856 = arith.constant 8064 : i32
      %add3A_857 = arith.addi %add3A_856, %mul3A_571 : i32
      %swap3A_858 = arith.index_cast %add3A_857 : i32 to index
      %swap3A_859 = tpu.vector_load %arg8[%swap3A_858] {strides = array<i32>} : memref<8192xf32, #tpu.memory_space<vmem>>, vector<16xf32>,
      tpu.vector_store %arg8[%swap3A_858], %gather3A_732 {strides = array<i32>} : memref<8192xf32, #tpu.memory_space<vmem>>, vector<16xf32>,
    }
    %scan3A_419 = arith.constant 8 : i32
    %barrier3A_420 = arith.constant 0 : index
    tpu.barrier barrier_id(%barrier3A_420)
    %mul3A_421 = arith.constant 4096 : i32
    %mul3A_422 = arith.muli %add3A, %mul3A_421 : i32
    %add3A_423 = arith.constant 25690112 : i32
    %add3A_424 = arith.addi %add3A_423, %mul3A_422 : i32
    %add3A_425 = arith.constant 3072 : i32
    %add3A_426 = arith.addi %add3A_424, %add3A_425 : i32
    %dma_start3A_427 = arith.constant 4096 : i32
    %dma_start3A_428 = tpu.memref_slice %arg8[%dma_start3A_427] : memref<8192xf32, #tpu.memory_space<vmem>> -> memref<1024xf32, #tpu.memory_space<vmem>>
    %dma_start3A_429 = tpu.memref_slice %arg4[%add3A_426] : memref<26214400xf32, #tpu.memory_space<hbm>> -> memref<1024xf32, #tpu.memory_space<hbm>>
    %dma_start3A_430 = tpu.memref_slice %arg4[%add3A_426] : memref<26214400xf32, #tpu.memory_space<hbm>> -> memref<1024xf32, #tpu.memory_space<hbm>>
    %dma_start3A_431 = arith.constant 4096 : i32
    %dma_start3A_432 = tpu.memref_slice %arg8[%dma_start3A_431] : memref<8192xf32, #tpu.memory_space<vmem>> -> memref<1024xf32, #tpu.memory_space<vmem>>
    tpu.enqueue_dma source(%dma_start3A_432 : memref<1024xf32, #tpu.memory_space<vmem>>) target(%dma_start3A_430 : memref<1024xf32, #tpu.memory_space<hbm>>) target_semaphore(%arg12 : memref<!tpu.dma_semaphore, #tpu.memory_space<semaphore_mem>>)
    %mul3A_433 = arith.constant 4096 : i32
    %mul3A_434 = arith.muli %add3A, %mul3A_433 : i32
    %add3A_435 = arith.constant 25821184 : i32
    %add3A_436 = arith.addi %add3A_435, %mul3A_434 : i32
    %add3A_437 = arith.constant 3072 : i32
    %add3A_438 = arith.addi %add3A_436, %add3A_437 : i32
    %dma_start3A_439 = arith.constant 5120 : i32
    %dma_start3A_440 = tpu.memref_slice %arg8[%dma_start3A_439] : memref<8192xf32, #tpu.memory_space<vmem>> -> memref<1024xf32, #tpu.memory_space<vmem>>
    %dma_start3A_441 = tpu.memref_slice %arg4[%add3A_438] : memref<26214400xf32, #tpu.memory_space<hbm>> -> memref<1024xf32, #tpu.memory_space<hbm>>
    %dma_start3A_442 = tpu.memref_slice %arg4[%add3A_438] : memref<26214400xf32, #tpu.memory_space<hbm>> -> memref<1024xf32, #tpu.memory_space<hbm>>
    %dma_start3A_443 = arith.constant 5120 : i32
    %dma_start3A_444 = tpu.memref_slice %arg8[%dma_start3A_443] : memref<8192xf32, #tpu.memory_space<vmem>> -> memref<1024xf32, #tpu.memory_space<vmem>>
    tpu.enqueue_dma source(%dma_start3A_444 : memref<1024xf32, #tpu.memory_space<vmem>>) target(%dma_start3A_442 : memref<1024xf32, #tpu.memory_space<hbm>>) target_semaphore(%arg12 : memref<!tpu.dma_semaphore, #tpu.memory_space<semaphore_mem>>)
    %mul3A_445 = arith.constant 4096 : i32
    %mul3A_446 = arith.muli %add3A, %mul3A_445 : i32
    %add3A_447 = arith.constant 25952256 : i32
    %add3A_448 = arith.addi %add3A_447, %mul3A_446 : i32
    %add3A_449 = arith.constant 3072 : i32
    %add3A_450 = arith.addi %add3A_448, %add3A_449 : i32
    %dma_start3A_451 = arith.constant 6144 : i32
    %dma_start3A_452 = tpu.memref_slice %arg8[%dma_start3A_451] : memref<8192xf32, #tpu.memory_space<vmem>> -> memref<1024xf32, #tpu.memory_space<vmem>>
    %dma_start3A_453 = tpu.memref_slice %arg4[%add3A_450] : memref<26214400xf32, #tpu.memory_space<hbm>> -> memref<1024xf32, #tpu.memory_space<hbm>>
    %dma_start3A_454 = tpu.memref_slice %arg4[%add3A_450] : memref<26214400xf32, #tpu.memory_space<hbm>> -> memref<1024xf32, #tpu.memory_space<hbm>>
    %dma_start3A_455 = arith.constant 6144 : i32
    %dma_start3A_456 = tpu.memref_slice %arg8[%dma_start3A_455] : memref<8192xf32, #tpu.memory_space<vmem>> -> memref<1024xf32, #tpu.memory_space<vmem>>
    tpu.enqueue_dma source(%dma_start3A_456 : memref<1024xf32, #tpu.memory_space<vmem>>) target(%dma_start3A_454 : memref<1024xf32, #tpu.memory_space<hbm>>) target_semaphore(%arg12 : memref<!tpu.dma_semaphore, #tpu.memory_space<semaphore_mem>>)
    %mul3A_457 = arith.constant 4096 : i32
    %mul3A_458 = arith.muli %add3A, %mul3A_457 : i32
    %add3A_459 = arith.constant 26083328 : i32
    %add3A_460 = arith.addi %add3A_459, %mul3A_458 : i32
    %add3A_461 = arith.constant 3072 : i32
    %add3A_462 = arith.addi %add3A_460, %add3A_461 : i32
    %dma_start3A_463 = arith.constant 7168 : i32
    %dma_start3A_464 = tpu.memref_slice %arg8[%dma_start3A_463] : memref<8192xf32, #tpu.memory_space<vmem>> -> memref<1024xf32, #tpu.memory_space<vmem>>
    %dma_start3A_465 = tpu.memref_slice %arg4[%add3A_462] : memref<26214400xf32, #tpu.memory_space<hbm>> -> memref<1024xf32, #tpu.memory_space<hbm>>
    %dma_start3A_466 = tpu.memref_slice %arg4[%add3A_462] : memref<26214400xf32, #tpu.memory_space<hbm>> -> memref<1024xf32, #tpu.memory_space<hbm>>
    %dma_start3A_467 = arith.constant 7168 : i32
    %dma_start3A_468 = tpu.memref_slice %arg8[%dma_start3A_467] : memref<8192xf32, #tpu.memory_space<vmem>> -> memref<1024xf32, #tpu.memory_space<vmem>>
    tpu.enqueue_dma source(%dma_start3A_468 : memref<1024xf32, #tpu.memory_space<vmem>>) target(%dma_start3A_466 : memref<1024xf32, #tpu.memory_space<hbm>>) target_semaphore(%arg12 : memref<!tpu.dma_semaphore, #tpu.memory_space<semaphore_mem>>)
    %mul3A_469 = arith.constant 4096 : i32
    %mul3A_470 = arith.muli %add3A, %mul3A_469 : i32
    %add3A_471 = arith.constant 25690112 : i32
    %add3A_472 = arith.addi %add3A_471, %mul3A_470 : i32
    %add3A_473 = arith.constant 2048 : i32
    %add3A_474 = arith.addi %add3A_472, %add3A_473 : i32
    %dma_wait3A_475 = arith.constant 0 : i32
    %dma_wait3A_476 = tpu.memref_slice %arg8[%dma_wait3A_475] : memref<8192xf32, #tpu.memory_space<vmem>> -> memref<1024xf32, #tpu.memory_space<vmem>>
    %dma_wait3A_477 = tpu.memref_slice %arg4[%add3A_474] : memref<26214400xf32, #tpu.memory_space<hbm>> -> memref<1024xf32, #tpu.memory_space<hbm>>
    %dma_wait3A_478 = tpu.memref_slice %arg4[%add3A_474] : memref<26214400xf32, #tpu.memory_space<hbm>> -> memref<1024xf32, #tpu.memory_space<hbm>>
    %dma_wait3A_479 = arith.constant 0 : i32
    %dma_wait3A_480 = tpu.memref_slice %arg8[%dma_wait3A_479] : memref<8192xf32, #tpu.memory_space<vmem>> -> memref<1024xf32, #tpu.memory_space<vmem>>
    tpu.wait_dma2 semaphore(%arg11 : memref<!tpu.dma_semaphore, #tpu.memory_space<semaphore_mem>>) src(%dma_wait3A_480 : memref<1024xf32, #tpu.memory_space<vmem>>) dst(%dma_wait3A_478 : memref<1024xf32, #tpu.memory_space<hbm>>)
    %mul3A_481 = arith.constant 4096 : i32
    %mul3A_482 = arith.muli %add3A, %mul3A_481 : i32
    %add3A_483 = arith.constant 25821184 : i32
    %add3A_484 = arith.addi %add3A_483, %mul3A_482 : i32
    %add3A_485 = arith.constant 2048 : i32
    %add3A_486 = arith.addi %add3A_484, %add3A_485 : i32
    %dma_wait3A_487 = arith.constant 1024 : i32
    %dma_wait3A_488 = tpu.memref_slice %arg8[%dma_wait3A_487] : memref<8192xf32, #tpu.memory_space<vmem>> -> memref<1024xf32, #tpu.memory_space<vmem>>
    %dma_wait3A_489 = tpu.memref_slice %arg4[%add3A_486] : memref<26214400xf32, #tpu.memory_space<hbm>> -> memref<1024xf32, #tpu.memory_space<hbm>>
    %dma_wait3A_490 = tpu.memref_slice %arg4[%add3A_486] : memref<26214400xf32, #tpu.memory_space<hbm>> -> memref<1024xf32, #tpu.memory_space<hbm>>
    %dma_wait3A_491 = arith.constant 1024 : i32
    %dma_wait3A_492 = tpu.memref_slice %arg8[%dma_wait3A_491] : memref<8192xf32, #tpu.memory_space<vmem>> -> memref<1024xf32, #tpu.memory_space<vmem>>
    tpu.wait_dma2 semaphore(%arg11 : memref<!tpu.dma_semaphore, #tpu.memory_space<semaphore_mem>>) src(%dma_wait3A_492 : memref<1024xf32, #tpu.memory_space<vmem>>) dst(%dma_wait3A_490 : memref<1024xf32, #tpu.memory_space<hbm>>)
    %mul3A_493 = arith.constant 4096 : i32
    %mul3A_494 = arith.muli %add3A, %mul3A_493 : i32
    %add3A_495 = arith.constant 25952256 : i32
    %add3A_496 = arith.addi %add3A_495, %mul3A_494 : i32
    %add3A_497 = arith.constant 2048 : i32
    %add3A_498 = arith.addi %add3A_496, %add3A_497 : i32
    %dma_wait3A_499 = arith.constant 2048 : i32
    %dma_wait3A_500 = tpu.memref_slice %arg8[%dma_wait3A_499] : memref<8192xf32, #tpu.memory_space<vmem>> -> memref<1024xf32, #tpu.memory_space<vmem>>
    %dma_wait3A_501 = tpu.memref_slice %arg4[%add3A_498] : memref<26214400xf32, #tpu.memory_space<hbm>> -> memref<1024xf32, #tpu.memory_space<hbm>>
    %dma_wait3A_502 = tpu.memref_slice %arg4[%add3A_498] : memref<26214400xf32, #tpu.memory_space<hbm>> -> memref<1024xf32, #tpu.memory_space<hbm>>
    %dma_wait3A_503 = arith.constant 2048 : i32
    %dma_wait3A_504 = tpu.memref_slice %arg8[%dma_wait3A_503] : memref<8192xf32, #tpu.memory_space<vmem>> -> memref<1024xf32, #tpu.memory_space<vmem>>
    tpu.wait_dma2 semaphore(%arg11 : memref<!tpu.dma_semaphore, #tpu.memory_space<semaphore_mem>>) src(%dma_wait3A_504 : memref<1024xf32, #tpu.memory_space<vmem>>) dst(%dma_wait3A_502 : memref<1024xf32, #tpu.memory_space<hbm>>)
    %mul3A_505 = arith.constant 4096 : i32
    %mul3A_506 = arith.muli %add3A, %mul3A_505 : i32
    %add3A_507 = arith.constant 26083328 : i32
    %add3A_508 = arith.addi %add3A_507, %mul3A_506 : i32
    %add3A_509 = arith.constant 2048 : i32
    %add3A_510 = arith.addi %add3A_508, %add3A_509 : i32
    %dma_wait3A_511 = arith.constant 3072 : i32
    %dma_wait3A_512 = tpu.memref_slice %arg8[%dma_wait3A_511] : memref<8192xf32, #tpu.memory_space<vmem>> -> memref<1024xf32, #tpu.memory_space<vmem>>
    %dma_wait3A_513 = tpu.memref_slice %arg4[%add3A_510] : memref<26214400xf32, #tpu.memory_space<hbm>> -> memref<1024xf32, #tpu.memory_space<hbm>>
    %dma_wait3A_514 = tpu.memref_slice %arg4[%add3A_510] : memref<26214400xf32, #tpu.memory_space<hbm>> -> memref<1024xf32, #tpu.memory_space<hbm>>
    %dma_wait3A_515 = arith.constant 3072 : i32
    %dma_wait3A_516 = tpu.memref_slice %arg8[%dma_wait3A_515] : memref<8192xf32, #tpu.memory_space<vmem>> -> memref<1024xf32, #tpu.memory_space<vmem>>
    tpu.wait_dma2 semaphore(%arg11 : memref<!tpu.dma_semaphore, #tpu.memory_space<semaphore_mem>>) src(%dma_wait3A_516 : memref<1024xf32, #tpu.memory_space<vmem>>) dst(%dma_wait3A_514 : memref<1024xf32, #tpu.memory_space<hbm>>)
    %mul3A_517 = arith.constant 4096 : i32
    %mul3A_518 = arith.muli %add3A, %mul3A_517 : i32
    %add3A_519 = arith.constant 25690112 : i32
    %add3A_520 = arith.addi %add3A_519, %mul3A_518 : i32
    %add3A_521 = arith.constant 3072 : i32
    %add3A_522 = arith.addi %add3A_520, %add3A_521 : i32
    %dma_wait3A_523 = arith.constant 4096 : i32
    %dma_wait3A_524 = tpu.memref_slice %arg8[%dma_wait3A_523] : memref<8192xf32, #tpu.memory_space<vmem>> -> memref<1024xf32, #tpu.memory_space<vmem>>
    %dma_wait3A_525 = tpu.memref_slice %arg4[%add3A_522] : memref<26214400xf32, #tpu.memory_space<hbm>> -> memref<1024xf32, #tpu.memory_space<hbm>>
    %dma_wait3A_526 = tpu.memref_slice %arg4[%add3A_522] : memref<26214400xf32, #tpu.memory_space<hbm>> -> memref<1024xf32, #tpu.memory_space<hbm>>
    %dma_wait3A_527 = arith.constant 4096 : i32
    %dma_wait3A_528 = tpu.memref_slice %arg8[%dma_wait3A_527] : memref<8192xf32, #tpu.memory_space<vmem>> -> memref<1024xf32, #tpu.memory_space<vmem>>
    tpu.wait_dma2 semaphore(%arg12 : memref<!tpu.dma_semaphore, #tpu.memory_space<semaphore_mem>>) src(%dma_wait3A_528 : memref<1024xf32, #tpu.memory_space<vmem>>) dst(%dma_wait3A_526 : memref<1024xf32, #tpu.memory_space<hbm>>)
    %mul3A_529 = arith.constant 4096 : i32
    %mul3A_530 = arith.muli %add3A, %mul3A_529 : i32
    %add3A_531 = arith.constant 25821184 : i32
    %add3A_532 = arith.addi %add3A_531, %mul3A_530 : i32
    %add3A_533 = arith.constant 3072 : i32
    %add3A_534 = arith.addi %add3A_532, %add3A_533 : i32
    %dma_wait3A_535 = arith.constant 5120 : i32
    %dma_wait3A_536 = tpu.memref_slice %arg8[%dma_wait3A_535] : memref<8192xf32, #tpu.memory_space<vmem>> -> memref<1024xf32, #tpu.memory_space<vmem>>
    %dma_wait3A_537 = tpu.memref_slice %arg4[%add3A_534] : memref<26214400xf32, #tpu.memory_space<hbm>> -> memref<1024xf32, #tpu.memory_space<hbm>>
    %dma_wait3A_538 = tpu.memref_slice %arg4[%add3A_534] : memref<26214400xf32, #tpu.memory_space<hbm>> -> memref<1024xf32, #tpu.memory_space<hbm>>
    %dma_wait3A_539 = arith.constant 5120 : i32
    %dma_wait3A_540 = tpu.memref_slice %arg8[%dma_wait3A_539] : memref<8192xf32, #tpu.memory_space<vmem>> -> memref<1024xf32, #tpu.memory_space<vmem>>
    tpu.wait_dma2 semaphore(%arg12 : memref<!tpu.dma_semaphore, #tpu.memory_space<semaphore_mem>>) src(%dma_wait3A_540 : memref<1024xf32, #tpu.memory_space<vmem>>) dst(%dma_wait3A_538 : memref<1024xf32, #tpu.memory_space<hbm>>)
    %mul3A_541 = arith.constant 4096 : i32
    %mul3A_542 = arith.muli %add3A, %mul3A_541 : i32
    %add3A_543 = arith.constant 25952256 : i32
    %add3A_544 = arith.addi %add3A_543, %mul3A_542 : i32
    %add3A_545 = arith.constant 3072 : i32
    %add3A_546 = arith.addi %add3A_544, %add3A_545 : i32
    %dma_wait3A_547 = arith.constant 6144 : i32
    %dma_wait3A_548 = tpu.memref_slice %arg8[%dma_wait3A_547] : memref<8192xf32, #tpu.memory_space<vmem>> -> memref<1024xf32, #tpu.memory_space<vmem>>
    %dma_wait3A_549 = tpu.memref_slice %arg4[%add3A_546] : memref<26214400xf32, #tpu.memory_space<hbm>> -> memref<1024xf32, #tpu.memory_space<hbm>>
    %dma_wait3A_550 = tpu.memref_slice %arg4[%add3A_546] : memref<26214400xf32, #tpu.memory_space<hbm>> -> memref<1024xf32, #tpu.memory_space<hbm>>
    %dma_wait3A_551 = arith.constant 6144 : i32
    %dma_wait3A_552 = tpu.memref_slice %arg8[%dma_wait3A_551] : memref<8192xf32, #tpu.memory_space<vmem>> -> memref<1024xf32, #tpu.memory_space<vmem>>
    tpu.wait_dma2 semaphore(%arg12 : memref<!tpu.dma_semaphore, #tpu.memory_space<semaphore_mem>>) src(%dma_wait3A_552 : memref<1024xf32, #tpu.memory_space<vmem>>) dst(%dma_wait3A_550 : memref<1024xf32, #tpu.memory_space<hbm>>)
    %mul3A_553 = arith.constant 4096 : i32
    %mul3A_554 = arith.muli %add3A, %mul3A_553 : i32
    %add3A_555 = arith.constant 26083328 : i32
    %add3A_556 = arith.addi %add3A_555, %mul3A_554 : i32
    %add3A_557 = arith.constant 3072 : i32
    %add3A_558 = arith.addi %add3A_556, %add3A_557 : i32
    %dma_wait3A_559 = arith.constant 7168 : i32
    %dma_wait3A_560 = tpu.memref_slice %arg8[%dma_wait3A_559] : memref<8192xf32, #tpu.memory_space<vmem>> -> memref<1024xf32, #tpu.memory_space<vmem>>
    %dma_wait3A_561 = tpu.memref_slice %arg4[%add3A_558] : memref<26214400xf32, #tpu.memory_space<hbm>> -> memref<1024xf32, #tpu.memory_space<hbm>>
    %dma_wait3A_562 = tpu.memref_slice %arg4[%add3A_558] : memref<26214400xf32, #tpu.memory_space<hbm>> -> memref<1024xf32, #tpu.memory_space<hbm>>
    %dma_wait3A_563 = arith.constant 7168 : i32
    %dma_wait3A_564 = tpu.memref_slice %arg8[%dma_wait3A_563] : memref<8192xf32, #tpu.memory_space<vmem>> -> memref<1024xf32, #tpu.memory_space<vmem>>
    tpu.wait_dma2 semaphore(%arg12 : memref<!tpu.dma_semaphore, #tpu.memory_space<semaphore_mem>>) src(%dma_wait3A_564 : memref<1024xf32, #tpu.memory_space<vmem>>) dst(%dma_wait3A_562 : memref<1024xf32, #tpu.memory_space<hbm>>)
    return
  }
}

</mosaic_0001>

<sc_bundles>
// kernel: _embedding_lookup.3.cloned.1.call-start
scs
__scs_entry_jumppad:
0x0: {  	(pc) =	sbr.rel $0x88, $3  }
0x1: {  	(tag) =	ssettag $0x0;
	lr =	simm.s32 $0x1  }
0x2: {  	[smem:$0x3F9F] =	sst lr;
	_ =	strace $0xD0000000  }
0x3: {  	_ = 	snop  }
0x4: {  	_ = 	snop  }
0x5: {  	_ = 	snop  }
0x6: {  	_ = 	snop  }
0x7: {  	_ = 	snop  }
__scs_overlays_trampoline_lowered:
0x8: {  	[smem:$0x3FAE] =	sst s0  }
0x9: {  	[smem:$0x3FAF] =	sst s1  }
0xa: {  	[smem:$0x3FB0] =	sst s2  }
0xb: {  	[smem:$0x3FB1] =	sst s3  }
0xc: {  	[smem:$0x3FB2] =	sst s4  }
0xd: {  	[smem:$0x3FB3] =	sst s5  }
0xe: {  	[smem:$0x3FB4] =	sst s6  }
0xf: {  	[smem:$0x3FB5] =	sst s7  }
0x10: {  	[smem:$0x3FB6] =	sst s8  }
0x11: {  	[smem:$0x3FB7] =	sst s9;
	s0 =	simm.s32 @!p0 $0x0  }
0x12: {  	s1 =	sld [smem:$0x3F9D];
	s0 =	simm.s32 @p0 $0x1  }
0x13: {  	[smem:$0x3FB8] =	sst s0;
	s0 =	simm.s32 @!p1 $0x0  }
0x14: {  	s2 =	sld [smem:$0x3F9C];
	s0 =	simm.s32 @p1 $0x1  }
0x15: {  	[smem:$0x3FB9] =	sst s0;
	s0 =	simm.s32 @!p2 $0x0  }
0x16: {  	s3 =	sld [smem:$0x3FDB];
	s0 =	simm.s32 @p2 $0x1  }
0x17: {  	s4 =	simm.s32 $0x1BF5;
	[smem:$0x3FBB] =	sst s0  }
0x18: {  	s0 =	sld [smem:$0x3F9E];
	_ =	swait.ge [sflag:s4], $0x0  }
0x19: {  	s7 =	sld [smem:$0x3F9F]  }
0x1a: {  	s8 =	sadd.s32 $0xFFFFE003, lr  }
0x1b: {  	s9 =	sadd.s32 $0xFFFFFEF7, lr;
	s5 =	simm.s32 $0xFFFFFFFF;
	p2 =	slt.u32 s8, $0xFFFFF086  }
0x1c: {  	p1 =	slt.u32 s9, $0xF7A;
	s5 =	simm.s32 @!p2 $0x0  }
0x1d: {  	s5 =	simm.s32 @p1 $0x1;
	p0 =	seq.s32 s7, s2  }
0x1e: {  	s7 =	smul.u32 @!p0 $0xF7A, s2;
	p2 =	seq.s32 @!p0 s5, $0x0  }
0x1f: {  	s9 =	smul.u32 $0xF7A, s1;
	s8 =	simm.s32 @!p0 $0x1BF5;
	p2 =	por !p2, p0  }
0x20: {  	[sflag:s8] =	ssyncset.s32 @!p0 $0xFFFFF086;
	s6 =	sadd.s32 @!p0 s3, s7;
	s7 =	simm.s32 @!p0 $0x108  }
0x21: {  	s3 =	sadd.s32 s3, s9;
	s6 =	sadd.s32 @!p0 $0x88, s6;
	s7 =	simm.s32 @p2 $0x1082  }
0x22: {  	[simem:s7], [sflag:s8] =	dma.local @!p0 [hbm:s6], $0xF7A  }
0x23: {  	s9 =	sor.u32 $0xD0000000, s2;
	s6 =	simm.s32 $0x108;
	_ =	swait.ge @!p0 [sflag:s8], $0x0  }
0x24: {  	s3 =	sadd.s32 $0x88, s3;
	s6 =	simm.s32 @!p1 $0x1082;
	[sflag:s4] =	ssyncset.s32 $0xFFFFF086  }
0x25: {  	[simem:s6], [sflag:s4] =	dma.local [hbm:s3], $0xF7A  }
0x26: {  	[smem:$0x3F9F] =	sst s1;
	(tag) =	ssettag s2;
	_ =	strace s9  }
0x27: {  	s1 =	sld [smem:$0x3FAF]  }
0x28: {  	s2 =	sld [smem:$0x3FB0]  }
0x29: {  	s4 =	sld [smem:$0x3FB2]  }
0x2a: {  	p0 =	seq.s32 s5, $0x0;
	s5 =	sld [smem:$0x3FB3]  }
0x2b: {  	s6 =	sld [smem:$0x3FB4]  }
0x2c: {  	s7 =	sld [smem:$0x3FB5]  }
0x2d: {  	s3 =	simm.s32 $0x108;
	s8 =	sld [smem:$0x3FB6]  }
0x2e: {  	s3 =	simm.s32 @!p0 $0x1082;
	s9 =	sld [smem:$0x3FB7]  }
0x2f: {  	lr =	sadd.s32 s0, s3;
	s0 =	sld [smem:$0x3FAE]  }
0x30: {  	s3 =	sld [smem:$0x3FB1]  }
0x31: {  	[smem:$0x3FBA] =	sst s10  }
0x32: {  	s10 =	sld [smem:$0x3FB8];
	_ =	sdelay $0x3  }
0x33: {  	p0 =	seq.s32 s10, $0x1;
	s10 =	sld [smem:$0x3FBA];
	_ =	sdelay $0x3  }
0x34: {  	[smem:$0x3FBA] =	sst s10  }
0x35: {  	s10 =	sld [smem:$0x3FB9];
	_ =	sdelay $0x3  }
0x36: {  	p1 =	seq.s32 s10, $0x1;
	s10 =	sld [smem:$0x3FBA];
	_ =	sdelay $0x3  }
0x37: {  	[smem:$0x3FBA] =	sst s10  }
0x38: {  	s10 =	sld [smem:$0x3FBB]  }
0x39: {  	_ = 	snop;
	(pc) =	sbr.ind lr, $3  }
0x3a: {  	_ = 	snop  }
0x3b: {  	_ = 	snop  }
0x3c: {  	p2 =	seq.s32 s10, $0x1;
	s10 =	sld [smem:$0x3FBA]  }
0x3d: {  	_ =	shalt  }
0x3e: {  	_ =	shalt  }
0x3f: {  	_ =	shalt  }
0x40: {  	_ =	shalt  }
0x41: {  	_ =	shalt  }
0x42: {  	_ =	shalt  }
0x43: {  	_ =	shalt  }
0x44: {  	_ =	shalt  }
0x45: {  	_ =	shalt  }
0x46: {  	_ =	shalt  }
0x47: {  	_ =	shalt  }
0x48: {  	_ =	shalt  }
0x49: {  	_ =	shalt  }
0x4a: {  	_ =	shalt  }
0x4b: {  	_ =	shalt  }
0x4c: {  	_ =	shalt  }
0x4d: {  	_ =	shalt  }
0x4e: {  	_ =	shalt  }
0x4f: {  	_ =	shalt  }
0x50: {  	_ =	shalt  }
0x51: {  	_ =	shalt  }
0x52: {  	_ =	shalt  }
0x53: {  	_ =	shalt  }
0x54: {  	_ =	shalt  }
0x55: {  	_ =	shalt  }
0x56: {  	_ =	shalt  }
0x57: {  	_ =	shalt  }
0x58: {  	_ =	shalt  }
0x59: {  	_ =	shalt  }
0x5a: {  	_ =	shalt  }
0x5b: {  	_ =	shalt  }
0x5c: {  	_ =	shalt  }
0x5d: {  	_ =	shalt  }
0x5e: {  	_ =	shalt  }
0x5f: {  	_ =	shalt  }
0x60: {  	_ =	shalt  }
0x61: {  	_ =	shalt  }
0x62: {  	_ =	shalt  }
0x63: {  	_ =	shalt  }
0x64: {  	_ =	shalt  }
0x65: {  	_ =	shalt  }
0x66: {  	_ =	shalt  }
0x67: {  	_ =	shalt  }
0x68: {  	_ =	shalt  }
0x69: {  	_ =	shalt  }
0x6a: {  	_ =	shalt  }
0x6b: {  	_ =	shalt  }
0x6c: {  	_ =	shalt  }
0x6d: {  	_ =	shalt  }
0x6e: {  	_ =	shalt  }
0x6f: {  	_ =	shalt  }
0x70: {  	_ =	shalt  }
0x71: {  	_ =	shalt  }
0x72: {  	_ =	shalt  }
0x73: {  	_ =	shalt  }
0x74: {  	_ =	shalt  }
0x75: {  	_ =	shalt  }
0x76: {  	_ =	shalt  }
0x77: {  	_ =	shalt  }
0x78: {  	_ =	shalt  }
0x79: {  	_ =	shalt  }
0x7a: {  	_ =	shalt  }
0x7b: {  	_ =	shalt  }
0x7c: {  	_ =	shalt  }
0x7d: {  	_ =	shalt  }
0x7e: {  	_ =	shalt  }
0x7f: {  	_ =	shalt  }
0x80: {  	_ =	shalt  }
0x81: {  	_ =	shalt  }
0x82: {  	_ =	shalt  }
0x83: {  	_ =	shalt  }
0x84: {  	_ =	shalt  }
0x85: {  	_ =	shalt  }
0x86: {  	_ =	shalt  }
0x87: {  	_ =	shalt  }
.Lfunc_end0:
.L_simem_size_0:
called_computation_lowered:
.L_overlay_start_0:
0x88: {  	s2 =	sld [smem:$0x3FD9]  }
0x89: {  	s3 =	sld [smem:$0x3FFE];
	_ =	sdelay $0x1  }
0x8a: {  	s1 =	srdreg.scid  }
0x8b: {  	s0 =	sand.u32 $0x1, s1  }
0x8c: {  	s17 =	sshll.u32 s0, $0xA;
	s2 =	sadd.s32 s3, s2  }
0x8d: {  	s2 =	sadd.s32 s2, s17  }
0x8e: {  	[smem:$0x3FC6] =	sst s2  }
0x8f: {  	_ = 	snop  }
0x90: {  	s2 =	sld [smem:$0x3FC9]  }
0x91: {  	s18 =	sld [smem:$0x3FD0];
	(tm) =	ssettm $0x1  }
0x92: {  	s4 =	sld [smem:$0x3FFB];
	_ =	sdelay $0x3  }
0x93: {  	_ =	strace s4  }
0x94: {  	s4 =	sld [smem:$0x3FFC];
	_ =	sdelay $0x3  }
0x95: {  	_ =	strace s4  }
0x96: {  	s4 =	sld [smem:$0x3FFD];
	_ =	sdelay $0x3  }
0x97: {  	_ =	strace s4  }
0x98: {  	_ =	strace $0x8FFFFFFF  }
0x99: {  	s19 =	sld [smem:$0x3FDB];
	_ =	sdelay $0x1  }
0x9a: {  	s5 =	simm.s32 $_scs_section_size  }
0x9b: {  	s6 =	simm.s32 $_size__tile_overlayer_lowered;
	s7 =	simm.s32 $_tile_overlayer_lowered  }
0x9c: {  	s22 =	simm.s32 $0x1BFF;
	s21 =	sshll.u32 s7, $0x1;
	s4 =	sadd.s32 s5, s19  }
0x9d: {  	s8 =	simm.s32 $0x0;
	s20 =	sshll.u32 s6, $0x1;
	s6 =	sadd.s32 s21, s4  }
0x9e: {  	[timem:s8], [sflag:s22] =	dma.local [hbm:s6], s20  }
0x9f: {  	_ =	swait.ge [sflag:s22], s20  }
0xa0: {  	s5 =	ssub.s32 $0x0, s20;
	[sflag:s22] =	ssyncset.done $0x0  }
0xa1: {  	[sflag:s22] =	ssyncadd.s32 s5;
	_ =	sdelay $0x1  }
0xa2: {  	s23 =	simm.s32 $0x1B8B  }
0xa3: {  	_ =	swait.ge [sflag:s23], $0x1  }
0xa4: {  	[sflag:s23] =	ssyncset.done $0x0  }
0xa5: {  	s25 =	simm.s32 $0x1B8E;
	s24 =	sld [smem:$0x3FFE];
	[sflag:s23] =	ssyncadd.s32 $0xFFFFFFFF  }
0xa6: {  	s26 =	simm.s32 $execute0_lowered;
	[smem:$0x3FD2] =	sst s25  }
0xa7: {  	s6 =	sshll.u32 s26, $0x1;
	_ =	strace $0x80000046;
	[dreg:$0x1] =	wrdreg $0xFFFFFFFF  }
0xa8: {  	s28 =	simm.s32 $_size_execute0_lowered;
	s4 =	sadd.s32 s4, s6;
	[dreg:$0x0] =	wrdreg $0x0  }
0xa9: {  	s6 =	sshll.u32 s28, $0x1;
	[dreg:$0x2] =	wrdreg s4  }
0xaa: {  	[dreg:$0x3] =	wrdreg s6  }
0xab: {  	[dreg:$0x4] =	wrdreg $0xC0  }
0xac: {  	_ =	task [dreg:s8], $0x5FFFF  }
0xad: {  	[dreg:$0x1] =	wrdreg $0xFFFFFFFF  }
0xae: {  	[dreg:$0x0] =	wrdreg $0x60  }
0xaf: {  	[dreg:$0x2] =	wrdreg s2  }
0xb0: {  	[dreg:$0x3] =	wrdreg s24  }
0xb1: {  	[dreg:$0x4] =	wrdreg s18  }
0xb2: {  	[dreg:$0x5] =	wrdreg $0x9  }
0xb3: {  	_ =	task.clear_ibuf [dreg:s8], $0x6FFFF;
	_ =	strace $0x90000046  }
0xb4: {  	s29 =	simm.s32 $0x9;
	_ =	strace $0x80000048  }
0xb5: {  	_ =	swait.ge [sflag:s29], $0x1  }
0xb6: {  	[sflag:s29] =	ssyncadd.s32 $0xFFFFFFFF  }
0xb7: {  	_ =	strace $0x90000048  }
0xb8: {  	_ =	sfence  }
0xb9: {  	s30 =	sld [smem:$0x0];
	_ =	sdelay $0x2  }
0xba: {  	s31 =	sshll.u32 s1, $0xD;
	s1 =	sshrl.u32 s1, $0x2  }
0xbb: {  	s3 =	sand.u32 $0x4000, s31;
	s1 =	sadd.s32 s1, s30  }
0xbc: {  	s0 =	sor.u32 s3, s0;
	s1 =	sshll.u32 s1, $0x11  }
0xbd: {  	s0 =	sor.u32 s1, s0  }
0xbe: {  	s0 =	sadd.s32 $0x8F2B, s0  }
0xbf: {  	[sflag:s0] =	ssyncadd.remote.s32 $0x1  }
0xc0: {  	_ =	sfence.sel $0xFFFF  }
0xc1: {  	[dreg:$0x0] =	wrdreg $0xFFFFFFFF;
	(pc) =	sbr.abs _section_cstart, $3  }
0xc2: {  	[dreg:$0x1] =	wrdreg $0xFFFFFFFF  }
0xc3: {  	_ =	task.clear_ibuf [dreg:s8], $0x2FFFF;
	_ =	strace $0x9FFFFFFF  }
0xc4: {  	(tm) =	ssettm $0x7FFFFFFF  }
0xc5: {  	_ =	shalt  }
tec
execute0_lowered:
.L_overlay_start_1:
0x0: {  	(tag) =	ssettag $0x1  }
0x1: {  	s4 =	srdreg.scid;
	s5 =	stileid.u32  }
0x2: {  	s0 =	rddreg [dreg:$0x0];
	s4 =	sand.u32 $0x1, s4;
	s5 =	sshll.u32 s5, $0x1  }
0x3: {  	s1 =	rddreg [dreg:$0x1];
	s5 =	sor.u32 s4, s5  }
0x4: {  	s2 =	rddreg [dreg:$0x2];
	s3 =	simm.s32 $0x0;
	s6 =	sshll.u32 s5, $0x9  }
0x5: {  	[smem:$0x7FF] =	sst s3;
	s6 =	sadd.s32 s2, s6  }
0x6: {  	_ =	strace $0x80000047;
	s9 =	sadd.s32 $0x4000, s6;
	[dreg:$0x4] =	wrdreg s6  }
0x7: {  	s12 =	sadd.s32 $0x8000, s6;
	[dreg:$0x5] =	wrdreg s9  }
0x8: {  	s28 =	simm.s32 $0xC800;
	s13 =	sadd.s32 $0xC000, s6;
	[dreg:$0x6] =	wrdreg s12  }
0x9: {  	s30 =	simm.s32 $0xD800;
	s14 =	sadd.s32 $0x4080, s6;
	[dreg:$0x7] =	wrdreg s13  }
0xa: {  	s31 =	simm.s32 $0x1;
	s15 =	sadd.s32 $0x8080, s6;
	[dreg:$0x8] =	wrdreg s14  }
0xb: {  	s29 =	simm.s32 $0xF000;
	s16 =	sadd.s32 $0xC080, s6;
	[dreg:$0x9] =	wrdreg s15  }
0xc: {  	s8 =	smul.u32 $0xC80, s5;
	s17 =	sadd.s32 $0x310100, s6;
	[dreg:$0xa] =	wrdreg s16  }
0xd: {  	s10 =	simm.s32 $0x10000;
	s18 =	sadd.s32 $0x314100, s6;
	[dreg:$0xb] =	wrdreg s17  }
0xe: {  	s7 =	ssub.s32 $0x2, s4;
	s0 =	sadd.s32 s0, s8;
	[dreg:$0xc] =	wrdreg s18  }
0xf: {  	s4 =	sadd.s32 $0xF42800, s1;
	s19 =	sadd.s32 $0x318100, s6;
	[dreg:$0xd] =	wrdreg s0  }
0x10: {  	s11 =	sshrl.u32 s7, $0x1;
	s20 =	sadd.s32 $0x31C100, s6;
	[dreg:$0xe] =	wrdreg s19  }
0x11: {  	s5 =	sshll.u32 s5, $0xC;
	s21 =	sadd.s32 $0x80, s6;
	[dreg:$0xf] =	wrdreg s20  }
0x12: {  	s1 =	ssub.s32 s7, s11;
	s22 =	sadd.s32 $0x310180, s6;
	[dreg:$0x10] =	wrdreg s21  }
0x13: {  	s7 =	simm.s32 $0x2;
	s23 =	sadd.s32 $0x314180, s6;
	[dreg:$0x11] =	wrdreg s22  }
0x14: {  	s11 =	simm.s32 $0x10400;
	s24 =	sadd.s32 $0x318180, s6;
	[dreg:$0x12] =	wrdreg s23  }
0x15: {  	s25 =	sadd.s32 $0x31C180, s6;
	s26 =	smax.u32 s1, $0x1;
	[dreg:$0x13] =	wrdreg s24  }
0x16: {  	s1 =	simm.s32 $0xE800;
	s8 =	simm.s32 $0xF800;
	[dreg:$0x14] =	wrdreg s25  }
0x17: {  	[dreg:$0x15] =	wrdreg s26;
	s24 =	simm.s32 $0x5;
	s25 =	simm.s32 $0x80  }
0x18: {  	v1 =	vlaneseq.u32;
	s26 =	simm.s32 $0xEC00;
	s0 =	simm.s32 $0xF400;
	s9 =	simm.s32 $0xFC00  }
0x19: {  	v0 =	vmul.u32 $0x32, v1;
	v1 =	vmul.u32 $0x20, v1;
	s12 =	simm.s32 $0x3;
	s13 =	simm.s32 $0x4;
	s14 =	simm.s32 $0x0  }
.LBB2_1:
0x1a: {  	s16 =	sand.u32 $0x1F0, s3  }
0x1b: {  	v2 =	vmov s16  }
0x1c: {  	v2 =	vmul.u32 $0x32, v2  }
0x1d: {  	s15 =	simm.s32 $0x0  }
0x1e: {  	v2 =	vadd.s32 s15, v2  }
0x1f: {  	s23 =	simm.s32 $0x10;
	v2 =	vbroadcast v2, $0x0  }
0x20: {  	s15 =	sand.u32 $0x1F0, s23  }
0x21: {  	s6 =	rddreg [dreg:$0xd];
	v3 =	vmov s15;
	v2 =	vadd.s32 v0, v2  }
0x22: {  	[tilespmem:s3], [sflag:$0x5] =	stream.linear.gather [hbm4b:s6+s3], $0x6400, $0x38;
	v3 =	vmul.u32 $0x32, v3;
	[tilespmem:$0x10800] =	vst v63  }
0x23: {  	s17 =	simm.s32 $0x0;
	_ =	swait.ge [sflag:s24], $0x6400  }
0x24: {  	[sflag:s24] =	ssyncset.done $0x0;
	v3 =	vadd.s32 s17, v3  }
0x25: {  	[sflag:s24] =	ssyncadd.s32 $0xFFFF9C00;
	v3 =	vbroadcast v3, $0x0  }
0x26: {  	s18 =	simm.s32 $0x1;
	s20 =	simm.s32 $0x20;
	s21 =	simm.s32 $0x3;
	v2 =	vld.idx.msk [tilespmem:v2+s3+$0x0], $0xffff  }
0x27: {  	s22 =	simm.s32 $0x0;
	s19 =	sand.u32 $0x1F0, s20;
	s17 =	simm.s32 $0x2;
	v3 =	vadd.s32 v0, v3  }
.LBB2_2:
0x28: {  	p0 =	sne.s32 s21, $0x63F;
	v4 =	vmov s19;
	s23 =	sshll.u32 s22, $0x4;
	s22 =	smov.u32 s18  }
0x29: {  	s18 =	smov.u32 s17;
	s17 =	smov.u32 s21;
	v4 =	vmul.u32 $0x32, v4;
	s23 =	sand.u32 $0x3FFFFE00, s23  }
.Ltmp0:
0x2a: {  	s6 =	sshrl.u32 s18, $0x5;
	s16 =	sor.u32 s16, s23;
	(pc) =	sbr.rel @p0 .LBB2_2-.Ltmp0, $4  }
0x2b: {  	v4 =	vadd.s32 s6, v4;
	[tilespmem:s16+$0x6400] =	vst v2;
	s16 =	smov.u32 s15;
	s15 =	smov.u32 s19  }
0x2c: {  	v4 =	vbroadcast v4, $0x0;
	v2 =	vld.idx.msk [tilespmem:v3+s3+$0x0], $0xffff  }
0x2d: {  	s20 =	sadd.s32 $0x10, s20  }
0x2e: {  	s21 =	sadd.s32 $0x1, s21;
	s19 =	sand.u32 $0x1F0, s20;
	v3 =	vadd.s32 v0, v4  }
0x2f: {  	v4 =	vmov s19  }
0x30: {  	s6 =	sshll.u32 s22, $0x4;
	v4 =	vmul.u32 $0x32, v4  }
0x31: {  	s20 =	sshrl.u32 s17, $0x5;
	s6 =	sand.u32 $0x3FFFFE00, s6  }
0x32: {  	s6 =	sor.u32 s16, s6;
	v4 =	vadd.s32 s20, v4  }
0x33: {  	[tilespmem:s6+$0x6400] =	vst v2;
	v2 =	vbroadcast v4, $0x0  }
0x34: {  	v3 =	vld.idx.msk [tilespmem:v3+s3+$0x0], $0xffff  }
0x35: {  	v2 =	vadd.s32 v0, v2  }
0x36: {  	s16 =	sshll.u32 s18, $0x4  }
0x37: {  	s6 =	sand.u32 $0x3FFFFE00, s16  }
0x38: {  	s6 =	sor.u32 s15, s6  }
0x39: {  	[tilespmem:s6+$0x6400] =	vst v3  }
0x3a: {  	v2 =	vld.idx.msk [tilespmem:v2+s3+$0x0], $0xffff;
	_ =	sdelay $0x1  }
0x3b: {  	s18 =	sshll.u32 s17, $0x4  }
0x3c: {  	s6 =	sand.u32 $0x3FFFFE00, s18  }
0x3d: {  	s6 =	sor.u32 s19, s6  }
0x3e: {  	s20 =	simm.s32 $0x0;
	[tilespmem:s6+$0x6400] =	vst v2  }
0x3f: {  	s21 =	simm.s32 $0x6400;
	v2 =	vmov s20;
	[bflag:$0x0] =	sbarrier.arrive $0xFFFF  }
0x40: {  	v2 =	vshll.u32 v2, $0x5;
	[tilespmem:s28], [sflag:$0x1] =	stream.indirect.gather [hbm4b:s4+s25], $0x20, s21, s25, $0xb8;
	[tilespmem:$0x10800] =	vst v63  }
0x41: {  	s22 =	simm.s32 $0x6480;
	v2 =	vor.u32 v1, v2  }
0x42: {  	v3 =	vor.u32 $0x1, v2;
	[tilespmem:s30], [sflag:$0x2] =	stream.indirect.gather [hbm4b:s4+s25], $0x20, s22, s25, $0xb8;
	[tilespmem:$0x10800] =	vst v63  }
0x43: {  	v4 =	vor.u32 $0x2, v2;
	_ =	swait.ge [sflag:s31], $0x1000  }
0x44: {  	v5 =	vor.u32 $0x3, v2;
	[sflag:s31] =	ssyncset.done $0x0  }
0x45: {  	v6 =	vor.u32 $0x4, v2;
	[sflag:s31] =	ssyncadd.s32 $0xFFFFF000  }
0x46: {  	v8 =	vor.u32 $0x5, v2;
	v7 =	vld.idx.msk [tilespmem:v2+s28+$0x0], $0xffff  }
0x47: {  	v9 =	vor.u32 $0x6, v2;
	v3 =	vld.idx.msk [tilespmem:v3+s28+$0x0], $0xffff  }
0x48: {  	v10 =	vor.u32 $0x7, v2;
	v4 =	vld.idx.msk [tilespmem:v4+s28+$0x0], $0xffff  }
0x49: {  	v11 =	vor.u32 $0x8, v2;
	v5 =	vld.idx.msk [tilespmem:v5+s28+$0x0], $0xffff  }
0x4a: {  	v12 =	vor.u32 $0x9, v2;
	v6 =	vld.idx.msk [tilespmem:v6+s28+$0x0], $0xffff  }
0x4b: {  	v13 =	vor.u32 $0xA, v2;
	v8 =	vld.idx.msk [tilespmem:v8+s28+$0x0], $0xffff  }
0x4c: {  	v14 =	vor.u32 $0xB, v2;
	v9 =	vld.idx.msk [tilespmem:v9+s28+$0x0], $0xffff  }
0x4d: {  	v15 =	vor.u32 $0xC, v2;
	v10 =	vld.idx.msk [tilespmem:v10+s28+$0x0], $0xffff  }
0x4e: {  	v16 =	vor.u32 $0xD, v2;
	v11 =	vld.idx.msk [tilespmem:v11+s28+$0x0], $0xffff  }
0x4f: {  	v17 =	vor.u32 $0xE, v2;
	v12 =	vld.idx.msk [tilespmem:v12+s28+$0x0], $0xffff  }
0x50: {  	v18 =	vor.u32 $0xF, v2;
	v13 =	vld.idx.msk [tilespmem:v13+s28+$0x0], $0xffff  }
0x51: {  	v19 =	vor.u32 $0x10, v2;
	v14 =	vld.idx.msk [tilespmem:v14+s28+$0x0], $0xffff  }
0x52: {  	v20 =	vor.u32 $0x11, v2;
	v15 =	vld.idx.msk [tilespmem:v15+s28+$0x0], $0xffff  }
0x53: {  	v21 =	vor.u32 $0x12, v2;
	v16 =	vld.idx.msk [tilespmem:v16+s28+$0x0], $0xffff  }
0x54: {  	v22 =	vor.u32 $0x13, v2;
	v17 =	vld.idx.msk [tilespmem:v17+s28+$0x0], $0xffff  }
0x55: {  	v23 =	vor.u32 $0x14, v2;
	v18 =	vld.idx.msk [tilespmem:v18+s28+$0x0], $0xffff  }
0x56: {  	v24 =	vor.u32 $0x15, v2;
	v19 =	vld.idx.msk [tilespmem:v19+s28+$0x0], $0xffff  }
0x57: {  	v25 =	vor.u32 $0x16, v2;
	v20 =	vld.idx.msk [tilespmem:v20+s28+$0x0], $0xffff  }
0x58: {  	v26 =	vor.u32 $0x17, v2;
	v21 =	vld.idx.msk [tilespmem:v21+s28+$0x0], $0xffff  }
0x59: {  	v27 =	vor.u32 $0x18, v2;
	v22 =	vld.idx.msk [tilespmem:v22+s28+$0x0], $0xffff  }
0x5a: {  	v28 =	vor.u32 $0x1F, v2;
	v23 =	vld.idx.msk [tilespmem:v23+s28+$0x0], $0xffff  }
0x5b: {  	v29 =	vor.u32 $0x19, v2;
	v24 =	vld.idx.msk [tilespmem:v24+s28+$0x0], $0xffff  }
0x5c: {  	v30 =	vor.u32 $0x1A, v2;
	v25 =	vld.idx.msk [tilespmem:v25+s28+$0x0], $0xffff  }
0x5d: {  	v31 =	vor.u32 $0x1B, v2;
	v26 =	vld.idx.msk [tilespmem:v26+s28+$0x0], $0xffff  }
0x5e: {  	v32 =	vor.u32 $0x1C, v2;
	v27 =	vld.idx.msk [tilespmem:v27+s28+$0x0], $0xffff  }
0x5f: {  	v33 =	vor.u32 $0x1D, v2;
	v28 =	vld.idx.msk [tilespmem:v28+s28+$0x0], $0xffff  }
0x60: {  	v29 =	vld.idx.msk [tilespmem:v29+s28+$0x0], $0xffff;
	v2 =	vor.u32 $0x1E, v2  }
0x61: {  	v30 =	vld.idx.msk [tilespmem:v30+s28+$0x0], $0xffff  }
0x62: {  	v31 =	vld.idx.msk [tilespmem:v31+s28+$0x0], $0xffff  }
0x63: {  	v32 =	vld.idx.msk [tilespmem:v32+s28+$0x0], $0xffff  }
0x64: {  	s15 =	simm.s32 $0xF000;
	v33 =	vld.idx.msk [tilespmem:v33+s28+$0x0], $0xffff  }
0x65: {  	v2 =	vld.idx.msk [tilespmem:v2+s28+$0x0], $0xffff;
	[tilespmem:s15+$0x780] =	vst v28  }
0x66: {  	[tilespmem:s15+$0xFFFFF880] =	vst v3  }
0x67: {  	[tilespmem:s15+$0xFFFFF900] =	vst v4  }
0x68: {  	[tilespmem:s15+$0xFFFFF980] =	vst v5  }
0x69: {  	[tilespmem:s15+$0xFFFFFA00] =	vst v6  }
0x6a: {  	[tilespmem:s15+$0xFFFFFA80] =	vst v8  }
0x6b: {  	[tilespmem:s15+$0xFFFFFB00] =	vst v9  }
0x6c: {  	[tilespmem:s15+$0xFFFFFB80] =	vst v10  }
0x6d: {  	[tilespmem:s15+$0xFFFFFC00] =	vst v11  }
0x6e: {  	[tilespmem:s15+$0xFFFFFC80] =	vst v12  }
0x6f: {  	[tilespmem:s15+$0xFFFFFD00] =	vst v13  }
0x70: {  	[tilespmem:s15+$0xFFFFFD80] =	vst v14  }
0x71: {  	[tilespmem:s15+$0xFFFFFE00] =	vst v15  }
0x72: {  	[tilespmem:s15+$0xFFFFFE80] =	vst v16  }
0x73: {  	[tilespmem:s15+$0xFFFFFF00] =	vst v17  }
0x74: {  	[tilespmem:s15+$0xFFFFFF80] =	vst v18  }
0x75: {  	[tilespmem:s15+$0x0] =	vst v19  }
0x76: {  	[tilespmem:s15+$0x80] =	vst v20  }
0x77: {  	[tilespmem:s15+$0x100] =	vst v21  }
0x78: {  	[tilespmem:s15+$0x180] =	vst v22  }
0x79: {  	[tilespmem:s15+$0x200] =	vst v23  }
0x7a: {  	[tilespmem:s15+$0x280] =	vst v24  }
0x7b: {  	[tilespmem:s15+$0x300] =	vst v25  }
0x7c: {  	[tilespmem:s15+$0x380] =	vst v26  }
0x7d: {  	s23 =	simm.s32 $0x10;
	[tilespmem:s15+$0x400] =	vst v27  }
0x7e: {  	v3 =	vmov s23;
	[tilespmem:s15+$0x480] =	vst v29  }
0x7f: {  	[tilespmem:s15+$0x500] =	vst v30;
	v3 =	vshll.u32 v3, $0x5  }
0x80: {  	[tilespmem:s15+$0x580] =	vst v31;
	v3 =	vor.u32 v1, v3  }
0x81: {  	[tilespmem:s15+$0x600] =	vst v32;
	v4 =	vor.u32 $0x1, v3  }
0x82: {  	[tilespmem:s15+$0x680] =	vst v33;
	v5 =	vor.u32 $0x2, v3  }
0x83: {  	[tilespmem:s15+$0xFFFFF800] =	vst v7;
	v6 =	vor.u32 $0x3, v3  }
0x84: {  	v8 =	vor.u32 $0x4, v3;
	[tilespmem:s15+$0x700] =	vst v2  }
0x85: {  	v9 =	vor.u32 $0x5, v3;
	v2 =	vld.idx.msk [tilespmem:v3+s28+$0x0], $0xffff  }
0x86: {  	v10 =	vor.u32 $0x6, v3;
	v4 =	vld.idx.msk [tilespmem:v4+s28+$0x0], $0xffff  }
0x87: {  	v11 =	vor.u32 $0x7, v3;
	v5 =	vld.idx.msk [tilespmem:v5+s28+$0x0], $0xffff  }
0x88: {  	v12 =	vor.u32 $0x8, v3;
	v6 =	vld.idx.msk [tilespmem:v6+s28+$0x0], $0xffff  }
0x89: {  	v13 =	vor.u32 $0x9, v3;
	v7 =	vld.idx.msk [tilespmem:v8+s28+$0x0], $0xffff  }
0x8a: {  	v14 =	vor.u32 $0xA, v3;
	v8 =	vld.idx.msk [tilespmem:v9+s28+$0x0], $0xffff  }
0x8b: {  	v15 =	vor.u32 $0xB, v3;
	v9 =	vld.idx.msk [tilespmem:v10+s28+$0x0], $0xffff  }
0x8c: {  	v16 =	vor.u32 $0xC, v3;
	v10 =	vld.idx.msk [tilespmem:v11+s28+$0x0], $0xffff  }
0x8d: {  	v17 =	vor.u32 $0xD, v3;
	v11 =	vld.idx.msk [tilespmem:v12+s28+$0x0], $0xffff  }
0x8e: {  	v18 =	vor.u32 $0xE, v3;
	v12 =	vld.idx.msk [tilespmem:v13+s28+$0x0], $0xffff  }
0x8f: {  	v19 =	vor.u32 $0xF, v3;
	v13 =	vld.idx.msk [tilespmem:v14+s28+$0x0], $0xffff  }
0x90: {  	v20 =	vor.u32 $0x10, v3;
	v14 =	vld.idx.msk [tilespmem:v15+s28+$0x0], $0xffff  }
0x91: {  	v22 =	vor.u32 $0x11, v3;
	v15 =	vld.idx.msk [tilespmem:v16+s28+$0x0], $0xffff  }
0x92: {  	v25 =	vor.u32 $0x12, v3;
	v16 =	vld.idx.msk [tilespmem:v17+s28+$0x0], $0xffff  }
0x93: {  	v23 =	vor.u32 $0x13, v3;
	v17 =	vld.idx.msk [tilespmem:v18+s28+$0x0], $0xffff  }
0x94: {  	v24 =	vor.u32 $0x14, v3;
	v18 =	vld.idx.msk [tilespmem:v19+s28+$0x0], $0xffff  }
0x95: {  	v21 =	vor.u32 $0x15, v3;
	v19 =	vld.idx.msk [tilespmem:v20+s28+$0x0], $0xffff  }
0x96: {  	s16 =	simm.s32 $0x20;
	v20 =	vld.idx.msk [tilespmem:v22+s28+$0x0], $0xffff;
	v22 =	vor.u32 $0x16, v3  }
.LBB2_4:
0x97: {  	p0 =	sne.s32 s16, $0x70;
	v25 =	vld.idx.msk [tilespmem:v25+s28+$0x0], $0xffff;
	v26 =	vor.u32 $0x17, v3  }
0x98: {  	v27 =	vor.u32 $0x18, v3;
	v23 =	vld.idx.msk [tilespmem:v23+s28+$0x0], $0xffff  }
0x99: {  	v28 =	vor.u32 $0x1F, v3;
	v24 =	vld.idx.msk [tilespmem:v24+s28+$0x0], $0xffff  }
0x9a: {  	v29 =	vor.u32 $0x19, v3;
	v21 =	vld.idx.msk [tilespmem:v21+s28+$0x0], $0xffff  }
0x9b: {  	v30 =	vor.u32 $0x1A, v3;
	v22 =	vld.idx.msk [tilespmem:v22+s28+$0x0], $0xffff  }
0x9c: {  	v31 =	vor.u32 $0x1B, v3;
	v26 =	vld.idx.msk [tilespmem:v26+s28+$0x0], $0xffff  }
0x9d: {  	v32 =	vor.u32 $0x1C, v3;
	v27 =	vld.idx.msk [tilespmem:v27+s28+$0x0], $0xffff  }
0x9e: {  	v33 =	vor.u32 $0x1D, v3;
	v28 =	vld.idx.msk [tilespmem:v28+s28+$0x0], $0xffff  }
0x9f: {  	v3 =	vor.u32 $0x1E, v3;
	v29 =	vld.idx.msk [tilespmem:v29+s28+$0x0], $0xffff  }
0xa0: {  	v30 =	vld.idx.msk [tilespmem:v30+s28+$0x0], $0xffff  }
0xa1: {  	v31 =	vld.idx.msk [tilespmem:v31+s28+$0x0], $0xffff  }
0xa2: {  	v32 =	vld.idx.msk [tilespmem:v32+s28+$0x0], $0xffff  }
0xa3: {  	s15 =	sadd.s32 $0x10, s15;
	v33 =	vld.idx.msk [tilespmem:v33+s28+$0x0], $0xffff  }
0xa4: {  	v34 =	vld.idx.msk [tilespmem:v3+s28+$0x0], $0xffff;
	[tilespmem:s15+$0x780] =	vst v28  }
0xa5: {  	[tilespmem:s15+$0xFFFFF880] =	vst v4  }
0xa6: {  	[tilespmem:s15+$0xFFFFF900] =	vst v5  }
0xa7: {  	[tilespmem:s15+$0xFFFFF980] =	vst v6  }
0xa8: {  	[tilespmem:s15+$0xFFFFFA00] =	vst v7  }
0xa9: {  	[tilespmem:s15+$0xFFFFFA80] =	vst v8  }
0xaa: {  	[tilespmem:s15+$0xFFFFFB00] =	vst v9  }
0xab: {  	[tilespmem:s15+$0xFFFFFB80] =	vst v10  }
0xac: {  	[tilespmem:s15+$0xFFFFFC00] =	vst v11  }
0xad: {  	[tilespmem:s15+$0xFFFFFC80] =	vst v12  }
0xae: {  	[tilespmem:s15+$0xFFFFFD00] =	vst v13  }
0xaf: {  	[tilespmem:s15+$0xFFFFFD80] =	vst v14  }
0xb0: {  	[tilespmem:s15+$0xFFFFFE00] =	vst v15  }
0xb1: {  	[tilespmem:s15+$0xFFFFFE80] =	vst v16  }
0xb2: {  	[tilespmem:s15+$0xFFFFFF00] =	vst v17  }
0xb3: {  	[tilespmem:s15+$0xFFFFFF80] =	vst v18  }
0xb4: {  	[tilespmem:s15+$0x0] =	vst v19  }
0xb5: {  	[tilespmem:s15+$0x80] =	vst v20  }
0xb6: {  	[tilespmem:s15+$0x100] =	vst v25  }
0xb7: {  	[tilespmem:s15+$0x180] =	vst v23  }
0xb8: {  	[tilespmem:s15+$0x200] =	vst v24  }
0xb9: {  	[tilespmem:s15+$0x280] =	vst v21  }
0xba: {  	[tilespmem:s15+$0x300] =	vst v22  }
0xbb: {  	[tilespmem:s15+$0x380] =	vst v26  }
0xbc: {  	[tilespmem:s15+$0x400] =	vst v27  }
0xbd: {  	v3 =	vmov s16;
	[tilespmem:s15+$0x480] =	vst v29  }
0xbe: {  	v3 =	vshll.u32 v3, $0x5;
	[tilespmem:s15+$0x500] =	vst v30  }
0xbf: {  	v3 =	vor.u32 v1, v3;
	[tilespmem:s15+$0x580] =	vst v31  }
0xc0: {  	v4 =	vor.u32 $0x1, v3;
	[tilespmem:s15+$0x600] =	vst v32  }
0xc1: {  	v5 =	vor.u32 $0x2, v3;
	[tilespmem:s15+$0x680] =	vst v33  }
0xc2: {  	v6 =	vor.u32 $0x3, v3;
	[tilespmem:s15+$0x700] =	vst v34  }
0xc3: {  	v7 =	vor.u32 $0x4, v3;
	[tilespmem:s15+$0xFFFFF800] =	vst v2  }
0xc4: {  	v8 =	vor.u32 $0x5, v3;
	v2 =	vld.idx.msk [tilespmem:v3+s28+$0x0], $0xffff  }
0xc5: {  	v9 =	vor.u32 $0x6, v3;
	v4 =	vld.idx.msk [tilespmem:v4+s28+$0x0], $0xffff  }
0xc6: {  	v10 =	vor.u32 $0x7, v3;
	v5 =	vld.idx.msk [tilespmem:v5+s28+$0x0], $0xffff  }
0xc7: {  	v11 =	vor.u32 $0x8, v3;
	v6 =	vld.idx.msk [tilespmem:v6+s28+$0x0], $0xffff  }
0xc8: {  	v12 =	vor.u32 $0x9, v3;
	v7 =	vld.idx.msk [tilespmem:v7+s28+$0x0], $0xffff  }
0xc9: {  	v13 =	vor.u32 $0xA, v3;
	v8 =	vld.idx.msk [tilespmem:v8+s28+$0x0], $0xffff  }
0xca: {  	v14 =	vor.u32 $0xB, v3;
	v9 =	vld.idx.msk [tilespmem:v9+s28+$0x0], $0xffff  }
0xcb: {  	v15 =	vor.u32 $0xC, v3;
	v10 =	vld.idx.msk [tilespmem:v10+s28+$0x0], $0xffff  }
0xcc: {  	v16 =	vor.u32 $0xD, v3;
	v11 =	vld.idx.msk [tilespmem:v11+s28+$0x0], $0xffff  }
0xcd: {  	v17 =	vor.u32 $0xE, v3;
	v12 =	vld.idx.msk [tilespmem:v12+s28+$0x0], $0xffff  }
0xce: {  	v18 =	vor.u32 $0xF, v3;
	v13 =	vld.idx.msk [tilespmem:v13+s28+$0x0], $0xffff  }
0xcf: {  	v19 =	vor.u32 $0x10, v3;
	v14 =	vld.idx.msk [tilespmem:v14+s28+$0x0], $0xffff  }
0xd0: {  	v20 =	vor.u32 $0x11, v3;
	v15 =	vld.idx.msk [tilespmem:v15+s28+$0x0], $0xffff  }
.Ltmp1:
0xd1: {  	v25 =	vor.u32 $0x12, v3;
	v16 =	vld.idx.msk [tilespmem:v16+s28+$0x0], $0xffff;
	(pc) =	sbr.rel @p0 .LBB2_4-.Ltmp1, $4  }
0xd2: {  	v23 =	vor.u32 $0x13, v3;
	v17 =	vld.idx.msk [tilespmem:v17+s28+$0x0], $0xffff  }
0xd3: {  	v24 =	vor.u32 $0x14, v3;
	v18 =	vld.idx.msk [tilespmem:v18+s28+$0x0], $0xffff  }
0xd4: {  	v21 =	vor.u32 $0x15, v3;
	v19 =	vld.idx.msk [tilespmem:v19+s28+$0x0], $0xffff  }
0xd5: {  	s16 =	sadd.s32 $0x10, s16;
	v22 =	vor.u32 $0x16, v3;
	v20 =	vld.idx.msk [tilespmem:v20+s28+$0x0], $0xffff  }
0xd6: {  	_ =	sdelay $0x3  }
0xd7: {  	v25 =	vld.idx.msk [tilespmem:v25+s28+$0x0], $0xffff;
	v26 =	vor.u32 $0x17, v3  }
0xd8: {  	v23 =	vld.idx.msk [tilespmem:v23+s28+$0x0], $0xffff;
	v27 =	vor.u32 $0x18, v3  }
0xd9: {  	v24 =	vld.idx.msk [tilespmem:v24+s28+$0x0], $0xffff;
	v28 =	vor.u32 $0x1F, v3  }
0xda: {  	v21 =	vld.idx.msk [tilespmem:v21+s28+$0x0], $0xffff;
	v29 =	vor.u32 $0x19, v3  }
0xdb: {  	v22 =	vld.idx.msk [tilespmem:v22+s28+$0x0], $0xffff;
	v30 =	vor.u32 $0x1A, v3  }
0xdc: {  	v31 =	vor.u32 $0x1B, v3;
	v26 =	vld.idx.msk [tilespmem:v26+s28+$0x0], $0xffff  }
0xdd: {  	v32 =	vor.u32 $0x1C, v3;
	v27 =	vld.idx.msk [tilespmem:v27+s28+$0x0], $0xffff  }
0xde: {  	v33 =	vor.u32 $0x1D, v3;
	v28 =	vld.idx.msk [tilespmem:v28+s28+$0x0], $0xffff  }
0xdf: {  	v3 =	vor.u32 $0x1E, v3;
	v29 =	vld.idx.msk [tilespmem:v29+s28+$0x0], $0xffff  }
0xe0: {  	v30 =	vld.idx.msk [tilespmem:v30+s28+$0x0], $0xffff  }
0xe1: {  	v31 =	vld.idx.msk [tilespmem:v31+s28+$0x0], $0xffff  }
0xe2: {  	v32 =	vld.idx.msk [tilespmem:v32+s28+$0x0], $0xffff  }
0xe3: {  	s6 =	sadd.s32 $0x10, s15;
	v33 =	vld.idx.msk [tilespmem:v33+s28+$0x0], $0xffff  }
0xe4: {  	v3 =	vld.idx.msk [tilespmem:v3+s28+$0x0], $0xffff;
	[tilespmem:s6+$0xFFFFF880] =	vst v4  }
0xe5: {  	[tilespmem:s6+$0xFFFFF900] =	vst v5  }
0xe6: {  	[tilespmem:s6+$0xFFFFF980] =	vst v6  }
0xe7: {  	[tilespmem:s6+$0xFFFFFA00] =	vst v7  }
0xe8: {  	[tilespmem:s6+$0xFFFFFA80] =	vst v8  }
0xe9: {  	[tilespmem:s6+$0xFFFFFB00] =	vst v9  }
0xea: {  	[tilespmem:s6+$0xFFFFFB80] =	vst v10  }
0xeb: {  	[tilespmem:s6+$0xFFFFFC00] =	vst v11  }
0xec: {  	[tilespmem:s6+$0xFFFFFC80] =	vst v12  }
0xed: {  	[tilespmem:s6+$0xFFFFFD00] =	vst v13  }
0xee: {  	[tilespmem:s6+$0xFFFFFD80] =	vst v14  }
0xef: {  	[tilespmem:s6+$0xFFFFFE00] =	vst v15  }
0xf0: {  	[tilespmem:s6+$0xFFFFFE80] =	vst v16  }
0xf1: {  	[tilespmem:s6+$0xFFFFFF00] =	vst v17  }
0xf2: {  	[tilespmem:s6+$0xFFFFFF80] =	vst v18  }
0xf3: {  	[tilespmem:s6+$0x0] =	vst v19  }
0xf4: {  	[tilespmem:s6+$0x80] =	vst v20  }
0xf5: {  	[tilespmem:s6+$0x100] =	vst v25  }
0xf6: {  	[tilespmem:s6+$0x180] =	vst v23  }
0xf7: {  	[tilespmem:s6+$0x200] =	vst v24  }
0xf8: {  	[tilespmem:s6+$0x280] =	vst v21  }
0xf9: {  	[tilespmem:s6+$0x300] =	vst v22  }
0xfa: {  	[tilespmem:s6+$0xFFFFF800] =	vst v2  }
0xfb: {  	[tilespmem:s6+$0x780] =	vst v28  }
0xfc: {  	[tilespmem:s6+$0x380] =	vst v26  }
0xfd: {  	[tilespmem:s6+$0x400] =	vst v27  }
0xfe: {  	[tilespmem:s6+$0x480] =	vst v29  }
0xff: {  	[tilespmem:s6+$0x500] =	vst v30  }
0x100: {  	[tilespmem:s6+$0x580] =	vst v31  }
0x101: {  	[tilespmem:s6+$0x600] =	vst v32  }
0x102: {  	[tilespmem:s6+$0x680] =	vst v33  }
0x103: {  	[tilespmem:s6+$0x700] =	vst v3  }
0x104: {  	s17 =	simm.s32 $0x6500;
	[bflag:$0x0] =	sbarrier.arrive $0xFFFF  }
0x105: {  	[tilespmem:s28], [sflag:$0x1] =	stream.indirect.gather [hbm4b:s4+s25], $0x20, s17, s25, $0xb8;
	[tilespmem:$0x10800] =	vst v63  }
0x106: {  	s18 =	simm.s32 $0x0;
	s19 =	rddreg [dreg:$0x4]  }
0x107: {  	[hbm4b:s19+s18] =	stream.linear.scatter [tilespmem:s1], [sflag:$0x3], $0x400, $0x38;
	[tilespmem:$0x10800] =	vst v63  }
0x108: {  	s20 =	rddreg [dreg:$0x5]  }
0x109: {  	[hbm4b:s20+s18] =	stream.linear.scatter [tilespmem:s26], [sflag:$0x3], $0x400, $0x38;
	[tilespmem:$0x10800] =	vst v63  }
0x10a: {  	v2 =	vmov s18;
	s21 =	rddreg [dreg:$0x6]  }
0x10b: {  	v2 =	vshll.u32 v2, $0x5;
	[hbm4b:s21+s18] =	stream.linear.scatter [tilespmem:s29], [sflag:$0x3], $0x400, $0x38;
	[tilespmem:$0x10800] =	vst v63  }
0x10c: {  	v2 =	vor.u32 v1, v2;
	s22 =	rddreg [dreg:$0x7]  }
0x10d: {  	v3 =	vor.u32 $0x1, v2;
	[hbm4b:s22+s18] =	stream.linear.scatter [tilespmem:s0], [sflag:$0x3], $0x400, $0x38;
	[tilespmem:$0x10800] =	vst v63  }
0x10e: {  	v4 =	vor.u32 $0x2, v2;
	_ =	swait.ge [sflag:s7], $0x1000  }
0x10f: {  	v5 =	vor.u32 $0x3, v2;
	[sflag:s7] =	ssyncset.done $0x0  }
0x110: {  	v6 =	vor.u32 $0x4, v2;
	[sflag:s7] =	ssyncadd.s32 $0xFFFFF000  }
0x111: {  	v8 =	vor.u32 $0x5, v2;
	v7 =	vld.idx.msk [tilespmem:v2+s30+$0x0], $0xffff  }
0x112: {  	v9 =	vor.u32 $0x6, v2;
	v3 =	vld.idx.msk [tilespmem:v3+s30+$0x0], $0xffff  }
0x113: {  	v10 =	vor.u32 $0x7, v2;
	v4 =	vld.idx.msk [tilespmem:v4+s30+$0x0], $0xffff  }
0x114: {  	v11 =	vor.u32 $0x8, v2;
	v5 =	vld.idx.msk [tilespmem:v5+s30+$0x0], $0xffff  }
0x115: {  	v12 =	vor.u32 $0x9, v2;
	v6 =	vld.idx.msk [tilespmem:v6+s30+$0x0], $0xffff  }
0x116: {  	v13 =	vor.u32 $0xA, v2;
	v8 =	vld.idx.msk [tilespmem:v8+s30+$0x0], $0xffff  }
0x117: {  	v14 =	vor.u32 $0xB, v2;
	v9 =	vld.idx.msk [tilespmem:v9+s30+$0x0], $0xffff  }
0x118: {  	v15 =	vor.u32 $0xC, v2;
	v10 =	vld.idx.msk [tilespmem:v10+s30+$0x0], $0xffff  }
0x119: {  	v16 =	vor.u32 $0xD, v2;
	v11 =	vld.idx.msk [tilespmem:v11+s30+$0x0], $0xffff  }
0x11a: {  	v17 =	vor.u32 $0xE, v2;
	v12 =	vld.idx.msk [tilespmem:v12+s30+$0x0], $0xffff  }
0x11b: {  	v18 =	vor.u32 $0xF, v2;
	v13 =	vld.idx.msk [tilespmem:v13+s30+$0x0], $0xffff  }
0x11c: {  	v19 =	vor.u32 $0x10, v2;
	v14 =	vld.idx.msk [tilespmem:v14+s30+$0x0], $0xffff  }
0x11d: {  	v20 =	vor.u32 $0x11, v2;
	v15 =	vld.idx.msk [tilespmem:v15+s30+$0x0], $0xffff  }
0x11e: {  	v21 =	vor.u32 $0x12, v2;
	v16 =	vld.idx.msk [tilespmem:v16+s30+$0x0], $0xffff  }
0x11f: {  	v22 =	vor.u32 $0x13, v2;
	v17 =	vld.idx.msk [tilespmem:v17+s30+$0x0], $0xffff  }
0x120: {  	v23 =	vor.u32 $0x14, v2;
	v18 =	vld.idx.msk [tilespmem:v18+s30+$0x0], $0xffff  }
0x121: {  	v24 =	vor.u32 $0x15, v2;
	v19 =	vld.idx.msk [tilespmem:v19+s30+$0x0], $0xffff  }
0x122: {  	v25 =	vor.u32 $0x16, v2;
	v20 =	vld.idx.msk [tilespmem:v20+s30+$0x0], $0xffff  }
0x123: {  	v26 =	vor.u32 $0x17, v2;
	v21 =	vld.idx.msk [tilespmem:v21+s30+$0x0], $0xffff  }
0x124: {  	v27 =	vor.u32 $0x18, v2;
	v22 =	vld.idx.msk [tilespmem:v22+s30+$0x0], $0xffff  }
0x125: {  	v58 =	vor.u32 $0x1F, v2;
	v23 =	vld.idx.msk [tilespmem:v23+s30+$0x0], $0xffff  }
0x126: {  	v59 =	vor.u32 $0x19, v2;
	v24 =	vld.idx.msk [tilespmem:v24+s30+$0x0], $0xffff  }
0x127: {  	v60 =	vor.u32 $0x1A, v2;
	v25 =	vld.idx.msk [tilespmem:v25+s30+$0x0], $0xffff  }
0x128: {  	v61 =	vor.u32 $0x1B, v2;
	v26 =	vld.idx.msk [tilespmem:v26+s30+$0x0], $0xffff  }
0x129: {  	v62 =	vor.u32 $0x1C, v2;
	v27 =	vld.idx.msk [tilespmem:v27+s30+$0x0], $0xffff  }
0x12a: {  	v63 =	vor.u32 $0x1D, v2;
	v28 =	vld.idx.msk [tilespmem:v58+s30+$0x0], $0xffff  }
0x12b: {  	v29 =	vld.idx.msk [tilespmem:v59+s30+$0x0], $0xffff;
	v2 =	vor.u32 $0x1E, v2  }
0x12c: {  	v30 =	vld.idx.msk [tilespmem:v60+s30+$0x0], $0xffff  }
0x12d: {  	v31 =	vld.idx.msk [tilespmem:v61+s30+$0x0], $0xffff  }
0x12e: {  	v32 =	vld.idx.msk [tilespmem:v62+s30+$0x0], $0xffff  }
0x12f: {  	s15 =	simm.s32 $0x10780;
	v33 =	vld.idx.msk [tilespmem:v63+s30+$0x0], $0xffff  }
0x130: {  	v2 =	vld.idx.msk [tilespmem:v2+s30+$0x0], $0xffff;
	[tilespmem:s15+$0x0] =	vst v28  }
0x131: {  	[tilespmem:s15+$0xFFFFF100] =	vst v3  }
0x132: {  	[tilespmem:s15+$0xFFFFF180] =	vst v4  }
0x133: {  	[tilespmem:s15+$0xFFFFF200] =	vst v5  }
0x134: {  	[tilespmem:s15+$0xFFFFF280] =	vst v6  }
0x135: {  	[tilespmem:s15+$0xFFFFF300] =	vst v8  }
0x136: {  	[tilespmem:s15+$0xFFFFF380] =	vst v9  }
0x137: {  	[tilespmem:s15+$0xFFFFF400] =	vst v10  }
0x138: {  	[tilespmem:s15+$0xFFFFF480] =	vst v11  }
0x139: {  	[tilespmem:s15+$0xFFFFF500] =	vst v12  }
0x13a: {  	[tilespmem:s15+$0xFFFFF580] =	vst v13  }
0x13b: {  	[tilespmem:s15+$0xFFFFF600] =	vst v14  }
0x13c: {  	[tilespmem:s15+$0xFFFFF680] =	vst v15  }
0x13d: {  	[tilespmem:s15+$0xFFFFF700] =	vst v16  }
0x13e: {  	[tilespmem:s15+$0xFFFFF780] =	vst v17  }
0x13f: {  	[tilespmem:s15+$0xFFFFF800] =	vst v18  }
0x140: {  	[tilespmem:s15+$0xFFFFF880] =	vst v19  }
0x141: {  	[tilespmem:s15+$0xFFFFF900] =	vst v20  }
0x142: {  	[tilespmem:s15+$0xFFFFF980] =	vst v21  }
0x143: {  	[tilespmem:s15+$0xFFFFFA00] =	vst v22  }
0x144: {  	[tilespmem:s15+$0xFFFFFA80] =	vst v23  }
0x145: {  	[tilespmem:s15+$0xFFFFFB00] =	vst v24  }
0x146: {  	[tilespmem:s15+$0xFFFFFB80] =	vst v25  }
0x147: {  	[tilespmem:s15+$0xFFFFFC00] =	vst v26  }
0x148: {  	s23 =	simm.s32 $0x10;
	[tilespmem:s15+$0xFFFFFC80] =	vst v27  }
0x149: {  	v3 =	vmov s23;
	[tilespmem:s15+$0xFFFFFD00] =	vst v29  }
0x14a: {  	[tilespmem:s15+$0xFFFFFD80] =	vst v30;
	v3 =	vshll.u32 v3, $0x5  }
0x14b: {  	[tilespmem:s15+$0xFFFFFE00] =	vst v31;
	v3 =	vor.u32 v1, v3  }
0x14c: {  	[tilespmem:s15+$0xFFFFFE80] =	vst v32;
	v4 =	vor.u32 $0x1, v3  }
0x14d: {  	[tilespmem:s15+$0xFFFFFF00] =	vst v33;
	v5 =	vor.u32 $0x2, v3  }
0x14e: {  	[tilespmem:s15+$0xFFFFF080] =	vst v7;
	v6 =	vor.u32 $0x3, v3  }
0x14f: {  	v8 =	vor.u32 $0x4, v3;
	[tilespmem:s15+$0xFFFFFF80] =	vst v2  }
0x150: {  	v9 =	vor.u32 $0x5, v3;
	v2 =	vld.idx.msk [tilespmem:v3+s30+$0x0], $0xffff  }
0x151: {  	v10 =	vor.u32 $0x6, v3;
	v4 =	vld.idx.msk [tilespmem:v4+s30+$0x0], $0xffff  }
0x152: {  	v11 =	vor.u32 $0x7, v3;
	v5 =	vld.idx.msk [tilespmem:v5+s30+$0x0], $0xffff  }
0x153: {  	v12 =	vor.u32 $0x8, v3;
	v6 =	vld.idx.msk [tilespmem:v6+s30+$0x0], $0xffff  }
0x154: {  	v13 =	vor.u32 $0x9, v3;
	v7 =	vld.idx.msk [tilespmem:v8+s30+$0x0], $0xffff  }
0x155: {  	v14 =	vor.u32 $0xA, v3;
	v8 =	vld.idx.msk [tilespmem:v9+s30+$0x0], $0xffff  }
0x156: {  	v15 =	vor.u32 $0xB, v3;
	v9 =	vld.idx.msk [tilespmem:v10+s30+$0x0], $0xffff  }
0x157: {  	v16 =	vor.u32 $0xC, v3;
	v10 =	vld.idx.msk [tilespmem:v11+s30+$0x0], $0xffff  }
0x158: {  	v17 =	vor.u32 $0xD, v3;
	v11 =	vld.idx.msk [tilespmem:v12+s30+$0x0], $0xffff  }
0x159: {  	v18 =	vor.u32 $0xE, v3;
	v12 =	vld.idx.msk [tilespmem:v13+s30+$0x0], $0xffff  }
0x15a: {  	v19 =	vor.u32 $0xF, v3;
	v13 =	vld.idx.msk [tilespmem:v14+s30+$0x0], $0xffff  }
0x15b: {  	v20 =	vor.u32 $0x10, v3;
	v14 =	vld.idx.msk [tilespmem:v15+s30+$0x0], $0xffff  }
0x15c: {  	v22 =	vor.u32 $0x11, v3;
	v15 =	vld.idx.msk [tilespmem:v16+s30+$0x0], $0xffff  }
0x15d: {  	v25 =	vor.u32 $0x12, v3;
	v16 =	vld.idx.msk [tilespmem:v17+s30+$0x0], $0xffff  }
0x15e: {  	v23 =	vor.u32 $0x13, v3;
	v17 =	vld.idx.msk [tilespmem:v18+s30+$0x0], $0xffff  }
0x15f: {  	v24 =	vor.u32 $0x14, v3;
	v18 =	vld.idx.msk [tilespmem:v19+s30+$0x0], $0xffff  }
0x160: {  	v21 =	vor.u32 $0x15, v3;
	v19 =	vld.idx.msk [tilespmem:v20+s30+$0x0], $0xffff  }
0x161: {  	s16 =	simm.s32 $0x20;
	v20 =	vld.idx.msk [tilespmem:v22+s30+$0x0], $0xffff;
	v22 =	vor.u32 $0x16, v3  }
.LBB2_6:
0x162: {  	p0 =	sne.s32 s16, $0x70;
	v25 =	vld.idx.msk [tilespmem:v25+s30+$0x0], $0xffff;
	v26 =	vor.u32 $0x17, v3  }
0x163: {  	v27 =	vor.u32 $0x18, v3;
	v23 =	vld.idx.msk [tilespmem:v23+s30+$0x0], $0xffff  }
0x164: {  	v28 =	vor.u32 $0x1F, v3;
	v24 =	vld.idx.msk [tilespmem:v24+s30+$0x0], $0xffff  }
0x165: {  	v29 =	vor.u32 $0x19, v3;
	v21 =	vld.idx.msk [tilespmem:v21+s30+$0x0], $0xffff  }
0x166: {  	v30 =	vor.u32 $0x1A, v3;
	v22 =	vld.idx.msk [tilespmem:v22+s30+$0x0], $0xffff  }
0x167: {  	v31 =	vor.u32 $0x1B, v3;
	v26 =	vld.idx.msk [tilespmem:v26+s30+$0x0], $0xffff  }
0x168: {  	v32 =	vor.u32 $0x1C, v3;
	v27 =	vld.idx.msk [tilespmem:v27+s30+$0x0], $0xffff  }
0x169: {  	v33 =	vor.u32 $0x1D, v3;
	v28 =	vld.idx.msk [tilespmem:v28+s30+$0x0], $0xffff  }
0x16a: {  	v3 =	vor.u32 $0x1E, v3;
	v29 =	vld.idx.msk [tilespmem:v29+s30+$0x0], $0xffff  }
0x16b: {  	v30 =	vld.idx.msk [tilespmem:v30+s30+$0x0], $0xffff  }
0x16c: {  	v31 =	vld.idx.msk [tilespmem:v31+s30+$0x0], $0xffff  }
0x16d: {  	v32 =	vld.idx.msk [tilespmem:v32+s30+$0x0], $0xffff  }
0x16e: {  	s15 =	sadd.s32 $0x10, s15;
	v33 =	vld.idx.msk [tilespmem:v33+s30+$0x0], $0xffff  }
0x16f: {  	v34 =	vld.idx.msk [tilespmem:v3+s30+$0x0], $0xffff;
	[tilespmem:s15+$0x0] =	vst v28  }
0x170: {  	[tilespmem:s15+$0xFFFFF100] =	vst v4  }
0x171: {  	[tilespmem:s15+$0xFFFFF180] =	vst v5  }
0x172: {  	[tilespmem:s15+$0xFFFFF200] =	vst v6  }
0x173: {  	[tilespmem:s15+$0xFFFFF280] =	vst v7  }
0x174: {  	[tilespmem:s15+$0xFFFFF300] =	vst v8  }
0x175: {  	[tilespmem:s15+$0xFFFFF380] =	vst v9  }
0x176: {  	[tilespmem:s15+$0xFFFFF400] =	vst v10  }
0x177: {  	[tilespmem:s15+$0xFFFFF480] =	vst v11  }
0x178: {  	[tilespmem:s15+$0xFFFFF500] =	vst v12  }
0x179: {  	[tilespmem:s15+$0xFFFFF580] =	vst v13  }
0x17a: {  	[tilespmem:s15+$0xFFFFF600] =	vst v14  }
0x17b: {  	[tilespmem:s15+$0xFFFFF680] =	vst v15  }
0x17c: {  	[tilespmem:s15+$0xFFFFF700] =	vst v16  }
0x17d: {  	[tilespmem:s15+$0xFFFFF780] =	vst v17  }
0x17e: {  	[tilespmem:s15+$0xFFFFF800] =	vst v18  }
0x17f: {  	[tilespmem:s15+$0xFFFFF880] =	vst v19  }
0x180: {  	[tilespmem:s15+$0xFFFFF900] =	vst v20  }
0x181: {  	[tilespmem:s15+$0xFFFFF980] =	vst v25  }
0x182: {  	[tilespmem:s15+$0xFFFFFA00] =	vst v23  }
0x183: {  	[tilespmem:s15+$0xFFFFFA80] =	vst v24  }
0x184: {  	[tilespmem:s15+$0xFFFFFB00] =	vst v21  }
0x185: {  	[tilespmem:s15+$0xFFFFFB80] =	vst v22  }
0x186: {  	[tilespmem:s15+$0xFFFFFC00] =	vst v26  }
0x187: {  	[tilespmem:s15+$0xFFFFFC80] =	vst v27  }
0x188: {  	v3 =	vmov s16;
	[tilespmem:s15+$0xFFFFFD00] =	vst v29  }
0x189: {  	v3 =	vshll.u32 v3, $0x5;
	[tilespmem:s15+$0xFFFFFD80] =	vst v30  }
0x18a: {  	v3 =	vor.u32 v1, v3;
	[tilespmem:s15+$0xFFFFFE00] =	vst v31  }
0x18b: {  	v4 =	vor.u32 $0x1, v3;
	[tilespmem:s15+$0xFFFFFE80] =	vst v32  }
0x18c: {  	v5 =	vor.u32 $0x2, v3;
	[tilespmem:s15+$0xFFFFFF00] =	vst v33  }
0x18d: {  	v6 =	vor.u32 $0x3, v3;
	[tilespmem:s15+$0xFFFFFF80] =	vst v34  }
0x18e: {  	v7 =	vor.u32 $0x4, v3;
	[tilespmem:s15+$0xFFFFF080] =	vst v2  }
0x18f: {  	v8 =	vor.u32 $0x5, v3;
	v2 =	vld.idx.msk [tilespmem:v3+s30+$0x0], $0xffff  }
0x190: {  	v9 =	vor.u32 $0x6, v3;
	v4 =	vld.idx.msk [tilespmem:v4+s30+$0x0], $0xffff  }
0x191: {  	v10 =	vor.u32 $0x7, v3;
	v5 =	vld.idx.msk [tilespmem:v5+s30+$0x0], $0xffff  }
0x192: {  	v11 =	vor.u32 $0x8, v3;
	v6 =	vld.idx.msk [tilespmem:v6+s30+$0x0], $0xffff  }
0x193: {  	v12 =	vor.u32 $0x9, v3;
	v7 =	vld.idx.msk [tilespmem:v7+s30+$0x0], $0xffff  }
0x194: {  	v13 =	vor.u32 $0xA, v3;
	v8 =	vld.idx.msk [tilespmem:v8+s30+$0x0], $0xffff  }
0x195: {  	v14 =	vor.u32 $0xB, v3;
	v9 =	vld.idx.msk [tilespmem:v9+s30+$0x0], $0xffff  }
0x196: {  	v15 =	vor.u32 $0xC, v3;
	v10 =	vld.idx.msk [tilespmem:v10+s30+$0x0], $0xffff  }
0x197: {  	v16 =	vor.u32 $0xD, v3;
	v11 =	vld.idx.msk [tilespmem:v11+s30+$0x0], $0xffff  }
0x198: {  	v17 =	vor.u32 $0xE, v3;
	v12 =	vld.idx.msk [tilespmem:v12+s30+$0x0], $0xffff  }
0x199: {  	v18 =	vor.u32 $0xF, v3;
	v13 =	vld.idx.msk [tilespmem:v13+s30+$0x0], $0xffff  }
0x19a: {  	v19 =	vor.u32 $0x10, v3;
	v14 =	vld.idx.msk [tilespmem:v14+s30+$0x0], $0xffff  }
0x19b: {  	v20 =	vor.u32 $0x11, v3;
	v15 =	vld.idx.msk [tilespmem:v15+s30+$0x0], $0xffff  }
.Ltmp2:
0x19c: {  	v25 =	vor.u32 $0x12, v3;
	v16 =	vld.idx.msk [tilespmem:v16+s30+$0x0], $0xffff;
	(pc) =	sbr.rel @p0 .LBB2_6-.Ltmp2, $4  }
0x19d: {  	v23 =	vor.u32 $0x13, v3;
	v17 =	vld.idx.msk [tilespmem:v17+s30+$0x0], $0xffff  }
0x19e: {  	v24 =	vor.u32 $0x14, v3;
	v18 =	vld.idx.msk [tilespmem:v18+s30+$0x0], $0xffff  }
0x19f: {  	v21 =	vor.u32 $0x15, v3;
	v19 =	vld.idx.msk [tilespmem:v19+s30+$0x0], $0xffff  }
0x1a0: {  	s16 =	sadd.s32 $0x10, s16;
	v22 =	vor.u32 $0x16, v3;
	v20 =	vld.idx.msk [tilespmem:v20+s30+$0x0], $0xffff  }
0x1a1: {  	_ =	sdelay $0x3  }
0x1a2: {  	v25 =	vld.idx.msk [tilespmem:v25+s30+$0x0], $0xffff;
	v26 =	vor.u32 $0x17, v3  }
0x1a3: {  	v23 =	vld.idx.msk [tilespmem:v23+s30+$0x0], $0xffff;
	v27 =	vor.u32 $0x18, v3  }
0x1a4: {  	v24 =	vld.idx.msk [tilespmem:v24+s30+$0x0], $0xffff;
	v28 =	vor.u32 $0x1F, v3  }
0x1a5: {  	v21 =	vld.idx.msk [tilespmem:v21+s30+$0x0], $0xffff;
	v29 =	vor.u32 $0x19, v3  }
0x1a6: {  	v22 =	vld.idx.msk [tilespmem:v22+s30+$0x0], $0xffff;
	v30 =	vor.u32 $0x1A, v3  }
0x1a7: {  	v31 =	vor.u32 $0x1B, v3;
	v26 =	vld.idx.msk [tilespmem:v26+s30+$0x0], $0xffff  }
0x1a8: {  	v32 =	vor.u32 $0x1C, v3;
	v27 =	vld.idx.msk [tilespmem:v27+s30+$0x0], $0xffff  }
0x1a9: {  	v33 =	vor.u32 $0x1D, v3;
	v28 =	vld.idx.msk [tilespmem:v28+s30+$0x0], $0xffff  }
0x1aa: {  	v3 =	vor.u32 $0x1E, v3;
	v29 =	vld.idx.msk [tilespmem:v29+s30+$0x0], $0xffff  }
0x1ab: {  	v30 =	vld.idx.msk [tilespmem:v30+s30+$0x0], $0xffff  }
0x1ac: {  	v31 =	vld.idx.msk [tilespmem:v31+s30+$0x0], $0xffff  }
0x1ad: {  	v32 =	vld.idx.msk [tilespmem:v32+s30+$0x0], $0xffff  }
0x1ae: {  	s6 =	sadd.s32 $0x10, s15;
	v33 =	vld.idx.msk [tilespmem:v33+s30+$0x0], $0xffff  }
0x1af: {  	v3 =	vld.idx.msk [tilespmem:v3+s30+$0x0], $0xffff;
	[tilespmem:s6+$0xFFFFF100] =	vst v4  }
0x1b0: {  	[tilespmem:s6+$0xFFFFF180] =	vst v5  }
0x1b1: {  	[tilespmem:s6+$0xFFFFF200] =	vst v6  }
0x1b2: {  	[tilespmem:s6+$0xFFFFF280] =	vst v7  }
0x1b3: {  	[tilespmem:s6+$0xFFFFF300] =	vst v8  }
0x1b4: {  	[tilespmem:s6+$0xFFFFF380] =	vst v9  }
0x1b5: {  	[tilespmem:s6+$0xFFFFF400] =	vst v10  }
0x1b6: {  	[tilespmem:s6+$0xFFFFF480] =	vst v11  }
0x1b7: {  	[tilespmem:s6+$0xFFFFF500] =	vst v12  }
0x1b8: {  	[tilespmem:s6+$0xFFFFF580] =	vst v13  }
0x1b9: {  	[tilespmem:s6+$0xFFFFF600] =	vst v14  }
0x1ba: {  	[tilespmem:s6+$0xFFFFF680] =	vst v15  }
0x1bb: {  	[tilespmem:s6+$0xFFFFF700] =	vst v16  }
0x1bc: {  	[tilespmem:s6+$0xFFFFF780] =	vst v17  }
0x1bd: {  	[tilespmem:s6+$0xFFFFF800] =	vst v18  }
0x1be: {  	[tilespmem:s6+$0xFFFFF880] =	vst v19  }
0x1bf: {  	[tilespmem:s6+$0xFFFFF900] =	vst v20  }
0x1c0: {  	[tilespmem:s6+$0xFFFFF980] =	vst v25  }
0x1c1: {  	[tilespmem:s6+$0xFFFFFA00] =	vst v23  }
0x1c2: {  	[tilespmem:s6+$0xFFFFFA80] =	vst v24  }
0x1c3: {  	[tilespmem:s6+$0xFFFFFB00] =	vst v21  }
0x1c4: {  	[tilespmem:s6+$0xFFFFFB80] =	vst v22  }
0x1c5: {  	[tilespmem:s6+$0xFFFFF080] =	vst v2  }
0x1c6: {  	[tilespmem:s6+$0x0] =	vst v28  }
0x1c7: {  	[tilespmem:s6+$0xFFFFFC00] =	vst v26  }
0x1c8: {  	[tilespmem:s6+$0xFFFFFC80] =	vst v27  }
0x1c9: {  	[tilespmem:s6+$0xFFFFFD00] =	vst v29  }
0x1ca: {  	[tilespmem:s6+$0xFFFFFD80] =	vst v30  }
0x1cb: {  	[tilespmem:s6+$0xFFFFFE00] =	vst v31  }
0x1cc: {  	[tilespmem:s6+$0xFFFFFE80] =	vst v32  }
0x1cd: {  	[tilespmem:s6+$0xFFFFFF00] =	vst v33  }
0x1ce: {  	[tilespmem:s6+$0xFFFFFF80] =	vst v3  }
0x1cf: {  	s19 =	simm.s32 $0x6580;
	[bflag:$0x0] =	sbarrier.arrive $0xFFFF  }
0x1d0: {  	[tilespmem:s30], [sflag:$0x2] =	stream.indirect.gather [hbm4b:s4+s25], $0x20, s19, s25, $0xb8;
	[tilespmem:$0x10800] =	vst v63  }
0x1d1: {  	s15 =	simm.s32 $0x0;
	s20 =	rddreg [dreg:$0x10]  }
0x1d2: {  	[hbm4b:s20+s15] =	stream.linear.scatter [tilespmem:s8], [sflag:$0x4], $0x400, $0x38;
	[tilespmem:$0x10800] =	vst v63  }
0x1d3: {  	s21 =	rddreg [dreg:$0x8]  }
0x1d4: {  	[hbm4b:s21+s15] =	stream.linear.scatter [tilespmem:s9], [sflag:$0x4], $0x400, $0x38;
	[tilespmem:$0x10800] =	vst v63  }
0x1d5: {  	s22 =	rddreg [dreg:$0x9]  }
0x1d6: {  	[hbm4b:s22+s15] =	stream.linear.scatter [tilespmem:s10], [sflag:$0x4], $0x400, $0x38;
	[tilespmem:$0x10800] =	vst v63  }
0x1d7: {  	s16 =	simm.s32 $0x0;
	s23 =	rddreg [dreg:$0xa]  }
0x1d8: {  	[hbm4b:s23+s15] =	stream.linear.scatter [tilespmem:s11], [sflag:$0x4], $0x400, $0x38;
	[tilespmem:$0x10800] =	vst v63  }
.LBB2_8:
0x1d9: {  	_ =	swait.ge [sflag:s31], $0x1000  }
0x1da: {  	[sflag:s31] =	ssyncset.done $0x0  }
0x1db: {  	[sflag:s31] =	ssyncadd.s32 $0xFFFFF000  }
0x1dc: {  	_ =	swait.ge [sflag:s12], $0x400  }
0x1dd: {  	[sflag:s12] =	ssyncset.done $0x0  }
0x1de: {  	[sflag:s12] =	ssyncadd.s32 $0xFFFFFC00  }
0x1df: {  	_ =	swait.ge [sflag:s12], $0x400  }
0x1e0: {  	[sflag:s12] =	ssyncset.done $0x0  }
0x1e1: {  	v2 =	vmov s15;
	[sflag:s12] =	ssyncadd.s32 $0xFFFFFC00  }
0x1e2: {  	v2 =	vshll.u32 v2, $0x5;
	_ =	swait.ge [sflag:s12], $0x400  }
0x1e3: {  	v2 =	vor.u32 v1, v2;
	[sflag:s12] =	ssyncset.done $0x0  }
0x1e4: {  	v3 =	vor.u32 $0x1, v2;
	[sflag:s12] =	ssyncadd.s32 $0xFFFFFC00  }
0x1e5: {  	v4 =	vor.u32 $0x2, v2;
	_ =	swait.ge [sflag:s12], $0x400  }
0x1e6: {  	v5 =	vor.u32 $0x3, v2;
	[sflag:s12] =	ssyncset.done $0x0  }
0x1e7: {  	v6 =	vor.u32 $0x4, v2;
	[sflag:s12] =	ssyncadd.s32 $0xFFFFFC00  }
0x1e8: {  	v8 =	vor.u32 $0x5, v2;
	v7 =	vld.idx.msk [tilespmem:v2+s28+$0x0], $0xffff  }
0x1e9: {  	v9 =	vor.u32 $0x6, v2;
	v3 =	vld.idx.msk [tilespmem:v3+s28+$0x0], $0xffff  }
0x1ea: {  	v10 =	vor.u32 $0x7, v2;
	v4 =	vld.idx.msk [tilespmem:v4+s28+$0x0], $0xffff  }
0x1eb: {  	v11 =	vor.u32 $0x8, v2;
	v5 =	vld.idx.msk [tilespmem:v5+s28+$0x0], $0xffff  }
0x1ec: {  	v12 =	vor.u32 $0x9, v2;
	v6 =	vld.idx.msk [tilespmem:v6+s28+$0x0], $0xffff  }
0x1ed: {  	v13 =	vor.u32 $0xA, v2;
	v8 =	vld.idx.msk [tilespmem:v8+s28+$0x0], $0xffff  }
0x1ee: {  	v14 =	vor.u32 $0xB, v2;
	v9 =	vld.idx.msk [tilespmem:v9+s28+$0x0], $0xffff  }
0x1ef: {  	v15 =	vor.u32 $0xC, v2;
	v10 =	vld.idx.msk [tilespmem:v10+s28+$0x0], $0xffff  }
0x1f0: {  	v16 =	vor.u32 $0xD, v2;
	v11 =	vld.idx.msk [tilespmem:v11+s28+$0x0], $0xffff  }
0x1f1: {  	v17 =	vor.u32 $0xE, v2;
	v12 =	vld.idx.msk [tilespmem:v12+s28+$0x0], $0xffff  }
0x1f2: {  	v18 =	vor.u32 $0xF, v2;
	v13 =	vld.idx.msk [tilespmem:v13+s28+$0x0], $0xffff  }
0x1f3: {  	v19 =	vor.u32 $0x10, v2;
	v14 =	vld.idx.msk [tilespmem:v14+s28+$0x0], $0xffff  }
0x1f4: {  	v20 =	vor.u32 $0x11, v2;
	v15 =	vld.idx.msk [tilespmem:v15+s28+$0x0], $0xffff  }
0x1f5: {  	v21 =	vor.u32 $0x12, v2;
	v16 =	vld.idx.msk [tilespmem:v16+s28+$0x0], $0xffff  }
0x1f6: {  	v22 =	vor.u32 $0x13, v2;
	v17 =	vld.idx.msk [tilespmem:v17+s28+$0x0], $0xffff  }
0x1f7: {  	v23 =	vor.u32 $0x14, v2;
	v18 =	vld.idx.msk [tilespmem:v18+s28+$0x0], $0xffff  }
0x1f8: {  	v24 =	vor.u32 $0x15, v2;
	v19 =	vld.idx.msk [tilespmem:v19+s28+$0x0], $0xffff  }
0x1f9: {  	v25 =	vor.u32 $0x16, v2;
	v20 =	vld.idx.msk [tilespmem:v20+s28+$0x0], $0xffff  }
0x1fa: {  	v26 =	vor.u32 $0x17, v2;
	v21 =	vld.idx.msk [tilespmem:v21+s28+$0x0], $0xffff  }
0x1fb: {  	v27 =	vor.u32 $0x18, v2;
	v22 =	vld.idx.msk [tilespmem:v22+s28+$0x0], $0xffff  }
0x1fc: {  	v28 =	vor.u32 $0x1F, v2;
	v23 =	vld.idx.msk [tilespmem:v23+s28+$0x0], $0xffff  }
0x1fd: {  	v29 =	vor.u32 $0x19, v2;
	v24 =	vld.idx.msk [tilespmem:v24+s28+$0x0], $0xffff  }
0x1fe: {  	v30 =	vor.u32 $0x1A, v2;
	v25 =	vld.idx.msk [tilespmem:v25+s28+$0x0], $0xffff  }
0x1ff: {  	v31 =	vor.u32 $0x1B, v2;
	v26 =	vld.idx.msk [tilespmem:v26+s28+$0x0], $0xffff  }
0x200: {  	v32 =	vor.u32 $0x1C, v2;
	v27 =	vld.idx.msk [tilespmem:v27+s28+$0x0], $0xffff  }
0x201: {  	v33 =	vor.u32 $0x1D, v2;
	v28 =	vld.idx.msk [tilespmem:v28+s28+$0x0], $0xffff  }
0x202: {  	v29 =	vld.idx.msk [tilespmem:v29+s28+$0x0], $0xffff;
	v2 =	vor.u32 $0x1E, v2  }
0x203: {  	v30 =	vld.idx.msk [tilespmem:v30+s28+$0x0], $0xffff  }
0x204: {  	v31 =	vld.idx.msk [tilespmem:v31+s28+$0x0], $0xffff  }
0x205: {  	v32 =	vld.idx.msk [tilespmem:v32+s28+$0x0], $0xffff  }
0x206: {  	s17 =	simm.s32 $0xF000;
	v33 =	vld.idx.msk [tilespmem:v33+s28+$0x0], $0xffff  }
0x207: {  	v2 =	vld.idx.msk [tilespmem:v2+s28+$0x0], $0xffff;
	[tilespmem:s17+$0x780] =	vst v28  }
0x208: {  	[tilespmem:s17+$0xFFFFF880] =	vst v3  }
0x209: {  	[tilespmem:s17+$0xFFFFF900] =	vst v4  }
0x20a: {  	[tilespmem:s17+$0xFFFFF980] =	vst v5  }
0x20b: {  	[tilespmem:s17+$0xFFFFFA00] =	vst v6  }
0x20c: {  	[tilespmem:s17+$0xFFFFFA80] =	vst v8  }
0x20d: {  	[tilespmem:s17+$0xFFFFFB00] =	vst v9  }
0x20e: {  	[tilespmem:s17+$0xFFFFFB80] =	vst v10  }
0x20f: {  	[tilespmem:s17+$0xFFFFFC00] =	vst v11  }
0x210: {  	[tilespmem:s17+$0xFFFFFC80] =	vst v12  }
0x211: {  	[tilespmem:s17+$0xFFFFFD00] =	vst v13  }
0x212: {  	[tilespmem:s17+$0xFFFFFD80] =	vst v14  }
0x213: {  	[tilespmem:s17+$0xFFFFFE00] =	vst v15  }
0x214: {  	[tilespmem:s17+$0xFFFFFE80] =	vst v16  }
0x215: {  	[tilespmem:s17+$0xFFFFFF00] =	vst v17  }
0x216: {  	[tilespmem:s17+$0xFFFFFF80] =	vst v18  }
0x217: {  	[tilespmem:s17+$0x0] =	vst v19  }
0x218: {  	[tilespmem:s17+$0x80] =	vst v20  }
0x219: {  	[tilespmem:s17+$0x100] =	vst v21  }
0x21a: {  	[tilespmem:s17+$0x180] =	vst v22  }
0x21b: {  	[tilespmem:s17+$0x200] =	vst v23  }
0x21c: {  	[tilespmem:s17+$0x280] =	vst v24  }
0x21d: {  	[tilespmem:s17+$0x300] =	vst v25  }
0x21e: {  	[tilespmem:s17+$0x380] =	vst v26  }
0x21f: {  	s6 =	simm.s32 $0x10;
	[tilespmem:s17+$0x400] =	vst v27  }
0x220: {  	v3 =	vmov s6;
	[tilespmem:s17+$0x480] =	vst v29  }
0x221: {  	[tilespmem:s17+$0x500] =	vst v30;
	v3 =	vshll.u32 v3, $0x5  }
0x222: {  	[tilespmem:s17+$0x580] =	vst v31;
	v3 =	vor.u32 v1, v3  }
0x223: {  	[tilespmem:s17+$0x600] =	vst v32;
	v4 =	vor.u32 $0x1, v3  }
0x224: {  	[tilespmem:s17+$0x680] =	vst v33;
	v5 =	vor.u32 $0x2, v3  }
0x225: {  	[tilespmem:s17+$0xFFFFF800] =	vst v7;
	v6 =	vor.u32 $0x3, v3  }
0x226: {  	v8 =	vor.u32 $0x4, v3;
	[tilespmem:s17+$0x700] =	vst v2  }
0x227: {  	v9 =	vor.u32 $0x5, v3;
	v2 =	vld.idx.msk [tilespmem:v3+s28+$0x0], $0xffff  }
0x228: {  	v10 =	vor.u32 $0x6, v3;
	v4 =	vld.idx.msk [tilespmem:v4+s28+$0x0], $0xffff  }
0x229: {  	v11 =	vor.u32 $0x7, v3;
	v5 =	vld.idx.msk [tilespmem:v5+s28+$0x0], $0xffff  }
0x22a: {  	v12 =	vor.u32 $0x8, v3;
	v6 =	vld.idx.msk [tilespmem:v6+s28+$0x0], $0xffff  }
0x22b: {  	v13 =	vor.u32 $0x9, v3;
	v7 =	vld.idx.msk [tilespmem:v8+s28+$0x0], $0xffff  }
0x22c: {  	v14 =	vor.u32 $0xA, v3;
	v8 =	vld.idx.msk [tilespmem:v9+s28+$0x0], $0xffff  }
0x22d: {  	v15 =	vor.u32 $0xB, v3;
	v9 =	vld.idx.msk [tilespmem:v10+s28+$0x0], $0xffff  }
0x22e: {  	v16 =	vor.u32 $0xC, v3;
	v10 =	vld.idx.msk [tilespmem:v11+s28+$0x0], $0xffff  }
0x22f: {  	v17 =	vor.u32 $0xD, v3;
	v11 =	vld.idx.msk [tilespmem:v12+s28+$0x0], $0xffff  }
0x230: {  	v18 =	vor.u32 $0xE, v3;
	v12 =	vld.idx.msk [tilespmem:v13+s28+$0x0], $0xffff  }
0x231: {  	v19 =	vor.u32 $0xF, v3;
	v13 =	vld.idx.msk [tilespmem:v14+s28+$0x0], $0xffff  }
0x232: {  	v20 =	vor.u32 $0x10, v3;
	v14 =	vld.idx.msk [tilespmem:v15+s28+$0x0], $0xffff  }
0x233: {  	v22 =	vor.u32 $0x11, v3;
	v15 =	vld.idx.msk [tilespmem:v16+s28+$0x0], $0xffff  }
0x234: {  	v25 =	vor.u32 $0x12, v3;
	v16 =	vld.idx.msk [tilespmem:v17+s28+$0x0], $0xffff  }
0x235: {  	v23 =	vor.u32 $0x13, v3;
	v17 =	vld.idx.msk [tilespmem:v18+s28+$0x0], $0xffff  }
0x236: {  	v24 =	vor.u32 $0x14, v3;
	v18 =	vld.idx.msk [tilespmem:v19+s28+$0x0], $0xffff  }
0x237: {  	v21 =	vor.u32 $0x15, v3;
	v19 =	vld.idx.msk [tilespmem:v20+s28+$0x0], $0xffff  }
0x238: {  	s18 =	simm.s32 $0x20;
	v20 =	vld.idx.msk [tilespmem:v22+s28+$0x0], $0xffff;
	v22 =	vor.u32 $0x16, v3  }
.LBB2_9:
0x239: {  	p0 =	sne.s32 s18, $0x70;
	v25 =	vld.idx.msk [tilespmem:v25+s28+$0x0], $0xffff;
	v26 =	vor.u32 $0x17, v3  }
0x23a: {  	v27 =	vor.u32 $0x18, v3;
	v23 =	vld.idx.msk [tilespmem:v23+s28+$0x0], $0xffff  }
0x23b: {  	v28 =	vor.u32 $0x1F, v3;
	v24 =	vld.idx.msk [tilespmem:v24+s28+$0x0], $0xffff  }
0x23c: {  	v29 =	vor.u32 $0x19, v3;
	v21 =	vld.idx.msk [tilespmem:v21+s28+$0x0], $0xffff  }
0x23d: {  	v30 =	vor.u32 $0x1A, v3;
	v22 =	vld.idx.msk [tilespmem:v22+s28+$0x0], $0xffff  }
0x23e: {  	v31 =	vor.u32 $0x1B, v3;
	v26 =	vld.idx.msk [tilespmem:v26+s28+$0x0], $0xffff  }
0x23f: {  	v32 =	vor.u32 $0x1C, v3;
	v27 =	vld.idx.msk [tilespmem:v27+s28+$0x0], $0xffff  }
0x240: {  	v33 =	vor.u32 $0x1D, v3;
	v28 =	vld.idx.msk [tilespmem:v28+s28+$0x0], $0xffff  }
0x241: {  	v3 =	vor.u32 $0x1E, v3;
	v29 =	vld.idx.msk [tilespmem:v29+s28+$0x0], $0xffff  }
0x242: {  	v30 =	vld.idx.msk [tilespmem:v30+s28+$0x0], $0xffff  }
0x243: {  	v31 =	vld.idx.msk [tilespmem:v31+s28+$0x0], $0xffff  }
0x244: {  	v32 =	vld.idx.msk [tilespmem:v32+s28+$0x0], $0xffff  }
0x245: {  	s17 =	sadd.s32 $0x10, s17;
	v33 =	vld.idx.msk [tilespmem:v33+s28+$0x0], $0xffff  }
0x246: {  	v34 =	vld.idx.msk [tilespmem:v3+s28+$0x0], $0xffff;
	[tilespmem:s17+$0x780] =	vst v28  }
0x247: {  	[tilespmem:s17+$0xFFFFF880] =	vst v4  }
0x248: {  	[tilespmem:s17+$0xFFFFF900] =	vst v5  }
0x249: {  	[tilespmem:s17+$0xFFFFF980] =	vst v6  }
0x24a: {  	[tilespmem:s17+$0xFFFFFA00] =	vst v7  }
0x24b: {  	[tilespmem:s17+$0xFFFFFA80] =	vst v8  }
0x24c: {  	[tilespmem:s17+$0xFFFFFB00] =	vst v9  }
0x24d: {  	[tilespmem:s17+$0xFFFFFB80] =	vst v10  }
0x24e: {  	[tilespmem:s17+$0xFFFFFC00] =	vst v11  }
0x24f: {  	[tilespmem:s17+$0xFFFFFC80] =	vst v12  }
0x250: {  	[tilespmem:s17+$0xFFFFFD00] =	vst v13  }
0x251: {  	[tilespmem:s17+$0xFFFFFD80] =	vst v14  }
0x252: {  	[tilespmem:s17+$0xFFFFFE00] =	vst v15  }
0x253: {  	[tilespmem:s17+$0xFFFFFE80] =	vst v16  }
0x254: {  	[tilespmem:s17+$0xFFFFFF00] =	vst v17  }
0x255: {  	[tilespmem:s17+$0xFFFFFF80] =	vst v18  }
0x256: {  	[tilespmem:s17+$0x0] =	vst v19  }
0x257: {  	[tilespmem:s17+$0x80] =	vst v20  }
0x258: {  	[tilespmem:s17+$0x100] =	vst v25  }
0x259: {  	[tilespmem:s17+$0x180] =	vst v23  }
0x25a: {  	[tilespmem:s17+$0x200] =	vst v24  }
0x25b: {  	[tilespmem:s17+$0x280] =	vst v21  }
0x25c: {  	[tilespmem:s17+$0x300] =	vst v22  }
0x25d: {  	[tilespmem:s17+$0x380] =	vst v26  }
0x25e: {  	[tilespmem:s17+$0x400] =	vst v27  }
0x25f: {  	v3 =	vmov s18;
	[tilespmem:s17+$0x480] =	vst v29  }
0x260: {  	v3 =	vshll.u32 v3, $0x5;
	[tilespmem:s17+$0x500] =	vst v30  }
0x261: {  	v3 =	vor.u32 v1, v3;
	[tilespmem:s17+$0x580] =	vst v31  }
0x262: {  	v4 =	vor.u32 $0x1, v3;
	[tilespmem:s17+$0x600] =	vst v32  }
0x263: {  	v5 =	vor.u32 $0x2, v3;
	[tilespmem:s17+$0x680] =	vst v33  }
0x264: {  	v6 =	vor.u32 $0x3, v3;
	[tilespmem:s17+$0x700] =	vst v34  }
0x265: {  	v7 =	vor.u32 $0x4, v3;
	[tilespmem:s17+$0xFFFFF800] =	vst v2  }
0x266: {  	v8 =	vor.u32 $0x5, v3;
	v2 =	vld.idx.msk [tilespmem:v3+s28+$0x0], $0xffff  }
0x267: {  	v9 =	vor.u32 $0x6, v3;
	v4 =	vld.idx.msk [tilespmem:v4+s28+$0x0], $0xffff  }
0x268: {  	v10 =	vor.u32 $0x7, v3;
	v5 =	vld.idx.msk [tilespmem:v5+s28+$0x0], $0xffff  }
0x269: {  	v11 =	vor.u32 $0x8, v3;
	v6 =	vld.idx.msk [tilespmem:v6+s28+$0x0], $0xffff  }
0x26a: {  	v12 =	vor.u32 $0x9, v3;
	v7 =	vld.idx.msk [tilespmem:v7+s28+$0x0], $0xffff  }
0x26b: {  	v13 =	vor.u32 $0xA, v3;
	v8 =	vld.idx.msk [tilespmem:v8+s28+$0x0], $0xffff  }
0x26c: {  	v14 =	vor.u32 $0xB, v3;
	v9 =	vld.idx.msk [tilespmem:v9+s28+$0x0], $0xffff  }
0x26d: {  	v15 =	vor.u32 $0xC, v3;
	v10 =	vld.idx.msk [tilespmem:v10+s28+$0x0], $0xffff  }
0x26e: {  	v16 =	vor.u32 $0xD, v3;
	v11 =	vld.idx.msk [tilespmem:v11+s28+$0x0], $0xffff  }
0x26f: {  	v17 =	vor.u32 $0xE, v3;
	v12 =	vld.idx.msk [tilespmem:v12+s28+$0x0], $0xffff  }
0x270: {  	v18 =	vor.u32 $0xF, v3;
	v13 =	vld.idx.msk [tilespmem:v13+s28+$0x0], $0xffff  }
0x271: {  	v19 =	vor.u32 $0x10, v3;
	v14 =	vld.idx.msk [tilespmem:v14+s28+$0x0], $0xffff  }
0x272: {  	v20 =	vor.u32 $0x11, v3;
	v15 =	vld.idx.msk [tilespmem:v15+s28+$0x0], $0xffff  }
.Ltmp3:
0x273: {  	v25 =	vor.u32 $0x12, v3;
	v16 =	vld.idx.msk [tilespmem:v16+s28+$0x0], $0xffff;
	(pc) =	sbr.rel @p0 .LBB2_9-.Ltmp3, $4  }
0x274: {  	v23 =	vor.u32 $0x13, v3;
	v17 =	vld.idx.msk [tilespmem:v17+s28+$0x0], $0xffff  }
0x275: {  	v24 =	vor.u32 $0x14, v3;
	v18 =	vld.idx.msk [tilespmem:v18+s28+$0x0], $0xffff  }
0x276: {  	v21 =	vor.u32 $0x15, v3;
	v19 =	vld.idx.msk [tilespmem:v19+s28+$0x0], $0xffff  }
0x277: {  	s18 =	sadd.s32 $0x10, s18;
	v22 =	vor.u32 $0x16, v3;
	v20 =	vld.idx.msk [tilespmem:v20+s28+$0x0], $0xffff  }
0x278: {  	_ =	sdelay $0x3  }
0x279: {  	v25 =	vld.idx.msk [tilespmem:v25+s28+$0x0], $0xffff;
	v26 =	vor.u32 $0x17, v3  }
0x27a: {  	v23 =	vld.idx.msk [tilespmem:v23+s28+$0x0], $0xffff;
	v27 =	vor.u32 $0x18, v3  }
0x27b: {  	v24 =	vld.idx.msk [tilespmem:v24+s28+$0x0], $0xffff;
	v28 =	vor.u32 $0x1F, v3  }
0x27c: {  	v21 =	vld.idx.msk [tilespmem:v21+s28+$0x0], $0xffff;
	v29 =	vor.u32 $0x19, v3  }
0x27d: {  	v22 =	vld.idx.msk [tilespmem:v22+s28+$0x0], $0xffff;
	v30 =	vor.u32 $0x1A, v3  }
0x27e: {  	v31 =	vor.u32 $0x1B, v3;
	v26 =	vld.idx.msk [tilespmem:v26+s28+$0x0], $0xffff  }
0x27f: {  	v32 =	vor.u32 $0x1C, v3;
	v27 =	vld.idx.msk [tilespmem:v27+s28+$0x0], $0xffff  }
0x280: {  	v33 =	vor.u32 $0x1D, v3;
	v28 =	vld.idx.msk [tilespmem:v28+s28+$0x0], $0xffff  }
0x281: {  	v3 =	vor.u32 $0x1E, v3;
	v29 =	vld.idx.msk [tilespmem:v29+s28+$0x0], $0xffff  }
0x282: {  	v30 =	vld.idx.msk [tilespmem:v30+s28+$0x0], $0xffff  }
0x283: {  	v31 =	vld.idx.msk [tilespmem:v31+s28+$0x0], $0xffff  }
0x284: {  	v32 =	vld.idx.msk [tilespmem:v32+s28+$0x0], $0xffff  }
0x285: {  	s6 =	sadd.s32 $0x10, s17;
	v33 =	vld.idx.msk [tilespmem:v33+s28+$0x0], $0xffff  }
0x286: {  	v3 =	vld.idx.msk [tilespmem:v3+s28+$0x0], $0xffff;
	[tilespmem:s6+$0xFFFFF880] =	vst v4  }
0x287: {  	[tilespmem:s6+$0xFFFFF900] =	vst v5  }
0x288: {  	[tilespmem:s6+$0xFFFFF980] =	vst v6  }
0x289: {  	[tilespmem:s6+$0xFFFFFA00] =	vst v7  }
0x28a: {  	[tilespmem:s6+$0xFFFFFA80] =	vst v8  }
0x28b: {  	[tilespmem:s6+$0xFFFFFB00] =	vst v9  }
0x28c: {  	[tilespmem:s6+$0xFFFFFB80] =	vst v10  }
0x28d: {  	[tilespmem:s6+$0xFFFFFC00] =	vst v11  }
0x28e: {  	[tilespmem:s6+$0xFFFFFC80] =	vst v12  }
0x28f: {  	[tilespmem:s6+$0xFFFFFD00] =	vst v13  }
0x290: {  	[tilespmem:s6+$0xFFFFFD80] =	vst v14  }
0x291: {  	[tilespmem:s6+$0xFFFFFE00] =	vst v15  }
0x292: {  	[tilespmem:s6+$0xFFFFFE80] =	vst v16  }
0x293: {  	[tilespmem:s6+$0xFFFFFF00] =	vst v17  }
0x294: {  	[tilespmem:s6+$0xFFFFFF80] =	vst v18  }
0x295: {  	[tilespmem:s6+$0x0] =	vst v19  }
0x296: {  	[tilespmem:s6+$0x80] =	vst v20  }
0x297: {  	[tilespmem:s6+$0x100] =	vst v25  }
0x298: {  	[tilespmem:s6+$0x180] =	vst v23  }
0x299: {  	[tilespmem:s6+$0x200] =	vst v24  }
0x29a: {  	[tilespmem:s6+$0x280] =	vst v21  }
0x29b: {  	[tilespmem:s6+$0x300] =	vst v22  }
0x29c: {  	[tilespmem:s6+$0xFFFFF800] =	vst v2  }
0x29d: {  	[tilespmem:s6+$0x780] =	vst v28  }
0x29e: {  	[tilespmem:s6+$0x380] =	vst v26  }
0x29f: {  	[tilespmem:s6+$0x400] =	vst v27  }
0x2a0: {  	[tilespmem:s6+$0x480] =	vst v29  }
0x2a1: {  	[tilespmem:s6+$0x500] =	vst v30  }
0x2a2: {  	s18 =	sshll.u32 s16, $0x1;
	[tilespmem:s6+$0x580] =	vst v31  }
0x2a3: {  	s21 =	sshll.u32 s16, $0x8;
	s22 =	sadd.s32 $0x2, s18;
	[tilespmem:s6+$0x600] =	vst v32  }
0x2a4: {  	s17 =	sand.u32 $0x3FFFFF00, s21;
	s23 =	sshll.u32 s22, $0x11;
	[tilespmem:s6+$0x680] =	vst v33  }
0x2a5: {  	s19 =	sadd.s32 $0x6600, s17;
	s20 =	sand.u32 $0x3F80000, s23;
	[tilespmem:s6+$0x700] =	vst v3;
	s6 =	sshll.u32 s22, $0xA  }
0x2a6: {  	s20 =	sor.u32 s20, s5;
	[bflag:$0x0] =	sbarrier.arrive $0xFFFF;
	s6 =	sand.u32 $0x800, s6  }
0x2a7: {  	[tilespmem:s28], [sflag:$0x1] =	stream.indirect.gather [hbm4b:s4+s25], $0x20, s19, s25, $0xb8;
	[tilespmem:$0x10800] =	vst v63  }
0x2a8: {  	s20 =	sor.u32 s6, s20;
	s6 =	sor.u32 s5, s6  }
0x2a9: {  	s20 =	sshrl.u32 s20, $0x3;
	s6 =	sor.u32 s23, s6  }
0x2aa: {  	s21 =	simm.s32 $0x0;
	s20 =	sadd.s32 s2, s20;
	s6 =	sshrl.u32 s6, $0x3  }
0x2ab: {  	[hbm4b:s20+s21] =	stream.linear.scatter [tilespmem:s1], [sflag:$0x3], $0x400, $0x38;
	[tilespmem:$0x10800] =	vst v63  }
0x2ac: {  	s20 =	sadd.s32 $0x4000, s20;
	s22 =	sor.u32 $0x8000, s6  }
0x2ad: {  	[hbm4b:s20+s21] =	stream.linear.scatter [tilespmem:s26], [sflag:$0x3], $0x400, $0x38;
	[tilespmem:$0x10800] =	vst v63  }
0x2ae: {  	s6 =	sor.u32 $0xC000, s6;
	s19 =	sadd.s32 s2, s22  }
0x2af: {  	[hbm4b:s19+s21] =	stream.linear.scatter [tilespmem:s29], [sflag:$0x3], $0x400, $0x38;
	[tilespmem:$0x10800] =	vst v63  }
0x2b0: {  	s6 =	sadd.s32 s2, s6  }
0x2b1: {  	[hbm4b:s6+s21] =	stream.linear.scatter [tilespmem:s0], [sflag:$0x3], $0x400, $0x38;
	[tilespmem:$0x10800] =	vst v63  }
0x2b2: {  	_ =	swait.ge [sflag:s7], $0x1000  }
0x2b3: {  	[sflag:s7] =	ssyncset.done $0x0  }
0x2b4: {  	[sflag:s7] =	ssyncadd.s32 $0xFFFFF000  }
0x2b5: {  	_ =	swait.ge [sflag:s13], $0x400  }
0x2b6: {  	[sflag:s13] =	ssyncset.done $0x0  }
0x2b7: {  	[sflag:s13] =	ssyncadd.s32 $0xFFFFFC00  }
0x2b8: {  	_ =	swait.ge [sflag:s13], $0x400  }
0x2b9: {  	[sflag:s13] =	ssyncset.done $0x0  }
0x2ba: {  	v2 =	vmov s21;
	[sflag:s13] =	ssyncadd.s32 $0xFFFFFC00  }
0x2bb: {  	v2 =	vshll.u32 v2, $0x5;
	_ =	swait.ge [sflag:s13], $0x400  }
0x2bc: {  	v2 =	vor.u32 v1, v2;
	[sflag:s13] =	ssyncset.done $0x0  }
0x2bd: {  	v3 =	vor.u32 $0x1, v2;
	[sflag:s13] =	ssyncadd.s32 $0xFFFFFC00  }
0x2be: {  	v4 =	vor.u32 $0x2, v2;
	_ =	swait.ge [sflag:s13], $0x400  }
0x2bf: {  	v5 =	vor.u32 $0x3, v2;
	[sflag:s13] =	ssyncset.done $0x0  }
0x2c0: {  	v6 =	vor.u32 $0x4, v2;
	[sflag:s13] =	ssyncadd.s32 $0xFFFFFC00  }
0x2c1: {  	v8 =	vor.u32 $0x5, v2;
	v7 =	vld.idx.msk [tilespmem:v2+s30+$0x0], $0xffff  }
0x2c2: {  	v9 =	vor.u32 $0x6, v2;
	v3 =	vld.idx.msk [tilespmem:v3+s30+$0x0], $0xffff  }
0x2c3: {  	v10 =	vor.u32 $0x7, v2;
	v4 =	vld.idx.msk [tilespmem:v4+s30+$0x0], $0xffff  }
0x2c4: {  	v11 =	vor.u32 $0x8, v2;
	v5 =	vld.idx.msk [tilespmem:v5+s30+$0x0], $0xffff  }
0x2c5: {  	v12 =	vor.u32 $0x9, v2;
	v6 =	vld.idx.msk [tilespmem:v6+s30+$0x0], $0xffff  }
0x2c6: {  	v13 =	vor.u32 $0xA, v2;
	v8 =	vld.idx.msk [tilespmem:v8+s30+$0x0], $0xffff  }
0x2c7: {  	v14 =	vor.u32 $0xB, v2;
	v9 =	vld.idx.msk [tilespmem:v9+s30+$0x0], $0xffff  }
0x2c8: {  	v15 =	vor.u32 $0xC, v2;
	v10 =	vld.idx.msk [tilespmem:v10+s30+$0x0], $0xffff  }
0x2c9: {  	v16 =	vor.u32 $0xD, v2;
	v11 =	vld.idx.msk [tilespmem:v11+s30+$0x0], $0xffff  }
0x2ca: {  	v17 =	vor.u32 $0xE, v2;
	v12 =	vld.idx.msk [tilespmem:v12+s30+$0x0], $0xffff  }
0x2cb: {  	v18 =	vor.u32 $0xF, v2;
	v13 =	vld.idx.msk [tilespmem:v13+s30+$0x0], $0xffff  }
0x2cc: {  	v19 =	vor.u32 $0x10, v2;
	v14 =	vld.idx.msk [tilespmem:v14+s30+$0x0], $0xffff  }
0x2cd: {  	v20 =	vor.u32 $0x11, v2;
	v15 =	vld.idx.msk [tilespmem:v15+s30+$0x0], $0xffff  }
0x2ce: {  	v21 =	vor.u32 $0x12, v2;
	v16 =	vld.idx.msk [tilespmem:v16+s30+$0x0], $0xffff  }
0x2cf: {  	v22 =	vor.u32 $0x13, v2;
	v17 =	vld.idx.msk [tilespmem:v17+s30+$0x0], $0xffff  }
0x2d0: {  	v23 =	vor.u32 $0x14, v2;
	v18 =	vld.idx.msk [tilespmem:v18+s30+$0x0], $0xffff  }
0x2d1: {  	v24 =	vor.u32 $0x15, v2;
	v19 =	vld.idx.msk [tilespmem:v19+s30+$0x0], $0xffff  }
0x2d2: {  	v25 =	vor.u32 $0x16, v2;
	v20 =	vld.idx.msk [tilespmem:v20+s30+$0x0], $0xffff  }
0x2d3: {  	v26 =	vor.u32 $0x17, v2;
	v21 =	vld.idx.msk [tilespmem:v21+s30+$0x0], $0xffff  }
0x2d4: {  	v27 =	vor.u32 $0x18, v2;
	v22 =	vld.idx.msk [tilespmem:v22+s30+$0x0], $0xffff  }
0x2d5: {  	v58 =	vor.u32 $0x1F, v2;
	v23 =	vld.idx.msk [tilespmem:v23+s30+$0x0], $0xffff  }
0x2d6: {  	v59 =	vor.u32 $0x19, v2;
	v24 =	vld.idx.msk [tilespmem:v24+s30+$0x0], $0xffff  }
0x2d7: {  	v60 =	vor.u32 $0x1A, v2;
	v25 =	vld.idx.msk [tilespmem:v25+s30+$0x0], $0xffff  }
0x2d8: {  	v61 =	vor.u32 $0x1B, v2;
	v26 =	vld.idx.msk [tilespmem:v26+s30+$0x0], $0xffff  }
0x2d9: {  	v62 =	vor.u32 $0x1C, v2;
	v27 =	vld.idx.msk [tilespmem:v27+s30+$0x0], $0xffff  }
0x2da: {  	v63 =	vor.u32 $0x1D, v2;
	v28 =	vld.idx.msk [tilespmem:v58+s30+$0x0], $0xffff  }
0x2db: {  	v29 =	vld.idx.msk [tilespmem:v59+s30+$0x0], $0xffff;
	v2 =	vor.u32 $0x1E, v2  }
0x2dc: {  	v30 =	vld.idx.msk [tilespmem:v60+s30+$0x0], $0xffff  }
0x2dd: {  	v31 =	vld.idx.msk [tilespmem:v61+s30+$0x0], $0xffff  }
0x2de: {  	v32 =	vld.idx.msk [tilespmem:v62+s30+$0x0], $0xffff  }
0x2df: {  	s19 =	simm.s32 $0x10780;
	v33 =	vld.idx.msk [tilespmem:v63+s30+$0x0], $0xffff  }
0x2e0: {  	v2 =	vld.idx.msk [tilespmem:v2+s30+$0x0], $0xffff;
	[tilespmem:s19+$0x0] =	vst v28  }
0x2e1: {  	[tilespmem:s19+$0xFFFFF100] =	vst v3  }
0x2e2: {  	[tilespmem:s19+$0xFFFFF180] =	vst v4  }
0x2e3: {  	[tilespmem:s19+$0xFFFFF200] =	vst v5  }
0x2e4: {  	[tilespmem:s19+$0xFFFFF280] =	vst v6  }
0x2e5: {  	[tilespmem:s19+$0xFFFFF300] =	vst v8  }
0x2e6: {  	[tilespmem:s19+$0xFFFFF380] =	vst v9  }
0x2e7: {  	[tilespmem:s19+$0xFFFFF400] =	vst v10  }
0x2e8: {  	[tilespmem:s19+$0xFFFFF480] =	vst v11  }
0x2e9: {  	[tilespmem:s19+$0xFFFFF500] =	vst v12  }
0x2ea: {  	[tilespmem:s19+$0xFFFFF580] =	vst v13  }
0x2eb: {  	[tilespmem:s19+$0xFFFFF600] =	vst v14  }
0x2ec: {  	[tilespmem:s19+$0xFFFFF680] =	vst v15  }
0x2ed: {  	[tilespmem:s19+$0xFFFFF700] =	vst v16  }
0x2ee: {  	[tilespmem:s19+$0xFFFFF780] =	vst v17  }
0x2ef: {  	[tilespmem:s19+$0xFFFFF800] =	vst v18  }
0x2f0: {  	[tilespmem:s19+$0xFFFFF880] =	vst v19  }
0x2f1: {  	[tilespmem:s19+$0xFFFFF900] =	vst v20  }
0x2f2: {  	[tilespmem:s19+$0xFFFFF980] =	vst v21  }
0x2f3: {  	[tilespmem:s19+$0xFFFFFA00] =	vst v22  }
0x2f4: {  	[tilespmem:s19+$0xFFFFFA80] =	vst v23  }
0x2f5: {  	[tilespmem:s19+$0xFFFFFB00] =	vst v24  }
0x2f6: {  	[tilespmem:s19+$0xFFFFFB80] =	vst v25  }
0x2f7: {  	[tilespmem:s19+$0xFFFFFC00] =	vst v26  }
0x2f8: {  	s23 =	simm.s32 $0x10;
	[tilespmem:s19+$0xFFFFFC80] =	vst v27  }
0x2f9: {  	v3 =	vmov s23;
	[tilespmem:s19+$0xFFFFFD00] =	vst v29  }
0x2fa: {  	[tilespmem:s19+$0xFFFFFD80] =	vst v30;
	v3 =	vshll.u32 v3, $0x5  }
0x2fb: {  	[tilespmem:s19+$0xFFFFFE00] =	vst v31;
	v3 =	vor.u32 v1, v3  }
0x2fc: {  	[tilespmem:s19+$0xFFFFFE80] =	vst v32;
	v4 =	vor.u32 $0x1, v3  }
0x2fd: {  	[tilespmem:s19+$0xFFFFFF00] =	vst v33;
	v5 =	vor.u32 $0x2, v3  }
0x2fe: {  	[tilespmem:s19+$0xFFFFF080] =	vst v7;
	v6 =	vor.u32 $0x3, v3  }
0x2ff: {  	v8 =	vor.u32 $0x4, v3;
	[tilespmem:s19+$0xFFFFFF80] =	vst v2  }
0x300: {  	v9 =	vor.u32 $0x5, v3;
	v2 =	vld.idx.msk [tilespmem:v3+s30+$0x0], $0xffff  }
0x301: {  	v10 =	vor.u32 $0x6, v3;
	v4 =	vld.idx.msk [tilespmem:v4+s30+$0x0], $0xffff  }
0x302: {  	v11 =	vor.u32 $0x7, v3;
	v5 =	vld.idx.msk [tilespmem:v5+s30+$0x0], $0xffff  }
0x303: {  	v12 =	vor.u32 $0x8, v3;
	v6 =	vld.idx.msk [tilespmem:v6+s30+$0x0], $0xffff  }
0x304: {  	v13 =	vor.u32 $0x9, v3;
	v7 =	vld.idx.msk [tilespmem:v8+s30+$0x0], $0xffff  }
0x305: {  	v14 =	vor.u32 $0xA, v3;
	v8 =	vld.idx.msk [tilespmem:v9+s30+$0x0], $0xffff  }
0x306: {  	v15 =	vor.u32 $0xB, v3;
	v9 =	vld.idx.msk [tilespmem:v10+s30+$0x0], $0xffff  }
0x307: {  	v16 =	vor.u32 $0xC, v3;
	v10 =	vld.idx.msk [tilespmem:v11+s30+$0x0], $0xffff  }
0x308: {  	v17 =	vor.u32 $0xD, v3;
	v11 =	vld.idx.msk [tilespmem:v12+s30+$0x0], $0xffff  }
0x309: {  	v18 =	vor.u32 $0xE, v3;
	v12 =	vld.idx.msk [tilespmem:v13+s30+$0x0], $0xffff  }
0x30a: {  	v19 =	vor.u32 $0xF, v3;
	v13 =	vld.idx.msk [tilespmem:v14+s30+$0x0], $0xffff  }
0x30b: {  	v20 =	vor.u32 $0x10, v3;
	v14 =	vld.idx.msk [tilespmem:v15+s30+$0x0], $0xffff  }
0x30c: {  	v22 =	vor.u32 $0x11, v3;
	v15 =	vld.idx.msk [tilespmem:v16+s30+$0x0], $0xffff  }
0x30d: {  	v25 =	vor.u32 $0x12, v3;
	v16 =	vld.idx.msk [tilespmem:v17+s30+$0x0], $0xffff  }
0x30e: {  	v23 =	vor.u32 $0x13, v3;
	v17 =	vld.idx.msk [tilespmem:v18+s30+$0x0], $0xffff  }
0x30f: {  	v24 =	vor.u32 $0x14, v3;
	v18 =	vld.idx.msk [tilespmem:v19+s30+$0x0], $0xffff  }
0x310: {  	v21 =	vor.u32 $0x15, v3;
	v19 =	vld.idx.msk [tilespmem:v20+s30+$0x0], $0xffff  }
0x311: {  	s20 =	simm.s32 $0x20;
	v20 =	vld.idx.msk [tilespmem:v22+s30+$0x0], $0xffff;
	v22 =	vor.u32 $0x16, v3  }
.LBB2_11:
0x312: {  	p0 =	sne.s32 s20, $0x70;
	v25 =	vld.idx.msk [tilespmem:v25+s30+$0x0], $0xffff;
	v26 =	vor.u32 $0x17, v3  }
0x313: {  	v27 =	vor.u32 $0x18, v3;
	v23 =	vld.idx.msk [tilespmem:v23+s30+$0x0], $0xffff  }
0x314: {  	v28 =	vor.u32 $0x1F, v3;
	v24 =	vld.idx.msk [tilespmem:v24+s30+$0x0], $0xffff  }
0x315: {  	v29 =	vor.u32 $0x19, v3;
	v21 =	vld.idx.msk [tilespmem:v21+s30+$0x0], $0xffff  }
0x316: {  	v30 =	vor.u32 $0x1A, v3;
	v22 =	vld.idx.msk [tilespmem:v22+s30+$0x0], $0xffff  }
0x317: {  	v31 =	vor.u32 $0x1B, v3;
	v26 =	vld.idx.msk [tilespmem:v26+s30+$0x0], $0xffff  }
0x318: {  	v32 =	vor.u32 $0x1C, v3;
	v27 =	vld.idx.msk [tilespmem:v27+s30+$0x0], $0xffff  }
0x319: {  	v33 =	vor.u32 $0x1D, v3;
	v28 =	vld.idx.msk [tilespmem:v28+s30+$0x0], $0xffff  }
0x31a: {  	v3 =	vor.u32 $0x1E, v3;
	v29 =	vld.idx.msk [tilespmem:v29+s30+$0x0], $0xffff  }
0x31b: {  	v30 =	vld.idx.msk [tilespmem:v30+s30+$0x0], $0xffff  }
0x31c: {  	v31 =	vld.idx.msk [tilespmem:v31+s30+$0x0], $0xffff  }
0x31d: {  	v32 =	vld.idx.msk [tilespmem:v32+s30+$0x0], $0xffff  }
0x31e: {  	s19 =	sadd.s32 $0x10, s19;
	v33 =	vld.idx.msk [tilespmem:v33+s30+$0x0], $0xffff  }
0x31f: {  	v34 =	vld.idx.msk [tilespmem:v3+s30+$0x0], $0xffff;
	[tilespmem:s19+$0x0] =	vst v28  }
0x320: {  	[tilespmem:s19+$0xFFFFF100] =	vst v4  }
0x321: {  	[tilespmem:s19+$0xFFFFF180] =	vst v5  }
0x322: {  	[tilespmem:s19+$0xFFFFF200] =	vst v6  }
0x323: {  	[tilespmem:s19+$0xFFFFF280] =	vst v7  }
0x324: {  	[tilespmem:s19+$0xFFFFF300] =	vst v8  }
0x325: {  	[tilespmem:s19+$0xFFFFF380] =	vst v9  }
0x326: {  	[tilespmem:s19+$0xFFFFF400] =	vst v10  }
0x327: {  	[tilespmem:s19+$0xFFFFF480] =	vst v11  }
0x328: {  	[tilespmem:s19+$0xFFFFF500] =	vst v12  }
0x329: {  	[tilespmem:s19+$0xFFFFF580] =	vst v13  }
0x32a: {  	[tilespmem:s19+$0xFFFFF600] =	vst v14  }
0x32b: {  	[tilespmem:s19+$0xFFFFF680] =	vst v15  }
0x32c: {  	[tilespmem:s19+$0xFFFFF700] =	vst v16  }
0x32d: {  	[tilespmem:s19+$0xFFFFF780] =	vst v17  }
0x32e: {  	[tilespmem:s19+$0xFFFFF800] =	vst v18  }
0x32f: {  	[tilespmem:s19+$0xFFFFF880] =	vst v19  }
0x330: {  	[tilespmem:s19+$0xFFFFF900] =	vst v20  }
0x331: {  	[tilespmem:s19+$0xFFFFF980] =	vst v25  }
0x332: {  	[tilespmem:s19+$0xFFFFFA00] =	vst v23  }
0x333: {  	[tilespmem:s19+$0xFFFFFA80] =	vst v24  }
0x334: {  	[tilespmem:s19+$0xFFFFFB00] =	vst v21  }
0x335: {  	[tilespmem:s19+$0xFFFFFB80] =	vst v22  }
0x336: {  	[tilespmem:s19+$0xFFFFFC00] =	vst v26  }
0x337: {  	[tilespmem:s19+$0xFFFFFC80] =	vst v27  }
0x338: {  	v3 =	vmov s20;
	[tilespmem:s19+$0xFFFFFD00] =	vst v29  }
0x339: {  	v3 =	vshll.u32 v3, $0x5;
	[tilespmem:s19+$0xFFFFFD80] =	vst v30  }
0x33a: {  	v3 =	vor.u32 v1, v3;
	[tilespmem:s19+$0xFFFFFE00] =	vst v31  }
0x33b: {  	v4 =	vor.u32 $0x1, v3;
	[tilespmem:s19+$0xFFFFFE80] =	vst v32  }
0x33c: {  	v5 =	vor.u32 $0x2, v3;
	[tilespmem:s19+$0xFFFFFF00] =	vst v33  }
0x33d: {  	v6 =	vor.u32 $0x3, v3;
	[tilespmem:s19+$0xFFFFFF80] =	vst v34  }
0x33e: {  	v7 =	vor.u32 $0x4, v3;
	[tilespmem:s19+$0xFFFFF080] =	vst v2  }
0x33f: {  	v8 =	vor.u32 $0x5, v3;
	v2 =	vld.idx.msk [tilespmem:v3+s30+$0x0], $0xffff  }
0x340: {  	v9 =	vor.u32 $0x6, v3;
	v4 =	vld.idx.msk [tilespmem:v4+s30+$0x0], $0xffff  }
0x341: {  	v10 =	vor.u32 $0x7, v3;
	v5 =	vld.idx.msk [tilespmem:v5+s30+$0x0], $0xffff  }
0x342: {  	v11 =	vor.u32 $0x8, v3;
	v6 =	vld.idx.msk [tilespmem:v6+s30+$0x0], $0xffff  }
0x343: {  	v12 =	vor.u32 $0x9, v3;
	v7 =	vld.idx.msk [tilespmem:v7+s30+$0x0], $0xffff  }
0x344: {  	v13 =	vor.u32 $0xA, v3;
	v8 =	vld.idx.msk [tilespmem:v8+s30+$0x0], $0xffff  }
0x345: {  	v14 =	vor.u32 $0xB, v3;
	v9 =	vld.idx.msk [tilespmem:v9+s30+$0x0], $0xffff  }
0x346: {  	v15 =	vor.u32 $0xC, v3;
	v10 =	vld.idx.msk [tilespmem:v10+s30+$0x0], $0xffff  }
0x347: {  	v16 =	vor.u32 $0xD, v3;
	v11 =	vld.idx.msk [tilespmem:v11+s30+$0x0], $0xffff  }
0x348: {  	v17 =	vor.u32 $0xE, v3;
	v12 =	vld.idx.msk [tilespmem:v12+s30+$0x0], $0xffff  }
0x349: {  	v18 =	vor.u32 $0xF, v3;
	v13 =	vld.idx.msk [tilespmem:v13+s30+$0x0], $0xffff  }
0x34a: {  	v19 =	vor.u32 $0x10, v3;
	v14 =	vld.idx.msk [tilespmem:v14+s30+$0x0], $0xffff  }
0x34b: {  	v20 =	vor.u32 $0x11, v3;
	v15 =	vld.idx.msk [tilespmem:v15+s30+$0x0], $0xffff  }
.Ltmp4:
0x34c: {  	v25 =	vor.u32 $0x12, v3;
	v16 =	vld.idx.msk [tilespmem:v16+s30+$0x0], $0xffff;
	(pc) =	sbr.rel @p0 .LBB2_11-.Ltmp4, $4  }
0x34d: {  	v23 =	vor.u32 $0x13, v3;
	v17 =	vld.idx.msk [tilespmem:v17+s30+$0x0], $0xffff  }
0x34e: {  	v24 =	vor.u32 $0x14, v3;
	v18 =	vld.idx.msk [tilespmem:v18+s30+$0x0], $0xffff  }
0x34f: {  	v21 =	vor.u32 $0x15, v3;
	v19 =	vld.idx.msk [tilespmem:v19+s30+$0x0], $0xffff  }
0x350: {  	s20 =	sadd.s32 $0x10, s20;
	v22 =	vor.u32 $0x16, v3;
	v20 =	vld.idx.msk [tilespmem:v20+s30+$0x0], $0xffff  }
0x351: {  	_ =	sdelay $0x3  }
0x352: {  	v25 =	vld.idx.msk [tilespmem:v25+s30+$0x0], $0xffff;
	v26 =	vor.u32 $0x17, v3  }
0x353: {  	v23 =	vld.idx.msk [tilespmem:v23+s30+$0x0], $0xffff;
	v27 =	vor.u32 $0x18, v3  }
0x354: {  	v24 =	vld.idx.msk [tilespmem:v24+s30+$0x0], $0xffff;
	v28 =	vor.u32 $0x1F, v3  }
0x355: {  	v21 =	vld.idx.msk [tilespmem:v21+s30+$0x0], $0xffff;
	v29 =	vor.u32 $0x19, v3  }
0x356: {  	v22 =	vld.idx.msk [tilespmem:v22+s30+$0x0], $0xffff;
	v30 =	vor.u32 $0x1A, v3  }
0x357: {  	v31 =	vor.u32 $0x1B, v3;
	v26 =	vld.idx.msk [tilespmem:v26+s30+$0x0], $0xffff  }
0x358: {  	v32 =	vor.u32 $0x1C, v3;
	v27 =	vld.idx.msk [tilespmem:v27+s30+$0x0], $0xffff  }
0x359: {  	v33 =	vor.u32 $0x1D, v3;
	v28 =	vld.idx.msk [tilespmem:v28+s30+$0x0], $0xffff  }
0x35a: {  	v3 =	vor.u32 $0x1E, v3;
	v29 =	vld.idx.msk [tilespmem:v29+s30+$0x0], $0xffff  }
0x35b: {  	v30 =	vld.idx.msk [tilespmem:v30+s30+$0x0], $0xffff  }
0x35c: {  	v31 =	vld.idx.msk [tilespmem:v31+s30+$0x0], $0xffff  }
0x35d: {  	v32 =	vld.idx.msk [tilespmem:v32+s30+$0x0], $0xffff  }
0x35e: {  	s6 =	sadd.s32 $0x10, s19;
	v33 =	vld.idx.msk [tilespmem:v33+s30+$0x0], $0xffff  }
0x35f: {  	v3 =	vld.idx.msk [tilespmem:v3+s30+$0x0], $0xffff;
	[tilespmem:s6+$0xFFFFF100] =	vst v4  }
0x360: {  	[tilespmem:s6+$0xFFFFF180] =	vst v5  }
0x361: {  	[tilespmem:s6+$0xFFFFF200] =	vst v6  }
0x362: {  	[tilespmem:s6+$0xFFFFF280] =	vst v7  }
0x363: {  	[tilespmem:s6+$0xFFFFF300] =	vst v8  }
0x364: {  	[tilespmem:s6+$0xFFFFF380] =	vst v9  }
0x365: {  	[tilespmem:s6+$0xFFFFF400] =	vst v10  }
0x366: {  	[tilespmem:s6+$0xFFFFF480] =	vst v11  }
0x367: {  	[tilespmem:s6+$0xFFFFF500] =	vst v12  }
0x368: {  	[tilespmem:s6+$0xFFFFF580] =	vst v13  }
0x369: {  	[tilespmem:s6+$0xFFFFF600] =	vst v14  }
0x36a: {  	[tilespmem:s6+$0xFFFFF680] =	vst v15  }
0x36b: {  	[tilespmem:s6+$0xFFFFF700] =	vst v16  }
0x36c: {  	[tilespmem:s6+$0xFFFFF780] =	vst v17  }
0x36d: {  	[tilespmem:s6+$0xFFFFF800] =	vst v18  }
0x36e: {  	[tilespmem:s6+$0xFFFFF880] =	vst v19  }
0x36f: {  	[tilespmem:s6+$0xFFFFF900] =	vst v20  }
0x370: {  	[tilespmem:s6+$0xFFFFF980] =	vst v25  }
0x371: {  	[tilespmem:s6+$0xFFFFFA00] =	vst v23  }
0x372: {  	[tilespmem:s6+$0xFFFFFA80] =	vst v24  }
0x373: {  	[tilespmem:s6+$0xFFFFFB00] =	vst v21  }
0x374: {  	[tilespmem:s6+$0xFFFFFB80] =	vst v22  }
0x375: {  	[tilespmem:s6+$0xFFFFF080] =	vst v2  }
0x376: {  	[tilespmem:s6+$0x0] =	vst v28  }
0x377: {  	[tilespmem:s6+$0xFFFFFC00] =	vst v26  }
0x378: {  	[tilespmem:s6+$0xFFFFFC80] =	vst v27  }
0x379: {  	[tilespmem:s6+$0xFFFFFD00] =	vst v29  }
0x37a: {  	[tilespmem:s6+$0xFFFFFD80] =	vst v30  }
0x37b: {  	[tilespmem:s6+$0xFFFFFE00] =	vst v31  }
0x37c: {  	s20 =	sadd.s32 $0x3, s18;
	[tilespmem:s6+$0xFFFFFE80] =	vst v32  }
0x37d: {  	s21 =	sshll.u32 s20, $0x11;
	[tilespmem:s6+$0xFFFFFF00] =	vst v33  }
0x37e: {  	s17 =	sadd.s32 $0x6680, s17;
	s22 =	sand.u32 $0x3F80000, s21;
	[tilespmem:s6+$0xFFFFFF80] =	vst v3;
	s6 =	sshll.u32 s20, $0xA  }
0x37f: {  	s18 =	sor.u32 s22, s5;
	[bflag:$0x0] =	sbarrier.arrive $0xFFFF;
	s6 =	sand.u32 $0xC00, s6  }
0x380: {  	[tilespmem:s30], [sflag:$0x2] =	stream.indirect.gather [hbm4b:s4+s25], $0x20, s17, s25, $0xb8;
	[tilespmem:$0x10800] =	vst v63  }
0x381: {  	s18 =	sor.u32 s6, s18  }
0x382: {  	s18 =	sshrl.u32 s18, $0x3  }
0x383: {  	s16 =	sadd.s32 $0x1, s16;
	s6 =	sor.u32 s5, s6;
	s18 =	sadd.s32 s2, s18  }
0x384: {  	[hbm4b:s18+s3] =	stream.linear.scatter [tilespmem:s8], [sflag:$0x4], $0x400, $0x38;
	[tilespmem:$0x10800] =	vst v63  }
0x385: {  	p0 =	sne.s32 s16, $0x62;
	s6 =	sor.u32 s21, s6;
	s23 =	sadd.s32 $0x4000, s18  }
0x386: {  	[hbm4b:s23+s3] =	stream.linear.scatter [tilespmem:s9], [sflag:$0x4], $0x400, $0x38;
	[tilespmem:$0x10800] =	vst v63  }
.Ltmp5:
0x387: {  	s6 =	sshrl.u32 s6, $0x3;
	(pc) =	sbr.rel @p0 .LBB2_8-.Ltmp5, $4  }
0x388: {  	s18 =	sadd.s32 $0x8000, s18;
	s6 =	sor.u32 $0xC000, s6  }
0x389: {  	[hbm4b:s18+s3] =	stream.linear.scatter [tilespmem:s10], [sflag:$0x4], $0x400, $0x38;
	[tilespmem:$0x10800] =	vst v63  }
0x38a: {  	s6 =	sadd.s32 s2, s6  }
0x38b: {  	[hbm4b:s6+s3] =	stream.linear.scatter [tilespmem:s11], [sflag:$0x4], $0x400, $0x38;
	[tilespmem:$0x10800] =	vst v63  }
0x38c: {  	_ =	swait.ge [sflag:s31], $0x1000  }
0x38d: {  	[sflag:s31] =	ssyncset.done $0x0  }
0x38e: {  	[sflag:s31] =	ssyncadd.s32 $0xFFFFF000  }
0x38f: {  	_ =	swait.ge [sflag:s12], $0x400  }
0x390: {  	[sflag:s12] =	ssyncset.done $0x0  }
0x391: {  	[sflag:s12] =	ssyncadd.s32 $0xFFFFFC00  }
0x392: {  	_ =	swait.ge [sflag:s12], $0x400  }
0x393: {  	s6 =	simm.s32 $0x0;
	[sflag:s12] =	ssyncset.done $0x0  }
0x394: {  	v2 =	vmov s6;
	[sflag:s12] =	ssyncadd.s32 $0xFFFFFC00  }
0x395: {  	v2 =	vshll.u32 v2, $0x5;
	_ =	swait.ge [sflag:s12], $0x400  }
0x396: {  	v2 =	vor.u32 v1, v2;
	[sflag:s12] =	ssyncset.done $0x0  }
0x397: {  	v3 =	vor.u32 $0x1, v2;
	[sflag:s12] =	ssyncadd.s32 $0xFFFFFC00  }
0x398: {  	v4 =	vor.u32 $0x2, v2;
	_ =	swait.ge [sflag:s12], $0x400  }
0x399: {  	v5 =	vor.u32 $0x3, v2;
	[sflag:s12] =	ssyncset.done $0x0  }
0x39a: {  	v6 =	vor.u32 $0x4, v2;
	[sflag:s12] =	ssyncadd.s32 $0xFFFFFC00  }
0x39b: {  	v8 =	vor.u32 $0x5, v2;
	v7 =	vld.idx.msk [tilespmem:v2+s28+$0x0], $0xffff  }
0x39c: {  	v9 =	vor.u32 $0x6, v2;
	v3 =	vld.idx.msk [tilespmem:v3+s28+$0x0], $0xffff  }
0x39d: {  	v10 =	vor.u32 $0x7, v2;
	v4 =	vld.idx.msk [tilespmem:v4+s28+$0x0], $0xffff  }
0x39e: {  	v11 =	vor.u32 $0x8, v2;
	v5 =	vld.idx.msk [tilespmem:v5+s28+$0x0], $0xffff  }
0x39f: {  	v12 =	vor.u32 $0x9, v2;
	v6 =	vld.idx.msk [tilespmem:v6+s28+$0x0], $0xffff  }
0x3a0: {  	v13 =	vor.u32 $0xA, v2;
	v8 =	vld.idx.msk [tilespmem:v8+s28+$0x0], $0xffff  }
0x3a1: {  	v14 =	vor.u32 $0xB, v2;
	v9 =	vld.idx.msk [tilespmem:v9+s28+$0x0], $0xffff  }
0x3a2: {  	v15 =	vor.u32 $0xC, v2;
	v10 =	vld.idx.msk [tilespmem:v10+s28+$0x0], $0xffff  }
0x3a3: {  	v16 =	vor.u32 $0xD, v2;
	v11 =	vld.idx.msk [tilespmem:v11+s28+$0x0], $0xffff  }
0x3a4: {  	v17 =	vor.u32 $0xE, v2;
	v12 =	vld.idx.msk [tilespmem:v12+s28+$0x0], $0xffff  }
0x3a5: {  	v18 =	vor.u32 $0xF, v2;
	v13 =	vld.idx.msk [tilespmem:v13+s28+$0x0], $0xffff  }
0x3a6: {  	v19 =	vor.u32 $0x10, v2;
	v14 =	vld.idx.msk [tilespmem:v14+s28+$0x0], $0xffff  }
0x3a7: {  	v20 =	vor.u32 $0x11, v2;
	v15 =	vld.idx.msk [tilespmem:v15+s28+$0x0], $0xffff  }
0x3a8: {  	v21 =	vor.u32 $0x12, v2;
	v16 =	vld.idx.msk [tilespmem:v16+s28+$0x0], $0xffff  }
0x3a9: {  	v22 =	vor.u32 $0x13, v2;
	v17 =	vld.idx.msk [tilespmem:v17+s28+$0x0], $0xffff  }
0x3aa: {  	v23 =	vor.u32 $0x14, v2;
	v18 =	vld.idx.msk [tilespmem:v18+s28+$0x0], $0xffff  }
0x3ab: {  	v24 =	vor.u32 $0x15, v2;
	v19 =	vld.idx.msk [tilespmem:v19+s28+$0x0], $0xffff  }
0x3ac: {  	v25 =	vor.u32 $0x16, v2;
	v20 =	vld.idx.msk [tilespmem:v20+s28+$0x0], $0xffff  }
0x3ad: {  	v26 =	vor.u32 $0x17, v2;
	v21 =	vld.idx.msk [tilespmem:v21+s28+$0x0], $0xffff  }
0x3ae: {  	v27 =	vor.u32 $0x18, v2;
	v22 =	vld.idx.msk [tilespmem:v22+s28+$0x0], $0xffff  }
0x3af: {  	v28 =	vor.u32 $0x1F, v2;
	v23 =	vld.idx.msk [tilespmem:v23+s28+$0x0], $0xffff  }
0x3b0: {  	v29 =	vor.u32 $0x19, v2;
	v24 =	vld.idx.msk [tilespmem:v24+s28+$0x0], $0xffff  }
0x3b1: {  	v30 =	vor.u32 $0x1A, v2;
	v25 =	vld.idx.msk [tilespmem:v25+s28+$0x0], $0xffff  }
0x3b2: {  	v31 =	vor.u32 $0x1B, v2;
	v26 =	vld.idx.msk [tilespmem:v26+s28+$0x0], $0xffff  }
0x3b3: {  	v32 =	vor.u32 $0x1C, v2;
	v27 =	vld.idx.msk [tilespmem:v27+s28+$0x0], $0xffff  }
0x3b4: {  	v33 =	vor.u32 $0x1D, v2;
	v28 =	vld.idx.msk [tilespmem:v28+s28+$0x0], $0xffff  }
0x3b5: {  	v29 =	vld.idx.msk [tilespmem:v29+s28+$0x0], $0xffff;
	v2 =	vor.u32 $0x1E, v2  }
0x3b6: {  	v30 =	vld.idx.msk [tilespmem:v30+s28+$0x0], $0xffff  }
0x3b7: {  	v31 =	vld.idx.msk [tilespmem:v31+s28+$0x0], $0xffff  }
0x3b8: {  	v32 =	vld.idx.msk [tilespmem:v32+s28+$0x0], $0xffff  }
0x3b9: {  	s15 =	simm.s32 $0xF000;
	v33 =	vld.idx.msk [tilespmem:v33+s28+$0x0], $0xffff  }
0x3ba: {  	v2 =	vld.idx.msk [tilespmem:v2+s28+$0x0], $0xffff;
	[tilespmem:s15+$0x780] =	vst v28  }
0x3bb: {  	[tilespmem:s15+$0xFFFFF880] =	vst v3  }
0x3bc: {  	[tilespmem:s15+$0xFFFFF900] =	vst v4  }
0x3bd: {  	[tilespmem:s15+$0xFFFFF980] =	vst v5  }
0x3be: {  	[tilespmem:s15+$0xFFFFFA00] =	vst v6  }
0x3bf: {  	[tilespmem:s15+$0xFFFFFA80] =	vst v8  }
0x3c0: {  	[tilespmem:s15+$0xFFFFFB00] =	vst v9  }
0x3c1: {  	[tilespmem:s15+$0xFFFFFB80] =	vst v10  }
0x3c2: {  	[tilespmem:s15+$0xFFFFFC00] =	vst v11  }
0x3c3: {  	[tilespmem:s15+$0xFFFFFC80] =	vst v12  }
0x3c4: {  	[tilespmem:s15+$0xFFFFFD00] =	vst v13  }
0x3c5: {  	[tilespmem:s15+$0xFFFFFD80] =	vst v14  }
0x3c6: {  	[tilespmem:s15+$0xFFFFFE00] =	vst v15  }
0x3c7: {  	[tilespmem:s15+$0xFFFFFE80] =	vst v16  }
0x3c8: {  	[tilespmem:s15+$0xFFFFFF00] =	vst v17  }
0x3c9: {  	[tilespmem:s15+$0xFFFFFF80] =	vst v18  }
0x3ca: {  	[tilespmem:s15+$0x0] =	vst v19  }
0x3cb: {  	[tilespmem:s15+$0x80] =	vst v20  }
0x3cc: {  	[tilespmem:s15+$0x100] =	vst v21  }
0x3cd: {  	[tilespmem:s15+$0x180] =	vst v22  }
0x3ce: {  	[tilespmem:s15+$0x200] =	vst v23  }
0x3cf: {  	[tilespmem:s15+$0x280] =	vst v24  }
0x3d0: {  	[tilespmem:s15+$0x300] =	vst v25  }
0x3d1: {  	[tilespmem:s15+$0x380] =	vst v26  }
0x3d2: {  	s23 =	simm.s32 $0x10;
	[tilespmem:s15+$0x400] =	vst v27  }
0x3d3: {  	v3 =	vmov s23;
	[tilespmem:s15+$0x480] =	vst v29  }
0x3d4: {  	[tilespmem:s15+$0x500] =	vst v30;
	v3 =	vshll.u32 v3, $0x5  }
0x3d5: {  	[tilespmem:s15+$0x580] =	vst v31;
	v3 =	vor.u32 v1, v3  }
0x3d6: {  	[tilespmem:s15+$0x600] =	vst v32;
	v4 =	vor.u32 $0x1, v3  }
0x3d7: {  	[tilespmem:s15+$0x680] =	vst v33;
	v5 =	vor.u32 $0x2, v3  }
0x3d8: {  	[tilespmem:s15+$0xFFFFF800] =	vst v7;
	v6 =	vor.u32 $0x3, v3  }
0x3d9: {  	v8 =	vor.u32 $0x4, v3;
	[tilespmem:s15+$0x700] =	vst v2  }
0x3da: {  	v9 =	vor.u32 $0x5, v3;
	v2 =	vld.idx.msk [tilespmem:v3+s28+$0x0], $0xffff  }
0x3db: {  	v10 =	vor.u32 $0x6, v3;
	v4 =	vld.idx.msk [tilespmem:v4+s28+$0x0], $0xffff  }
0x3dc: {  	v11 =	vor.u32 $0x7, v3;
	v5 =	vld.idx.msk [tilespmem:v5+s28+$0x0], $0xffff  }
0x3dd: {  	v12 =	vor.u32 $0x8, v3;
	v6 =	vld.idx.msk [tilespmem:v6+s28+$0x0], $0xffff  }
0x3de: {  	v13 =	vor.u32 $0x9, v3;
	v7 =	vld.idx.msk [tilespmem:v8+s28+$0x0], $0xffff  }
0x3df: {  	v14 =	vor.u32 $0xA, v3;
	v8 =	vld.idx.msk [tilespmem:v9+s28+$0x0], $0xffff  }
0x3e0: {  	v15 =	vor.u32 $0xB, v3;
	v9 =	vld.idx.msk [tilespmem:v10+s28+$0x0], $0xffff  }
0x3e1: {  	v16 =	vor.u32 $0xC, v3;
	v10 =	vld.idx.msk [tilespmem:v11+s28+$0x0], $0xffff  }
0x3e2: {  	v17 =	vor.u32 $0xD, v3;
	v11 =	vld.idx.msk [tilespmem:v12+s28+$0x0], $0xffff  }
0x3e3: {  	v18 =	vor.u32 $0xE, v3;
	v12 =	vld.idx.msk [tilespmem:v13+s28+$0x0], $0xffff  }
0x3e4: {  	v19 =	vor.u32 $0xF, v3;
	v13 =	vld.idx.msk [tilespmem:v14+s28+$0x0], $0xffff  }
0x3e5: {  	v20 =	vor.u32 $0x10, v3;
	v14 =	vld.idx.msk [tilespmem:v15+s28+$0x0], $0xffff  }
0x3e6: {  	v22 =	vor.u32 $0x11, v3;
	v15 =	vld.idx.msk [tilespmem:v16+s28+$0x0], $0xffff  }
0x3e7: {  	v25 =	vor.u32 $0x12, v3;
	v16 =	vld.idx.msk [tilespmem:v17+s28+$0x0], $0xffff  }
0x3e8: {  	v23 =	vor.u32 $0x13, v3;
	v17 =	vld.idx.msk [tilespmem:v18+s28+$0x0], $0xffff  }
0x3e9: {  	v24 =	vor.u32 $0x14, v3;
	v18 =	vld.idx.msk [tilespmem:v19+s28+$0x0], $0xffff  }
0x3ea: {  	v21 =	vor.u32 $0x15, v3;
	v19 =	vld.idx.msk [tilespmem:v20+s28+$0x0], $0xffff  }
0x3eb: {  	s16 =	simm.s32 $0x20;
	v20 =	vld.idx.msk [tilespmem:v22+s28+$0x0], $0xffff;
	v22 =	vor.u32 $0x16, v3  }
.LBB2_14:
0x3ec: {  	p0 =	sne.s32 s16, $0x70;
	v25 =	vld.idx.msk [tilespmem:v25+s28+$0x0], $0xffff;
	v26 =	vor.u32 $0x17, v3  }
0x3ed: {  	v27 =	vor.u32 $0x18, v3;
	v23 =	vld.idx.msk [tilespmem:v23+s28+$0x0], $0xffff  }
0x3ee: {  	v28 =	vor.u32 $0x1F, v3;
	v24 =	vld.idx.msk [tilespmem:v24+s28+$0x0], $0xffff  }
0x3ef: {  	v29 =	vor.u32 $0x19, v3;
	v21 =	vld.idx.msk [tilespmem:v21+s28+$0x0], $0xffff  }
0x3f0: {  	v30 =	vor.u32 $0x1A, v3;
	v22 =	vld.idx.msk [tilespmem:v22+s28+$0x0], $0xffff  }
0x3f1: {  	v31 =	vor.u32 $0x1B, v3;
	v26 =	vld.idx.msk [tilespmem:v26+s28+$0x0], $0xffff  }
0x3f2: {  	v32 =	vor.u32 $0x1C, v3;
	v27 =	vld.idx.msk [tilespmem:v27+s28+$0x0], $0xffff  }
0x3f3: {  	v33 =	vor.u32 $0x1D, v3;
	v28 =	vld.idx.msk [tilespmem:v28+s28+$0x0], $0xffff  }
0x3f4: {  	v3 =	vor.u32 $0x1E, v3;
	v29 =	vld.idx.msk [tilespmem:v29+s28+$0x0], $0xffff  }
0x3f5: {  	v30 =	vld.idx.msk [tilespmem:v30+s28+$0x0], $0xffff  }
0x3f6: {  	v31 =	vld.idx.msk [tilespmem:v31+s28+$0x0], $0xffff  }
0x3f7: {  	v32 =	vld.idx.msk [tilespmem:v32+s28+$0x0], $0xffff  }
0x3f8: {  	s15 =	sadd.s32 $0x10, s15;
	v33 =	vld.idx.msk [tilespmem:v33+s28+$0x0], $0xffff  }
0x3f9: {  	v34 =	vld.idx.msk [tilespmem:v3+s28+$0x0], $0xffff;
	[tilespmem:s15+$0x780] =	vst v28  }
0x3fa: {  	[tilespmem:s15+$0xFFFFF880] =	vst v4  }
0x3fb: {  	[tilespmem:s15+$0xFFFFF900] =	vst v5  }
0x3fc: {  	[tilespmem:s15+$0xFFFFF980] =	vst v6  }
0x3fd: {  	[tilespmem:s15+$0xFFFFFA00] =	vst v7  }
0x3fe: {  	[tilespmem:s15+$0xFFFFFA80] =	vst v8  }
0x3ff: {  	[tilespmem:s15+$0xFFFFFB00] =	vst v9  }
0x400: {  	[tilespmem:s15+$0xFFFFFB80] =	vst v10  }
0x401: {  	[tilespmem:s15+$0xFFFFFC00] =	vst v11  }
0x402: {  	[tilespmem:s15+$0xFFFFFC80] =	vst v12  }
0x403: {  	[tilespmem:s15+$0xFFFFFD00] =	vst v13  }
0x404: {  	[tilespmem:s15+$0xFFFFFD80] =	vst v14  }
0x405: {  	[tilespmem:s15+$0xFFFFFE00] =	vst v15  }
0x406: {  	[tilespmem:s15+$0xFFFFFE80] =	vst v16  }
0x407: {  	[tilespmem:s15+$0xFFFFFF00] =	vst v17  }
0x408: {  	[tilespmem:s15+$0xFFFFFF80] =	vst v18  }
0x409: {  	[tilespmem:s15+$0x0] =	vst v19  }
0x40a: {  	[tilespmem:s15+$0x80] =	vst v20  }
0x40b: {  	[tilespmem:s15+$0x100] =	vst v25  }
0x40c: {  	[tilespmem:s15+$0x180] =	vst v23  }
0x40d: {  	[tilespmem:s15+$0x200] =	vst v24  }
0x40e: {  	[tilespmem:s15+$0x280] =	vst v21  }
0x40f: {  	[tilespmem:s15+$0x300] =	vst v22  }
0x410: {  	[tilespmem:s15+$0x380] =	vst v26  }
0x411: {  	[tilespmem:s15+$0x400] =	vst v27  }
0x412: {  	v3 =	vmov s16;
	[tilespmem:s15+$0x480] =	vst v29  }
0x413: {  	v3 =	vshll.u32 v3, $0x5;
	[tilespmem:s15+$0x500] =	vst v30  }
0x414: {  	v3 =	vor.u32 v1, v3;
	[tilespmem:s15+$0x580] =	vst v31  }
0x415: {  	v4 =	vor.u32 $0x1, v3;
	[tilespmem:s15+$0x600] =	vst v32  }
0x416: {  	v5 =	vor.u32 $0x2, v3;
	[tilespmem:s15+$0x680] =	vst v33  }
0x417: {  	v6 =	vor.u32 $0x3, v3;
	[tilespmem:s15+$0x700] =	vst v34  }
0x418: {  	v7 =	vor.u32 $0x4, v3;
	[tilespmem:s15+$0xFFFFF800] =	vst v2  }
0x419: {  	v8 =	vor.u32 $0x5, v3;
	v2 =	vld.idx.msk [tilespmem:v3+s28+$0x0], $0xffff  }
0x41a: {  	v9 =	vor.u32 $0x6, v3;
	v4 =	vld.idx.msk [tilespmem:v4+s28+$0x0], $0xffff  }
0x41b: {  	v10 =	vor.u32 $0x7, v3;
	v5 =	vld.idx.msk [tilespmem:v5+s28+$0x0], $0xffff  }
0x41c: {  	v11 =	vor.u32 $0x8, v3;
	v6 =	vld.idx.msk [tilespmem:v6+s28+$0x0], $0xffff  }
0x41d: {  	v12 =	vor.u32 $0x9, v3;
	v7 =	vld.idx.msk [tilespmem:v7+s28+$0x0], $0xffff  }
0x41e: {  	v13 =	vor.u32 $0xA, v3;
	v8 =	vld.idx.msk [tilespmem:v8+s28+$0x0], $0xffff  }
0x41f: {  	v14 =	vor.u32 $0xB, v3;
	v9 =	vld.idx.msk [tilespmem:v9+s28+$0x0], $0xffff  }
0x420: {  	v15 =	vor.u32 $0xC, v3;
	v10 =	vld.idx.msk [tilespmem:v10+s28+$0x0], $0xffff  }
0x421: {  	v16 =	vor.u32 $0xD, v3;
	v11 =	vld.idx.msk [tilespmem:v11+s28+$0x0], $0xffff  }
0x422: {  	v17 =	vor.u32 $0xE, v3;
	v12 =	vld.idx.msk [tilespmem:v12+s28+$0x0], $0xffff  }
0x423: {  	v18 =	vor.u32 $0xF, v3;
	v13 =	vld.idx.msk [tilespmem:v13+s28+$0x0], $0xffff  }
0x424: {  	v19 =	vor.u32 $0x10, v3;
	v14 =	vld.idx.msk [tilespmem:v14+s28+$0x0], $0xffff  }
0x425: {  	v20 =	vor.u32 $0x11, v3;
	v15 =	vld.idx.msk [tilespmem:v15+s28+$0x0], $0xffff  }
.Ltmp6:
0x426: {  	v25 =	vor.u32 $0x12, v3;
	v16 =	vld.idx.msk [tilespmem:v16+s28+$0x0], $0xffff;
	(pc) =	sbr.rel @p0 .LBB2_14-.Ltmp6, $4  }
0x427: {  	v23 =	vor.u32 $0x13, v3;
	v17 =	vld.idx.msk [tilespmem:v17+s28+$0x0], $0xffff  }
0x428: {  	v24 =	vor.u32 $0x14, v3;
	v18 =	vld.idx.msk [tilespmem:v18+s28+$0x0], $0xffff  }
0x429: {  	v21 =	vor.u32 $0x15, v3;
	v19 =	vld.idx.msk [tilespmem:v19+s28+$0x0], $0xffff  }
0x42a: {  	s16 =	sadd.s32 $0x10, s16;
	v22 =	vor.u32 $0x16, v3;
	v20 =	vld.idx.msk [tilespmem:v20+s28+$0x0], $0xffff  }
0x42b: {  	_ =	sdelay $0x3  }
0x42c: {  	v25 =	vld.idx.msk [tilespmem:v25+s28+$0x0], $0xffff;
	v26 =	vor.u32 $0x17, v3  }
0x42d: {  	v23 =	vld.idx.msk [tilespmem:v23+s28+$0x0], $0xffff;
	v27 =	vor.u32 $0x18, v3  }
0x42e: {  	v24 =	vld.idx.msk [tilespmem:v24+s28+$0x0], $0xffff;
	v28 =	vor.u32 $0x1F, v3  }
0x42f: {  	v21 =	vld.idx.msk [tilespmem:v21+s28+$0x0], $0xffff;
	v29 =	vor.u32 $0x19, v3  }
0x430: {  	v22 =	vld.idx.msk [tilespmem:v22+s28+$0x0], $0xffff;
	v30 =	vor.u32 $0x1A, v3  }
0x431: {  	v31 =	vor.u32 $0x1B, v3;
	v26 =	vld.idx.msk [tilespmem:v26+s28+$0x0], $0xffff  }
0x432: {  	v32 =	vor.u32 $0x1C, v3;
	v27 =	vld.idx.msk [tilespmem:v27+s28+$0x0], $0xffff  }
0x433: {  	v33 =	vor.u32 $0x1D, v3;
	v28 =	vld.idx.msk [tilespmem:v28+s28+$0x0], $0xffff  }
0x434: {  	v3 =	vor.u32 $0x1E, v3;
	v29 =	vld.idx.msk [tilespmem:v29+s28+$0x0], $0xffff  }
0x435: {  	v30 =	vld.idx.msk [tilespmem:v30+s28+$0x0], $0xffff  }
0x436: {  	v31 =	vld.idx.msk [tilespmem:v31+s28+$0x0], $0xffff  }
0x437: {  	v32 =	vld.idx.msk [tilespmem:v32+s28+$0x0], $0xffff  }
0x438: {  	s6 =	sadd.s32 $0x10, s15;
	v33 =	vld.idx.msk [tilespmem:v33+s28+$0x0], $0xffff  }
0x439: {  	v3 =	vld.idx.msk [tilespmem:v3+s28+$0x0], $0xffff;
	[tilespmem:s6+$0xFFFFF880] =	vst v4  }
0x43a: {  	[tilespmem:s6+$0xFFFFF900] =	vst v5  }
0x43b: {  	[tilespmem:s6+$0xFFFFF980] =	vst v6  }
0x43c: {  	[tilespmem:s6+$0xFFFFFA00] =	vst v7  }
0x43d: {  	[tilespmem:s6+$0xFFFFFA80] =	vst v8  }
0x43e: {  	[tilespmem:s6+$0xFFFFFB00] =	vst v9  }
0x43f: {  	[tilespmem:s6+$0xFFFFFB80] =	vst v10  }
0x440: {  	[tilespmem:s6+$0xFFFFFC00] =	vst v11  }
0x441: {  	[tilespmem:s6+$0xFFFFFC80] =	vst v12  }
0x442: {  	[tilespmem:s6+$0xFFFFFD00] =	vst v13  }
0x443: {  	[tilespmem:s6+$0xFFFFFD80] =	vst v14  }
0x444: {  	[tilespmem:s6+$0xFFFFFE00] =	vst v15  }
0x445: {  	[tilespmem:s6+$0xFFFFFE80] =	vst v16  }
0x446: {  	[tilespmem:s6+$0xFFFFFF00] =	vst v17  }
0x447: {  	[tilespmem:s6+$0xFFFFFF80] =	vst v18  }
0x448: {  	[tilespmem:s6+$0x0] =	vst v19  }
0x449: {  	[tilespmem:s6+$0x80] =	vst v20  }
0x44a: {  	[tilespmem:s6+$0x100] =	vst v25  }
0x44b: {  	[tilespmem:s6+$0x180] =	vst v23  }
0x44c: {  	[tilespmem:s6+$0x200] =	vst v24  }
0x44d: {  	[tilespmem:s6+$0x280] =	vst v21  }
0x44e: {  	[tilespmem:s6+$0x300] =	vst v22  }
0x44f: {  	[tilespmem:s6+$0xFFFFF800] =	vst v2  }
0x450: {  	[tilespmem:s6+$0x780] =	vst v28  }
0x451: {  	[tilespmem:s6+$0x380] =	vst v26  }
0x452: {  	[tilespmem:s6+$0x400] =	vst v27  }
0x453: {  	[tilespmem:s6+$0x480] =	vst v29  }
0x454: {  	[tilespmem:s6+$0x500] =	vst v30  }
0x455: {  	[tilespmem:s6+$0x580] =	vst v31  }
0x456: {  	[tilespmem:s6+$0x600] =	vst v32  }
0x457: {  	[tilespmem:s6+$0x680] =	vst v33  }
0x458: {  	[tilespmem:s6+$0x700] =	vst v3  }
0x459: {  	[bflag:$0x0] =	sbarrier.arrive $0xFFFF  }
0x45a: {  	s18 =	simm.s32 $0x0;
	s19 =	rddreg [dreg:$0xb]  }
0x45b: {  	[hbm4b:s19+s18] =	stream.linear.scatter [tilespmem:s1], [sflag:$0x3], $0x400, $0x38;
	[tilespmem:$0x10800] =	vst v63  }
0x45c: {  	s20 =	rddreg [dreg:$0xc]  }
0x45d: {  	[hbm4b:s20+s18] =	stream.linear.scatter [tilespmem:s26], [sflag:$0x3], $0x400, $0x38;
	[tilespmem:$0x10800] =	vst v63  }
0x45e: {  	s21 =	rddreg [dreg:$0xe]  }
0x45f: {  	[hbm4b:s21+s18] =	stream.linear.scatter [tilespmem:s29], [sflag:$0x3], $0x400, $0x38;
	[tilespmem:$0x10800] =	vst v63  }
0x460: {  	s22 =	rddreg [dreg:$0xf]  }
0x461: {  	[hbm4b:s22+s18] =	stream.linear.scatter [tilespmem:s0], [sflag:$0x3], $0x400, $0x38;
	[tilespmem:$0x10800] =	vst v63  }
0x462: {  	_ =	swait.ge [sflag:s7], $0x1000  }
0x463: {  	[sflag:s7] =	ssyncset.done $0x0  }
0x464: {  	[sflag:s7] =	ssyncadd.s32 $0xFFFFF000  }
0x465: {  	_ =	swait.ge [sflag:s13], $0x400  }
0x466: {  	[sflag:s13] =	ssyncset.done $0x0  }
0x467: {  	[sflag:s13] =	ssyncadd.s32 $0xFFFFFC00  }
0x468: {  	_ =	swait.ge [sflag:s13], $0x400  }
0x469: {  	[sflag:s13] =	ssyncset.done $0x0  }
0x46a: {  	v2 =	vmov s18;
	[sflag:s13] =	ssyncadd.s32 $0xFFFFFC00  }
0x46b: {  	v2 =	vshll.u32 v2, $0x5;
	_ =	swait.ge [sflag:s13], $0x400  }
0x46c: {  	v2 =	vor.u32 v1, v2;
	[sflag:s13] =	ssyncset.done $0x0  }
0x46d: {  	v3 =	vor.u32 $0x1, v2;
	[sflag:s13] =	ssyncadd.s32 $0xFFFFFC00  }
0x46e: {  	v4 =	vor.u32 $0x2, v2;
	_ =	swait.ge [sflag:s13], $0x400  }
0x46f: {  	v5 =	vor.u32 $0x3, v2;
	[sflag:s13] =	ssyncset.done $0x0  }
0x470: {  	v6 =	vor.u32 $0x4, v2;
	[sflag:s13] =	ssyncadd.s32 $0xFFFFFC00  }
0x471: {  	v8 =	vor.u32 $0x5, v2;
	v7 =	vld.idx.msk [tilespmem:v2+s30+$0x0], $0xffff  }
0x472: {  	v9 =	vor.u32 $0x6, v2;
	v3 =	vld.idx.msk [tilespmem:v3+s30+$0x0], $0xffff  }
0x473: {  	v10 =	vor.u32 $0x7, v2;
	v4 =	vld.idx.msk [tilespmem:v4+s30+$0x0], $0xffff  }
0x474: {  	v11 =	vor.u32 $0x8, v2;
	v5 =	vld.idx.msk [tilespmem:v5+s30+$0x0], $0xffff  }
0x475: {  	v12 =	vor.u32 $0x9, v2;
	v6 =	vld.idx.msk [tilespmem:v6+s30+$0x0], $0xffff  }
0x476: {  	v13 =	vor.u32 $0xA, v2;
	v8 =	vld.idx.msk [tilespmem:v8+s30+$0x0], $0xffff  }
0x477: {  	v14 =	vor.u32 $0xB, v2;
	v9 =	vld.idx.msk [tilespmem:v9+s30+$0x0], $0xffff  }
0x478: {  	v15 =	vor.u32 $0xC, v2;
	v10 =	vld.idx.msk [tilespmem:v10+s30+$0x0], $0xffff  }
0x479: {  	v16 =	vor.u32 $0xD, v2;
	v11 =	vld.idx.msk [tilespmem:v11+s30+$0x0], $0xffff  }
0x47a: {  	v17 =	vor.u32 $0xE, v2;
	v12 =	vld.idx.msk [tilespmem:v12+s30+$0x0], $0xffff  }
0x47b: {  	v18 =	vor.u32 $0xF, v2;
	v13 =	vld.idx.msk [tilespmem:v13+s30+$0x0], $0xffff  }
0x47c: {  	v19 =	vor.u32 $0x10, v2;
	v14 =	vld.idx.msk [tilespmem:v14+s30+$0x0], $0xffff  }
0x47d: {  	v20 =	vor.u32 $0x11, v2;
	v15 =	vld.idx.msk [tilespmem:v15+s30+$0x0], $0xffff  }
0x47e: {  	v21 =	vor.u32 $0x12, v2;
	v16 =	vld.idx.msk [tilespmem:v16+s30+$0x0], $0xffff  }
0x47f: {  	v22 =	vor.u32 $0x13, v2;
	v17 =	vld.idx.msk [tilespmem:v17+s30+$0x0], $0xffff  }
0x480: {  	v23 =	vor.u32 $0x14, v2;
	v18 =	vld.idx.msk [tilespmem:v18+s30+$0x0], $0xffff  }
0x481: {  	v24 =	vor.u32 $0x15, v2;
	v19 =	vld.idx.msk [tilespmem:v19+s30+$0x0], $0xffff  }
0x482: {  	v25 =	vor.u32 $0x16, v2;
	v20 =	vld.idx.msk [tilespmem:v20+s30+$0x0], $0xffff  }
0x483: {  	v26 =	vor.u32 $0x17, v2;
	v21 =	vld.idx.msk [tilespmem:v21+s30+$0x0], $0xffff  }
0x484: {  	v27 =	vor.u32 $0x18, v2;
	v22 =	vld.idx.msk [tilespmem:v22+s30+$0x0], $0xffff  }
0x485: {  	v58 =	vor.u32 $0x1F, v2;
	v23 =	vld.idx.msk [tilespmem:v23+s30+$0x0], $0xffff  }
0x486: {  	v59 =	vor.u32 $0x19, v2;
	v24 =	vld.idx.msk [tilespmem:v24+s30+$0x0], $0xffff  }
0x487: {  	v60 =	vor.u32 $0x1A, v2;
	v25 =	vld.idx.msk [tilespmem:v25+s30+$0x0], $0xffff  }
0x488: {  	v61 =	vor.u32 $0x1B, v2;
	v26 =	vld.idx.msk [tilespmem:v26+s30+$0x0], $0xffff  }
0x489: {  	v62 =	vor.u32 $0x1C, v2;
	v27 =	vld.idx.msk [tilespmem:v27+s30+$0x0], $0xffff  }
0x48a: {  	v63 =	vor.u32 $0x1D, v2;
	v28 =	vld.idx.msk [tilespmem:v58+s30+$0x0], $0xffff  }
0x48b: {  	v29 =	vld.idx.msk [tilespmem:v59+s30+$0x0], $0xffff;
	v2 =	vor.u32 $0x1E, v2  }
0x48c: {  	v30 =	vld.idx.msk [tilespmem:v60+s30+$0x0], $0xffff  }
0x48d: {  	v31 =	vld.idx.msk [tilespmem:v61+s30+$0x0], $0xffff  }
0x48e: {  	v32 =	vld.idx.msk [tilespmem:v62+s30+$0x0], $0xffff  }
0x48f: {  	s15 =	simm.s32 $0x10780;
	v33 =	vld.idx.msk [tilespmem:v63+s30+$0x0], $0xffff  }
0x490: {  	v2 =	vld.idx.msk [tilespmem:v2+s30+$0x0], $0xffff;
	[tilespmem:s15+$0x0] =	vst v28  }
0x491: {  	[tilespmem:s15+$0xFFFFF100] =	vst v3  }
0x492: {  	[tilespmem:s15+$0xFFFFF180] =	vst v4  }
0x493: {  	[tilespmem:s15+$0xFFFFF200] =	vst v5  }
0x494: {  	[tilespmem:s15+$0xFFFFF280] =	vst v6  }
0x495: {  	[tilespmem:s15+$0xFFFFF300] =	vst v8  }
0x496: {  	[tilespmem:s15+$0xFFFFF380] =	vst v9  }
0x497: {  	[tilespmem:s15+$0xFFFFF400] =	vst v10  }
0x498: {  	[tilespmem:s15+$0xFFFFF480] =	vst v11  }
0x499: {  	[tilespmem:s15+$0xFFFFF500] =	vst v12  }
0x49a: {  	[tilespmem:s15+$0xFFFFF580] =	vst v13  }
0x49b: {  	[tilespmem:s15+$0xFFFFF600] =	vst v14  }
0x49c: {  	[tilespmem:s15+$0xFFFFF680] =	vst v15  }
0x49d: {  	[tilespmem:s15+$0xFFFFF700] =	vst v16  }
0x49e: {  	[tilespmem:s15+$0xFFFFF780] =	vst v17  }
0x49f: {  	[tilespmem:s15+$0xFFFFF800] =	vst v18  }
0x4a0: {  	[tilespmem:s15+$0xFFFFF880] =	vst v19  }
0x4a1: {  	[tilespmem:s15+$0xFFFFF900] =	vst v20  }
0x4a2: {  	[tilespmem:s15+$0xFFFFF980] =	vst v21  }
0x4a3: {  	[tilespmem:s15+$0xFFFFFA00] =	vst v22  }
0x4a4: {  	[tilespmem:s15+$0xFFFFFA80] =	vst v23  }
0x4a5: {  	[tilespmem:s15+$0xFFFFFB00] =	vst v24  }
0x4a6: {  	[tilespmem:s15+$0xFFFFFB80] =	vst v25  }
0x4a7: {  	[tilespmem:s15+$0xFFFFFC00] =	vst v26  }
0x4a8: {  	s23 =	simm.s32 $0x10;
	[tilespmem:s15+$0xFFFFFC80] =	vst v27  }
0x4a9: {  	v3 =	vmov s23;
	[tilespmem:s15+$0xFFFFFD00] =	vst v29  }
0x4aa: {  	[tilespmem:s15+$0xFFFFFD80] =	vst v30;
	v3 =	vshll.u32 v3, $0x5  }
0x4ab: {  	[tilespmem:s15+$0xFFFFFE00] =	vst v31;
	v3 =	vor.u32 v1, v3  }
0x4ac: {  	[tilespmem:s15+$0xFFFFFE80] =	vst v32;
	v4 =	vor.u32 $0x1, v3  }
0x4ad: {  	[tilespmem:s15+$0xFFFFFF00] =	vst v33;
	v5 =	vor.u32 $0x2, v3  }
0x4ae: {  	[tilespmem:s15+$0xFFFFF080] =	vst v7;
	v6 =	vor.u32 $0x3, v3  }
0x4af: {  	v8 =	vor.u32 $0x4, v3;
	[tilespmem:s15+$0xFFFFFF80] =	vst v2  }
0x4b0: {  	v9 =	vor.u32 $0x5, v3;
	v2 =	vld.idx.msk [tilespmem:v3+s30+$0x0], $0xffff  }
0x4b1: {  	v10 =	vor.u32 $0x6, v3;
	v4 =	vld.idx.msk [tilespmem:v4+s30+$0x0], $0xffff  }
0x4b2: {  	v11 =	vor.u32 $0x7, v3;
	v5 =	vld.idx.msk [tilespmem:v5+s30+$0x0], $0xffff  }
0x4b3: {  	v12 =	vor.u32 $0x8, v3;
	v6 =	vld.idx.msk [tilespmem:v6+s30+$0x0], $0xffff  }
0x4b4: {  	v13 =	vor.u32 $0x9, v3;
	v7 =	vld.idx.msk [tilespmem:v8+s30+$0x0], $0xffff  }
0x4b5: {  	v14 =	vor.u32 $0xA, v3;
	v8 =	vld.idx.msk [tilespmem:v9+s30+$0x0], $0xffff  }
0x4b6: {  	v15 =	vor.u32 $0xB, v3;
	v9 =	vld.idx.msk [tilespmem:v10+s30+$0x0], $0xffff  }
0x4b7: {  	v16 =	vor.u32 $0xC, v3;
	v10 =	vld.idx.msk [tilespmem:v11+s30+$0x0], $0xffff  }
0x4b8: {  	v17 =	vor.u32 $0xD, v3;
	v11 =	vld.idx.msk [tilespmem:v12+s30+$0x0], $0xffff  }
0x4b9: {  	v18 =	vor.u32 $0xE, v3;
	v12 =	vld.idx.msk [tilespmem:v13+s30+$0x0], $0xffff  }
0x4ba: {  	v19 =	vor.u32 $0xF, v3;
	v13 =	vld.idx.msk [tilespmem:v14+s30+$0x0], $0xffff  }
0x4bb: {  	v20 =	vor.u32 $0x10, v3;
	v14 =	vld.idx.msk [tilespmem:v15+s30+$0x0], $0xffff  }
0x4bc: {  	v22 =	vor.u32 $0x11, v3;
	v15 =	vld.idx.msk [tilespmem:v16+s30+$0x0], $0xffff  }
0x4bd: {  	v25 =	vor.u32 $0x12, v3;
	v16 =	vld.idx.msk [tilespmem:v17+s30+$0x0], $0xffff  }
0x4be: {  	v23 =	vor.u32 $0x13, v3;
	v17 =	vld.idx.msk [tilespmem:v18+s30+$0x0], $0xffff  }
0x4bf: {  	v24 =	vor.u32 $0x14, v3;
	v18 =	vld.idx.msk [tilespmem:v19+s30+$0x0], $0xffff  }
0x4c0: {  	v21 =	vor.u32 $0x15, v3;
	v19 =	vld.idx.msk [tilespmem:v20+s30+$0x0], $0xffff  }
0x4c1: {  	s16 =	simm.s32 $0x20;
	v20 =	vld.idx.msk [tilespmem:v22+s30+$0x0], $0xffff;
	v22 =	vor.u32 $0x16, v3  }
.LBB2_16:
0x4c2: {  	p0 =	sne.s32 s16, $0x70;
	v25 =	vld.idx.msk [tilespmem:v25+s30+$0x0], $0xffff;
	v26 =	vor.u32 $0x17, v3  }
0x4c3: {  	v27 =	vor.u32 $0x18, v3;
	v23 =	vld.idx.msk [tilespmem:v23+s30+$0x0], $0xffff  }
0x4c4: {  	v28 =	vor.u32 $0x1F, v3;
	v24 =	vld.idx.msk [tilespmem:v24+s30+$0x0], $0xffff  }
0x4c5: {  	v29 =	vor.u32 $0x19, v3;
	v21 =	vld.idx.msk [tilespmem:v21+s30+$0x0], $0xffff  }
0x4c6: {  	v30 =	vor.u32 $0x1A, v3;
	v22 =	vld.idx.msk [tilespmem:v22+s30+$0x0], $0xffff  }
0x4c7: {  	v31 =	vor.u32 $0x1B, v3;
	v26 =	vld.idx.msk [tilespmem:v26+s30+$0x0], $0xffff  }
0x4c8: {  	v32 =	vor.u32 $0x1C, v3;
	v27 =	vld.idx.msk [tilespmem:v27+s30+$0x0], $0xffff  }
0x4c9: {  	v33 =	vor.u32 $0x1D, v3;
	v28 =	vld.idx.msk [tilespmem:v28+s30+$0x0], $0xffff  }
0x4ca: {  	v3 =	vor.u32 $0x1E, v3;
	v29 =	vld.idx.msk [tilespmem:v29+s30+$0x0], $0xffff  }
0x4cb: {  	v30 =	vld.idx.msk [tilespmem:v30+s30+$0x0], $0xffff  }
0x4cc: {  	v31 =	vld.idx.msk [tilespmem:v31+s30+$0x0], $0xffff  }
0x4cd: {  	v32 =	vld.idx.msk [tilespmem:v32+s30+$0x0], $0xffff  }
0x4ce: {  	s15 =	sadd.s32 $0x10, s15;
	v33 =	vld.idx.msk [tilespmem:v33+s30+$0x0], $0xffff  }
0x4cf: {  	v34 =	vld.idx.msk [tilespmem:v3+s30+$0x0], $0xffff;
	[tilespmem:s15+$0x0] =	vst v28  }
0x4d0: {  	[tilespmem:s15+$0xFFFFF100] =	vst v4  }
0x4d1: {  	[tilespmem:s15+$0xFFFFF180] =	vst v5  }
0x4d2: {  	[tilespmem:s15+$0xFFFFF200] =	vst v6  }
0x4d3: {  	[tilespmem:s15+$0xFFFFF280] =	vst v7  }
0x4d4: {  	[tilespmem:s15+$0xFFFFF300] =	vst v8  }
0x4d5: {  	[tilespmem:s15+$0xFFFFF380] =	vst v9  }
0x4d6: {  	[tilespmem:s15+$0xFFFFF400] =	vst v10  }
0x4d7: {  	[tilespmem:s15+$0xFFFFF480] =	vst v11  }
0x4d8: {  	[tilespmem:s15+$0xFFFFF500] =	vst v12  }
0x4d9: {  	[tilespmem:s15+$0xFFFFF580] =	vst v13  }
0x4da: {  	[tilespmem:s15+$0xFFFFF600] =	vst v14  }
0x4db: {  	[tilespmem:s15+$0xFFFFF680] =	vst v15  }
0x4dc: {  	[tilespmem:s15+$0xFFFFF700] =	vst v16  }
0x4dd: {  	[tilespmem:s15+$0xFFFFF780] =	vst v17  }
0x4de: {  	[tilespmem:s15+$0xFFFFF800] =	vst v18  }
0x4df: {  	[tilespmem:s15+$0xFFFFF880] =	vst v19  }
0x4e0: {  	[tilespmem:s15+$0xFFFFF900] =	vst v20  }
0x4e1: {  	[tilespmem:s15+$0xFFFFF980] =	vst v25  }
0x4e2: {  	[tilespmem:s15+$0xFFFFFA00] =	vst v23  }
0x4e3: {  	[tilespmem:s15+$0xFFFFFA80] =	vst v24  }
0x4e4: {  	[tilespmem:s15+$0xFFFFFB00] =	vst v21  }
0x4e5: {  	[tilespmem:s15+$0xFFFFFB80] =	vst v22  }
0x4e6: {  	[tilespmem:s15+$0xFFFFFC00] =	vst v26  }
0x4e7: {  	[tilespmem:s15+$0xFFFFFC80] =	vst v27  }
0x4e8: {  	v3 =	vmov s16;
	[tilespmem:s15+$0xFFFFFD00] =	vst v29  }
0x4e9: {  	v3 =	vshll.u32 v3, $0x5;
	[tilespmem:s15+$0xFFFFFD80] =	vst v30  }
0x4ea: {  	v3 =	vor.u32 v1, v3;
	[tilespmem:s15+$0xFFFFFE00] =	vst v31  }
0x4eb: {  	v4 =	vor.u32 $0x1, v3;
	[tilespmem:s15+$0xFFFFFE80] =	vst v32  }
0x4ec: {  	v5 =	vor.u32 $0x2, v3;
	[tilespmem:s15+$0xFFFFFF00] =	vst v33  }
0x4ed: {  	v6 =	vor.u32 $0x3, v3;
	[tilespmem:s15+$0xFFFFFF80] =	vst v34  }
0x4ee: {  	v7 =	vor.u32 $0x4, v3;
	[tilespmem:s15+$0xFFFFF080] =	vst v2  }
0x4ef: {  	v8 =	vor.u32 $0x5, v3;
	v2 =	vld.idx.msk [tilespmem:v3+s30+$0x0], $0xffff  }
0x4f0: {  	v9 =	vor.u32 $0x6, v3;
	v4 =	vld.idx.msk [tilespmem:v4+s30+$0x0], $0xffff  }
0x4f1: {  	v10 =	vor.u32 $0x7, v3;
	v5 =	vld.idx.msk [tilespmem:v5+s30+$0x0], $0xffff  }
0x4f2: {  	v11 =	vor.u32 $0x8, v3;
	v6 =	vld.idx.msk [tilespmem:v6+s30+$0x0], $0xffff  }
0x4f3: {  	v12 =	vor.u32 $0x9, v3;
	v7 =	vld.idx.msk [tilespmem:v7+s30+$0x0], $0xffff  }
0x4f4: {  	v13 =	vor.u32 $0xA, v3;
	v8 =	vld.idx.msk [tilespmem:v8+s30+$0x0], $0xffff  }
0x4f5: {  	v14 =	vor.u32 $0xB, v3;
	v9 =	vld.idx.msk [tilespmem:v9+s30+$0x0], $0xffff  }
0x4f6: {  	v15 =	vor.u32 $0xC, v3;
	v10 =	vld.idx.msk [tilespmem:v10+s30+$0x0], $0xffff  }
0x4f7: {  	v16 =	vor.u32 $0xD, v3;
	v11 =	vld.idx.msk [tilespmem:v11+s30+$0x0], $0xffff  }
0x4f8: {  	v17 =	vor.u32 $0xE, v3;
	v12 =	vld.idx.msk [tilespmem:v12+s30+$0x0], $0xffff  }
0x4f9: {  	v18 =	vor.u32 $0xF, v3;
	v13 =	vld.idx.msk [tilespmem:v13+s30+$0x0], $0xffff  }
0x4fa: {  	v19 =	vor.u32 $0x10, v3;
	v14 =	vld.idx.msk [tilespmem:v14+s30+$0x0], $0xffff  }
0x4fb: {  	v20 =	vor.u32 $0x11, v3;
	v15 =	vld.idx.msk [tilespmem:v15+s30+$0x0], $0xffff  }
.Ltmp7:
0x4fc: {  	v25 =	vor.u32 $0x12, v3;
	v16 =	vld.idx.msk [tilespmem:v16+s30+$0x0], $0xffff;
	(pc) =	sbr.rel @p0 .LBB2_16-.Ltmp7, $4  }
0x4fd: {  	v23 =	vor.u32 $0x13, v3;
	v17 =	vld.idx.msk [tilespmem:v17+s30+$0x0], $0xffff  }
0x4fe: {  	v24 =	vor.u32 $0x14, v3;
	v18 =	vld.idx.msk [tilespmem:v18+s30+$0x0], $0xffff  }
0x4ff: {  	v21 =	vor.u32 $0x15, v3;
	v19 =	vld.idx.msk [tilespmem:v19+s30+$0x0], $0xffff  }
0x500: {  	s16 =	sadd.s32 $0x10, s16;
	v22 =	vor.u32 $0x16, v3;
	v20 =	vld.idx.msk [tilespmem:v20+s30+$0x0], $0xffff  }
0x501: {  	_ =	sdelay $0x3  }
0x502: {  	v25 =	vld.idx.msk [tilespmem:v25+s30+$0x0], $0xffff;
	v26 =	vor.u32 $0x17, v3  }
0x503: {  	v23 =	vld.idx.msk [tilespmem:v23+s30+$0x0], $0xffff;
	v27 =	vor.u32 $0x18, v3  }
0x504: {  	v24 =	vld.idx.msk [tilespmem:v24+s30+$0x0], $0xffff;
	v28 =	vor.u32 $0x1F, v3  }
0x505: {  	v21 =	vld.idx.msk [tilespmem:v21+s30+$0x0], $0xffff;
	v29 =	vor.u32 $0x19, v3  }
0x506: {  	v22 =	vld.idx.msk [tilespmem:v22+s30+$0x0], $0xffff;
	v30 =	vor.u32 $0x1A, v3  }
0x507: {  	v31 =	vor.u32 $0x1B, v3;
	v26 =	vld.idx.msk [tilespmem:v26+s30+$0x0], $0xffff  }
0x508: {  	v32 =	vor.u32 $0x1C, v3;
	v27 =	vld.idx.msk [tilespmem:v27+s30+$0x0], $0xffff  }
0x509: {  	v33 =	vor.u32 $0x1D, v3;
	v28 =	vld.idx.msk [tilespmem:v28+s30+$0x0], $0xffff  }
0x50a: {  	v3 =	vor.u32 $0x1E, v3;
	v29 =	vld.idx.msk [tilespmem:v29+s30+$0x0], $0xffff  }
0x50b: {  	v30 =	vld.idx.msk [tilespmem:v30+s30+$0x0], $0xffff  }
0x50c: {  	v31 =	vld.idx.msk [tilespmem:v31+s30+$0x0], $0xffff  }
0x50d: {  	v32 =	vld.idx.msk [tilespmem:v32+s30+$0x0], $0xffff  }
0x50e: {  	s6 =	sadd.s32 $0x10, s15;
	v33 =	vld.idx.msk [tilespmem:v33+s30+$0x0], $0xffff  }
0x50f: {  	v3 =	vld.idx.msk [tilespmem:v3+s30+$0x0], $0xffff;
	[tilespmem:s6+$0xFFFFF100] =	vst v4  }
0x510: {  	[tilespmem:s6+$0xFFFFF180] =	vst v5  }
0x511: {  	[tilespmem:s6+$0xFFFFF200] =	vst v6  }
0x512: {  	[tilespmem:s6+$0xFFFFF280] =	vst v7  }
0x513: {  	[tilespmem:s6+$0xFFFFF300] =	vst v8  }
0x514: {  	[tilespmem:s6+$0xFFFFF380] =	vst v9  }
0x515: {  	[tilespmem:s6+$0xFFFFF400] =	vst v10  }
0x516: {  	[tilespmem:s6+$0xFFFFF480] =	vst v11  }
0x517: {  	[tilespmem:s6+$0xFFFFF500] =	vst v12  }
0x518: {  	[tilespmem:s6+$0xFFFFF580] =	vst v13  }
0x519: {  	[tilespmem:s6+$0xFFFFF600] =	vst v14  }
0x51a: {  	[tilespmem:s6+$0xFFFFF680] =	vst v15  }
0x51b: {  	[tilespmem:s6+$0xFFFFF700] =	vst v16  }
0x51c: {  	[tilespmem:s6+$0xFFFFF780] =	vst v17  }
0x51d: {  	[tilespmem:s6+$0xFFFFF800] =	vst v18  }
0x51e: {  	[tilespmem:s6+$0xFFFFF880] =	vst v19  }
0x51f: {  	[tilespmem:s6+$0xFFFFF900] =	vst v20  }
0x520: {  	[tilespmem:s6+$0xFFFFF980] =	vst v25  }
0x521: {  	[tilespmem:s6+$0xFFFFFA00] =	vst v23  }
0x522: {  	[tilespmem:s6+$0xFFFFFA80] =	vst v24  }
0x523: {  	[tilespmem:s6+$0xFFFFFB00] =	vst v21  }
0x524: {  	[tilespmem:s6+$0xFFFFFB80] =	vst v22  }
0x525: {  	[tilespmem:s6+$0xFFFFF080] =	vst v2  }
0x526: {  	[tilespmem:s6+$0x0] =	vst v28  }
0x527: {  	[tilespmem:s6+$0xFFFFFC00] =	vst v26  }
0x528: {  	[tilespmem:s6+$0xFFFFFC80] =	vst v27  }
0x529: {  	[tilespmem:s6+$0xFFFFFD00] =	vst v29  }
0x52a: {  	[tilespmem:s6+$0xFFFFFD80] =	vst v30  }
0x52b: {  	[tilespmem:s6+$0xFFFFFE00] =	vst v31  }
0x52c: {  	[tilespmem:s6+$0xFFFFFE80] =	vst v32  }
0x52d: {  	[tilespmem:s6+$0xFFFFFF00] =	vst v33  }
0x52e: {  	[tilespmem:s6+$0xFFFFFF80] =	vst v3  }
0x52f: {  	[bflag:$0x0] =	sbarrier.arrive $0xFFFF  }
0x530: {  	s19 =	rddreg [dreg:$0x11]  }
0x531: {  	[hbm4b:s19+s3] =	stream.linear.scatter [tilespmem:s8], [sflag:$0x4], $0x400, $0x38;
	[tilespmem:$0x10800] =	vst v63  }
0x532: {  	s20 =	rddreg [dreg:$0x12]  }
0x533: {  	[hbm4b:s20+s3] =	stream.linear.scatter [tilespmem:s9], [sflag:$0x4], $0x400, $0x38;
	[tilespmem:$0x10800] =	vst v63  }
0x534: {  	s21 =	rddreg [dreg:$0x13]  }
0x535: {  	[hbm4b:s21+s3] =	stream.linear.scatter [tilespmem:s10], [sflag:$0x4], $0x400, $0x38;
	[tilespmem:$0x10800] =	vst v63  }
0x536: {  	s22 =	rddreg [dreg:$0x14]  }
0x537: {  	[hbm4b:s22+s3] =	stream.linear.scatter [tilespmem:s11], [sflag:$0x4], $0x400, $0x38;
	[tilespmem:$0x10800] =	vst v63  }
0x538: {  	_ =	swait.ge [sflag:s12], $0x400  }
0x539: {  	[sflag:s12] =	ssyncset.done $0x0  }
0x53a: {  	[sflag:s12] =	ssyncadd.s32 $0xFFFFFC00  }
0x53b: {  	_ =	swait.ge [sflag:s12], $0x400  }
0x53c: {  	[sflag:s12] =	ssyncset.done $0x0  }
0x53d: {  	[sflag:s12] =	ssyncadd.s32 $0xFFFFFC00  }
0x53e: {  	_ =	swait.ge [sflag:s12], $0x400  }
0x53f: {  	[sflag:s12] =	ssyncset.done $0x0  }
0x540: {  	[sflag:s12] =	ssyncadd.s32 $0xFFFFFC00  }
0x541: {  	_ =	swait.ge [sflag:s12], $0x400  }
0x542: {  	[sflag:s12] =	ssyncset.done $0x0  }
0x543: {  	[sflag:s12] =	ssyncadd.s32 $0xFFFFFC00  }
0x544: {  	_ =	swait.ge [sflag:s13], $0x400  }
0x545: {  	[sflag:s13] =	ssyncset.done $0x0  }
0x546: {  	[sflag:s13] =	ssyncadd.s32 $0xFFFFFC00  }
0x547: {  	_ =	swait.ge [sflag:s13], $0x400  }
0x548: {  	[sflag:s13] =	ssyncset.done $0x0  }
0x549: {  	[sflag:s13] =	ssyncadd.s32 $0xFFFFFC00  }
0x54a: {  	_ =	swait.ge [sflag:s13], $0x400  }
0x54b: {  	[sflag:s13] =	ssyncset.done $0x0  }
0x54c: {  	[sflag:s13] =	ssyncadd.s32 $0xFFFFFC00  }
0x54d: {  	_ =	swait.ge [sflag:s13], $0x400  }
0x54e: {  	s14 =	sadd.s32 $0x1, s14;
	s23 =	rddreg [dreg:$0x15]  }
0x54f: {  	p0 =	sne.s32 s14, s23  }
.Ltmp8:
0x550: {  	_ = 	snop;
	(pc) =	sbr.rel @p0 .LBB2_1-.Ltmp8, $3  }
0x551: {  	_ =	sdelay $0x1  }
0x552: {  	[sflag:s13] =	ssyncset.done $0x0  }
0x553: {  	[sflag:s13] =	ssyncadd.s32 $0xFFFFFC00  }
0x554: {  	_ =	sfence.sel $0x180000  }
0x555: {  	[bflag:$0x0] =	sbarrier.arrive $0xFFFF  }
0x556: {  	_ =	strace $0x90000047  }
0x557: {  	s0 =	stileid.u32;
	[bflag:$0x2] =	sbarrier.arrive $0xFFFF  }
0x558: {  	p0 =	sne.s32 s0, $0x0;
	s0 =	rddreg [dreg:$0x3]  }
0x559: {  	s0 =	sadd.s32 @!p0 $0x100000, s0  }
0x55a: {  	[sflag:s0] =	ssyncadd.tile.s32 @!p0 $0x1;
	_ =	shalt  }
.Lfunc_end2:
_tile_overlayer_lowered:
.L_overlay_start_2:
0x55b: {  	(tag) =	ssettag $0x2  }
0x55c: {  	s0 =	rddreg [dreg:$0x0];
	s2 =	stileid.u32  }
0x55d: {  	s1 =	rddreg [dreg:$0x1];
	p0 =	sne.s32 s2, $0x0  }
0x55e: {  	s3 =	rddreg [dreg:$0x2];
	[bflag:$0x3] =	sbarrier.arrive $0xFFFF;
	s2 =	simm.s32 @!p0 $0x1C05  }
0x55f: {  	[timem:s3], [sflag:s2] =	dma.local @!p0 [hbm:s0], s1  }
0x560: {  	s0 =	simm.s32 @!p0 $0x5  }
0x561: {  	_ =	swait.ge @!p0 [sflag:s0], s1  }
0x562: {  	s1 =	ssub.s32 @!p0 $0x0, s1;
	[sflag:s0] =	ssyncset.done @!p0 $0x0  }
0x563: {  	[sflag:s0] =	ssyncadd.s32 @!p0 s1  }
0x564: {  	[bflag:$0x3] =	sbarrier.arrive $0xFFFF  }
0x565: {  	_ =	shalt  }

</sc_bundles>
